<compile_context>
chip_gen: v7x
topology: tpu7x:2x2x1
jax: 0.10.2.dev20260603
libtpu: 0.0.44.dev20260713+nightly
codegen_flags: <defaults>
</compile_context>

<pallas_src>
import functools

import jax
import jax.numpy as jnp
from jax import lax
from jax.experimental import pallas as pl
from jax.experimental.pallas import tpu as pltpu
from jax.experimental.pallas import tpu_sc as plsc

N = 10000
F_IN = 128
F_OUT = 32
PERIODS = 12
BATCH = 4
N_TARGETS = 512
E = 160000

G = BATCH * PERIODS
C = 2 * F_OUT
NPAIR = G // 2
NPH = NPAIR // 4
PAIRC = 2 * C
NSC = 2
NTILE = 16
EBLK = 128
TBLK = 84
E_PAD = NTILE * TBLK * EBLK
ACC_ROWS = NTILE * 640
NT = 400
NGRID = N // NT


def _deg_body(dst_hbm, ones_hbm, zeros_hbm, deg_out, dst_v, ones_v, zeros_v, deg_sp):
    c = lax.axis_index("c")
    s = lax.axis_index("s")
    pltpu.sync_copy(dst_hbm.at[s], dst_v)
    pltpu.sync_copy(ones_hbm, ones_v)
    pltpu.sync_copy(zeros_hbm, zeros_v)
    pltpu.sync_copy(zeros_v, deg_sp.at[pl.ds(s * 640, 640)])
    plsc.subcore_barrier()

    def blk(j, carry):
        pltpu.sync_copy(ones_v, deg_sp.at[dst_v.at[j]], add=True)
        return carry

    lax.fori_loop(0, TBLK, blk, 0)
    plsc.subcore_barrier()

    @pl.when(c == 0)
    def _():
        pltpu.sync_copy(deg_sp.at[pl.ds(s * 640, 640)], deg_out.at[pl.ds(s * 640, 640)])


def _scatter_body(qs_hbm, src_hbm, dst_hbm, zrow_hbm, s_out,
                  src_v, dst_v, rows_v, zrow_v, acc_sp, sem):
    c = lax.axis_index("c")
    s = lax.axis_index("s")
    pltpu.sync_copy(src_hbm.at[s], src_v)
    pltpu.sync_copy(dst_hbm.at[s], dst_v)
    pltpu.sync_copy(zrow_hbm, zrow_v)

    def group_body(gi, carry):
        g = c * (NPH // NSC) + gi

        def zb(k, kc):
            pltpu.sync_copy(zrow_v, acc_sp.at[pl.ds(s * 640 + k * 64, 64)])
            return kc

        lax.fori_loop(0, 10, zb, 0)
        plsc.subcore_barrier()

        def blk(j, jc):
            pltpu.async_copy(qs_hbm.at[g].at[src_v.at[j]], rows_v, sem).wait()
            pltpu.sync_copy(rows_v, acc_sp.at[dst_v.at[j]], add=True)
            return jc

        lax.fori_loop(0, TBLK, blk, 0)
        plsc.subcore_barrier()
        pltpu.sync_copy(acc_sp.at[pl.ds(s * 640, 640)],
                        s_out.at[g].at[pl.ds(s * 640, 640)])
        plsc.subcore_barrier()
        return carry

    lax.fori_loop(0, NPH // NSC, group_body, 0)


def _proj_body(x_ref, wz_ref, wlz_ref, wh_ref, wlh_ref, deg_ref, out_ref):
    w64 = jnp.concatenate(
        [jnp.dot(wz_ref[...], wlz_ref[:F_OUT, :], preferred_element_type=jnp.float32),
         jnp.dot(wh_ref[...], wlh_ref[:F_OUT, :], preferred_element_type=jnp.float32)],
        axis=1)
    xb = x_ref[0]
    ya = jnp.dot(xb[:, :F_IN], w64, preferred_element_type=jnp.float32)
    yb = jnp.dot(xb[:, F_IN:], w64, preferred_element_type=jnp.float32)
    y = jnp.concatenate([ya, yb], axis=1)
    out_ref[0] = y * lax.rsqrt(deg_ref[...])


def _finish_body(s_ref, deg_ref, att_ref, w1_ref, w2_ref, o_ref, hacc):
    n = pl.program_id(1)
    q = pl.program_id(2)
    pv = att_ref[...]
    e = jnp.exp(pv - jnp.max(pv))
    probs = e / jnp.sum(e)
    piota = lax.broadcasted_iota(jnp.int32, (1, PERIODS), 1)
    scale0 = jnp.sum(jnp.where(piota == 2 * q, probs, 0.0))
    scale1 = jnp.sum(jnp.where(piota == 2 * q + 1, probs, 0.0))
    dinv = lax.rsqrt(deg_ref[...])
    sb = s_ref[0]
    z0 = jax.nn.sigmoid(sb[:, 0 * F_OUT:1 * F_OUT] * dinv)
    t0 = jnp.tanh(sb[:, 1 * F_OUT:2 * F_OUT] * dinv)
    z1 = jax.nn.sigmoid(sb[:, 2 * F_OUT:3 * F_OUT] * dinv)
    t1 = jnp.tanh(sb[:, 3 * F_OUT:4 * F_OUT] * dinv)
    h = (1.0 - z0) * t0 * scale0 + (1.0 - z1) * t1 * scale1

    @pl.when(q == 0)
    def _():
        hacc[...] = h

    @pl.when(q > 0)
    def _():
        hacc[...] = hacc[...] + h

    @pl.when(q == PERIODS // 2 - 1)
    def _():
        h1 = jnp.dot(jnp.maximum(hacc[...], 0.0), w1_ref[...],
                     preferred_element_type=jnp.float32)
        contrib = lax.dot_general(h1, w2_ref[...],
                                  (((0,), (0,)), ((), ())),
                                  preferred_element_type=jnp.float32)

        @pl.when(n == 0)
        def _():
            o_ref[0] = contrib

        @pl.when(n > 0)
        def _():
            o_ref[0] = o_ref[0] + contrib


@functools.lru_cache(maxsize=1)
def _sc_kernels():
    mesh = plsc.VectorSubcoreMesh(core_axis_name="c", subcore_axis_name="s")
    deg_kernel = functools.partial(
        pl.kernel,
        out_type=jax.ShapeDtypeStruct((ACC_ROWS,), jnp.float32),
        mesh=mesh,
        scratch_types=[
            pltpu.VMEM((TBLK, EBLK), jnp.int32),
            pltpu.VMEM((EBLK,), jnp.float32),
            pltpu.VMEM((640,), jnp.float32),
            pltpu.VMEM_SHARED((ACC_ROWS,), jnp.float32),
        ],
    )(_deg_body)
    scatter_kernel = functools.partial(
        pl.kernel,
        out_type=jax.ShapeDtypeStruct((NPH, ACC_ROWS, PAIRC), jnp.float32),
        mesh=mesh,
        scratch_types=[
            pltpu.VMEM((TBLK, EBLK), jnp.int32),
            pltpu.VMEM((TBLK, EBLK), jnp.int32),
            pltpu.VMEM((EBLK, PAIRC), jnp.float32),
            pltpu.VMEM((64, PAIRC), jnp.float32),
            pltpu.VMEM_SHARED((ACC_ROWS, PAIRC), jnp.float32),
            pltpu.SemaphoreType.DMA,
        ],
    )(_scatter_body)
    return deg_kernel, scatter_kernel


def kernel(x, edge_index, attention, Wz, bz, Wlz, blz, Wr, br, Wlr, blr,
           Wh, bh, Wlh, blh, W1, b1, W2, b2):
    src = edge_index[0]
    dst = edge_index[1]
    loop = jnp.arange(N, dtype=jnp.int32)
    pad = E_PAD - E - N
    src_a = jnp.concatenate([src, loop, jnp.zeros((pad,), jnp.int32)])
    dst_a = jnp.concatenate([dst, loop, jnp.full((pad,), N, jnp.int32)])
    src_t = src_a.reshape(NTILE, TBLK, EBLK)
    dst_t = dst_a.reshape(NTILE, TBLK, EBLK)

    ones_col = jnp.ones((EBLK,), jnp.float32)
    zeros_col = jnp.zeros((640,), jnp.float32)
    zrow = jnp.zeros((64, PAIRC), jnp.float32)

    deg_kernel, scatter_kernel = _sc_kernels()
    deg = deg_kernel(dst_t, ones_col, zeros_col).reshape(ACC_ROWS, 1)

    att2 = attention.reshape(1, PERIODS)

    def proj_half(xt_p):
        return pl.pallas_call(
            _proj_body,
            grid=(NPH, NGRID),
            in_specs=[
                pl.BlockSpec((1, NT, 2 * F_IN), lambda g, n: (g, n, 0)),
                pl.BlockSpec((F_IN, F_OUT), lambda g, n: (0, 0)),
                pl.BlockSpec((2 * F_OUT, F_OUT), lambda g, n: (0, 0)),
                pl.BlockSpec((F_IN, F_OUT), lambda g, n: (0, 0)),
                pl.BlockSpec((2 * F_OUT, F_OUT), lambda g, n: (0, 0)),
                pl.BlockSpec((NT, 1), lambda g, n: (n, 0)),
            ],
            out_specs=pl.BlockSpec((1, NT, PAIRC), lambda g, n: (g, n, 0)),
            out_shape=jax.ShapeDtypeStruct((NPH, N, PAIRC), jnp.float32),
        )(xt_p, Wz, Wlz, Wh, Wlh, deg)

    def finish_half(s_agg_h):
        return pl.pallas_call(
            _finish_body,
            grid=(1, NGRID, PERIODS // 2),
            in_specs=[
                pl.BlockSpec((1, NT, PAIRC),
                             lambda b, n, q: (b * (PERIODS // 2) + q, n, 0)),
                pl.BlockSpec((NT, 1), lambda b, n, q: (n, 0)),
                pl.BlockSpec((1, PERIODS), lambda b, n, q: (0, 0)),
                pl.BlockSpec((F_OUT, PERIODS), lambda b, n, q: (0, 0)),
                pl.BlockSpec((NT, N_TARGETS), lambda b, n, q: (n, 0)),
            ],
            out_specs=pl.BlockSpec((1, PERIODS, N_TARGETS),
                                   lambda b, n, q: (b, 0, 0)),
            out_shape=jax.ShapeDtypeStruct((1, PERIODS, N_TARGETS),
                                           jnp.float32),
            scratch_shapes=[pltpu.VMEM((NT, F_OUT), jnp.float32)],
        )(s_agg_h, deg, att2, W1, W2)

    outs = []
    for part in range(NPAIR // NPH):
        xt_p = jnp.transpose(x[part], (2, 0, 1)).reshape(NPH, 2, N, F_IN)
        xt_p = jnp.transpose(xt_p, (0, 2, 1, 3)).reshape(NPH, N, 2 * F_IN)
        qs_p = proj_half(xt_p)
        s_agg_p = scatter_kernel(qs_p, src_t, dst_t, zrow)
        outs.append(finish_half(s_agg_p))

    out = jnp.concatenate(outs, axis=0)
    return jnp.transpose(out, (0, 2, 1))

# --- scband reference (transcript-rebuilt; emitter-appended) ---
"""Pipeline reference for scband-attention-gat-37434934952480 (READ-ONLY COPY).

The authoritative reference and input builder live on the scoring server;
editing this copy changes nothing except your own understanding.
"""

import jax, jax.numpy as jnp
import numpy as np

N = 10000
F_IN = 128
F_OUT = 32
PERIODS = 12
BATCH = 4
N_TARGETS = 512
E = 160000


def _gcn_norm(edge_index, num_nodes):
    src = edge_index[0]
    dst = edge_index[1]
    loop = jnp.arange(num_nodes, dtype=src.dtype)
    src = jnp.concatenate([src, loop])
    dst = jnp.concatenate([dst, loop])
    deg = jnp.zeros((num_nodes,), jnp.float32).at[dst].add(1.0)
    dinv = jnp.where(deg > 0, 1.0 / jnp.sqrt(deg), 0.0)
    norm = dinv[src] * dinv[dst]
    return src, dst, norm


def _gcn_conv(x, W, b, src, dst, norm, num_nodes):
    # GCNConv: linear transform, gather from src, normalize, scatter-add to dst, add bias
    xw = jnp.einsum('bnf,fo->bno', x, W)
    msgs = jnp.take(xw, src, axis=1) * norm[None, :, None]
    agg = jnp.zeros((x.shape[0], num_nodes, xw.shape[-1]), xw.dtype).at[:, dst, :].add(msgs)
    return agg + b


def setup_inputs(seed: int = 0):
    key = jax.random.key(seed)
    ks = jax.random.split(key, 24)
    inp = {}
    inp['x'] = jax.random.normal(ks[0], (BATCH, N, F_IN, PERIODS), dtype=jnp.float32)
    inp['edge_index'] = jax.random.randint(ks[1], (2, E), 0, N, dtype=jnp.int32)
    # A3TGCN2 attention over periods
    inp['attention'] = jax.random.uniform(ks[2], (PERIODS,), dtype=jnp.float32)
    # TGCN2 cell: three GCNConv (z, r, h) with weight [F_IN, F_OUT] + bias, and three Linear(2*F_OUT -> F_OUT)
    s_in = 1.0 / np.sqrt(F_IN)
    s_2o = 1.0 / np.sqrt(2 * F_OUT)
    inp['Wz'] = jax.random.normal(ks[3], (F_IN, F_OUT), dtype=jnp.float32) * s_in
    inp['bz'] = jnp.zeros((F_OUT,), jnp.float32)
    inp['Wlz'] = jax.random.normal(ks[4], (2 * F_OUT, F_OUT), dtype=jnp.float32) * s_2o
    inp['blz'] = jnp.zeros((F_OUT,), jnp.float32)
    inp['Wr'] = jax.random.normal(ks[5], (F_IN, F_OUT), dtype=jnp.float32) * s_in
    inp['br'] = jnp.zeros((F_OUT,), jnp.float32)
    inp['Wlr'] = jax.random.normal(ks[6], (2 * F_OUT, F_OUT), dtype=jnp.float32) * s_2o
    inp['blr'] = jnp.zeros((F_OUT,), jnp.float32)
    inp['Wh'] = jax.random.normal(ks[7], (F_IN, F_OUT), dtype=jnp.float32) * s_in
    inp['bh'] = jnp.zeros((F_OUT,), jnp.float32)
    inp['Wlh'] = jax.random.normal(ks[8], (2 * F_OUT, F_OUT), dtype=jnp.float32) * s_2o
    inp['blh'] = jnp.zeros((F_OUT,), jnp.float32)
    # top: Linear(32 -> periods) then Linear(number_nodes -> number_targets)
    inp['W1'] = jax.random.normal(ks[9], (F_OUT, PERIODS), dtype=jnp.float32) * (1.0 / np.sqrt(F_OUT))
    inp['b1'] = jnp.zeros((PERIODS,), jnp.float32)
    inp['W2'] = jax.random.normal(ks[10], (N, N_TARGETS), dtype=jnp.float32) * (1.0 / np.sqrt(N))
    inp['b2'] = jnp.zeros((N_TARGETS,), jnp.float32)
    return inp


def reference(x, edge_index, attention, Wz, bz, Wlz, blz, Wr, br, Wlr, blr, Wh, bh, Wlh, blh, W1, b1, W2, b2):
    src, dst, norm = _gcn_norm(edge_index, N)
    probs = jax.nn.softmax(attention)
    B = x.shape[0]
    H0 = jnp.zeros((B, N, F_OUT), jnp.float32)  # A3TGCN2 passes H=None every period -> zeros
    H_accum = jnp.zeros((B, N, F_OUT), jnp.float32)
    for p in range(PERIODS):
        Xp = x[:, :, :, p]
        Z = jax.nn.sigmoid(jnp.concatenate([_gcn_conv(Xp, Wz, bz, src, dst, norm, N), H0], axis=2) @ Wlz + blz)
        R = jax.nn.sigmoid(jnp.concatenate([_gcn_conv(Xp, Wr, br, src, dst, norm, N), H0], axis=2) @ Wlr + blr)
        Ht = jnp.tanh(jnp.concatenate([_gcn_conv(Xp, Wh, bh, src, dst, norm, N), H0 * R], axis=2) @ Wlh + blh)
        H = Z * H0 + (1.0 - Z) * Ht
        H_accum = H_accum + probs[p] * H
    h = jax.nn.relu(H_accum)
    h = h @ W1 + b1
    h = jnp.transpose(h, (0, 2, 1))
    h = h @ W2 + b2
    h = jnp.transpose(h, (0, 2, 1))
    return h

if __name__ == "__main__":
    import jax
    _d = setup_inputs()
    print(jax.jit(kernel)(*tuple(_d.values())))

</pallas_src>

<mosaic_0001>
#map = affine_map<(d0, d1) -> (0, 0, 0)>
#map1 = affine_map<(d0, d1) -> (0)>
module attributes {stable_mosaic.version = 14 : i64} {
  func.func @_deg_body(%arg0: i32, %arg1: i32, %arg2: memref<16x84x128xi32, #tpu.memory_space<hbm>>, %arg3: memref<128xf32, #tpu.memory_space<hbm>>, %arg4: memref<640xf32, #tpu.memory_space<hbm>>, %arg5: memref<10240xf32, #tpu.memory_space<hbm>>, %arg6: memref<84x128xi32, #tpu.memory_space<vmem>>, %arg7: memref<128xf32, #tpu.memory_space<vmem>>, %arg8: memref<640xf32, #tpu.memory_space<vmem>>, %arg9: memref<10240xf32, #tpu.memory_space<vmem_shared>>) attributes {dimension_semantics = [#tpu.dimension_semantics<core_parallel>, #tpu.dimension_semantics<subcore_parallel>], iteration_bounds = array<i64: 2, 16>, scalar_prefetch = 0 : i64, scratch_operands = 4 : i64, tpu.core_type = #tpu.core_type<sc_vector_subcore>, window_params = [{transform_indices = #map}, {transform_indices = #map1}, {transform_indices = #map1}, {transform_indices = #map1}]} {
    "tpu.region"() ({
      %run_scoped3A = tpu.sem_alloc : memref<!tpu.dma_semaphore, #tpu.memory_space<semaphore_mem>>
      %dma_start3A = arith.constant 0 : i32
      %dma_start3A_9 = arith.constant 0 : i32
      %dma_start3A_10 = tpu.memref_slice %arg2[%arg1, %dma_start3A, %dma_start3A_9] : memref<16x84x128xi32, #tpu.memory_space<hbm>> -> memref<1x84x128xi32, #tpu.memory_space<hbm>>
      %dma_start3A_11 = tpu.memref_squeeze %dma_start3A_10 : memref<1x84x128xi32, #tpu.memory_space<hbm>> -> memref<84x128xi32, #tpu.memory_space<hbm>>
      %dma_start3A_12 = arith.constant 0 : i32
      %dma_start3A_13 = arith.constant 0 : i32
      %dma_start3A_14 = tpu.memref_slice %arg2[%arg1, %dma_start3A_12, %dma_start3A_13] : memref<16x84x128xi32, #tpu.memory_space<hbm>> -> memref<1x84x128xi32, #tpu.memory_space<hbm>>
      %dma_start3A_15 = tpu.memref_squeeze %dma_start3A_14 : memref<1x84x128xi32, #tpu.memory_space<hbm>> -> memref<84x128xi32, #tpu.memory_space<hbm>>
      tpu.enqueue_dma source(%dma_start3A_15 : memref<84x128xi32, #tpu.memory_space<hbm>>) target(%arg6 : memref<84x128xi32, #tpu.memory_space<vmem>>) target_semaphore(%run_scoped3A : memref<!tpu.dma_semaphore, #tpu.memory_space<semaphore_mem>>)
      %dma_wait3A = arith.constant 0 : i32
      %dma_wait3A_16 = arith.constant 0 : i32
      %dma_wait3A_17 = tpu.memref_slice %arg2[%arg1, %dma_wait3A, %dma_wait3A_16] : memref<16x84x128xi32, #tpu.memory_space<hbm>> -> memref<1x84x128xi32, #tpu.memory_space<hbm>>
      %dma_wait3A_18 = tpu.memref_squeeze %dma_wait3A_17 : memref<1x84x128xi32, #tpu.memory_space<hbm>> -> memref<84x128xi32, #tpu.memory_space<hbm>>
      %dma_wait3A_19 = arith.constant 0 : i32
      %dma_wait3A_20 = arith.constant 0 : i32
      %dma_wait3A_21 = tpu.memref_slice %arg2[%arg1, %dma_wait3A_19, %dma_wait3A_20] : memref<16x84x128xi32, #tpu.memory_space<hbm>> -> memref<1x84x128xi32, #tpu.memory_space<hbm>>
      %dma_wait3A_22 = tpu.memref_squeeze %dma_wait3A_21 : memref<1x84x128xi32, #tpu.memory_space<hbm>> -> memref<84x128xi32, #tpu.memory_space<hbm>>
      tpu.wait_dma2 semaphore(%run_scoped3A : memref<!tpu.dma_semaphore, #tpu.memory_space<semaphore_mem>>) src(%dma_wait3A_22 : memref<84x128xi32, #tpu.memory_space<hbm>>) dst(%arg6 : memref<84x128xi32, #tpu.memory_space<vmem>>)
      tpu.yield
    }) : () -> ()
    "tpu.region"() ({
      %run_scoped3A = tpu.sem_alloc : memref<!tpu.dma_semaphore, #tpu.memory_space<semaphore_mem>>
      tpu.enqueue_dma source(%arg3 : memref<128xf32, #tpu.memory_space<hbm>>) target(%arg7 : memref<128xf32, #tpu.memory_space<vmem>>) target_semaphore(%run_scoped3A : memref<!tpu.dma_semaphore, #tpu.memory_space<semaphore_mem>>)
      tpu.wait_dma2 semaphore(%run_scoped3A : memref<!tpu.dma_semaphore, #tpu.memory_space<semaphore_mem>>) src(%arg3 : memref<128xf32, #tpu.memory_space<hbm>>) dst(%arg7 : memref<128xf32, #tpu.memory_space<vmem>>)
      tpu.yield
    }) : () -> ()
    "tpu.region"() ({
      %run_scoped3A = tpu.sem_alloc : memref<!tpu.dma_semaphore, #tpu.memory_space<semaphore_mem>>
      tpu.enqueue_dma source(%arg4 : memref<640xf32, #tpu.memory_space<hbm>>) target(%arg8 : memref<640xf32, #tpu.memory_space<vmem>>) target_semaphore(%run_scoped3A : memref<!tpu.dma_semaphore, #tpu.memory_space<semaphore_mem>>)
      tpu.wait_dma2 semaphore(%run_scoped3A : memref<!tpu.dma_semaphore, #tpu.memory_space<semaphore_mem>>) src(%arg4 : memref<640xf32, #tpu.memory_space<hbm>>) dst(%arg8 : memref<640xf32, #tpu.memory_space<vmem>>)
      tpu.yield
    }) : () -> ()
    %mul3A = arith.constant 640 : i32
    %mul3A_0 = arith.muli %arg1, %mul3A : i32
    "tpu.region"() ({
      %run_scoped3A = tpu.sem_alloc : memref<!tpu.dma_semaphore, #tpu.memory_space<semaphore_mem>>
      %dma_start3A = tpu.memref_slice %arg9[%mul3A_0] : memref<10240xf32, #tpu.memory_space<vmem_shared>> -> memref<640xf32, #tpu.memory_space<vmem_shared>>
      %dma_start3A_9 = tpu.memref_slice %arg9[%mul3A_0] : memref<10240xf32, #tpu.memory_space<vmem_shared>> -> memref<640xf32, #tpu.memory_space<vmem_shared>>
      tpu.enqueue_dma source(%arg8 : memref<640xf32, #tpu.memory_space<vmem>>) target(%dma_start3A_9 : memref<640xf32, #tpu.memory_space<vmem_shared>>) target_semaphore(%run_scoped3A : memref<!tpu.dma_semaphore, #tpu.memory_space<semaphore_mem>>)
      %dma_wait3A = tpu.memref_slice %arg9[%mul3A_0] : memref<10240xf32, #tpu.memory_space<vmem_shared>> -> memref<640xf32, #tpu.memory_space<vmem_shared>>
      %dma_wait3A_10 = tpu.memref_slice %arg9[%mul3A_0] : memref<10240xf32, #tpu.memory_space<vmem_shared>> -> memref<640xf32, #tpu.memory_space<vmem_shared>>
      tpu.wait_dma2 semaphore(%run_scoped3A : memref<!tpu.dma_semaphore, #tpu.memory_space<semaphore_mem>>) src(%arg8 : memref<640xf32, #tpu.memory_space<vmem>>) dst(%dma_wait3A_10 : memref<640xf32, #tpu.memory_space<vmem_shared>>)
      tpu.yield
    }) : () -> ()
    %barrier3A = arith.constant 0 : index
    tpu.barrier barrier_id(%barrier3A)
    %scan3A = arith.constant 0 : i32
    %scan3A_1 = arith.constant 0 : i32
    %scan3A_2 = arith.constant 84 : i32
    %scan3A_3 = arith.addi %scan3A_1, %scan3A_2 : i32
    %scan3A_4 = arith.constant 1 : i32
    scf.for %scan3A_9 = %scan3A_1 to %scan3A_3 step %scan3A_4  : i32 {
      "tpu.region"() ({
        %run_scoped3A = tpu.sem_alloc : memref<!tpu.dma_semaphore, #tpu.memory_space<semaphore_mem>>
        %dma_start3A = arith.constant 0 : i32
        %dma_start3A_10 = tpu.memref_slice %arg6[%scan3A_9, %dma_start3A] : memref<84x128xi32, #tpu.memory_space<vmem>> -> memref<1x128xi32, #tpu.memory_space<vmem>>
        %dma_start3A_11 = tpu.memref_squeeze %dma_start3A_10 : memref<1x128xi32, #tpu.memory_space<vmem>> -> memref<128xi32, #tpu.memory_space<vmem>>
        %dma_start3A_12 = arith.constant 0 : i32
        %dma_start3A_13 = tpu.memref_slice %arg9[%dma_start3A_12] : memref<10240xf32, #tpu.memory_space<vmem_shared>> -> memref<10240xf32, #tpu.memory_space<vmem_shared>>
        tpu.enqueue_indirect_dma source(%arg7 : memref<128xf32, #tpu.memory_space<vmem>>) target(%dma_start3A_13 : memref<10240xf32, #tpu.memory_space<vmem_shared>>) offsets(%dma_start3A_11 : memref<128xi32, #tpu.memory_space<vmem>>) semaphore(%run_scoped3A : memref<!tpu.dma_semaphore, #tpu.memory_space<semaphore_mem>>) {add = true}
        %dma_wait3A = arith.constant 0 : i32
        %dma_wait3A_14 = tpu.memref_slice %arg6[%scan3A_9, %dma_wait3A] : memref<84x128xi32, #tpu.memory_space<vmem>> -> memref<1x128xi32, #tpu.memory_space<vmem>>
        %dma_wait3A_15 = tpu.memref_squeeze %dma_wait3A_14 : memref<1x128xi32, #tpu.memory_space<vmem>> -> memref<128xi32, #tpu.memory_space<vmem>>
        %dma_wait3A_16 = arith.constant 0 : i32
        %dma_wait3A_17 = tpu.memref_slice %arg9[%dma_wait3A_16] : memref<10240xf32, #tpu.memory_space<vmem_shared>> -> memref<10240xf32, #tpu.memory_space<vmem_shared>>
        tpu.wait_indirect_dma semaphore(%run_scoped3A : memref<!tpu.dma_semaphore, #tpu.memory_space<semaphore_mem>>) src(%arg7 : memref<128xf32, #tpu.memory_space<vmem>>) dst(%dma_wait3A_17 : memref<10240xf32, #tpu.memory_space<vmem_shared>>)
        tpu.yield
      }) : () -> ()
    }
    %scan3A_5 = arith.constant 84 : i32
    %barrier3A_6 = arith.constant 0 : index
    tpu.barrier barrier_id(%barrier3A_6)
    %eq3A = arith.constant 0 : i32
    %eq3A_7 = arith.cmpi eq, %arg0, %eq3A : i32
    %convert_element_type3A = arith.extui %eq3A_7 : i1 to i32
    %cond3A = arith.constant 0 : i32
    %cond3A_8 = arith.cmpi ne, %convert_element_type3A, %cond3A : i32
    scf.if %cond3A_8 {
      %mul3A_9 = arith.constant 640 : i32
      %mul3A_10 = arith.muli %arg1, %mul3A_9 : i32
      %mul3A_11 = arith.constant 640 : i32
      %mul3A_12 = arith.muli %arg1, %mul3A_11 : i32
      "tpu.region"() ({
        %run_scoped3A = tpu.sem_alloc : memref<!tpu.dma_semaphore, #tpu.memory_space<semaphore_mem>>
        %dma_start3A = tpu.memref_slice %arg5[%mul3A_12] : memref<10240xf32, #tpu.memory_space<hbm>> -> memref<640xf32, #tpu.memory_space<hbm>>
        %dma_start3A_13 = tpu.memref_slice %arg9[%mul3A_10] : memref<10240xf32, #tpu.memory_space<vmem_shared>> -> memref<640xf32, #tpu.memory_space<vmem_shared>>
        tpu.enqueue_dma source(%dma_start3A_13 : memref<640xf32, #tpu.memory_space<vmem_shared>>) target(%dma_start3A : memref<640xf32, #tpu.memory_space<hbm>>) target_semaphore(%run_scoped3A : memref<!tpu.dma_semaphore, #tpu.memory_space<semaphore_mem>>)
        %dma_wait3A = tpu.memref_slice %arg5[%mul3A_12] : memref<10240xf32, #tpu.memory_space<hbm>> -> memref<640xf32, #tpu.memory_space<hbm>>
        %dma_wait3A_14 = tpu.memref_slice %arg9[%mul3A_10] : memref<10240xf32, #tpu.memory_space<vmem_shared>> -> memref<640xf32, #tpu.memory_space<vmem_shared>>
        tpu.wait_dma2 semaphore(%run_scoped3A : memref<!tpu.dma_semaphore, #tpu.memory_space<semaphore_mem>>) src(%dma_wait3A_14 : memref<640xf32, #tpu.memory_space<vmem_shared>>) dst(%dma_wait3A : memref<640xf32, #tpu.memory_space<hbm>>)
        tpu.yield
      }) : () -> ()
    } else {
    }
    return
  }
}

#map = affine_map<(d0, d1) -> (0, 0, 0)>
#map1 = affine_map<(d0, d1) -> (0, 0)>
module attributes {stable_mosaic.version = 14 : i64} {
  func.func @_scatter_body(%arg0: i32, %arg1: i32, %arg2: memref<6x10000x128xf32, #tpu.memory_space<hbm>>, %arg3: memref<16x84x128xi32, #tpu.memory_space<hbm>>, %arg4: memref<16x84x128xi32, #tpu.memory_space<hbm>>, %arg5: memref<64x128xf32, #tpu.memory_space<hbm>>, %arg6: memref<6x10240x128xf32, #tpu.memory_space<hbm>>, %arg7: memref<84x128xi32, #tpu.memory_space<vmem>>, %arg8: memref<84x128xi32, #tpu.memory_space<vmem>>, %arg9: memref<128x128xf32, #tpu.memory_space<vmem>>, %arg10: memref<64x128xf32, #tpu.memory_space<vmem>>, %arg11: memref<10240x128xf32, #tpu.memory_space<vmem_shared>>, %arg12: memref<!tpu.dma_semaphore, #tpu.memory_space<semaphore_mem>>) attributes {dimension_semantics = [#tpu.dimension_semantics<core_parallel>, #tpu.dimension_semantics<subcore_parallel>], iteration_bounds = array<i64: 2, 16>, scalar_prefetch = 0 : i64, scratch_operands = 6 : i64, tpu.core_type = #tpu.core_type<sc_vector_subcore>, window_params = [{transform_indices = #map}, {transform_indices = #map}, {transform_indices = #map}, {transform_indices = #map1}, {transform_indices = #map}]} {
    "tpu.region"() ({
      %run_scoped3A = tpu.sem_alloc : memref<!tpu.dma_semaphore, #tpu.memory_space<semaphore_mem>>
      %dma_start3A = arith.constant 0 : i32
      %dma_start3A_5 = arith.constant 0 : i32
      %dma_start3A_6 = tpu.memref_slice %arg3[%arg1, %dma_start3A, %dma_start3A_5] : memref<16x84x128xi32, #tpu.memory_space<hbm>> -> memref<1x84x128xi32, #tpu.memory_space<hbm>>
      %dma_start3A_7 = tpu.memref_squeeze %dma_start3A_6 : memref<1x84x128xi32, #tpu.memory_space<hbm>> -> memref<84x128xi32, #tpu.memory_space<hbm>>
      %dma_start3A_8 = arith.constant 0 : i32
      %dma_start3A_9 = arith.constant 0 : i32
      %dma_start3A_10 = tpu.memref_slice %arg3[%arg1, %dma_start3A_8, %dma_start3A_9] : memref<16x84x128xi32, #tpu.memory_space<hbm>> -> memref<1x84x128xi32, #tpu.memory_space<hbm>>
      %dma_start3A_11 = tpu.memref_squeeze %dma_start3A_10 : memref<1x84x128xi32, #tpu.memory_space<hbm>> -> memref<84x128xi32, #tpu.memory_space<hbm>>
      tpu.enqueue_dma source(%dma_start3A_11 : memref<84x128xi32, #tpu.memory_space<hbm>>) target(%arg7 : memref<84x128xi32, #tpu.memory_space<vmem>>) target_semaphore(%run_scoped3A : memref<!tpu.dma_semaphore, #tpu.memory_space<semaphore_mem>>)
      %dma_wait3A = arith.constant 0 : i32
      %dma_wait3A_12 = arith.constant 0 : i32
      %dma_wait3A_13 = tpu.memref_slice %arg3[%arg1, %dma_wait3A, %dma_wait3A_12] : memref<16x84x128xi32, #tpu.memory_space<hbm>> -> memref<1x84x128xi32, #tpu.memory_space<hbm>>
      %dma_wait3A_14 = tpu.memref_squeeze %dma_wait3A_13 : memref<1x84x128xi32, #tpu.memory_space<hbm>> -> memref<84x128xi32, #tpu.memory_space<hbm>>
      %dma_wait3A_15 = arith.constant 0 : i32
      %dma_wait3A_16 = arith.constant 0 : i32
      %dma_wait3A_17 = tpu.memref_slice %arg3[%arg1, %dma_wait3A_15, %dma_wait3A_16] : memref<16x84x128xi32, #tpu.memory_space<hbm>> -> memref<1x84x128xi32, #tpu.memory_space<hbm>>
      %dma_wait3A_18 = tpu.memref_squeeze %dma_wait3A_17 : memref<1x84x128xi32, #tpu.memory_space<hbm>> -> memref<84x128xi32, #tpu.memory_space<hbm>>
      tpu.wait_dma2 semaphore(%run_scoped3A : memref<!tpu.dma_semaphore, #tpu.memory_space<semaphore_mem>>) src(%dma_wait3A_18 : memref<84x128xi32, #tpu.memory_space<hbm>>) dst(%arg7 : memref<84x128xi32, #tpu.memory_space<vmem>>)
      tpu.yield
    }) : () -> ()
    "tpu.region"() ({
      %run_scoped3A = tpu.sem_alloc : memref<!tpu.dma_semaphore, #tpu.memory_space<semaphore_mem>>
      %dma_start3A = arith.constant 0 : i32
      %dma_start3A_5 = arith.constant 0 : i32
      %dma_start3A_6 = tpu.memref_slice %arg4[%arg1, %dma_start3A, %dma_start3A_5] : memref<16x84x128xi32, #tpu.memory_space<hbm>> -> memref<1x84x128xi32, #tpu.memory_space<hbm>>
      %dma_start3A_7 = tpu.memref_squeeze %dma_start3A_6 : memref<1x84x128xi32, #tpu.memory_space<hbm>> -> memref<84x128xi32, #tpu.memory_space<hbm>>
      %dma_start3A_8 = arith.constant 0 : i32
      %dma_start3A_9 = arith.constant 0 : i32
      %dma_start3A_10 = tpu.memref_slice %arg4[%arg1, %dma_start3A_8, %dma_start3A_9] : memref<16x84x128xi32, #tpu.memory_space<hbm>> -> memref<1x84x128xi32, #tpu.memory_space<hbm>>
      %dma_start3A_11 = tpu.memref_squeeze %dma_start3A_10 : memref<1x84x128xi32, #tpu.memory_space<hbm>> -> memref<84x128xi32, #tpu.memory_space<hbm>>
      tpu.enqueue_dma source(%dma_start3A_11 : memref<84x128xi32, #tpu.memory_space<hbm>>) target(%arg8 : memref<84x128xi32, #tpu.memory_space<vmem>>) target_semaphore(%run_scoped3A : memref<!tpu.dma_semaphore, #tpu.memory_space<semaphore_mem>>)
      %dma_wait3A = arith.constant 0 : i32
      %dma_wait3A_12 = arith.constant 0 : i32
      %dma_wait3A_13 = tpu.memref_slice %arg4[%arg1, %dma_wait3A, %dma_wait3A_12] : memref<16x84x128xi32, #tpu.memory_space<hbm>> -> memref<1x84x128xi32, #tpu.memory_space<hbm>>
      %dma_wait3A_14 = tpu.memref_squeeze %dma_wait3A_13 : memref<1x84x128xi32, #tpu.memory_space<hbm>> -> memref<84x128xi32, #tpu.memory_space<hbm>>
      %dma_wait3A_15 = arith.constant 0 : i32
      %dma_wait3A_16 = arith.constant 0 : i32
      %dma_wait3A_17 = tpu.memref_slice %arg4[%arg1, %dma_wait3A_15, %dma_wait3A_16] : memref<16x84x128xi32, #tpu.memory_space<hbm>> -> memref<1x84x128xi32, #tpu.memory_space<hbm>>
      %dma_wait3A_18 = tpu.memref_squeeze %dma_wait3A_17 : memref<1x84x128xi32, #tpu.memory_space<hbm>> -> memref<84x128xi32, #tpu.memory_space<hbm>>
      tpu.wait_dma2 semaphore(%run_scoped3A : memref<!tpu.dma_semaphore, #tpu.memory_space<semaphore_mem>>) src(%dma_wait3A_18 : memref<84x128xi32, #tpu.memory_space<hbm>>) dst(%arg8 : memref<84x128xi32, #tpu.memory_space<vmem>>)
      tpu.yield
    }) : () -> ()
    "tpu.region"() ({
      %run_scoped3A = tpu.sem_alloc : memref<!tpu.dma_semaphore, #tpu.memory_space<semaphore_mem>>
      tpu.enqueue_dma source(%arg5 : memref<64x128xf32, #tpu.memory_space<hbm>>) target(%arg10 : memref<64x128xf32, #tpu.memory_space<vmem>>) target_semaphore(%run_scoped3A : memref<!tpu.dma_semaphore, #tpu.memory_space<semaphore_mem>>)
      tpu.wait_dma2 semaphore(%run_scoped3A : memref<!tpu.dma_semaphore, #tpu.memory_space<semaphore_mem>>) src(%arg5 : memref<64x128xf32, #tpu.memory_space<hbm>>) dst(%arg10 : memref<64x128xf32, #tpu.memory_space<vmem>>)
      tpu.yield
    }) : () -> ()
    %scan3A = arith.constant 0 : i32
    %scan3A_0 = arith.constant 0 : i32
    %scan3A_1 = arith.constant 3 : i32
    %scan3A_2 = arith.addi %scan3A_0, %scan3A_1 : i32
    %scan3A_3 = arith.constant 1 : i32
    scf.for %scan3A_5 = %scan3A_0 to %scan3A_2 step %scan3A_3  : i32 {
      %mul3A = arith.constant 3 : i32
      %mul3A_6 = arith.muli %arg0, %mul3A : i32
      %add3A = arith.addi %mul3A_6, %scan3A_5 : i32
      %scan3A_7 = arith.constant 0 : i32
      %scan3A_8 = arith.constant 0 : i32
      %scan3A_9 = arith.constant 10 : i32
      %scan3A_10 = arith.addi %scan3A_8, %scan3A_9 : i32
      %scan3A_11 = arith.constant 1 : i32
      scf.for %scan3A_25 = %scan3A_8 to %scan3A_10 step %scan3A_11  : i32 {
        %mul3A_26 = arith.constant 640 : i32
        %mul3A_27 = arith.muli %arg1, %mul3A_26 : i32
        %mul3A_28 = arith.constant 64 : i32
        %mul3A_29 = arith.muli %scan3A_25, %mul3A_28 : i32
        %add3A_30 = arith.addi %mul3A_27, %mul3A_29 : i32
        "tpu.region"() ({
          %run_scoped3A = tpu.sem_alloc : memref<!tpu.dma_semaphore, #tpu.memory_space<semaphore_mem>>
          %dma_start3A = arith.constant 0 : i32
          %dma_start3A_31 = tpu.memref_slice %arg11[%add3A_30, %dma_start3A] : memref<10240x128xf32, #tpu.memory_space<vmem_shared>> -> memref<64x128xf32, #tpu.memory_space<vmem_shared>>
          %dma_start3A_32 = arith.constant 0 : i32
          %dma_start3A_33 = tpu.memref_slice %arg11[%add3A_30, %dma_start3A_32] : memref<10240x128xf32, #tpu.memory_space<vmem_shared>> -> memref<64x128xf32, #tpu.memory_space<vmem_shared>>
          tpu.enqueue_dma source(%arg10 : memref<64x128xf32, #tpu.memory_space<vmem>>) target(%dma_start3A_33 : memref<64x128xf32, #tpu.memory_space<vmem_shared>>) target_semaphore(%run_scoped3A : memref<!tpu.dma_semaphore, #tpu.memory_space<semaphore_mem>>)
          %dma_wait3A = arith.constant 0 : i32
          %dma_wait3A_34 = tpu.memref_slice %arg11[%add3A_30, %dma_wait3A] : memref<10240x128xf32, #tpu.memory_space<vmem_shared>> -> memref<64x128xf32, #tpu.memory_space<vmem_shared>>
          %dma_wait3A_35 = arith.constant 0 : i32
          %dma_wait3A_36 = tpu.memref_slice %arg11[%add3A_30, %dma_wait3A_35] : memref<10240x128xf32, #tpu.memory_space<vmem_shared>> -> memref<64x128xf32, #tpu.memory_space<vmem_shared>>
          tpu.wait_dma2 semaphore(%run_scoped3A : memref<!tpu.dma_semaphore, #tpu.memory_space<semaphore_mem>>) src(%arg10 : memref<64x128xf32, #tpu.memory_space<vmem>>) dst(%dma_wait3A_36 : memref<64x128xf32, #tpu.memory_space<vmem_shared>>)
          tpu.yield
        }) : () -> ()
      }
      %scan3A_12 = arith.constant 10 : i32
      %barrier3A = arith.constant 0 : index
      tpu.barrier barrier_id(%barrier3A)
      %scan3A_13 = arith.constant 0 : i32
      %scan3A_14 = arith.constant 0 : i32
      %scan3A_15 = arith.constant 84 : i32
      %scan3A_16 = arith.addi %scan3A_14, %scan3A_15 : i32
      %scan3A_17 = arith.constant 1 : i32
      scf.for %scan3A_25 = %scan3A_14 to %scan3A_16 step %scan3A_17  : i32 {
        %dma_start3A = arith.constant 0 : i32
        %dma_start3A_26 = tpu.memref_slice %arg7[%scan3A_25, %dma_start3A] : memref<84x128xi32, #tpu.memory_space<vmem>> -> memref<1x128xi32, #tpu.memory_space<vmem>>
        %dma_start3A_27 = tpu.memref_squeeze %dma_start3A_26 : memref<1x128xi32, #tpu.memory_space<vmem>> -> memref<128xi32, #tpu.memory_space<vmem>>
        %dma_start3A_28 = arith.constant 0 : i32
        %dma_start3A_29 = arith.constant 0 : i32
        %dma_start3A_30 = tpu.memref_slice %arg2[%add3A, %dma_start3A_28, %dma_start3A_29] : memref<6x10000x128xf32, #tpu.memory_space<hbm>> -> memref<1x10000x128xf32, #tpu.memory_space<hbm>>
        %dma_start3A_31 = tpu.memref_squeeze %dma_start3A_30 : memref<1x10000x128xf32, #tpu.memory_space<hbm>> -> memref<10000x128xf32, #tpu.memory_space<hbm>>
        %dma_start3A_32 = arith.constant 0 : i32
        %dma_start3A_33 = arith.constant 0 : i32
        %dma_start3A_34 = tpu.memref_slice %dma_start3A_31[%dma_start3A_32, %dma_start3A_33] : memref<10000x128xf32, #tpu.memory_space<hbm>> -> memref<10000x128xf32, #tpu.memory_space<hbm>>
        tpu.enqueue_indirect_dma source(%dma_start3A_34 : memref<10000x128xf32, #tpu.memory_space<hbm>>) target(%arg9 : memref<128x128xf32, #tpu.memory_space<vmem>>) offsets(%dma_start3A_27 : memref<128xi32, #tpu.memory_space<vmem>>) semaphore(%arg12 : memref<!tpu.dma_semaphore, #tpu.memory_space<semaphore_mem>>)
        %dma_wait3A = arith.constant 0 : i32
        %dma_wait3A_35 = tpu.memref_slice %arg7[%scan3A_25, %dma_wait3A] : memref<84x128xi32, #tpu.memory_space<vmem>> -> memref<1x128xi32, #tpu.memory_space<vmem>>
        %dma_wait3A_36 = tpu.memref_squeeze %dma_wait3A_35 : memref<1x128xi32, #tpu.memory_space<vmem>> -> memref<128xi32, #tpu.memory_space<vmem>>
        %dma_wait3A_37 = arith.constant 0 : i32
        %dma_wait3A_38 = arith.constant 0 : i32
        %dma_wait3A_39 = tpu.memref_slice %arg2[%add3A, %dma_wait3A_37, %dma_wait3A_38] : memref<6x10000x128xf32, #tpu.memory_space<hbm>> -> memref<1x10000x128xf32, #tpu.memory_space<hbm>>
        %dma_wait3A_40 = tpu.memref_squeeze %dma_wait3A_39 : memref<1x10000x128xf32, #tpu.memory_space<hbm>> -> memref<10000x128xf32, #tpu.memory_space<hbm>>
        %dma_wait3A_41 = arith.constant 0 : i32
        %dma_wait3A_42 = arith.constant 0 : i32
        %dma_wait3A_43 = tpu.memref_slice %dma_wait3A_40[%dma_wait3A_41, %dma_wait3A_42] : memref<10000x128xf32, #tpu.memory_space<hbm>> -> memref<10000x128xf32, #tpu.memory_space<hbm>>
        tpu.wait_indirect_dma semaphore(%arg12 : memref<!tpu.dma_semaphore, #tpu.memory_space<semaphore_mem>>) src(%dma_wait3A_43 : memref<10000x128xf32, #tpu.memory_space<hbm>>) dst(%arg9 : memref<128x128xf32, #tpu.memory_space<vmem>>)
        "tpu.region"() ({
          %run_scoped3A = tpu.sem_alloc : memref<!tpu.dma_semaphore, #tpu.memory_space<semaphore_mem>>
          %dma_start3A_44 = arith.constant 0 : i32
          %dma_start3A_45 = tpu.memref_slice %arg8[%scan3A_25, %dma_start3A_44] : memref<84x128xi32, #tpu.memory_space<vmem>> -> memref<1x128xi32, #tpu.memory_space<vmem>>
          %dma_start3A_46 = tpu.memref_squeeze %dma_start3A_45 : memref<1x128xi32, #tpu.memory_space<vmem>> -> memref<128xi32, #tpu.memory_space<vmem>>
          %dma_start3A_47 = arith.constant 0 : i32
          %dma_start3A_48 = arith.constant 0 : i32
          %dma_start3A_49 = tpu.memref_slice %arg11[%dma_start3A_47, %dma_start3A_48] : memref<10240x128xf32, #tpu.memory_space<vmem_shared>> -> memref<10240x128xf32, #tpu.memory_space<vmem_shared>>
          tpu.enqueue_indirect_dma source(%arg9 : memref<128x128xf32, #tpu.memory_space<vmem>>) target(%dma_start3A_49 : memref<10240x128xf32, #tpu.memory_space<vmem_shared>>) offsets(%dma_start3A_46 : memref<128xi32, #tpu.memory_space<vmem>>) semaphore(%run_scoped3A : memref<!tpu.dma_semaphore, #tpu.memory_space<semaphore_mem>>) {add = true}
          %dma_wait3A_50 = arith.constant 0 : i32
          %dma_wait3A_51 = tpu.memref_slice %arg8[%scan3A_25, %dma_wait3A_50] : memref<84x128xi32, #tpu.memory_space<vmem>> -> memref<1x128xi32, #tpu.memory_space<vmem>>
          %dma_wait3A_52 = tpu.memref_squeeze %dma_wait3A_51 : memref<1x128xi32, #tpu.memory_space<vmem>> -> memref<128xi32, #tpu.memory_space<vmem>>
          %dma_wait3A_53 = arith.constant 0 : i32
          %dma_wait3A_54 = arith.constant 0 : i32
          %dma_wait3A_55 = tpu.memref_slice %arg11[%dma_wait3A_53, %dma_wait3A_54] : memref<10240x128xf32, #tpu.memory_space<vmem_shared>> -> memref<10240x128xf32, #tpu.memory_space<vmem_shared>>
          tpu.wait_indirect_dma semaphore(%run_scoped3A : memref<!tpu.dma_semaphore, #tpu.memory_space<semaphore_mem>>) src(%arg9 : memref<128x128xf32, #tpu.memory_space<vmem>>) dst(%dma_wait3A_55 : memref<10240x128xf32, #tpu.memory_space<vmem_shared>>)
          tpu.yield
        }) : () -> ()
      }
      %scan3A_18 = arith.constant 84 : i32
      %barrier3A_19 = arith.constant 0 : index
      tpu.barrier barrier_id(%barrier3A_19)
      %mul3A_20 = arith.constant 640 : i32
      %mul3A_21 = arith.muli %arg1, %mul3A_20 : i32
      %mul3A_22 = arith.constant 640 : i32
      %mul3A_23 = arith.muli %arg1, %mul3A_22 : i32
      "tpu.region"() ({
        %run_scoped3A = tpu.sem_alloc : memref<!tpu.dma_semaphore, #tpu.memory_space<semaphore_mem>>
        %dma_start3A = arith.constant 0 : i32
        %dma_start3A_25 = arith.constant 0 : i32
        %dma_start3A_26 = tpu.memref_slice %arg6[%add3A, %dma_start3A, %dma_start3A_25] : memref<6x10240x128xf32, #tpu.memory_space<hbm>> -> memref<1x10240x128xf32, #tpu.memory_space<hbm>>
        %dma_start3A_27 = tpu.memref_squeeze %dma_start3A_26 : memref<1x10240x128xf32, #tpu.memory_space<hbm>> -> memref<10240x128xf32, #tpu.memory_space<hbm>>
        %dma_start3A_28 = arith.constant 0 : i32
        %dma_start3A_29 = tpu.memref_slice %dma_start3A_27[%mul3A_23, %dma_start3A_28] : memref<10240x128xf32, #tpu.memory_space<hbm>> -> memref<640x128xf32, #tpu.memory_space<hbm>>
        %dma_start3A_30 = arith.constant 0 : i32
        %dma_start3A_31 = tpu.memref_slice %arg11[%mul3A_21, %dma_start3A_30] : memref<10240x128xf32, #tpu.memory_space<vmem_shared>> -> memref<640x128xf32, #tpu.memory_space<vmem_shared>>
        tpu.enqueue_dma source(%dma_start3A_31 : memref<640x128xf32, #tpu.memory_space<vmem_shared>>) target(%dma_start3A_29 : memref<640x128xf32, #tpu.memory_space<hbm>>) target_semaphore(%run_scoped3A : memref<!tpu.dma_semaphore, #tpu.memory_space<semaphore_mem>>)
        %dma_wait3A = arith.constant 0 : i32
        %dma_wait3A_32 = arith.constant 0 : i32
        %dma_wait3A_33 = tpu.memref_slice %arg6[%add3A, %dma_wait3A, %dma_wait3A_32] : memref<6x10240x128xf32, #tpu.memory_space<hbm>> -> memref<1x10240x128xf32, #tpu.memory_space<hbm>>
        %dma_wait3A_34 = tpu.memref_squeeze %dma_wait3A_33 : memref<1x10240x128xf32, #tpu.memory_space<hbm>> -> memref<10240x128xf32, #tpu.memory_space<hbm>>
        %dma_wait3A_35 = arith.constant 0 : i32
        %dma_wait3A_36 = tpu.memref_slice %dma_wait3A_34[%mul3A_23, %dma_wait3A_35] : memref<10240x128xf32, #tpu.memory_space<hbm>> -> memref<640x128xf32, #tpu.memory_space<hbm>>
        %dma_wait3A_37 = arith.constant 0 : i32
        %dma_wait3A_38 = tpu.memref_slice %arg11[%mul3A_21, %dma_wait3A_37] : memref<10240x128xf32, #tpu.memory_space<vmem_shared>> -> memref<640x128xf32, #tpu.memory_space<vmem_shared>>
        tpu.wait_dma2 semaphore(%run_scoped3A : memref<!tpu.dma_semaphore, #tpu.memory_space<semaphore_mem>>) src(%dma_wait3A_38 : memref<640x128xf32, #tpu.memory_space<vmem_shared>>) dst(%dma_wait3A_36 : memref<640x128xf32, #tpu.memory_space<hbm>>)
        tpu.yield
      }) : () -> ()
      %barrier3A_24 = arith.constant 0 : index
      tpu.barrier barrier_id(%barrier3A_24)
    }
    %scan3A_4 = arith.constant 3 : i32
    return
  }
}

#map = affine_map<(d0, d1) -> (0, 0, 0)>
#map1 = affine_map<(d0, d1) -> (0, 0)>
module attributes {stable_mosaic.version = 14 : i64} {
  func.func @_scatter_body(%arg0: i32, %arg1: i32, %arg2: memref<6x10000x128xf32, #tpu.memory_space<hbm>>, %arg3: memref<16x84x128xi32, #tpu.memory_space<hbm>>, %arg4: memref<16x84x128xi32, #tpu.memory_space<hbm>>, %arg5: memref<64x128xf32, #tpu.memory_space<hbm>>, %arg6: memref<6x10240x128xf32, #tpu.memory_space<hbm>>, %arg7: memref<84x128xi32, #tpu.memory_space<vmem>>, %arg8: memref<84x128xi32, #tpu.memory_space<vmem>>, %arg9: memref<128x128xf32, #tpu.memory_space<vmem>>, %arg10: memref<64x128xf32, #tpu.memory_space<vmem>>, %arg11: memref<10240x128xf32, #tpu.memory_space<vmem_shared>>, %arg12: memref<!tpu.dma_semaphore, #tpu.memory_space<semaphore_mem>>) attributes {dimension_semantics = [#tpu.dimension_semantics<core_parallel>, #tpu.dimension_semantics<subcore_parallel>], iteration_bounds = array<i64: 2, 16>, scalar_prefetch = 0 : i64, scratch_operands = 6 : i64, tpu.core_type = #tpu.core_type<sc_vector_subcore>, window_params = [{transform_indices = #map}, {transform_indices = #map}, {transform_indices = #map}, {transform_indices = #map1}, {transform_indices = #map}]} {
    "tpu.region"() ({
      %run_scoped3A = tpu.sem_alloc : memref<!tpu.dma_semaphore, #tpu.memory_space<semaphore_mem>>
      %dma_start3A = arith.constant 0 : i32
      %dma_start3A_5 = arith.constant 0 : i32
      %dma_start3A_6 = tpu.memref_slice %arg3[%arg1, %dma_start3A, %dma_start3A_5] : memref<16x84x128xi32, #tpu.memory_space<hbm>> -> memref<1x84x128xi32, #tpu.memory_space<hbm>>
      %dma_start3A_7 = tpu.memref_squeeze %dma_start3A_6 : memref<1x84x128xi32, #tpu.memory_space<hbm>> -> memref<84x128xi32, #tpu.memory_space<hbm>>
      %dma_start3A_8 = arith.constant 0 : i32
      %dma_start3A_9 = arith.constant 0 : i32
      %dma_start3A_10 = tpu.memref_slice %arg3[%arg1, %dma_start3A_8, %dma_start3A_9] : memref<16x84x128xi32, #tpu.memory_space<hbm>> -> memref<1x84x128xi32, #tpu.memory_space<hbm>>
      %dma_start3A_11 = tpu.memref_squeeze %dma_start3A_10 : memref<1x84x128xi32, #tpu.memory_space<hbm>> -> memref<84x128xi32, #tpu.memory_space<hbm>>
      tpu.enqueue_dma source(%dma_start3A_11 : memref<84x128xi32, #tpu.memory_space<hbm>>) target(%arg7 : memref<84x128xi32, #tpu.memory_space<vmem>>) target_semaphore(%run_scoped3A : memref<!tpu.dma_semaphore, #tpu.memory_space<semaphore_mem>>)
      %dma_wait3A = arith.constant 0 : i32
      %dma_wait3A_12 = arith.constant 0 : i32
      %dma_wait3A_13 = tpu.memref_slice %arg3[%arg1, %dma_wait3A, %dma_wait3A_12] : memref<16x84x128xi32, #tpu.memory_space<hbm>> -> memref<1x84x128xi32, #tpu.memory_space<hbm>>
      %dma_wait3A_14 = tpu.memref_squeeze %dma_wait3A_13 : memref<1x84x128xi32, #tpu.memory_space<hbm>> -> memref<84x128xi32, #tpu.memory_space<hbm>>
      %dma_wait3A_15 = arith.constant 0 : i32
      %dma_wait3A_16 = arith.constant 0 : i32
      %dma_wait3A_17 = tpu.memref_slice %arg3[%arg1, %dma_wait3A_15, %dma_wait3A_16] : memref<16x84x128xi32, #tpu.memory_space<hbm>> -> memref<1x84x128xi32, #tpu.memory_space<hbm>>
      %dma_wait3A_18 = tpu.memref_squeeze %dma_wait3A_17 : memref<1x84x128xi32, #tpu.memory_space<hbm>> -> memref<84x128xi32, #tpu.memory_space<hbm>>
      tpu.wait_dma2 semaphore(%run_scoped3A : memref<!tpu.dma_semaphore, #tpu.memory_space<semaphore_mem>>) src(%dma_wait3A_18 : memref<84x128xi32, #tpu.memory_space<hbm>>) dst(%arg7 : memref<84x128xi32, #tpu.memory_space<vmem>>)
      tpu.yield
    }) : () -> ()
    "tpu.region"() ({
      %run_scoped3A = tpu.sem_alloc : memref<!tpu.dma_semaphore, #tpu.memory_space<semaphore_mem>>
      %dma_start3A = arith.constant 0 : i32
      %dma_start3A_5 = arith.constant 0 : i32
      %dma_start3A_6 = tpu.memref_slice %arg4[%arg1, %dma_start3A, %dma_start3A_5] : memref<16x84x128xi32, #tpu.memory_space<hbm>> -> memref<1x84x128xi32, #tpu.memory_space<hbm>>
      %dma_start3A_7 = tpu.memref_squeeze %dma_start3A_6 : memref<1x84x128xi32, #tpu.memory_space<hbm>> -> memref<84x128xi32, #tpu.memory_space<hbm>>
      %dma_start3A_8 = arith.constant 0 : i32
      %dma_start3A_9 = arith.constant 0 : i32
      %dma_start3A_10 = tpu.memref_slice %arg4[%arg1, %dma_start3A_8, %dma_start3A_9] : memref<16x84x128xi32, #tpu.memory_space<hbm>> -> memref<1x84x128xi32, #tpu.memory_space<hbm>>
      %dma_start3A_11 = tpu.memref_squeeze %dma_start3A_10 : memref<1x84x128xi32, #tpu.memory_space<hbm>> -> memref<84x128xi32, #tpu.memory_space<hbm>>
      tpu.enqueue_dma source(%dma_start3A_11 : memref<84x128xi32, #tpu.memory_space<hbm>>) target(%arg8 : memref<84x128xi32, #tpu.memory_space<vmem>>) target_semaphore(%run_scoped3A : memref<!tpu.dma_semaphore, #tpu.memory_space<semaphore_mem>>)
      %dma_wait3A = arith.constant 0 : i32
      %dma_wait3A_12 = arith.constant 0 : i32
      %dma_wait3A_13 = tpu.memref_slice %arg4[%arg1, %dma_wait3A, %dma_wait3A_12] : memref<16x84x128xi32, #tpu.memory_space<hbm>> -> memref<1x84x128xi32, #tpu.memory_space<hbm>>
      %dma_wait3A_14 = tpu.memref_squeeze %dma_wait3A_13 : memref<1x84x128xi32, #tpu.memory_space<hbm>> -> memref<84x128xi32, #tpu.memory_space<hbm>>
      %dma_wait3A_15 = arith.constant 0 : i32
      %dma_wait3A_16 = arith.constant 0 : i32
      %dma_wait3A_17 = tpu.memref_slice %arg4[%arg1, %dma_wait3A_15, %dma_wait3A_16] : memref<16x84x128xi32, #tpu.memory_space<hbm>> -> memref<1x84x128xi32, #tpu.memory_space<hbm>>
      %dma_wait3A_18 = tpu.memref_squeeze %dma_wait3A_17 : memref<1x84x128xi32, #tpu.memory_space<hbm>> -> memref<84x128xi32, #tpu.memory_space<hbm>>
      tpu.wait_dma2 semaphore(%run_scoped3A : memref<!tpu.dma_semaphore, #tpu.memory_space<semaphore_mem>>) src(%dma_wait3A_18 : memref<84x128xi32, #tpu.memory_space<hbm>>) dst(%arg8 : memref<84x128xi32, #tpu.memory_space<vmem>>)
      tpu.yield
    }) : () -> ()
    "tpu.region"() ({
      %run_scoped3A = tpu.sem_alloc : memref<!tpu.dma_semaphore, #tpu.memory_space<semaphore_mem>>
      tpu.enqueue_dma source(%arg5 : memref<64x128xf32, #tpu.memory_space<hbm>>) target(%arg10 : memref<64x128xf32, #tpu.memory_space<vmem>>) target_semaphore(%run_scoped3A : memref<!tpu.dma_semaphore, #tpu.memory_space<semaphore_mem>>)
      tpu.wait_dma2 semaphore(%run_scoped3A : memref<!tpu.dma_semaphore, #tpu.memory_space<semaphore_mem>>) src(%arg5 : memref<64x128xf32, #tpu.memory_space<hbm>>) dst(%arg10 : memref<64x128xf32, #tpu.memory_space<vmem>>)
      tpu.yield
    }) : () -> ()
    %scan3A = arith.constant 0 : i32
    %scan3A_0 = arith.constant 0 : i32
    %scan3A_1 = arith.constant 3 : i32
    %scan3A_2 = arith.addi %scan3A_0, %scan3A_1 : i32
    %scan3A_3 = arith.constant 1 : i32
    scf.for %scan3A_5 = %scan3A_0 to %scan3A_2 step %scan3A_3  : i32 {
      %mul3A = arith.constant 3 : i32
      %mul3A_6 = arith.muli %arg0, %mul3A : i32
      %add3A = arith.addi %mul3A_6, %scan3A_5 : i32
      %scan3A_7 = arith.constant 0 : i32
      %scan3A_8 = arith.constant 0 : i32
      %scan3A_9 = arith.constant 10 : i32
      %scan3A_10 = arith.addi %scan3A_8, %scan3A_9 : i32
      %scan3A_11 = arith.constant 1 : i32
      scf.for %scan3A_25 = %scan3A_8 to %scan3A_10 step %scan3A_11  : i32 {
        %mul3A_26 = arith.constant 640 : i32
        %mul3A_27 = arith.muli %arg1, %mul3A_26 : i32
        %mul3A_28 = arith.constant 64 : i32
        %mul3A_29 = arith.muli %scan3A_25, %mul3A_28 : i32
        %add3A_30 = arith.addi %mul3A_27, %mul3A_29 : i32
        "tpu.region"() ({
          %run_scoped3A = tpu.sem_alloc : memref<!tpu.dma_semaphore, #tpu.memory_space<semaphore_mem>>
          %dma_start3A = arith.constant 0 : i32
          %dma_start3A_31 = tpu.memref_slice %arg11[%add3A_30, %dma_start3A] : memref<10240x128xf32, #tpu.memory_space<vmem_shared>> -> memref<64x128xf32, #tpu.memory_space<vmem_shared>>
          %dma_start3A_32 = arith.constant 0 : i32
          %dma_start3A_33 = tpu.memref_slice %arg11[%add3A_30, %dma_start3A_32] : memref<10240x128xf32, #tpu.memory_space<vmem_shared>> -> memref<64x128xf32, #tpu.memory_space<vmem_shared>>
          tpu.enqueue_dma source(%arg10 : memref<64x128xf32, #tpu.memory_space<vmem>>) target(%dma_start3A_33 : memref<64x128xf32, #tpu.memory_space<vmem_shared>>) target_semaphore(%run_scoped3A : memref<!tpu.dma_semaphore, #tpu.memory_space<semaphore_mem>>)
          %dma_wait3A = arith.constant 0 : i32
          %dma_wait3A_34 = tpu.memref_slice %arg11[%add3A_30, %dma_wait3A] : memref<10240x128xf32, #tpu.memory_space<vmem_shared>> -> memref<64x128xf32, #tpu.memory_space<vmem_shared>>
          %dma_wait3A_35 = arith.constant 0 : i32
          %dma_wait3A_36 = tpu.memref_slice %arg11[%add3A_30, %dma_wait3A_35] : memref<10240x128xf32, #tpu.memory_space<vmem_shared>> -> memref<64x128xf32, #tpu.memory_space<vmem_shared>>
          tpu.wait_dma2 semaphore(%run_scoped3A : memref<!tpu.dma_semaphore, #tpu.memory_space<semaphore_mem>>) src(%arg10 : memref<64x128xf32, #tpu.memory_space<vmem>>) dst(%dma_wait3A_36 : memref<64x128xf32, #tpu.memory_space<vmem_shared>>)
          tpu.yield
        }) : () -> ()
      }
      %scan3A_12 = arith.constant 10 : i32
      %barrier3A = arith.constant 0 : index
      tpu.barrier barrier_id(%barrier3A)
      %scan3A_13 = arith.constant 0 : i32
      %scan3A_14 = arith.constant 0 : i32
      %scan3A_15 = arith.constant 84 : i32
      %scan3A_16 = arith.addi %scan3A_14, %scan3A_15 : i32
      %scan3A_17 = arith.constant 1 : i32
      scf.for %scan3A_25 = %scan3A_14 to %scan3A_16 step %scan3A_17  : i32 {
        %dma_start3A = arith.constant 0 : i32
        %dma_start3A_26 = tpu.memref_slice %arg7[%scan3A_25, %dma_start3A] : memref<84x128xi32, #tpu.memory_space<vmem>> -> memref<1x128xi32, #tpu.memory_space<vmem>>
        %dma_start3A_27 = tpu.memref_squeeze %dma_start3A_26 : memref<1x128xi32, #tpu.memory_space<vmem>> -> memref<128xi32, #tpu.memory_space<vmem>>
        %dma_start3A_28 = arith.constant 0 : i32
        %dma_start3A_29 = arith.constant 0 : i32
        %dma_start3A_30 = tpu.memref_slice %arg2[%add3A, %dma_start3A_28, %dma_start3A_29] : memref<6x10000x128xf32, #tpu.memory_space<hbm>> -> memref<1x10000x128xf32, #tpu.memory_space<hbm>>
        %dma_start3A_31 = tpu.memref_squeeze %dma_start3A_30 : memref<1x10000x128xf32, #tpu.memory_space<hbm>> -> memref<10000x128xf32, #tpu.memory_space<hbm>>
        %dma_start3A_32 = arith.constant 0 : i32
        %dma_start3A_33 = arith.constant 0 : i32
        %dma_start3A_34 = tpu.memref_slice %dma_start3A_31[%dma_start3A_32, %dma_start3A_33] : memref<10000x128xf32, #tpu.memory_space<hbm>> -> memref<10000x128xf32, #tpu.memory_space<hbm>>
        tpu.enqueue_indirect_dma source(%dma_start3A_34 : memref<10000x128xf32, #tpu.memory_space<hbm>>) target(%arg9 : memref<128x128xf32, #tpu.memory_space<vmem>>) offsets(%dma_start3A_27 : memref<128xi32, #tpu.memory_space<vmem>>) semaphore(%arg12 : memref<!tpu.dma_semaphore, #tpu.memory_space<semaphore_mem>>)
        %dma_wait3A = arith.constant 0 : i32
        %dma_wait3A_35 = tpu.memref_slice %arg7[%scan3A_25, %dma_wait3A] : memref<84x128xi32, #tpu.memory_space<vmem>> -> memref<1x128xi32, #tpu.memory_space<vmem>>
        %dma_wait3A_36 = tpu.memref_squeeze %dma_wait3A_35 : memref<1x128xi32, #tpu.memory_space<vmem>> -> memref<128xi32, #tpu.memory_space<vmem>>
        %dma_wait3A_37 = arith.constant 0 : i32
        %dma_wait3A_38 = arith.constant 0 : i32
        %dma_wait3A_39 = tpu.memref_slice %arg2[%add3A, %dma_wait3A_37, %dma_wait3A_38] : memref<6x10000x128xf32, #tpu.memory_space<hbm>> -> memref<1x10000x128xf32, #tpu.memory_space<hbm>>
        %dma_wait3A_40 = tpu.memref_squeeze %dma_wait3A_39 : memref<1x10000x128xf32, #tpu.memory_space<hbm>> -> memref<10000x128xf32, #tpu.memory_space<hbm>>
        %dma_wait3A_41 = arith.constant 0 : i32
        %dma_wait3A_42 = arith.constant 0 : i32
        %dma_wait3A_43 = tpu.memref_slice %dma_wait3A_40[%dma_wait3A_41, %dma_wait3A_42] : memref<10000x128xf32, #tpu.memory_space<hbm>> -> memref<10000x128xf32, #tpu.memory_space<hbm>>
        tpu.wait_indirect_dma semaphore(%arg12 : memref<!tpu.dma_semaphore, #tpu.memory_space<semaphore_mem>>) src(%dma_wait3A_43 : memref<10000x128xf32, #tpu.memory_space<hbm>>) dst(%arg9 : memref<128x128xf32, #tpu.memory_space<vmem>>)
        "tpu.region"() ({
          %run_scoped3A = tpu.sem_alloc : memref<!tpu.dma_semaphore, #tpu.memory_space<semaphore_mem>>
          %dma_start3A_44 = arith.constant 0 : i32
          %dma_start3A_45 = tpu.memref_slice %arg8[%scan3A_25, %dma_start3A_44] : memref<84x128xi32, #tpu.memory_space<vmem>> -> memref<1x128xi32, #tpu.memory_space<vmem>>
          %dma_start3A_46 = tpu.memref_squeeze %dma_start3A_45 : memref<1x128xi32, #tpu.memory_space<vmem>> -> memref<128xi32, #tpu.memory_space<vmem>>
          %dma_start3A_47 = arith.constant 0 : i32
          %dma_start3A_48 = arith.constant 0 : i32
          %dma_start3A_49 = tpu.memref_slice %arg11[%dma_start3A_47, %dma_start3A_48] : memref<10240x128xf32, #tpu.memory_space<vmem_shared>> -> memref<10240x128xf32, #tpu.memory_space<vmem_shared>>
          tpu.enqueue_indirect_dma source(%arg9 : memref<128x128xf32, #tpu.memory_space<vmem>>) target(%dma_start3A_49 : memref<10240x128xf32, #tpu.memory_space<vmem_shared>>) offsets(%dma_start3A_46 : memref<128xi32, #tpu.memory_space<vmem>>) semaphore(%run_scoped3A : memref<!tpu.dma_semaphore, #tpu.memory_space<semaphore_mem>>) {add = true}
          %dma_wait3A_50 = arith.constant 0 : i32
          %dma_wait3A_51 = tpu.memref_slice %arg8[%scan3A_25, %dma_wait3A_50] : memref<84x128xi32, #tpu.memory_space<vmem>> -> memref<1x128xi32, #tpu.memory_space<vmem>>
          %dma_wait3A_52 = tpu.memref_squeeze %dma_wait3A_51 : memref<1x128xi32, #tpu.memory_space<vmem>> -> memref<128xi32, #tpu.memory_space<vmem>>
          %dma_wait3A_53 = arith.constant 0 : i32
          %dma_wait3A_54 = arith.constant 0 : i32
          %dma_wait3A_55 = tpu.memref_slice %arg11[%dma_wait3A_53, %dma_wait3A_54] : memref<10240x128xf32, #tpu.memory_space<vmem_shared>> -> memref<10240x128xf32, #tpu.memory_space<vmem_shared>>
          tpu.wait_indirect_dma semaphore(%run_scoped3A : memref<!tpu.dma_semaphore, #tpu.memory_space<semaphore_mem>>) src(%arg9 : memref<128x128xf32, #tpu.memory_space<vmem>>) dst(%dma_wait3A_55 : memref<10240x128xf32, #tpu.memory_space<vmem_shared>>)
          tpu.yield
        }) : () -> ()
      }
      %scan3A_18 = arith.constant 84 : i32
      %barrier3A_19 = arith.constant 0 : index
      tpu.barrier barrier_id(%barrier3A_19)
      %mul3A_20 = arith.constant 640 : i32
      %mul3A_21 = arith.muli %arg1, %mul3A_20 : i32
      %mul3A_22 = arith.constant 640 : i32
      %mul3A_23 = arith.muli %arg1, %mul3A_22 : i32
      "tpu.region"() ({
        %run_scoped3A = tpu.sem_alloc : memref<!tpu.dma_semaphore, #tpu.memory_space<semaphore_mem>>
        %dma_start3A = arith.constant 0 : i32
        %dma_start3A_25 = arith.constant 0 : i32
        %dma_start3A_26 = tpu.memref_slice %arg6[%add3A, %dma_start3A, %dma_start3A_25] : memref<6x10240x128xf32, #tpu.memory_space<hbm>> -> memref<1x10240x128xf32, #tpu.memory_space<hbm>>
        %dma_start3A_27 = tpu.memref_squeeze %dma_start3A_26 : memref<1x10240x128xf32, #tpu.memory_space<hbm>> -> memref<10240x128xf32, #tpu.memory_space<hbm>>
        %dma_start3A_28 = arith.constant 0 : i32
        %dma_start3A_29 = tpu.memref_slice %dma_start3A_27[%mul3A_23, %dma_start3A_28] : memref<10240x128xf32, #tpu.memory_space<hbm>> -> memref<640x128xf32, #tpu.memory_space<hbm>>
        %dma_start3A_30 = arith.constant 0 : i32
        %dma_start3A_31 = tpu.memref_slice %arg11[%mul3A_21, %dma_start3A_30] : memref<10240x128xf32, #tpu.memory_space<vmem_shared>> -> memref<640x128xf32, #tpu.memory_space<vmem_shared>>
        tpu.enqueue_dma source(%dma_start3A_31 : memref<640x128xf32, #tpu.memory_space<vmem_shared>>) target(%dma_start3A_29 : memref<640x128xf32, #tpu.memory_space<hbm>>) target_semaphore(%run_scoped3A : memref<!tpu.dma_semaphore, #tpu.memory_space<semaphore_mem>>)
        %dma_wait3A = arith.constant 0 : i32
        %dma_wait3A_32 = arith.constant 0 : i32
        %dma_wait3A_33 = tpu.memref_slice %arg6[%add3A, %dma_wait3A, %dma_wait3A_32] : memref<6x10240x128xf32, #tpu.memory_space<hbm>> -> memref<1x10240x128xf32, #tpu.memory_space<hbm>>
        %dma_wait3A_34 = tpu.memref_squeeze %dma_wait3A_33 : memref<1x10240x128xf32, #tpu.memory_space<hbm>> -> memref<10240x128xf32, #tpu.memory_space<hbm>>
        %dma_wait3A_35 = arith.constant 0 : i32
        %dma_wait3A_36 = tpu.memref_slice %dma_wait3A_34[%mul3A_23, %dma_wait3A_35] : memref<10240x128xf32, #tpu.memory_space<hbm>> -> memref<640x128xf32, #tpu.memory_space<hbm>>
        %dma_wait3A_37 = arith.constant 0 : i32
        %dma_wait3A_38 = tpu.memref_slice %arg11[%mul3A_21, %dma_wait3A_37] : memref<10240x128xf32, #tpu.memory_space<vmem_shared>> -> memref<640x128xf32, #tpu.memory_space<vmem_shared>>
        tpu.wait_dma2 semaphore(%run_scoped3A : memref<!tpu.dma_semaphore, #tpu.memory_space<semaphore_mem>>) src(%dma_wait3A_38 : memref<640x128xf32, #tpu.memory_space<vmem_shared>>) dst(%dma_wait3A_36 : memref<640x128xf32, #tpu.memory_space<hbm>>)
        tpu.yield
      }) : () -> ()
      %barrier3A_24 = arith.constant 0 : index
      tpu.barrier barrier_id(%barrier3A_24)
    }
    %scan3A_4 = arith.constant 3 : i32
    return
  }
}

#map = affine_map<(d0, d1) -> (0, 0, 0)>
#map1 = affine_map<(d0, d1) -> (0, 0)>
module attributes {stable_mosaic.version = 14 : i64} {
  func.func @_scatter_body(%arg0: i32, %arg1: i32, %arg2: memref<6x10000x128xf32, #tpu.memory_space<hbm>>, %arg3: memref<16x84x128xi32, #tpu.memory_space<hbm>>, %arg4: memref<16x84x128xi32, #tpu.memory_space<hbm>>, %arg5: memref<64x128xf32, #tpu.memory_space<hbm>>, %arg6: memref<6x10240x128xf32, #tpu.memory_space<hbm>>, %arg7: memref<84x128xi32, #tpu.memory_space<vmem>>, %arg8: memref<84x128xi32, #tpu.memory_space<vmem>>, %arg9: memref<128x128xf32, #tpu.memory_space<vmem>>, %arg10: memref<64x128xf32, #tpu.memory_space<vmem>>, %arg11: memref<10240x128xf32, #tpu.memory_space<vmem_shared>>, %arg12: memref<!tpu.dma_semaphore, #tpu.memory_space<semaphore_mem>>) attributes {dimension_semantics = [#tpu.dimension_semantics<core_parallel>, #tpu.dimension_semantics<subcore_parallel>], iteration_bounds = array<i64: 2, 16>, scalar_prefetch = 0 : i64, scratch_operands = 6 : i64, tpu.core_type = #tpu.core_type<sc_vector_subcore>, window_params = [{transform_indices = #map}, {transform_indices = #map}, {transform_indices = #map}, {transform_indices = #map1}, {transform_indices = #map}]} {
    "tpu.region"() ({
      %run_scoped3A = tpu.sem_alloc : memref<!tpu.dma_semaphore, #tpu.memory_space<semaphore_mem>>
      %dma_start3A = arith.constant 0 : i32
      %dma_start3A_5 = arith.constant 0 : i32
      %dma_start3A_6 = tpu.memref_slice %arg3[%arg1, %dma_start3A, %dma_start3A_5] : memref<16x84x128xi32, #tpu.memory_space<hbm>> -> memref<1x84x128xi32, #tpu.memory_space<hbm>>
      %dma_start3A_7 = tpu.memref_squeeze %dma_start3A_6 : memref<1x84x128xi32, #tpu.memory_space<hbm>> -> memref<84x128xi32, #tpu.memory_space<hbm>>
      %dma_start3A_8 = arith.constant 0 : i32
      %dma_start3A_9 = arith.constant 0 : i32
      %dma_start3A_10 = tpu.memref_slice %arg3[%arg1, %dma_start3A_8, %dma_start3A_9] : memref<16x84x128xi32, #tpu.memory_space<hbm>> -> memref<1x84x128xi32, #tpu.memory_space<hbm>>
      %dma_start3A_11 = tpu.memref_squeeze %dma_start3A_10 : memref<1x84x128xi32, #tpu.memory_space<hbm>> -> memref<84x128xi32, #tpu.memory_space<hbm>>
      tpu.enqueue_dma source(%dma_start3A_11 : memref<84x128xi32, #tpu.memory_space<hbm>>) target(%arg7 : memref<84x128xi32, #tpu.memory_space<vmem>>) target_semaphore(%run_scoped3A : memref<!tpu.dma_semaphore, #tpu.memory_space<semaphore_mem>>)
      %dma_wait3A = arith.constant 0 : i32
      %dma_wait3A_12 = arith.constant 0 : i32
      %dma_wait3A_13 = tpu.memref_slice %arg3[%arg1, %dma_wait3A, %dma_wait3A_12] : memref<16x84x128xi32, #tpu.memory_space<hbm>> -> memref<1x84x128xi32, #tpu.memory_space<hbm>>
      %dma_wait3A_14 = tpu.memref_squeeze %dma_wait3A_13 : memref<1x84x128xi32, #tpu.memory_space<hbm>> -> memref<84x128xi32, #tpu.memory_space<hbm>>
      %dma_wait3A_15 = arith.constant 0 : i32
      %dma_wait3A_16 = arith.constant 0 : i32
      %dma_wait3A_17 = tpu.memref_slice %arg3[%arg1, %dma_wait3A_15, %dma_wait3A_16] : memref<16x84x128xi32, #tpu.memory_space<hbm>> -> memref<1x84x128xi32, #tpu.memory_space<hbm>>
      %dma_wait3A_18 = tpu.memref_squeeze %dma_wait3A_17 : memref<1x84x128xi32, #tpu.memory_space<hbm>> -> memref<84x128xi32, #tpu.memory_space<hbm>>
      tpu.wait_dma2 semaphore(%run_scoped3A : memref<!tpu.dma_semaphore, #tpu.memory_space<semaphore_mem>>) src(%dma_wait3A_18 : memref<84x128xi32, #tpu.memory_space<hbm>>) dst(%arg7 : memref<84x128xi32, #tpu.memory_space<vmem>>)
      tpu.yield
    }) : () -> ()
    "tpu.region"() ({
      %run_scoped3A = tpu.sem_alloc : memref<!tpu.dma_semaphore, #tpu.memory_space<semaphore_mem>>
      %dma_start3A = arith.constant 0 : i32
      %dma_start3A_5 = arith.constant 0 : i32
      %dma_start3A_6 = tpu.memref_slice %arg4[%arg1, %dma_start3A, %dma_start3A_5] : memref<16x84x128xi32, #tpu.memory_space<hbm>> -> memref<1x84x128xi32, #tpu.memory_space<hbm>>
      %dma_start3A_7 = tpu.memref_squeeze %dma_start3A_6 : memref<1x84x128xi32, #tpu.memory_space<hbm>> -> memref<84x128xi32, #tpu.memory_space<hbm>>
      %dma_start3A_8 = arith.constant 0 : i32
      %dma_start3A_9 = arith.constant 0 : i32
      %dma_start3A_10 = tpu.memref_slice %arg4[%arg1, %dma_start3A_8, %dma_start3A_9] : memref<16x84x128xi32, #tpu.memory_space<hbm>> -> memref<1x84x128xi32, #tpu.memory_space<hbm>>
      %dma_start3A_11 = tpu.memref_squeeze %dma_start3A_10 : memref<1x84x128xi32, #tpu.memory_space<hbm>> -> memref<84x128xi32, #tpu.memory_space<hbm>>
      tpu.enqueue_dma source(%dma_start3A_11 : memref<84x128xi32, #tpu.memory_space<hbm>>) target(%arg8 : memref<84x128xi32, #tpu.memory_space<vmem>>) target_semaphore(%run_scoped3A : memref<!tpu.dma_semaphore, #tpu.memory_space<semaphore_mem>>)
      %dma_wait3A = arith.constant 0 : i32
      %dma_wait3A_12 = arith.constant 0 : i32
      %dma_wait3A_13 = tpu.memref_slice %arg4[%arg1, %dma_wait3A, %dma_wait3A_12] : memref<16x84x128xi32, #tpu.memory_space<hbm>> -> memref<1x84x128xi32, #tpu.memory_space<hbm>>
      %dma_wait3A_14 = tpu.memref_squeeze %dma_wait3A_13 : memref<1x84x128xi32, #tpu.memory_space<hbm>> -> memref<84x128xi32, #tpu.memory_space<hbm>>
      %dma_wait3A_15 = arith.constant 0 : i32
      %dma_wait3A_16 = arith.constant 0 : i32
      %dma_wait3A_17 = tpu.memref_slice %arg4[%arg1, %dma_wait3A_15, %dma_wait3A_16] : memref<16x84x128xi32, #tpu.memory_space<hbm>> -> memref<1x84x128xi32, #tpu.memory_space<hbm>>
      %dma_wait3A_18 = tpu.memref_squeeze %dma_wait3A_17 : memref<1x84x128xi32, #tpu.memory_space<hbm>> -> memref<84x128xi32, #tpu.memory_space<hbm>>
      tpu.wait_dma2 semaphore(%run_scoped3A : memref<!tpu.dma_semaphore, #tpu.memory_space<semaphore_mem>>) src(%dma_wait3A_18 : memref<84x128xi32, #tpu.memory_space<hbm>>) dst(%arg8 : memref<84x128xi32, #tpu.memory_space<vmem>>)
      tpu.yield
    }) : () -> ()
    "tpu.region"() ({
      %run_scoped3A = tpu.sem_alloc : memref<!tpu.dma_semaphore, #tpu.memory_space<semaphore_mem>>
      tpu.enqueue_dma source(%arg5 : memref<64x128xf32, #tpu.memory_space<hbm>>) target(%arg10 : memref<64x128xf32, #tpu.memory_space<vmem>>) target_semaphore(%run_scoped3A : memref<!tpu.dma_semaphore, #tpu.memory_space<semaphore_mem>>)
      tpu.wait_dma2 semaphore(%run_scoped3A : memref<!tpu.dma_semaphore, #tpu.memory_space<semaphore_mem>>) src(%arg5 : memref<64x128xf32, #tpu.memory_space<hbm>>) dst(%arg10 : memref<64x128xf32, #tpu.memory_space<vmem>>)
      tpu.yield
    }) : () -> ()
    %scan3A = arith.constant 0 : i32
    %scan3A_0 = arith.constant 0 : i32
    %scan3A_1 = arith.constant 3 : i32
    %scan3A_2 = arith.addi %scan3A_0, %scan3A_1 : i32
    %scan3A_3 = arith.constant 1 : i32
    scf.for %scan3A_5 = %scan3A_0 to %scan3A_2 step %scan3A_3  : i32 {
      %mul3A = arith.constant 3 : i32
      %mul3A_6 = arith.muli %arg0, %mul3A : i32
      %add3A = arith.addi %mul3A_6, %scan3A_5 : i32
      %scan3A_7 = arith.constant 0 : i32
      %scan3A_8 = arith.constant 0 : i32
      %scan3A_9 = arith.constant 10 : i32
      %scan3A_10 = arith.addi %scan3A_8, %scan3A_9 : i32
      %scan3A_11 = arith.constant 1 : i32
      scf.for %scan3A_25 = %scan3A_8 to %scan3A_10 step %scan3A_11  : i32 {
        %mul3A_26 = arith.constant 640 : i32
        %mul3A_27 = arith.muli %arg1, %mul3A_26 : i32
        %mul3A_28 = arith.constant 64 : i32
        %mul3A_29 = arith.muli %scan3A_25, %mul3A_28 : i32
        %add3A_30 = arith.addi %mul3A_27, %mul3A_29 : i32
        "tpu.region"() ({
          %run_scoped3A = tpu.sem_alloc : memref<!tpu.dma_semaphore, #tpu.memory_space<semaphore_mem>>
          %dma_start3A = arith.constant 0 : i32
          %dma_start3A_31 = tpu.memref_slice %arg11[%add3A_30, %dma_start3A] : memref<10240x128xf32, #tpu.memory_space<vmem_shared>> -> memref<64x128xf32, #tpu.memory_space<vmem_shared>>
          %dma_start3A_32 = arith.constant 0 : i32
          %dma_start3A_33 = tpu.memref_slice %arg11[%add3A_30, %dma_start3A_32] : memref<10240x128xf32, #tpu.memory_space<vmem_shared>> -> memref<64x128xf32, #tpu.memory_space<vmem_shared>>
          tpu.enqueue_dma source(%arg10 : memref<64x128xf32, #tpu.memory_space<vmem>>) target(%dma_start3A_33 : memref<64x128xf32, #tpu.memory_space<vmem_shared>>) target_semaphore(%run_scoped3A : memref<!tpu.dma_semaphore, #tpu.memory_space<semaphore_mem>>)
          %dma_wait3A = arith.constant 0 : i32
          %dma_wait3A_34 = tpu.memref_slice %arg11[%add3A_30, %dma_wait3A] : memref<10240x128xf32, #tpu.memory_space<vmem_shared>> -> memref<64x128xf32, #tpu.memory_space<vmem_shared>>
          %dma_wait3A_35 = arith.constant 0 : i32
          %dma_wait3A_36 = tpu.memref_slice %arg11[%add3A_30, %dma_wait3A_35] : memref<10240x128xf32, #tpu.memory_space<vmem_shared>> -> memref<64x128xf32, #tpu.memory_space<vmem_shared>>
          tpu.wait_dma2 semaphore(%run_scoped3A : memref<!tpu.dma_semaphore, #tpu.memory_space<semaphore_mem>>) src(%arg10 : memref<64x128xf32, #tpu.memory_space<vmem>>) dst(%dma_wait3A_36 : memref<64x128xf32, #tpu.memory_space<vmem_shared>>)
          tpu.yield
        }) : () -> ()
      }
      %scan3A_12 = arith.constant 10 : i32
      %barrier3A = arith.constant 0 : index
      tpu.barrier barrier_id(%barrier3A)
      %scan3A_13 = arith.constant 0 : i32
      %scan3A_14 = arith.constant 0 : i32
      %scan3A_15 = arith.constant 84 : i32
      %scan3A_16 = arith.addi %scan3A_14, %scan3A_15 : i32
      %scan3A_17 = arith.constant 1 : i32
      scf.for %scan3A_25 = %scan3A_14 to %scan3A_16 step %scan3A_17  : i32 {
        %dma_start3A = arith.constant 0 : i32
        %dma_start3A_26 = tpu.memref_slice %arg7[%scan3A_25, %dma_start3A] : memref<84x128xi32, #tpu.memory_space<vmem>> -> memref<1x128xi32, #tpu.memory_space<vmem>>
        %dma_start3A_27 = tpu.memref_squeeze %dma_start3A_26 : memref<1x128xi32, #tpu.memory_space<vmem>> -> memref<128xi32, #tpu.memory_space<vmem>>
        %dma_start3A_28 = arith.constant 0 : i32
        %dma_start3A_29 = arith.constant 0 : i32
        %dma_start3A_30 = tpu.memref_slice %arg2[%add3A, %dma_start3A_28, %dma_start3A_29] : memref<6x10000x128xf32, #tpu.memory_space<hbm>> -> memref<1x10000x128xf32, #tpu.memory_space<hbm>>
        %dma_start3A_31 = tpu.memref_squeeze %dma_start3A_30 : memref<1x10000x128xf32, #tpu.memory_space<hbm>> -> memref<10000x128xf32, #tpu.memory_space<hbm>>
        %dma_start3A_32 = arith.constant 0 : i32
        %dma_start3A_33 = arith.constant 0 : i32
        %dma_start3A_34 = tpu.memref_slice %dma_start3A_31[%dma_start3A_32, %dma_start3A_33] : memref<10000x128xf32, #tpu.memory_space<hbm>> -> memref<10000x128xf32, #tpu.memory_space<hbm>>
        tpu.enqueue_indirect_dma source(%dma_start3A_34 : memref<10000x128xf32, #tpu.memory_space<hbm>>) target(%arg9 : memref<128x128xf32, #tpu.memory_space<vmem>>) offsets(%dma_start3A_27 : memref<128xi32, #tpu.memory_space<vmem>>) semaphore(%arg12 : memref<!tpu.dma_semaphore, #tpu.memory_space<semaphore_mem>>)
        %dma_wait3A = arith.constant 0 : i32
        %dma_wait3A_35 = tpu.memref_slice %arg7[%scan3A_25, %dma_wait3A] : memref<84x128xi32, #tpu.memory_space<vmem>> -> memref<1x128xi32, #tpu.memory_space<vmem>>
        %dma_wait3A_36 = tpu.memref_squeeze %dma_wait3A_35 : memref<1x128xi32, #tpu.memory_space<vmem>> -> memref<128xi32, #tpu.memory_space<vmem>>
        %dma_wait3A_37 = arith.constant 0 : i32
        %dma_wait3A_38 = arith.constant 0 : i32
        %dma_wait3A_39 = tpu.memref_slice %arg2[%add3A, %dma_wait3A_37, %dma_wait3A_38] : memref<6x10000x128xf32, #tpu.memory_space<hbm>> -> memref<1x10000x128xf32, #tpu.memory_space<hbm>>
        %dma_wait3A_40 = tpu.memref_squeeze %dma_wait3A_39 : memref<1x10000x128xf32, #tpu.memory_space<hbm>> -> memref<10000x128xf32, #tpu.memory_space<hbm>>
        %dma_wait3A_41 = arith.constant 0 : i32
        %dma_wait3A_42 = arith.constant 0 : i32
        %dma_wait3A_43 = tpu.memref_slice %dma_wait3A_40[%dma_wait3A_41, %dma_wait3A_42] : memref<10000x128xf32, #tpu.memory_space<hbm>> -> memref<10000x128xf32, #tpu.memory_space<hbm>>
        tpu.wait_indirect_dma semaphore(%arg12 : memref<!tpu.dma_semaphore, #tpu.memory_space<semaphore_mem>>) src(%dma_wait3A_43 : memref<10000x128xf32, #tpu.memory_space<hbm>>) dst(%arg9 : memref<128x128xf32, #tpu.memory_space<vmem>>)
        "tpu.region"() ({
          %run_scoped3A = tpu.sem_alloc : memref<!tpu.dma_semaphore, #tpu.memory_space<semaphore_mem>>
          %dma_start3A_44 = arith.constant 0 : i32
          %dma_start3A_45 = tpu.memref_slice %arg8[%scan3A_25, %dma_start3A_44] : memref<84x128xi32, #tpu.memory_space<vmem>> -> memref<1x128xi32, #tpu.memory_space<vmem>>
          %dma_start3A_46 = tpu.memref_squeeze %dma_start3A_45 : memref<1x128xi32, #tpu.memory_space<vmem>> -> memref<128xi32, #tpu.memory_space<vmem>>
          %dma_start3A_47 = arith.constant 0 : i32
          %dma_start3A_48 = arith.constant 0 : i32
          %dma_start3A_49 = tpu.memref_slice %arg11[%dma_start3A_47, %dma_start3A_48] : memref<10240x128xf32, #tpu.memory_space<vmem_shared>> -> memref<10240x128xf32, #tpu.memory_space<vmem_shared>>
          tpu.enqueue_indirect_dma source(%arg9 : memref<128x128xf32, #tpu.memory_space<vmem>>) target(%dma_start3A_49 : memref<10240x128xf32, #tpu.memory_space<vmem_shared>>) offsets(%dma_start3A_46 : memref<128xi32, #tpu.memory_space<vmem>>) semaphore(%run_scoped3A : memref<!tpu.dma_semaphore, #tpu.memory_space<semaphore_mem>>) {add = true}
          %dma_wait3A_50 = arith.constant 0 : i32
          %dma_wait3A_51 = tpu.memref_slice %arg8[%scan3A_25, %dma_wait3A_50] : memref<84x128xi32, #tpu.memory_space<vmem>> -> memref<1x128xi32, #tpu.memory_space<vmem>>
          %dma_wait3A_52 = tpu.memref_squeeze %dma_wait3A_51 : memref<1x128xi32, #tpu.memory_space<vmem>> -> memref<128xi32, #tpu.memory_space<vmem>>
          %dma_wait3A_53 = arith.constant 0 : i32
          %dma_wait3A_54 = arith.constant 0 : i32
          %dma_wait3A_55 = tpu.memref_slice %arg11[%dma_wait3A_53, %dma_wait3A_54] : memref<10240x128xf32, #tpu.memory_space<vmem_shared>> -> memref<10240x128xf32, #tpu.memory_space<vmem_shared>>
          tpu.wait_indirect_dma semaphore(%run_scoped3A : memref<!tpu.dma_semaphore, #tpu.memory_space<semaphore_mem>>) src(%arg9 : memref<128x128xf32, #tpu.memory_space<vmem>>) dst(%dma_wait3A_55 : memref<10240x128xf32, #tpu.memory_space<vmem_shared>>)
          tpu.yield
        }) : () -> ()
      }
      %scan3A_18 = arith.constant 84 : i32
      %barrier3A_19 = arith.constant 0 : index
      tpu.barrier barrier_id(%barrier3A_19)
      %mul3A_20 = arith.constant 640 : i32
      %mul3A_21 = arith.muli %arg1, %mul3A_20 : i32
      %mul3A_22 = arith.constant 640 : i32
      %mul3A_23 = arith.muli %arg1, %mul3A_22 : i32
      "tpu.region"() ({
        %run_scoped3A = tpu.sem_alloc : memref<!tpu.dma_semaphore, #tpu.memory_space<semaphore_mem>>
        %dma_start3A = arith.constant 0 : i32
        %dma_start3A_25 = arith.constant 0 : i32
        %dma_start3A_26 = tpu.memref_slice %arg6[%add3A, %dma_start3A, %dma_start3A_25] : memref<6x10240x128xf32, #tpu.memory_space<hbm>> -> memref<1x10240x128xf32, #tpu.memory_space<hbm>>
        %dma_start3A_27 = tpu.memref_squeeze %dma_start3A_26 : memref<1x10240x128xf32, #tpu.memory_space<hbm>> -> memref<10240x128xf32, #tpu.memory_space<hbm>>
        %dma_start3A_28 = arith.constant 0 : i32
        %dma_start3A_29 = tpu.memref_slice %dma_start3A_27[%mul3A_23, %dma_start3A_28] : memref<10240x128xf32, #tpu.memory_space<hbm>> -> memref<640x128xf32, #tpu.memory_space<hbm>>
        %dma_start3A_30 = arith.constant 0 : i32
        %dma_start3A_31 = tpu.memref_slice %arg11[%mul3A_21, %dma_start3A_30] : memref<10240x128xf32, #tpu.memory_space<vmem_shared>> -> memref<640x128xf32, #tpu.memory_space<vmem_shared>>
        tpu.enqueue_dma source(%dma_start3A_31 : memref<640x128xf32, #tpu.memory_space<vmem_shared>>) target(%dma_start3A_29 : memref<640x128xf32, #tpu.memory_space<hbm>>) target_semaphore(%run_scoped3A : memref<!tpu.dma_semaphore, #tpu.memory_space<semaphore_mem>>)
        %dma_wait3A = arith.constant 0 : i32
        %dma_wait3A_32 = arith.constant 0 : i32
        %dma_wait3A_33 = tpu.memref_slice %arg6[%add3A, %dma_wait3A, %dma_wait3A_32] : memref<6x10240x128xf32, #tpu.memory_space<hbm>> -> memref<1x10240x128xf32, #tpu.memory_space<hbm>>
        %dma_wait3A_34 = tpu.memref_squeeze %dma_wait3A_33 : memref<1x10240x128xf32, #tpu.memory_space<hbm>> -> memref<10240x128xf32, #tpu.memory_space<hbm>>
        %dma_wait3A_35 = arith.constant 0 : i32
        %dma_wait3A_36 = tpu.memref_slice %dma_wait3A_34[%mul3A_23, %dma_wait3A_35] : memref<10240x128xf32, #tpu.memory_space<hbm>> -> memref<640x128xf32, #tpu.memory_space<hbm>>
        %dma_wait3A_37 = arith.constant 0 : i32
        %dma_wait3A_38 = tpu.memref_slice %arg11[%mul3A_21, %dma_wait3A_37] : memref<10240x128xf32, #tpu.memory_space<vmem_shared>> -> memref<640x128xf32, #tpu.memory_space<vmem_shared>>
        tpu.wait_dma2 semaphore(%run_scoped3A : memref<!tpu.dma_semaphore, #tpu.memory_space<semaphore_mem>>) src(%dma_wait3A_38 : memref<640x128xf32, #tpu.memory_space<vmem_shared>>) dst(%dma_wait3A_36 : memref<640x128xf32, #tpu.memory_space<hbm>>)
        tpu.yield
      }) : () -> ()
      %barrier3A_24 = arith.constant 0 : index
      tpu.barrier barrier_id(%barrier3A_24)
    }
    %scan3A_4 = arith.constant 3 : i32
    return
  }
}

#map = affine_map<(d0, d1) -> (0, 0, 0)>
#map1 = affine_map<(d0, d1) -> (0, 0)>
module attributes {stable_mosaic.version = 14 : i64} {
  func.func @_scatter_body(%arg0: i32, %arg1: i32, %arg2: memref<6x10000x128xf32, #tpu.memory_space<hbm>>, %arg3: memref<16x84x128xi32, #tpu.memory_space<hbm>>, %arg4: memref<16x84x128xi32, #tpu.memory_space<hbm>>, %arg5: memref<64x128xf32, #tpu.memory_space<hbm>>, %arg6: memref<6x10240x128xf32, #tpu.memory_space<hbm>>, %arg7: memref<84x128xi32, #tpu.memory_space<vmem>>, %arg8: memref<84x128xi32, #tpu.memory_space<vmem>>, %arg9: memref<128x128xf32, #tpu.memory_space<vmem>>, %arg10: memref<64x128xf32, #tpu.memory_space<vmem>>, %arg11: memref<10240x128xf32, #tpu.memory_space<vmem_shared>>, %arg12: memref<!tpu.dma_semaphore, #tpu.memory_space<semaphore_mem>>) attributes {dimension_semantics = [#tpu.dimension_semantics<core_parallel>, #tpu.dimension_semantics<subcore_parallel>], iteration_bounds = array<i64: 2, 16>, scalar_prefetch = 0 : i64, scratch_operands = 6 : i64, tpu.core_type = #tpu.core_type<sc_vector_subcore>, window_params = [{transform_indices = #map}, {transform_indices = #map}, {transform_indices = #map}, {transform_indices = #map1}, {transform_indices = #map}]} {
    "tpu.region"() ({
      %run_scoped3A = tpu.sem_alloc : memref<!tpu.dma_semaphore, #tpu.memory_space<semaphore_mem>>
      %dma_start3A = arith.constant 0 : i32
      %dma_start3A_5 = arith.constant 0 : i32
      %dma_start3A_6 = tpu.memref_slice %arg3[%arg1, %dma_start3A, %dma_start3A_5] : memref<16x84x128xi32, #tpu.memory_space<hbm>> -> memref<1x84x128xi32, #tpu.memory_space<hbm>>
      %dma_start3A_7 = tpu.memref_squeeze %dma_start3A_6 : memref<1x84x128xi32, #tpu.memory_space<hbm>> -> memref<84x128xi32, #tpu.memory_space<hbm>>
      %dma_start3A_8 = arith.constant 0 : i32
      %dma_start3A_9 = arith.constant 0 : i32
      %dma_start3A_10 = tpu.memref_slice %arg3[%arg1, %dma_start3A_8, %dma_start3A_9] : memref<16x84x128xi32, #tpu.memory_space<hbm>> -> memref<1x84x128xi32, #tpu.memory_space<hbm>>
      %dma_start3A_11 = tpu.memref_squeeze %dma_start3A_10 : memref<1x84x128xi32, #tpu.memory_space<hbm>> -> memref<84x128xi32, #tpu.memory_space<hbm>>
      tpu.enqueue_dma source(%dma_start3A_11 : memref<84x128xi32, #tpu.memory_space<hbm>>) target(%arg7 : memref<84x128xi32, #tpu.memory_space<vmem>>) target_semaphore(%run_scoped3A : memref<!tpu.dma_semaphore, #tpu.memory_space<semaphore_mem>>)
      %dma_wait3A = arith.constant 0 : i32
      %dma_wait3A_12 = arith.constant 0 : i32
      %dma_wait3A_13 = tpu.memref_slice %arg3[%arg1, %dma_wait3A, %dma_wait3A_12] : memref<16x84x128xi32, #tpu.memory_space<hbm>> -> memref<1x84x128xi32, #tpu.memory_space<hbm>>
      %dma_wait3A_14 = tpu.memref_squeeze %dma_wait3A_13 : memref<1x84x128xi32, #tpu.memory_space<hbm>> -> memref<84x128xi32, #tpu.memory_space<hbm>>
      %dma_wait3A_15 = arith.constant 0 : i32
      %dma_wait3A_16 = arith.constant 0 : i32
      %dma_wait3A_17 = tpu.memref_slice %arg3[%arg1, %dma_wait3A_15, %dma_wait3A_16] : memref<16x84x128xi32, #tpu.memory_space<hbm>> -> memref<1x84x128xi32, #tpu.memory_space<hbm>>
      %dma_wait3A_18 = tpu.memref_squeeze %dma_wait3A_17 : memref<1x84x128xi32, #tpu.memory_space<hbm>> -> memref<84x128xi32, #tpu.memory_space<hbm>>
      tpu.wait_dma2 semaphore(%run_scoped3A : memref<!tpu.dma_semaphore, #tpu.memory_space<semaphore_mem>>) src(%dma_wait3A_18 : memref<84x128xi32, #tpu.memory_space<hbm>>) dst(%arg7 : memref<84x128xi32, #tpu.memory_space<vmem>>)
      tpu.yield
    }) : () -> ()
    "tpu.region"() ({
      %run_scoped3A = tpu.sem_alloc : memref<!tpu.dma_semaphore, #tpu.memory_space<semaphore_mem>>
      %dma_start3A = arith.constant 0 : i32
      %dma_start3A_5 = arith.constant 0 : i32
      %dma_start3A_6 = tpu.memref_slice %arg4[%arg1, %dma_start3A, %dma_start3A_5] : memref<16x84x128xi32, #tpu.memory_space<hbm>> -> memref<1x84x128xi32, #tpu.memory_space<hbm>>
      %dma_start3A_7 = tpu.memref_squeeze %dma_start3A_6 : memref<1x84x128xi32, #tpu.memory_space<hbm>> -> memref<84x128xi32, #tpu.memory_space<hbm>>
      %dma_start3A_8 = arith.constant 0 : i32
      %dma_start3A_9 = arith.constant 0 : i32
      %dma_start3A_10 = tpu.memref_slice %arg4[%arg1, %dma_start3A_8, %dma_start3A_9] : memref<16x84x128xi32, #tpu.memory_space<hbm>> -> memref<1x84x128xi32, #tpu.memory_space<hbm>>
      %dma_start3A_11 = tpu.memref_squeeze %dma_start3A_10 : memref<1x84x128xi32, #tpu.memory_space<hbm>> -> memref<84x128xi32, #tpu.memory_space<hbm>>
      tpu.enqueue_dma source(%dma_start3A_11 : memref<84x128xi32, #tpu.memory_space<hbm>>) target(%arg8 : memref<84x128xi32, #tpu.memory_space<vmem>>) target_semaphore(%run_scoped3A : memref<!tpu.dma_semaphore, #tpu.memory_space<semaphore_mem>>)
      %dma_wait3A = arith.constant 0 : i32
      %dma_wait3A_12 = arith.constant 0 : i32
      %dma_wait3A_13 = tpu.memref_slice %arg4[%arg1, %dma_wait3A, %dma_wait3A_12] : memref<16x84x128xi32, #tpu.memory_space<hbm>> -> memref<1x84x128xi32, #tpu.memory_space<hbm>>
      %dma_wait3A_14 = tpu.memref_squeeze %dma_wait3A_13 : memref<1x84x128xi32, #tpu.memory_space<hbm>> -> memref<84x128xi32, #tpu.memory_space<hbm>>
      %dma_wait3A_15 = arith.constant 0 : i32
      %dma_wait3A_16 = arith.constant 0 : i32
      %dma_wait3A_17 = tpu.memref_slice %arg4[%arg1, %dma_wait3A_15, %dma_wait3A_16] : memref<16x84x128xi32, #tpu.memory_space<hbm>> -> memref<1x84x128xi32, #tpu.memory_space<hbm>>
      %dma_wait3A_18 = tpu.memref_squeeze %dma_wait3A_17 : memref<1x84x128xi32, #tpu.memory_space<hbm>> -> memref<84x128xi32, #tpu.memory_space<hbm>>
      tpu.wait_dma2 semaphore(%run_scoped3A : memref<!tpu.dma_semaphore, #tpu.memory_space<semaphore_mem>>) src(%dma_wait3A_18 : memref<84x128xi32, #tpu.memory_space<hbm>>) dst(%arg8 : memref<84x128xi32, #tpu.memory_space<vmem>>)
      tpu.yield
    }) : () -> ()
    "tpu.region"() ({
      %run_scoped3A = tpu.sem_alloc : memref<!tpu.dma_semaphore, #tpu.memory_space<semaphore_mem>>
      tpu.enqueue_dma source(%arg5 : memref<64x128xf32, #tpu.memory_space<hbm>>) target(%arg10 : memref<64x128xf32, #tpu.memory_space<vmem>>) target_semaphore(%run_scoped3A : memref<!tpu.dma_semaphore, #tpu.memory_space<semaphore_mem>>)
      tpu.wait_dma2 semaphore(%run_scoped3A : memref<!tpu.dma_semaphore, #tpu.memory_space<semaphore_mem>>) src(%arg5 : memref<64x128xf32, #tpu.memory_space<hbm>>) dst(%arg10 : memref<64x128xf32, #tpu.memory_space<vmem>>)
      tpu.yield
    }) : () -> ()
    %scan3A = arith.constant 0 : i32
    %scan3A_0 = arith.constant 0 : i32
    %scan3A_1 = arith.constant 3 : i32
    %scan3A_2 = arith.addi %scan3A_0, %scan3A_1 : i32
    %scan3A_3 = arith.constant 1 : i32
    scf.for %scan3A_5 = %scan3A_0 to %scan3A_2 step %scan3A_3  : i32 {
      %mul3A = arith.constant 3 : i32
      %mul3A_6 = arith.muli %arg0, %mul3A : i32
      %add3A = arith.addi %mul3A_6, %scan3A_5 : i32
      %scan3A_7 = arith.constant 0 : i32
      %scan3A_8 = arith.constant 0 : i32
      %scan3A_9 = arith.constant 10 : i32
      %scan3A_10 = arith.addi %scan3A_8, %scan3A_9 : i32
      %scan3A_11 = arith.constant 1 : i32
      scf.for %scan3A_25 = %scan3A_8 to %scan3A_10 step %scan3A_11  : i32 {
        %mul3A_26 = arith.constant 640 : i32
        %mul3A_27 = arith.muli %arg1, %mul3A_26 : i32
        %mul3A_28 = arith.constant 64 : i32
        %mul3A_29 = arith.muli %scan3A_25, %mul3A_28 : i32
        %add3A_30 = arith.addi %mul3A_27, %mul3A_29 : i32
        "tpu.region"() ({
          %run_scoped3A = tpu.sem_alloc : memref<!tpu.dma_semaphore, #tpu.memory_space<semaphore_mem>>
          %dma_start3A = arith.constant 0 : i32
          %dma_start3A_31 = tpu.memref_slice %arg11[%add3A_30, %dma_start3A] : memref<10240x128xf32, #tpu.memory_space<vmem_shared>> -> memref<64x128xf32, #tpu.memory_space<vmem_shared>>
          %dma_start3A_32 = arith.constant 0 : i32
          %dma_start3A_33 = tpu.memref_slice %arg11[%add3A_30, %dma_start3A_32] : memref<10240x128xf32, #tpu.memory_space<vmem_shared>> -> memref<64x128xf32, #tpu.memory_space<vmem_shared>>
          tpu.enqueue_dma source(%arg10 : memref<64x128xf32, #tpu.memory_space<vmem>>) target(%dma_start3A_33 : memref<64x128xf32, #tpu.memory_space<vmem_shared>>) target_semaphore(%run_scoped3A : memref<!tpu.dma_semaphore, #tpu.memory_space<semaphore_mem>>)
          %dma_wait3A = arith.constant 0 : i32
          %dma_wait3A_34 = tpu.memref_slice %arg11[%add3A_30, %dma_wait3A] : memref<10240x128xf32, #tpu.memory_space<vmem_shared>> -> memref<64x128xf32, #tpu.memory_space<vmem_shared>>
          %dma_wait3A_35 = arith.constant 0 : i32
          %dma_wait3A_36 = tpu.memref_slice %arg11[%add3A_30, %dma_wait3A_35] : memref<10240x128xf32, #tpu.memory_space<vmem_shared>> -> memref<64x128xf32, #tpu.memory_space<vmem_shared>>
          tpu.wait_dma2 semaphore(%run_scoped3A : memref<!tpu.dma_semaphore, #tpu.memory_space<semaphore_mem>>) src(%arg10 : memref<64x128xf32, #tpu.memory_space<vmem>>) dst(%dma_wait3A_36 : memref<64x128xf32, #tpu.memory_space<vmem_shared>>)
          tpu.yield
        }) : () -> ()
      }
      %scan3A_12 = arith.constant 10 : i32
      %barrier3A = arith.constant 0 : index
      tpu.barrier barrier_id(%barrier3A)
      %scan3A_13 = arith.constant 0 : i32
      %scan3A_14 = arith.constant 0 : i32
      %scan3A_15 = arith.constant 84 : i32
      %scan3A_16 = arith.addi %scan3A_14, %scan3A_15 : i32
      %scan3A_17 = arith.constant 1 : i32
      scf.for %scan3A_25 = %scan3A_14 to %scan3A_16 step %scan3A_17  : i32 {
        %dma_start3A = arith.constant 0 : i32
        %dma_start3A_26 = tpu.memref_slice %arg7[%scan3A_25, %dma_start3A] : memref<84x128xi32, #tpu.memory_space<vmem>> -> memref<1x128xi32, #tpu.memory_space<vmem>>
        %dma_start3A_27 = tpu.memref_squeeze %dma_start3A_26 : memref<1x128xi32, #tpu.memory_space<vmem>> -> memref<128xi32, #tpu.memory_space<vmem>>
        %dma_start3A_28 = arith.constant 0 : i32
        %dma_start3A_29 = arith.constant 0 : i32
        %dma_start3A_30 = tpu.memref_slice %arg2[%add3A, %dma_start3A_28, %dma_start3A_29] : memref<6x10000x128xf32, #tpu.memory_space<hbm>> -> memref<1x10000x128xf32, #tpu.memory_space<hbm>>
        %dma_start3A_31 = tpu.memref_squeeze %dma_start3A_30 : memref<1x10000x128xf32, #tpu.memory_space<hbm>> -> memref<10000x128xf32, #tpu.memory_space<hbm>>
        %dma_start3A_32 = arith.constant 0 : i32
        %dma_start3A_33 = arith.constant 0 : i32
        %dma_start3A_34 = tpu.memref_slice %dma_start3A_31[%dma_start3A_32, %dma_start3A_33] : memref<10000x128xf32, #tpu.memory_space<hbm>> -> memref<10000x128xf32, #tpu.memory_space<hbm>>
        tpu.enqueue_indirect_dma source(%dma_start3A_34 : memref<10000x128xf32, #tpu.memory_space<hbm>>) target(%arg9 : memref<128x128xf32, #tpu.memory_space<vmem>>) offsets(%dma_start3A_27 : memref<128xi32, #tpu.memory_space<vmem>>) semaphore(%arg12 : memref<!tpu.dma_semaphore, #tpu.memory_space<semaphore_mem>>)
        %dma_wait3A = arith.constant 0 : i32
        %dma_wait3A_35 = tpu.memref_slice %arg7[%scan3A_25, %dma_wait3A] : memref<84x128xi32, #tpu.memory_space<vmem>> -> memref<1x128xi32, #tpu.memory_space<vmem>>
        %dma_wait3A_36 = tpu.memref_squeeze %dma_wait3A_35 : memref<1x128xi32, #tpu.memory_space<vmem>> -> memref<128xi32, #tpu.memory_space<vmem>>
        %dma_wait3A_37 = arith.constant 0 : i32
        %dma_wait3A_38 = arith.constant 0 : i32
        %dma_wait3A_39 = tpu.memref_slice %arg2[%add3A, %dma_wait3A_37, %dma_wait3A_38] : memref<6x10000x128xf32, #tpu.memory_space<hbm>> -> memref<1x10000x128xf32, #tpu.memory_space<hbm>>
        %dma_wait3A_40 = tpu.memref_squeeze %dma_wait3A_39 : memref<1x10000x128xf32, #tpu.memory_space<hbm>> -> memref<10000x128xf32, #tpu.memory_space<hbm>>
        %dma_wait3A_41 = arith.constant 0 : i32
        %dma_wait3A_42 = arith.constant 0 : i32
        %dma_wait3A_43 = tpu.memref_slice %dma_wait3A_40[%dma_wait3A_41, %dma_wait3A_42] : memref<10000x128xf32, #tpu.memory_space<hbm>> -> memref<10000x128xf32, #tpu.memory_space<hbm>>
        tpu.wait_indirect_dma semaphore(%arg12 : memref<!tpu.dma_semaphore, #tpu.memory_space<semaphore_mem>>) src(%dma_wait3A_43 : memref<10000x128xf32, #tpu.memory_space<hbm>>) dst(%arg9 : memref<128x128xf32, #tpu.memory_space<vmem>>)
        "tpu.region"() ({
          %run_scoped3A = tpu.sem_alloc : memref<!tpu.dma_semaphore, #tpu.memory_space<semaphore_mem>>
          %dma_start3A_44 = arith.constant 0 : i32
          %dma_start3A_45 = tpu.memref_slice %arg8[%scan3A_25, %dma_start3A_44] : memref<84x128xi32, #tpu.memory_space<vmem>> -> memref<1x128xi32, #tpu.memory_space<vmem>>
          %dma_start3A_46 = tpu.memref_squeeze %dma_start3A_45 : memref<1x128xi32, #tpu.memory_space<vmem>> -> memref<128xi32, #tpu.memory_space<vmem>>
          %dma_start3A_47 = arith.constant 0 : i32
          %dma_start3A_48 = arith.constant 0 : i32
          %dma_start3A_49 = tpu.memref_slice %arg11[%dma_start3A_47, %dma_start3A_48] : memref<10240x128xf32, #tpu.memory_space<vmem_shared>> -> memref<10240x128xf32, #tpu.memory_space<vmem_shared>>
          tpu.enqueue_indirect_dma source(%arg9 : memref<128x128xf32, #tpu.memory_space<vmem>>) target(%dma_start3A_49 : memref<10240x128xf32, #tpu.memory_space<vmem_shared>>) offsets(%dma_start3A_46 : memref<128xi32, #tpu.memory_space<vmem>>) semaphore(%run_scoped3A : memref<!tpu.dma_semaphore, #tpu.memory_space<semaphore_mem>>) {add = true}
          %dma_wait3A_50 = arith.constant 0 : i32
          %dma_wait3A_51 = tpu.memref_slice %arg8[%scan3A_25, %dma_wait3A_50] : memref<84x128xi32, #tpu.memory_space<vmem>> -> memref<1x128xi32, #tpu.memory_space<vmem>>
          %dma_wait3A_52 = tpu.memref_squeeze %dma_wait3A_51 : memref<1x128xi32, #tpu.memory_space<vmem>> -> memref<128xi32, #tpu.memory_space<vmem>>
          %dma_wait3A_53 = arith.constant 0 : i32
          %dma_wait3A_54 = arith.constant 0 : i32
          %dma_wait3A_55 = tpu.memref_slice %arg11[%dma_wait3A_53, %dma_wait3A_54] : memref<10240x128xf32, #tpu.memory_space<vmem_shared>> -> memref<10240x128xf32, #tpu.memory_space<vmem_shared>>
          tpu.wait_indirect_dma semaphore(%run_scoped3A : memref<!tpu.dma_semaphore, #tpu.memory_space<semaphore_mem>>) src(%arg9 : memref<128x128xf32, #tpu.memory_space<vmem>>) dst(%dma_wait3A_55 : memref<10240x128xf32, #tpu.memory_space<vmem_shared>>)
          tpu.yield
        }) : () -> ()
      }
      %scan3A_18 = arith.constant 84 : i32
      %barrier3A_19 = arith.constant 0 : index
      tpu.barrier barrier_id(%barrier3A_19)
      %mul3A_20 = arith.constant 640 : i32
      %mul3A_21 = arith.muli %arg1, %mul3A_20 : i32
      %mul3A_22 = arith.constant 640 : i32
      %mul3A_23 = arith.muli %arg1, %mul3A_22 : i32
      "tpu.region"() ({
        %run_scoped3A = tpu.sem_alloc : memref<!tpu.dma_semaphore, #tpu.memory_space<semaphore_mem>>
        %dma_start3A = arith.constant 0 : i32
        %dma_start3A_25 = arith.constant 0 : i32
        %dma_start3A_26 = tpu.memref_slice %arg6[%add3A, %dma_start3A, %dma_start3A_25] : memref<6x10240x128xf32, #tpu.memory_space<hbm>> -> memref<1x10240x128xf32, #tpu.memory_space<hbm>>
        %dma_start3A_27 = tpu.memref_squeeze %dma_start3A_26 : memref<1x10240x128xf32, #tpu.memory_space<hbm>> -> memref<10240x128xf32, #tpu.memory_space<hbm>>
        %dma_start3A_28 = arith.constant 0 : i32
        %dma_start3A_29 = tpu.memref_slice %dma_start3A_27[%mul3A_23, %dma_start3A_28] : memref<10240x128xf32, #tpu.memory_space<hbm>> -> memref<640x128xf32, #tpu.memory_space<hbm>>
        %dma_start3A_30 = arith.constant 0 : i32
        %dma_start3A_31 = tpu.memref_slice %arg11[%mul3A_21, %dma_start3A_30] : memref<10240x128xf32, #tpu.memory_space<vmem_shared>> -> memref<640x128xf32, #tpu.memory_space<vmem_shared>>
        tpu.enqueue_dma source(%dma_start3A_31 : memref<640x128xf32, #tpu.memory_space<vmem_shared>>) target(%dma_start3A_29 : memref<640x128xf32, #tpu.memory_space<hbm>>) target_semaphore(%run_scoped3A : memref<!tpu.dma_semaphore, #tpu.memory_space<semaphore_mem>>)
        %dma_wait3A = arith.constant 0 : i32
        %dma_wait3A_32 = arith.constant 0 : i32
        %dma_wait3A_33 = tpu.memref_slice %arg6[%add3A, %dma_wait3A, %dma_wait3A_32] : memref<6x10240x128xf32, #tpu.memory_space<hbm>> -> memref<1x10240x128xf32, #tpu.memory_space<hbm>>
        %dma_wait3A_34 = tpu.memref_squeeze %dma_wait3A_33 : memref<1x10240x128xf32, #tpu.memory_space<hbm>> -> memref<10240x128xf32, #tpu.memory_space<hbm>>
        %dma_wait3A_35 = arith.constant 0 : i32
        %dma_wait3A_36 = tpu.memref_slice %dma_wait3A_34[%mul3A_23, %dma_wait3A_35] : memref<10240x128xf32, #tpu.memory_space<hbm>> -> memref<640x128xf32, #tpu.memory_space<hbm>>
        %dma_wait3A_37 = arith.constant 0 : i32
        %dma_wait3A_38 = tpu.memref_slice %arg11[%mul3A_21, %dma_wait3A_37] : memref<10240x128xf32, #tpu.memory_space<vmem_shared>> -> memref<640x128xf32, #tpu.memory_space<vmem_shared>>
        tpu.wait_dma2 semaphore(%run_scoped3A : memref<!tpu.dma_semaphore, #tpu.memory_space<semaphore_mem>>) src(%dma_wait3A_38 : memref<640x128xf32, #tpu.memory_space<vmem_shared>>) dst(%dma_wait3A_36 : memref<640x128xf32, #tpu.memory_space<hbm>>)
        tpu.yield
      }) : () -> ()
      %barrier3A_24 = arith.constant 0 : index
      tpu.barrier barrier_id(%barrier3A_24)
    }
    %scan3A_4 = arith.constant 3 : i32
    return
  }
}

module attributes {stable_mosaic.version = 14 : i64} {
  func.func @_proj_body(%arg0: i32, %arg1: i32, %arg2: memref<1x400x256xf32, #tpu.memory_space<vmem>>, %arg3: memref<128x32xf32, #tpu.memory_space<vmem>>, %arg4: memref<64x32xf32, #tpu.memory_space<vmem>>, %arg5: memref<128x32xf32, #tpu.memory_space<vmem>>, %arg6: memref<64x32xf32, #tpu.memory_space<vmem>>, %arg7: memref<400x1xf32, #tpu.memory_space<vmem>>, %arg8: memref<1x400x128xf32, #tpu.memory_space<vmem>>) attributes {dimension_semantics = [#tpu.dimension_semantics<arbitrary>, #tpu.dimension_semantics<arbitrary>], iteration_bounds = array<i64: 6, 25>, scalar_prefetch = 0 : i64, scratch_operands = 0 : i64, tpu.core_type = #tpu.core_type<tc>, window_params = [{transform_indices = @transform_0, window_bounds = array<i64: 1, 400, 256>}, {pipeline_mode = #tpu.pipeline_mode<synchronous>, transform_indices = @transform_1, window_bounds = array<i64: 128, 32>}, {pipeline_mode = #tpu.pipeline_mode<synchronous>, transform_indices = @transform_2, window_bounds = array<i64: 64, 32>}, {pipeline_mode = #tpu.pipeline_mode<synchronous>, transform_indices = @transform_3, window_bounds = array<i64: 128, 32>}, {pipeline_mode = #tpu.pipeline_mode<synchronous>, transform_indices = @transform_4, window_bounds = array<i64: 64, 32>}, {transform_indices = @transform_5, window_bounds = array<i64: 400, 1>}, {transform_indices = @transform_6, window_bounds = array<i64: 1, 400, 128>}]} {
    %get3A = arith.constant 0 : index
    %get3A_0 = arith.constant 0 : index
    %get3A_1 = vector.load %arg3[%get3A, %get3A_0] : memref<128x32xf32, #tpu.memory_space<vmem>>, vector<128x32xf32>
    %get3A_2 = arith.constant 0 : index
    %get3A_3 = arith.constant 0 : index
    %get3A_4 = vector.load %arg4[%get3A_2, %get3A_3] : memref<64x32xf32, #tpu.memory_space<vmem>>, vector<32x32xf32>
    %dot_general3A = arith.constant dense<0.000000e+00> : vector<128x32xf32>
    %dot_general3A_5 = tpu.matmul %get3A_1, %get3A_4, %dot_general3A {dimension_numbers = #tpu.dot_dimension_numbers<[1], [0], [0], [1], [0, 0, 1, 1], [], []>, transpose_lhs_hint = false} : vector<128x32xf32>, vector<32x32xf32>, vector<128x32xf32> -> vector<128x32xf32>
    %get3A_6 = arith.constant 0 : index
    %get3A_7 = arith.constant 0 : index
    %get3A_8 = vector.load %arg5[%get3A_6, %get3A_7] : memref<128x32xf32, #tpu.memory_space<vmem>>, vector<128x32xf32>
    %get3A_9 = arith.constant 0 : index
    %get3A_10 = arith.constant 0 : index
    %get3A_11 = vector.load %arg6[%get3A_9, %get3A_10] : memref<64x32xf32, #tpu.memory_space<vmem>>, vector<32x32xf32>
    %dot_general3A_12 = arith.constant dense<0.000000e+00> : vector<128x32xf32>
    %dot_general3A_13 = tpu.matmul %get3A_8, %get3A_11, %dot_general3A_12 {dimension_numbers = #tpu.dot_dimension_numbers<[1], [0], [0], [1], [0, 0, 1, 1], [], []>, transpose_lhs_hint = false} : vector<128x32xf32>, vector<32x32xf32>, vector<128x32xf32> -> vector<128x32xf32>
    %concatenate3A = tpu.concatenate %dot_general3A_5, %dot_general3A_13 in 1 : vector<128x32xf32>, vector<128x32xf32> -> vector<128x64xf32>
    %get3A_14 = arith.constant 0 : index
    %get3A_15 = arith.constant 0 : index
    %get3A_16 = arith.constant 0 : index
    %get3A_17 = vector.load %arg2[%get3A_14, %get3A_15, %get3A_16] : memref<1x400x256xf32, #tpu.memory_space<vmem>>, vector<1x400x256xf32>
    %get3A_18 = vector.shape_cast %get3A_17 : vector<1x400x256xf32> to vector<400x256xf32>
    %slice3A = vector.extract_strided_slice %get3A_18 {offsets = [0, 0], sizes = [400, 128], strides = [1, 1]} : vector<400x256xf32> to vector<400x128xf32>
    %dot_general3A_19 = arith.constant dense<0.000000e+00> : vector<400x64xf32>
    %dot_general3A_20 = tpu.matmul %slice3A, %concatenate3A, %dot_general3A_19 {dimension_numbers = #tpu.dot_dimension_numbers<[1], [0], [0], [1], [0, 0, 1, 1], [], []>, transpose_lhs_hint = false} : vector<400x128xf32>, vector<128x64xf32>, vector<400x64xf32> -> vector<400x64xf32>
    %slice3A_21 = vector.extract_strided_slice %get3A_18 {offsets = [0, 128], sizes = [400, 128], strides = [1, 1]} : vector<400x256xf32> to vector<400x128xf32>
    %dot_general3A_22 = arith.constant dense<0.000000e+00> : vector<400x64xf32>
    %dot_general3A_23 = tpu.matmul %slice3A_21, %concatenate3A, %dot_general3A_22 {dimension_numbers = #tpu.dot_dimension_numbers<[1], [0], [0], [1], [0, 0, 1, 1], [], []>, transpose_lhs_hint = false} : vector<400x128xf32>, vector<128x64xf32>, vector<400x64xf32> -> vector<400x64xf32>
    %concatenate3A_24 = tpu.concatenate %dot_general3A_20, %dot_general3A_23 in 1 : vector<400x64xf32>, vector<400x64xf32> -> vector<400x128xf32>
    %get3A_25 = arith.constant 0 : index
    %get3A_26 = arith.constant 0 : index
    %get3A_27 = vector.load %arg7[%get3A_25, %get3A_26] : memref<400x1xf32, #tpu.memory_space<vmem>>, vector<400x1xf32>
    %rsqrt3A = math.rsqrt %get3A_27 : vector<400x1xf32>
    %mul3A = vector.broadcast %rsqrt3A : vector<400x1xf32> to vector<400x128xf32>
    %mul3A_28 = arith.mulf %concatenate3A_24, %mul3A : vector<400x128xf32>
    %swap3A = arith.constant 0 : index
    %swap3A_29 = arith.constant 0 : index
    %swap3A_30 = arith.constant 0 : index
    %swap3A_31 = vector.load %arg8[%swap3A, %swap3A_29, %swap3A_30] : memref<1x400x128xf32, #tpu.memory_space<vmem>>, vector<1x400x128xf32>
    %swap3A_32 = vector.shape_cast %swap3A_31 : vector<1x400x128xf32> to vector<400x128xf32>
    %swap3A_33 = vector.shape_cast %mul3A_28 : vector<400x128xf32> to vector<1x400x128xf32>
    tpu.vector_store %arg8[%swap3A, %swap3A_29, %swap3A_30], %swap3A_33 {strides = array<i32>} : memref<1x400x128xf32, #tpu.memory_space<vmem>>, vector<1x400x128xf32>,
    return
  }
  func.func @transform_0(%arg0: i32, %arg1: i32) -> (i32, i32, i32) {
    %c0_i32 = arith.constant 0 : i32
    %c0_i32_0 = arith.constant 0 : i32
    return %arg0, %arg1, %c0_i32 : i32, i32, i32
  }
  func.func @transform_1(%arg0: i32, %arg1: i32) -> (i32, i32) {
    %c0_i32 = arith.constant 0 : i32
    %c0_i32_0 = arith.constant 0 : i32
    %c0_i32_1 = arith.constant 0 : i32
    return %c0_i32, %c0_i32_0 : i32, i32
  }
  func.func @transform_2(%arg0: i32, %arg1: i32) -> (i32, i32) {
    %c0_i32 = arith.constant 0 : i32
    %c0_i32_0 = arith.constant 0 : i32
    %c0_i32_1 = arith.constant 0 : i32
    return %c0_i32, %c0_i32_0 : i32, i32
  }
  func.func @transform_3(%arg0: i32, %arg1: i32) -> (i32, i32) {
    %c0_i32 = arith.constant 0 : i32
    %c0_i32_0 = arith.constant 0 : i32
    %c0_i32_1 = arith.constant 0 : i32
    return %c0_i32, %c0_i32_0 : i32, i32
  }
  func.func @transform_4(%arg0: i32, %arg1: i32) -> (i32, i32) {
    %c0_i32 = arith.constant 0 : i32
    %c0_i32_0 = arith.constant 0 : i32
    %c0_i32_1 = arith.constant 0 : i32
    return %c0_i32, %c0_i32_0 : i32, i32
  }
  func.func @transform_5(%arg0: i32, %arg1: i32) -> (i32, i32) {
    %c0_i32 = arith.constant 0 : i32
    %c0_i32_0 = arith.constant 0 : i32
    return %arg1, %c0_i32 : i32, i32
  }
  func.func @transform_6(%arg0: i32, %arg1: i32) -> (i32, i32, i32) {
    %c0_i32 = arith.constant 0 : i32
    %c0_i32_0 = arith.constant 0 : i32
    return %arg0, %arg1, %c0_i32 : i32, i32, i32
  }
}

module attributes {stable_mosaic.version = 14 : i64} {
  func.func @_finish_body(%arg0: i32, %arg1: i32, %arg2: i32, %arg3: memref<1x400x128xf32, #tpu.memory_space<vmem>>, %arg4: memref<400x1xf32, #tpu.memory_space<vmem>>, %arg5: memref<1x12xf32, #tpu.memory_space<vmem>>, %arg6: memref<32x12xf32, #tpu.memory_space<vmem>>, %arg7: memref<400x512xf32, #tpu.memory_space<vmem>>, %arg8: memref<1x12x512xf32, #tpu.memory_space<vmem>>, %arg9: memref<400x32xf32, #tpu.memory_space<vmem>>) attributes {dimension_semantics = [#tpu.dimension_semantics<arbitrary>, #tpu.dimension_semantics<arbitrary>, #tpu.dimension_semantics<arbitrary>], iteration_bounds = array<i64: 1, 25, 6>, scalar_prefetch = 0 : i64, scratch_operands = 1 : i64, tpu.core_type = #tpu.core_type<tc>, window_params = [{transform_indices = @transform_0, window_bounds = array<i64: 1, 400, 128>}, {transform_indices = @transform_1, window_bounds = array<i64: 400, 1>}, {pipeline_mode = #tpu.pipeline_mode<synchronous>, transform_indices = @transform_2, window_bounds = array<i64: 1, 12>}, {pipeline_mode = #tpu.pipeline_mode<synchronous>, transform_indices = @transform_3, window_bounds = array<i64: 32, 12>}, {transform_indices = @transform_4, window_bounds = array<i64: 400, 512>}, {transform_indices = @transform_5, window_bounds = array<i64: 1, 12, 512>}]} {
    %get3A = arith.constant 0 : index
    %get3A_0 = arith.constant 0 : index
    %get3A_1 = vector.load %arg5[%get3A, %get3A_0] : memref<1x12xf32, #tpu.memory_space<vmem>>, vector<1x12xf32>
    %reduce_max3A = vector.shape_cast %get3A_1 : vector<1x12xf32> to vector<1x1x12xf32>
    %reduce_max3A_2 = arith.constant dense<0xFF800000> : vector<1xf32>
    %reduce_max3A_3 = vector.multi_reduction <maximumf>, %reduce_max3A, %reduce_max3A_2 [1, 2] : vector<1x1x12xf32> to vector<1xf32>
    %reduce_max3A_4 = vector.shape_cast %reduce_max3A_3 : vector<1xf32> to vector<1x1x1xf32>
    %reduce_max3A_5 = vector.extract %reduce_max3A_4[0, 0, 0] : f32 from vector<1x1x1xf32>
    %sub3A = vector.broadcast %reduce_max3A_5 : f32 to vector<1x12xf32>
    %sub3A_6 = arith.subf %get3A_1, %sub3A : vector<1x12xf32>
    %exp3A = math.exp %sub3A_6 : vector<1x12xf32>
    %reduce_sum3A = vector.shape_cast %exp3A : vector<1x12xf32> to vector<1x1x12xf32>
    %reduce_sum3A_7 = arith.constant dense<0.000000e+00> : vector<1xf32>
    %reduce_sum3A_8 = vector.multi_reduction <add>, %reduce_sum3A, %reduce_sum3A_7 [1, 2] : vector<1x1x12xf32> to vector<1xf32>
    %reduce_sum3A_9 = vector.shape_cast %reduce_sum3A_8 : vector<1xf32> to vector<1x1x1xf32>
    %reduce_sum3A_10 = vector.extract %reduce_sum3A_9[0, 0, 0] : f32 from vector<1x1x1xf32>
    %div3A = vector.broadcast %reduce_sum3A_10 : f32 to vector<1x12xf32>
    %div3A_11 = arith.divf %exp3A, %div3A : vector<1x12xf32>
    %iota3A = tpu.iota {dimensions = array<i32: 1>} : vector<1x12xi32>
    %mul3A = arith.constant 2 : i32
    %mul3A_12 = arith.muli %mul3A, %arg2 : i32
    %eq3A = vector.broadcast %mul3A_12 : i32 to vector<1x12xi32>
    %eq3A_13 = arith.cmpi eq, %iota3A, %eq3A : vector<1x12xi32>
    %jit3A = arith.constant 0.000000e+00 : f32
    %broadcast_in_dim3A = vector.broadcast %jit3A : f32 to vector<1x12xf32>
    %select_n3A = arith.select %eq3A_13, %div3A_11, %broadcast_in_dim3A : vector<1x12xi1>, vector<1x12xf32>
    %reduce_sum3A_14 = vector.shape_cast %select_n3A : vector<1x12xf32> to vector<1x1x12xf32>
    %reduce_sum3A_15 = arith.constant dense<0.000000e+00> : vector<1xf32>
    %reduce_sum3A_16 = vector.multi_reduction <add>, %reduce_sum3A_14, %reduce_sum3A_15 [1, 2] : vector<1x1x12xf32> to vector<1xf32>
    %reduce_sum3A_17 = vector.shape_cast %reduce_sum3A_16 : vector<1xf32> to vector<1x1x1xf32>
    %reduce_sum3A_18 = vector.extract %reduce_sum3A_17[0, 0, 0] : f32 from vector<1x1x1xf32>
    %mul3A_19 = arith.constant 2 : i32
    %mul3A_20 = arith.muli %mul3A_19, %arg2 : i32
    %add3A = arith.constant 1 : i32
    %add3A_21 = arith.addi %mul3A_20, %add3A : i32
    %eq3A_22 = vector.broadcast %add3A_21 : i32 to vector<1x12xi32>
    %eq3A_23 = arith.cmpi eq, %iota3A, %eq3A_22 : vector<1x12xi32>
    %jit3A_24 = arith.constant 0.000000e+00 : f32
    %broadcast_in_dim3A_25 = vector.broadcast %jit3A_24 : f32 to vector<1x12xf32>
    %select_n3A_26 = arith.select %eq3A_23, %div3A_11, %broadcast_in_dim3A_25 : vector<1x12xi1>, vector<1x12xf32>
    %reduce_sum3A_27 = vector.shape_cast %select_n3A_26 : vector<1x12xf32> to vector<1x1x12xf32>
    %reduce_sum3A_28 = arith.constant dense<0.000000e+00> : vector<1xf32>
    %reduce_sum3A_29 = vector.multi_reduction <add>, %reduce_sum3A_27, %reduce_sum3A_28 [1, 2] : vector<1x1x12xf32> to vector<1xf32>
    %reduce_sum3A_30 = vector.shape_cast %reduce_sum3A_29 : vector<1xf32> to vector<1x1x1xf32>
    %reduce_sum3A_31 = vector.extract %reduce_sum3A_30[0, 0, 0] : f32 from vector<1x1x1xf32>
    %get3A_32 = arith.constant 0 : index
    %get3A_33 = arith.constant 0 : index
    %get3A_34 = vector.load %arg4[%get3A_32, %get3A_33] : memref<400x1xf32, #tpu.memory_space<vmem>>, vector<400x1xf32>
    %rsqrt3A = math.rsqrt %get3A_34 : vector<400x1xf32>
    %get3A_35 = arith.constant 0 : index
    %get3A_36 = arith.constant 0 : index
    %get3A_37 = arith.constant 0 : index
    %get3A_38 = vector.load %arg3[%get3A_35, %get3A_36, %get3A_37] : memref<1x400x128xf32, #tpu.memory_space<vmem>>, vector<1x400x128xf32>
    %get3A_39 = vector.shape_cast %get3A_38 : vector<1x400x128xf32> to vector<400x128xf32>
    %slice3A = vector.extract_strided_slice %get3A_39 {offsets = [0, 0], sizes = [400, 32], strides = [1, 1]} : vector<400x128xf32> to vector<400x32xf32>
    %mul3A_40 = vector.broadcast %rsqrt3A : vector<400x1xf32> to vector<400x32xf32>
    %mul3A_41 = arith.mulf %slice3A, %mul3A_40 : vector<400x32xf32>
    %logistic3A = arith.negf %mul3A_41 : vector<400x32xf32>
    %logistic3A_42 = math.exp %logistic3A : vector<400x32xf32>
    %logistic3A_43 = arith.constant 1.000000e+00 : f32
    %logistic3A_44 = vector.broadcast %logistic3A_43 : f32 to vector<400x32xf32>
    %logistic3A_45 = arith.addf %logistic3A_44, %logistic3A_42 : vector<400x32xf32>
    %logistic3A_46 = arith.divf %logistic3A_44, %logistic3A_45 : vector<400x32xf32>
    %slice3A_47 = vector.extract_strided_slice %get3A_39 {offsets = [0, 32], sizes = [400, 32], strides = [1, 1]} : vector<400x128xf32> to vector<400x32xf32>
    %mul3A_48 = vector.broadcast %rsqrt3A : vector<400x1xf32> to vector<400x32xf32>
    %mul3A_49 = arith.mulf %slice3A_47, %mul3A_48 : vector<400x32xf32>
    %tanh3A = math.tanh %mul3A_49 : vector<400x32xf32>
    %slice3A_50 = vector.extract_strided_slice %get3A_39 {offsets = [0, 64], sizes = [400, 32], strides = [1, 1]} : vector<400x128xf32> to vector<400x32xf32>
    %mul3A_51 = vector.broadcast %rsqrt3A : vector<400x1xf32> to vector<400x32xf32>
    %mul3A_52 = arith.mulf %slice3A_50, %mul3A_51 : vector<400x32xf32>
    %logistic3A_53 = arith.negf %mul3A_52 : vector<400x32xf32>
    %logistic3A_54 = math.exp %logistic3A_53 : vector<400x32xf32>
    %logistic3A_55 = arith.constant 1.000000e+00 : f32
    %logistic3A_56 = vector.broadcast %logistic3A_55 : f32 to vector<400x32xf32>
    %logistic3A_57 = arith.addf %logistic3A_56, %logistic3A_54 : vector<400x32xf32>
    %logistic3A_58 = arith.divf %logistic3A_56, %logistic3A_57 : vector<400x32xf32>
    %slice3A_59 = vector.extract_strided_slice %get3A_39 {offsets = [0, 96], sizes = [400, 32], strides = [1, 1]} : vector<400x128xf32> to vector<400x32xf32>
    %mul3A_60 = vector.broadcast %rsqrt3A : vector<400x1xf32> to vector<400x32xf32>
    %mul3A_61 = arith.mulf %slice3A_59, %mul3A_60 : vector<400x32xf32>
    %tanh3A_62 = math.tanh %mul3A_61 : vector<400x32xf32>
    %sub3A_63 = arith.constant 1.000000e+00 : f32
    %sub3A_64 = vector.broadcast %sub3A_63 : f32 to vector<400x32xf32>
    %sub3A_65 = arith.subf %sub3A_64, %logistic3A_46 : vector<400x32xf32>
    %mul3A_66 = arith.mulf %sub3A_65, %tanh3A : vector<400x32xf32>
    %mul3A_67 = vector.broadcast %reduce_sum3A_18 : f32 to vector<400x32xf32>
    %mul3A_68 = arith.mulf %mul3A_66, %mul3A_67 : vector<400x32xf32>
    %sub3A_69 = arith.constant 1.000000e+00 : f32
    %sub3A_70 = vector.broadcast %sub3A_69 : f32 to vector<400x32xf32>
    %sub3A_71 = arith.subf %sub3A_70, %logistic3A_58 : vector<400x32xf32>
    %mul3A_72 = arith.mulf %sub3A_71, %tanh3A_62 : vector<400x32xf32>
    %mul3A_73 = vector.broadcast %reduce_sum3A_31 : f32 to vector<400x32xf32>
    %mul3A_74 = arith.mulf %mul3A_72, %mul3A_73 : vector<400x32xf32>
    %add3A_75 = arith.addf %mul3A_68, %mul3A_74 : vector<400x32xf32>
    %eq3A_76 = arith.constant 0 : i32
    %eq3A_77 = arith.cmpi eq, %arg2, %eq3A_76 : i32
    %convert_element_type3A = arith.extui %eq3A_77 : i1 to i32
    %cond3A = arith.constant 0 : i32
    %cond3A_78 = arith.cmpi ne, %convert_element_type3A, %cond3A : i32
    scf.if %cond3A_78 {
      %swap3A = arith.constant 0 : index
      %swap3A_88 = arith.constant 0 : index
      %swap3A_89 = vector.load %arg9[%swap3A, %swap3A_88] : memref<400x32xf32, #tpu.memory_space<vmem>>, vector<400x32xf32>
      tpu.vector_store %arg9[%swap3A, %swap3A_88], %add3A_75 {strides = array<i32>} : memref<400x32xf32, #tpu.memory_space<vmem>>, vector<400x32xf32>,
    } else {
    }
    %gt3A = arith.constant 0 : i32
    %gt3A_79 = arith.cmpi sgt, %arg2, %gt3A : i32
    %convert_element_type3A_80 = arith.extui %gt3A_79 : i1 to i32
    %cond3A_81 = arith.constant 0 : i32
    %cond3A_82 = arith.cmpi ne, %convert_element_type3A_80, %cond3A_81 : i32
    scf.if %cond3A_82 {
      %get3A_88 = arith.constant 0 : index
      %get3A_89 = arith.constant 0 : index
      %get3A_90 = vector.load %arg9[%get3A_88, %get3A_89] : memref<400x32xf32, #tpu.memory_space<vmem>>, vector<400x32xf32>
      %add3A_91 = arith.addf %get3A_90, %add3A_75 : vector<400x32xf32>
      %swap3A = arith.constant 0 : index
      %swap3A_92 = arith.constant 0 : index
      %swap3A_93 = vector.load %arg9[%swap3A, %swap3A_92] : memref<400x32xf32, #tpu.memory_space<vmem>>, vector<400x32xf32>
      tpu.vector_store %arg9[%swap3A, %swap3A_92], %add3A_91 {strides = array<i32>} : memref<400x32xf32, #tpu.memory_space<vmem>>, vector<400x32xf32>,
    } else {
    }
    %eq3A_83 = arith.constant 5 : i32
    %eq3A_84 = arith.cmpi eq, %arg2, %eq3A_83 : i32
    %convert_element_type3A_85 = arith.extui %eq3A_84 : i1 to i32
    %cond3A_86 = arith.constant 0 : i32
    %cond3A_87 = arith.cmpi ne, %convert_element_type3A_85, %cond3A_86 : i32
    scf.if %cond3A_87 {
      %get3A_88 = arith.constant 0 : index
      %get3A_89 = arith.constant 0 : index
      %get3A_90 = vector.load %arg9[%get3A_88, %get3A_89] : memref<400x32xf32, #tpu.memory_space<vmem>>, vector<400x32xf32>
      %max3A = arith.constant 0.000000e+00 : f32
      %max3A_91 = vector.broadcast %max3A : f32 to vector<400x32xf32>
      %max3A_92 = arith.maximumf %get3A_90, %max3A_91 : vector<400x32xf32>
      %get3A_93 = arith.constant 0 : index
      %get3A_94 = arith.constant 0 : index
      %get3A_95 = vector.load %arg6[%get3A_93, %get3A_94] : memref<32x12xf32, #tpu.memory_space<vmem>>, vector<32x12xf32>
      %dot_general3A = arith.constant dense<0.000000e+00> : vector<400x12xf32>
      %dot_general3A_96 = tpu.matmul %max3A_92, %get3A_95, %dot_general3A {dimension_numbers = #tpu.dot_dimension_numbers<[1], [0], [0], [1], [0, 0, 1, 1], [], []>, transpose_lhs_hint = false} : vector<400x32xf32>, vector<32x12xf32>, vector<400x12xf32> -> vector<400x12xf32>
      %get3A_97 = arith.constant 0 : index
      %get3A_98 = arith.constant 0 : index
      %get3A_99 = vector.load %arg7[%get3A_97, %get3A_98] : memref<400x512xf32, #tpu.memory_space<vmem>>, vector<400x512xf32>
      %dot_general3A_100 = arith.constant dense<0.000000e+00> : vector<12x512xf32>
      %dot_general3A_101 = tpu.matmul %dot_general3A_96, %get3A_99, %dot_general3A_100 {dimension_numbers = #tpu.dot_dimension_numbers<[0], [0], [1], [1], [0, 1, 1, 1], [], []>, transpose_lhs_hint = false} : vector<400x12xf32>, vector<400x512xf32>, vector<12x512xf32> -> vector<12x512xf32>
      %eq3A_102 = arith.constant 0 : i32
      %eq3A_103 = arith.cmpi eq, %arg1, %eq3A_102 : i32
      %convert_element_type3A_104 = arith.extui %eq3A_103 : i1 to i32
      %cond3A_105 = arith.constant 0 : i32
      %cond3A_106 = arith.cmpi ne, %convert_element_type3A_104, %cond3A_105 : i32
      scf.if %cond3A_106 {
        %swap3A = arith.constant 0 : index
        %swap3A_112 = arith.constant 0 : index
        %swap3A_113 = arith.constant 0 : index
        %swap3A_114 = vector.load %arg8[%swap3A, %swap3A_112, %swap3A_113] : memref<1x12x512xf32, #tpu.memory_space<vmem>>, vector<1x12x512xf32>
        %swap3A_115 = vector.shape_cast %swap3A_114 : vector<1x12x512xf32> to vector<12x512xf32>
        %swap3A_116 = vector.shape_cast %dot_general3A_101 : vector<12x512xf32> to vector<1x12x512xf32>
        tpu.vector_store %arg8[%swap3A, %swap3A_112, %swap3A_113], %swap3A_116 {strides = array<i32>} : memref<1x12x512xf32, #tpu.memory_space<vmem>>, vector<1x12x512xf32>,
      } else {
      }
      %gt3A_107 = arith.constant 0 : i32
      %gt3A_108 = arith.cmpi sgt, %arg1, %gt3A_107 : i32
      %convert_element_type3A_109 = arith.extui %gt3A_108 : i1 to i32
      %cond3A_110 = arith.constant 0 : i32
      %cond3A_111 = arith.cmpi ne, %convert_element_type3A_109, %cond3A_110 : i32
      scf.if %cond3A_111 {
        %get3A_112 = arith.constant 0 : index
        %get3A_113 = arith.constant 0 : index
        %get3A_114 = arith.constant 0 : index
        %get3A_115 = vector.load %arg8[%get3A_112, %get3A_113, %get3A_114] : memref<1x12x512xf32, #tpu.memory_space<vmem>>, vector<1x12x512xf32>
        %get3A_116 = vector.shape_cast %get3A_115 : vector<1x12x512xf32> to vector<12x512xf32>
        %add3A_117 = arith.addf %get3A_116, %dot_general3A_101 : vector<12x512xf32>
        %swap3A = arith.constant 0 : index
        %swap3A_118 = arith.constant 0 : index
        %swap3A_119 = arith.constant 0 : index
        %swap3A_120 = vector.load %arg8[%swap3A, %swap3A_118, %swap3A_119] : memref<1x12x512xf32, #tpu.memory_space<vmem>>, vector<1x12x512xf32>
        %swap3A_121 = vector.shape_cast %swap3A_120 : vector<1x12x512xf32> to vector<12x512xf32>
        %swap3A_122 = vector.shape_cast %add3A_117 : vector<12x512xf32> to vector<1x12x512xf32>
        tpu.vector_store %arg8[%swap3A, %swap3A_118, %swap3A_119], %swap3A_122 {strides = array<i32>} : memref<1x12x512xf32, #tpu.memory_space<vmem>>, vector<1x12x512xf32>,
      } else {
      }
    } else {
    }
    return
  }
  func.func @transform_0(%arg0: i32, %arg1: i32, %arg2: i32) -> (i32, i32, i32) {
    %mul3A = arith.constant 6 : i32
    %mul3A_0 = arith.muli %arg0, %mul3A : i32
    %add3A = arith.addi %mul3A_0, %arg2 : i32
    %c0_i32 = arith.constant 0 : i32
    %c0_i32_1 = arith.constant 0 : i32
    return %add3A, %arg1, %c0_i32 : i32, i32, i32
  }
  func.func @transform_1(%arg0: i32, %arg1: i32, %arg2: i32) -> (i32, i32) {
    %c0_i32 = arith.constant 0 : i32
    %c0_i32_0 = arith.constant 0 : i32
    return %arg1, %c0_i32 : i32, i32
  }
  func.func @transform_2(%arg0: i32, %arg1: i32, %arg2: i32) -> (i32, i32) {
    %c0_i32 = arith.constant 0 : i32
    %c0_i32_0 = arith.constant 0 : i32
    %c0_i32_1 = arith.constant 0 : i32
    return %c0_i32, %c0_i32_0 : i32, i32
  }
  func.func @transform_3(%arg0: i32, %arg1: i32, %arg2: i32) -> (i32, i32) {
    %c0_i32 = arith.constant 0 : i32
    %c0_i32_0 = arith.constant 0 : i32
    %c0_i32_1 = arith.constant 0 : i32
    return %c0_i32, %c0_i32_0 : i32, i32
  }
  func.func @transform_4(%arg0: i32, %arg1: i32, %arg2: i32) -> (i32, i32) {
    %c0_i32 = arith.constant 0 : i32
    %c0_i32_0 = arith.constant 0 : i32
    return %arg1, %c0_i32 : i32, i32
  }
  func.func @transform_5(%arg0: i32, %arg1: i32, %arg2: i32) -> (i32, i32, i32) {
    %c0_i32 = arith.constant 0 : i32
    %c0_i32_0 = arith.constant 0 : i32
    %c0_i32_1 = arith.constant 0 : i32
    return %arg0, %c0_i32, %c0_i32_0 : i32, i32, i32
  }
}

</mosaic_0001>

<sc_bundles>
// kernel: kernel.15.cloned.1.call-start
scs
__scs_entry_jumppad:
0x0: {  	(pc) =	sbr.rel $0x88, $3  }
0x1: {  	(tag) =	ssettag $0x0;
	lr =	simm.s32 $0x1  }
0x2: {  	[smem:$0x3F98] =	sst lr;
	_ =	strace $0xD0000000  }
0x3: {  	_ = 	snop  }
0x4: {  	_ = 	snop  }
0x5: {  	_ = 	snop  }
0x6: {  	_ = 	snop  }
0x7: {  	_ = 	snop  }
__scs_overlays_trampoline_lowered:
0x8: {  	[smem:$0x3FA7] =	sst s0  }
0x9: {  	[smem:$0x3FA8] =	sst s1  }
0xa: {  	[smem:$0x3FA9] =	sst s2  }
0xb: {  	[smem:$0x3FAA] =	sst s3  }
0xc: {  	[smem:$0x3FAB] =	sst s4  }
0xd: {  	[smem:$0x3FAC] =	sst s5  }
0xe: {  	[smem:$0x3FAD] =	sst s6  }
0xf: {  	[smem:$0x3FAE] =	sst s7  }
0x10: {  	[smem:$0x3FAF] =	sst s8  }
0x11: {  	[smem:$0x3FB0] =	sst s9;
	s0 =	simm.s32 @!p0 $0x0  }
0x12: {  	s1 =	sld [smem:$0x3F96];
	s0 =	simm.s32 @p0 $0x1  }
0x13: {  	[smem:$0x3FB1] =	sst s0;
	s0 =	simm.s32 @!p1 $0x0  }
0x14: {  	s2 =	sld [smem:$0x3F95];
	s0 =	simm.s32 @p1 $0x1  }
0x15: {  	[smem:$0x3FB2] =	sst s0;
	s0 =	simm.s32 @!p2 $0x0  }
0x16: {  	s3 =	sld [smem:$0x3FDB];
	s0 =	simm.s32 @p2 $0x1  }
0x17: {  	s4 =	simm.s32 $0x1BF5;
	[smem:$0x3FB4] =	sst s0  }
0x18: {  	s0 =	sld [smem:$0x3F97];
	_ =	swait.ge [sflag:s4], $0x0  }
0x19: {  	s7 =	sld [smem:$0x3F98]  }
0x1a: {  	s8 =	sadd.s32 $0xFFFFE003, lr  }
0x1b: {  	s9 =	sadd.s32 $0xFFFFFEF7, lr;
	s5 =	simm.s32 $0xFFFFFFFF;
	p2 =	slt.u32 s8, $0xFFFFF086  }
0x1c: {  	p1 =	slt.u32 s9, $0xF7A;
	s5 =	simm.s32 @!p2 $0x0  }
0x1d: {  	s5 =	simm.s32 @p1 $0x1;
	p0 =	seq.s32 s7, s2  }
0x1e: {  	s7 =	smul.u32 @!p0 $0xF7A, s2;
	p2 =	seq.s32 @!p0 s5, $0x0  }
0x1f: {  	s9 =	smul.u32 $0xF7A, s1;
	s8 =	simm.s32 @!p0 $0x1BF5;
	p2 =	por !p2, p0  }
0x20: {  	[sflag:s8] =	ssyncset.s32 @!p0 $0xFFFFF086;
	s6 =	sadd.s32 @!p0 s3, s7;
	s7 =	simm.s32 @!p0 $0x108  }
0x21: {  	s3 =	sadd.s32 s3, s9;
	s6 =	sadd.s32 @!p0 $0x88, s6;
	s7 =	simm.s32 @p2 $0x1082  }
0x22: {  	[simem:s7], [sflag:s8] =	dma.local @!p0 [hbm:s6], $0xF7A  }
0x23: {  	s9 =	sor.u32 $0xD0000000, s2;
	s6 =	simm.s32 $0x108;
	_ =	swait.ge @!p0 [sflag:s8], $0x0  }
0x24: {  	s3 =	sadd.s32 $0x88, s3;
	s6 =	simm.s32 @!p1 $0x1082;
	[sflag:s4] =	ssyncset.s32 $0xFFFFF086  }
0x25: {  	[simem:s6], [sflag:s4] =	dma.local [hbm:s3], $0xF7A  }
0x26: {  	[smem:$0x3F98] =	sst s1;
	(tag) =	ssettag s2;
	_ =	strace s9  }
0x27: {  	s1 =	sld [smem:$0x3FA8]  }
0x28: {  	s2 =	sld [smem:$0x3FA9]  }
0x29: {  	s4 =	sld [smem:$0x3FAB]  }
0x2a: {  	p0 =	seq.s32 s5, $0x0;
	s5 =	sld [smem:$0x3FAC]  }
0x2b: {  	s6 =	sld [smem:$0x3FAD]  }
0x2c: {  	s7 =	sld [smem:$0x3FAE]  }
0x2d: {  	s3 =	simm.s32 $0x108;
	s8 =	sld [smem:$0x3FAF]  }
0x2e: {  	s3 =	simm.s32 @!p0 $0x1082;
	s9 =	sld [smem:$0x3FB0]  }
0x2f: {  	lr =	sadd.s32 s0, s3;
	s0 =	sld [smem:$0x3FA7]  }
0x30: {  	s3 =	sld [smem:$0x3FAA]  }
0x31: {  	[smem:$0x3FB3] =	sst s10  }
0x32: {  	s10 =	sld [smem:$0x3FB1];
	_ =	sdelay $0x3  }
0x33: {  	p0 =	seq.s32 s10, $0x1;
	s10 =	sld [smem:$0x3FB3];
	_ =	sdelay $0x3  }
0x34: {  	[smem:$0x3FB3] =	sst s10  }
0x35: {  	s10 =	sld [smem:$0x3FB2];
	_ =	sdelay $0x3  }
0x36: {  	p1 =	seq.s32 s10, $0x1;
	s10 =	sld [smem:$0x3FB3];
	_ =	sdelay $0x3  }
0x37: {  	[smem:$0x3FB3] =	sst s10  }
0x38: {  	s10 =	sld [smem:$0x3FB4]  }
0x39: {  	_ = 	snop;
	(pc) =	sbr.ind lr, $3  }
0x3a: {  	_ = 	snop  }
0x3b: {  	_ = 	snop  }
0x3c: {  	p2 =	seq.s32 s10, $0x1;
	s10 =	sld [smem:$0x3FB3]  }
0x3d: {  	_ =	shalt  }
0x3e: {  	_ =	shalt  }
0x3f: {  	_ =	shalt  }
0x40: {  	_ =	shalt  }
0x41: {  	_ =	shalt  }
0x42: {  	_ =	shalt  }
0x43: {  	_ =	shalt  }
0x44: {  	_ =	shalt  }
0x45: {  	_ =	shalt  }
0x46: {  	_ =	shalt  }
0x47: {  	_ =	shalt  }
0x48: {  	_ =	shalt  }
0x49: {  	_ =	shalt  }
0x4a: {  	_ =	shalt  }
0x4b: {  	_ =	shalt  }
0x4c: {  	_ =	shalt  }
0x4d: {  	_ =	shalt  }
0x4e: {  	_ =	shalt  }
0x4f: {  	_ =	shalt  }
0x50: {  	_ =	shalt  }
0x51: {  	_ =	shalt  }
0x52: {  	_ =	shalt  }
0x53: {  	_ =	shalt  }
0x54: {  	_ =	shalt  }
0x55: {  	_ =	shalt  }
0x56: {  	_ =	shalt  }
0x57: {  	_ =	shalt  }
0x58: {  	_ =	shalt  }
0x59: {  	_ =	shalt  }
0x5a: {  	_ =	shalt  }
0x5b: {  	_ =	shalt  }
0x5c: {  	_ =	shalt  }
0x5d: {  	_ =	shalt  }
0x5e: {  	_ =	shalt  }
0x5f: {  	_ =	shalt  }
0x60: {  	_ =	shalt  }
0x61: {  	_ =	shalt  }
0x62: {  	_ =	shalt  }
0x63: {  	_ =	shalt  }
0x64: {  	_ =	shalt  }
0x65: {  	_ =	shalt  }
0x66: {  	_ =	shalt  }
0x67: {  	_ =	shalt  }
0x68: {  	_ =	shalt  }
0x69: {  	_ =	shalt  }
0x6a: {  	_ =	shalt  }
0x6b: {  	_ =	shalt  }
0x6c: {  	_ =	shalt  }
0x6d: {  	_ =	shalt  }
0x6e: {  	_ =	shalt  }
0x6f: {  	_ =	shalt  }
0x70: {  	_ =	shalt  }
0x71: {  	_ =	shalt  }
0x72: {  	_ =	shalt  }
0x73: {  	_ =	shalt  }
0x74: {  	_ =	shalt  }
0x75: {  	_ =	shalt  }
0x76: {  	_ =	shalt  }
0x77: {  	_ =	shalt  }
0x78: {  	_ =	shalt  }
0x79: {  	_ =	shalt  }
0x7a: {  	_ =	shalt  }
0x7b: {  	_ =	shalt  }
0x7c: {  	_ =	shalt  }
0x7d: {  	_ =	shalt  }
0x7e: {  	_ =	shalt  }
0x7f: {  	_ =	shalt  }
0x80: {  	_ =	shalt  }
0x81: {  	_ =	shalt  }
0x82: {  	_ =	shalt  }
0x83: {  	_ =	shalt  }
0x84: {  	_ =	shalt  }
0x85: {  	_ =	shalt  }
0x86: {  	_ =	shalt  }
0x87: {  	_ =	shalt  }
.Lfunc_end0:
.L_simem_size_0:
called_computation.4_lowered:
.L_overlay_start_0:
0x88: {  	s2 =	sld [smem:$0x3FD9]  }
0x89: {  	s3 =	sld [smem:$0x3FFE];
	_ =	sdelay $0x1  }
0x8a: {  	s1 =	srdreg.scid  }
0x8b: {  	s0 =	sand.u32 $0x1, s1  }
0x8c: {  	s17 =	sshll.u32 s0, $0xA;
	s2 =	sadd.s32 s3, s2  }
0x8d: {  	s2 =	sadd.s32 s2, s17  }
0x8e: {  	[smem:$0x3FBF] =	sst s2  }
0x8f: {  	_ = 	snop  }
0x90: {  	(tm) =	ssettm $0x1  }
0x91: {  	s18 =	sld [smem:$0x3FFB];
	_ =	sdelay $0x3  }
0x92: {  	_ =	strace s18  }
0x93: {  	s2 =	sld [smem:$0x3FFC];
	_ =	sdelay $0x3  }
0x94: {  	_ =	strace s2  }
0x95: {  	s2 =	sld [smem:$0x3FFD];
	_ =	sdelay $0x3  }
0x96: {  	_ =	strace s2  }
0x97: {  	_ =	strace $0x8FFFFFFF  }
0x98: {  	s19 =	sld [smem:$0x3FDB];
	_ =	sdelay $0x1  }
0x99: {  	s20 =	simm.s32 $_scs_section_size  }
0x9a: {  	s4 =	simm.s32 $_size__tile_overlayer_lowered;
	s5 =	simm.s32 $_tile_overlayer_lowered  }
0x9b: {  	s6 =	simm.s32 $0x1BFF;
	s21 =	sshll.u32 s5, $0x1;
	s3 =	sadd.s32 s20, s19  }
0x9c: {  	s22 =	simm.s32 $0x0;
	s4 =	sshll.u32 s4, $0x1;
	s5 =	sadd.s32 s21, s3  }
0x9d: {  	[timem:s22], [sflag:s6] =	dma.local [hbm:s5], s4  }
0x9e: {  	_ =	swait.ge [sflag:s6], s4  }
0x9f: {  	s4 =	ssub.s32 $0x0, s4;
	[sflag:s6] =	ssyncset.done $0x0  }
0xa0: {  	[sflag:s6] =	ssyncadd.s32 s4;
	_ =	sdelay $0x1  }
0xa1: {  	s23 =	simm.s32 $0x1B8B  }
0xa2: {  	_ =	swait.ge [sflag:s23], $0x1  }
0xa3: {  	[sflag:s23] =	ssyncset.done $0x0  }
0xa4: {  	[sflag:s23] =	ssyncadd.s32 $0xFFFFFFFF  }
0xa5: {  	s4 =	sld [smem:$0x0]  }
0xa6: {  	s5 =	sand.u32 $0xFFFFFFFE, s1  }
0xa7: {  	p0 =	sne.s32 s1, s5  }
0xa8: {  	s5 =	sshll.u32 @p0 s5, $0xE  }
0xa9: {  	s5 =	sadd.s32 @p0 $0x11B8D, s5;
	s6 =	sshll.u32 @p0 s4, $0x11  }
0xaa: {  	s5 =	sor.u32 @p0 s6, s5  }
0xab: {  	[sflag:s5] =	ssyncadd.remote.s32 @p0 $0x1;
	_ =	sdelay $0x1  }
0xac: {  	s5 =	simm.s32 @p0 $0x1B8D  }
0xad: {  	_ =	swait.eq @p0 [sflag:s5], $0x1  }
0xae: {  	[sflag:s5] =	ssyncadd.s32 @p0 $0xFFFFFFFF  }
0xaf: {  	s6 =	sshll.u32 @!p0 s1, $0xE  }
0xb0: {  	s6 =	sor.u32 @!p0 $0x4000, s6;
	s5 =	simm.s32 @!p0 $0x1B8D  }
0xb1: {  	s4 =	sshll.u32 @!p0 s4, $0x11;
	s6 =	sadd.s32 @!p0 $0x11B8D, s6;
	_ =	swait.eq @!p0 [sflag:s5], $0x1  }
0xb2: {  	s4 =	sor.u32 @!p0 s4, s6;
	[sflag:s5] =	ssyncadd.s32 @!p0 $0xFFFFFFFF  }
0xb3: {  	s25 =	simm.s32 $0x1B8E;
	s24 =	sld [smem:$0x3FFE];
	[sflag:s4] =	ssyncadd.remote.s32 @!p0 $0x1  }
0xb4: {  	s26 =	simm.s32 $execute0_lowered;
	[smem:$0x3FD2] =	sst s25  }
0xb5: {  	s5 =	sshll.u32 s26, $0x1;
	_ =	strace $0x80000049;
	[dreg:$0x1] =	wrdreg $0xFFFFFFFF  }
0xb6: {  	s28 =	simm.s32 $_size_execute0_lowered;
	s3 =	sadd.s32 s3, s5;
	[dreg:$0x0] =	wrdreg $0x0  }
0xb7: {  	s5 =	sshll.u32 s28, $0x1;
	[dreg:$0x2] =	wrdreg s3  }
0xb8: {  	[dreg:$0x3] =	wrdreg s5  }
0xb9: {  	[dreg:$0x4] =	wrdreg $0xC0  }
0xba: {  	_ =	task [dreg:s22], $0x5FFFF  }
0xbb: {  	[dreg:$0x1] =	wrdreg $0xFFFFFFFF  }
0xbc: {  	[dreg:$0x0] =	wrdreg $0x60  }
0xbd: {  	[dreg:$0x2] =	wrdreg s24  }
0xbe: {  	[dreg:$0x3] =	wrdreg $0x2F000  }
0xbf: {  	[dreg:$0x4] =	wrdreg $0xD  }
0xc0: {  	_ =	task.clear_ibuf [dreg:s22], $0x5FFFF;
	_ =	strace $0x90000049  }
0xc1: {  	s29 =	simm.s32 $0xD;
	_ =	strace $0x8000004B  }
0xc2: {  	_ =	swait.ge [sflag:s29], $0x1  }
0xc3: {  	[sflag:s29] =	ssyncadd.s32 $0xFFFFFFFF  }
0xc4: {  	_ =	strace $0x9000004B  }
0xc5: {  	_ =	sfence  }
0xc6: {  	s30 =	sld [smem:$0x0];
	_ =	sdelay $0x2  }
0xc7: {  	s31 =	sshll.u32 s1, $0xD;
	s1 =	sshrl.u32 s1, $0x2  }
0xc8: {  	s4 =	sand.u32 $0x4000, s31;
	s1 =	sadd.s32 s1, s30  }
0xc9: {  	s0 =	sor.u32 s4, s0;
	s1 =	sshll.u32 s1, $0x11  }
0xca: {  	s0 =	sor.u32 s1, s0  }
0xcb: {  	s0 =	sadd.s32 $0x8F2B, s0  }
0xcc: {  	[sflag:s0] =	ssyncadd.remote.s32 $0x1  }
0xcd: {  	_ =	sfence.sel $0xFFFF  }
0xce: {  	[dreg:$0x0] =	wrdreg $0xFFFFFFFF;
	(pc) =	sbr.abs _section_cstart, $3  }
0xcf: {  	[dreg:$0x1] =	wrdreg $0xFFFFFFFF  }
0xd0: {  	_ =	task.clear_ibuf [dreg:s22], $0x2FFFF;
	_ =	strace $0x9FFFFFFF  }
0xd1: {  	(tm) =	ssettm $0x7FFFFFFF  }
tec
execute0_lowered:
.L_overlay_start_1:
0x0: {  	(tag) =	ssettag $0x1  }
0x1: {  	s6 =	rddreg [dreg:$0x0]  }
0x2: {  	s2 =	rddreg [dreg:$0x1]  }
0x3: {  	s0 =	rddreg [dreg:$0x2];
	s3 =	simm.s32 $0x0;
	s1 =	stileid.u32  }
0x4: {  	s5 =	srdreg.scid;
	s13 =	simm.s32 $0x80;
	s4 =	smul.u32 $0x580, s1  }
0x5: {  	s16 =	simm.s32 $0x0;
	[smem:$0x7FF] =	sst s3;
	s7 =	smul.u32 $0x280, s1  }
0x6: {  	s12 =	sand.u32 $0x1, s5;
	s5 =	sadd.s32 $0x935800, s6;
	_ =	strace $0x8000004A  }
0x7: {  	s9 =	ssub.s32 $0x2, s12;
	p0 =	sne.s32 s12, $0x0;
	s12 =	simm.s32 $0x2C80  }
0x8: {  	s8 =	sadd.s32 s4, s6;
	s4 =	sadd.s32 $0x935600, s6;
	s10 =	sshrl.u32 s7, $0x3  }
0x9: {  	s11 =	sshrl.u32 s9, $0x1;
	s7 =	sadd.s32 s7, s2;
	s14 =	sshll.u32 @!p0 s1, $0x6  }
0xa: {  	s10 =	sadd.s32 s10, s6;
	s9 =	ssub.s32 s9, s11;
	s6 =	sadd.s32 $0x92FE00, s8  }
0xb: {  	s11 =	simm.s32 $0x2C00;
	s14 =	sor.u32 @!p0 $0x1C01, s14;
	s15 =	sshrl.u32 @!p0 s7, $0x3  }
0xc: {  	s8 =	sadd.s32 $0x935A00, s10;
	s9 =	smax.u32 s9, $0x1;
	s10 =	simm.s32 $0x1  }
.LBB2_1:
0xd: {  	[tilespmem:s3], [sflag:$0x1] =	stream.linear.gather [hbm4b:s6+s3], $0x2A00, $0x38;
	[tilespmem:$0x3180] =	vst v63  }
0xe: {  	_ =	swait.ge [sflag:s10], $0x2A00  }
0xf: {  	[sflag:s10] =	ssyncset.done $0x0  }
0x10: {  	[sflag:s10] =	ssyncadd.s32 $0xFFFFD600  }
0x11: {  	[tilespmem:s11], [sflag:$0x1] =	stream.linear.gather [hbm4b:s4+s3], $0x80, $0x38;
	[tilespmem:$0x3180] =	vst v63  }
0x12: {  	_ =	swait.ge [sflag:s10], $0x80  }
0x13: {  	[sflag:s10] =	ssyncset.done $0x0  }
0x14: {  	[sflag:s10] =	ssyncadd.s32 $0xFFFFFF80  }
0x15: {  	[tilespmem:s12], [sflag:$0x1] =	stream.linear.gather [hbm4b:s5+s3], $0x280, $0x38;
	[tilespmem:$0x3180] =	vst v63  }
0x16: {  	_ =	swait.ge [sflag:s10], $0x280  }
0x17: {  	[sflag:s10] =	ssyncset.done $0x0  }
0x18: {  	[sflag:s10] =	ssyncadd.s32 $0xFFFFFD80  }
0x19: {  	[spmem:s7] =	stream.linear.scatter [tilespmem:s12], [sflag:$0x1], $0x280, $0x38;
	[tilespmem:$0x3180] =	vst v63  }
0x1a: {  	_ =	swait.ge [sflag:s10], $0x280  }
0x1b: {  	[sflag:s10] =	ssyncset.done $0x0  }
0x1c: {  	[sflag:s10] =	ssyncadd.s32 $0xFFFFFD80  }
0x1d: {  	s17 =	simm.s32 $0x0;
	[bflag:$0x0] =	sbarrier.arrive $0xFFFF  }
0x1e: {  	[spmem:s2] =	stream.indirect.scatter.add.f32 [tilespmem:s11], [sflag:$0x1], $0x1, s17, s13, $0xb8;
	[tilespmem:$0x3180] =	vst v63  }
0x1f: {  	_ =	swait.ge [sflag:s10], $0x80  }
0x20: {  	s17 =	simm.s32 $0x200;
	[sflag:s10] =	ssyncset.done $0x0  }
.LBB2_2:
0x21: {  	s18 =	sshra.s32 s17, $0x2;
	[sflag:s10] =	ssyncadd.s32 $0xFFFFFF80;
	p1 =	sne.s32 s17, $0xA600  }
0x22: {  	[spmem:s2] =	stream.indirect.scatter.add.f32 [tilespmem:s11], [sflag:$0x1], $0x1, s18, s13, $0xb8;
	[tilespmem:$0x3180] =	vst v63  }
.Ltmp0:
0x23: {  	_ = 	snop;
	(pc) =	sbr.rel @p1 .LBB2_2-.Ltmp0, $4  }
0x24: {  	_ = 	snop  }
0x25: {  	s17 =	sadd.s32 $0x200, s17  }
0x26: {  	_ =	swait.ge [sflag:s10], $0x80  }
0x27: {  	[sflag:s10] =	ssyncset.done $0x0  }
0x28: {  	s16 =	sadd.s32 $0x1, s16  }
0x29: {  	[sflag:s10] =	ssyncadd.s32 $0xFFFFFF80;
	p1 =	sne.s32 s16, s9  }
.Ltmp1:
0x2a: {  	s17 =	simm.s32 @!p0 $0x1;
	[bflag:$0x0] =	sbarrier.arrive $0xFFFF;
	(pc) =	sbr.rel @p1 .LBB2_1-.Ltmp1, $4  }
0x2b: {  	[hbm:s8], [sflag:s14] =	dma.local @!p0 [spmem:s15], $0x50  }
0x2c: {  	_ =	swait.ge @!p0 [sflag:s17], $0x50  }
0x2d: {  	[sflag:s17] =	ssyncset.done @!p0 $0x0  }
0x2e: {  	[sflag:s17] =	ssyncadd.s32 @!p0 $0xFFFFFFB0  }
0x2f: {  	_ =	sfence.sel $0x180000  }
0x30: {  	[bflag:$0x0] =	sbarrier.arrive $0xFFFF  }
0x31: {  	p0 =	sne.s32 s1, $0x0;
	_ =	strace $0x9000004A  }
0x32: {  	s0 =	sadd.s32 @!p0 $0x100000, s0;
	[bflag:$0x2] =	sbarrier.arrive $0xFFFF  }
0x33: {  	[sflag:s0] =	ssyncadd.tile.s32 @!p0 $0x1;
	_ =	shalt  }
.Lfunc_end2:
_tile_overlayer_lowered:
.L_overlay_start_2:
0x34: {  	(tag) =	ssettag $0x2  }
0x35: {  	s0 =	rddreg [dreg:$0x0];
	s2 =	stileid.u32  }
0x36: {  	s1 =	rddreg [dreg:$0x1];
	p0 =	sne.s32 s2, $0x0  }
0x37: {  	s3 =	rddreg [dreg:$0x2];
	[bflag:$0x3] =	sbarrier.arrive $0xFFFF;
	s2 =	simm.s32 @!p0 $0x1C01  }
0x38: {  	[timem:s3], [sflag:s2] =	dma.local @!p0 [hbm:s0], s1  }
0x39: {  	s0 =	simm.s32 @!p0 $0x1  }
0x3a: {  	_ =	swait.ge @!p0 [sflag:s0], s1  }
0x3b: {  	s1 =	ssub.s32 @!p0 $0x0, s1;
	[sflag:s0] =	ssyncset.done @!p0 $0x0  }
0x3c: {  	[sflag:s0] =	ssyncadd.s32 @!p0 s1  }
0x3d: {  	[bflag:$0x3] =	sbarrier.arrive $0xFFFF  }
0x3e: {  	_ =	shalt  }

// kernel: kernel.18.cloned.1.call-start
scs
__scs_entry_jumppad:
0x0: {  	(pc) =	sbr.rel $0x88, $3  }
0x1: {  	(tag) =	ssettag $0x0;
	lr =	simm.s32 $0x1  }
0x2: {  	[smem:$0x3F98] =	sst lr;
	_ =	strace $0xD0000000  }
0x3: {  	_ = 	snop  }
0x4: {  	_ = 	snop  }
0x5: {  	_ = 	snop  }
0x6: {  	_ = 	snop  }
0x7: {  	_ = 	snop  }
__scs_overlays_trampoline_lowered:
0x8: {  	[smem:$0x3FA7] =	sst s0  }
0x9: {  	[smem:$0x3FA8] =	sst s1  }
0xa: {  	[smem:$0x3FA9] =	sst s2  }
0xb: {  	[smem:$0x3FAA] =	sst s3  }
0xc: {  	[smem:$0x3FAB] =	sst s4  }
0xd: {  	[smem:$0x3FAC] =	sst s5  }
0xe: {  	[smem:$0x3FAD] =	sst s6  }
0xf: {  	[smem:$0x3FAE] =	sst s7  }
0x10: {  	[smem:$0x3FAF] =	sst s8  }
0x11: {  	[smem:$0x3FB0] =	sst s9;
	s0 =	simm.s32 @!p0 $0x0  }
0x12: {  	s1 =	sld [smem:$0x3F96];
	s0 =	simm.s32 @p0 $0x1  }
0x13: {  	[smem:$0x3FB1] =	sst s0;
	s0 =	simm.s32 @!p1 $0x0  }
0x14: {  	s2 =	sld [smem:$0x3F95];
	s0 =	simm.s32 @p1 $0x1  }
0x15: {  	[smem:$0x3FB2] =	sst s0;
	s0 =	simm.s32 @!p2 $0x0  }
0x16: {  	s3 =	sld [smem:$0x3FDB];
	s0 =	simm.s32 @p2 $0x1  }
0x17: {  	s4 =	simm.s32 $0x1BF5;
	[smem:$0x3FB4] =	sst s0  }
0x18: {  	s0 =	sld [smem:$0x3F97];
	_ =	swait.ge [sflag:s4], $0x0  }
0x19: {  	s7 =	sld [smem:$0x3F98]  }
0x1a: {  	s8 =	sadd.s32 $0xFFFFE003, lr  }
0x1b: {  	s9 =	sadd.s32 $0xFFFFFEF7, lr;
	s5 =	simm.s32 $0xFFFFFFFF;
	p2 =	slt.u32 s8, $0xFFFFF086  }
0x1c: {  	p1 =	slt.u32 s9, $0xF7A;
	s5 =	simm.s32 @!p2 $0x0  }
0x1d: {  	s5 =	simm.s32 @p1 $0x1;
	p0 =	seq.s32 s7, s2  }
0x1e: {  	s7 =	smul.u32 @!p0 $0xF7A, s2;
	p2 =	seq.s32 @!p0 s5, $0x0  }
0x1f: {  	s9 =	smul.u32 $0xF7A, s1;
	s8 =	simm.s32 @!p0 $0x1BF5;
	p2 =	por !p2, p0  }
0x20: {  	[sflag:s8] =	ssyncset.s32 @!p0 $0xFFFFF086;
	s6 =	sadd.s32 @!p0 s3, s7;
	s7 =	simm.s32 @!p0 $0x108  }
0x21: {  	s3 =	sadd.s32 s3, s9;
	s6 =	sadd.s32 @!p0 $0x88, s6;
	s7 =	simm.s32 @p2 $0x1082  }
0x22: {  	[simem:s7], [sflag:s8] =	dma.local @!p0 [hbm:s6], $0xF7A  }
0x23: {  	s9 =	sor.u32 $0xD0000000, s2;
	s6 =	simm.s32 $0x108;
	_ =	swait.ge @!p0 [sflag:s8], $0x0  }
0x24: {  	s3 =	sadd.s32 $0x88, s3;
	s6 =	simm.s32 @!p1 $0x1082;
	[sflag:s4] =	ssyncset.s32 $0xFFFFF086  }
0x25: {  	[simem:s6], [sflag:s4] =	dma.local [hbm:s3], $0xF7A  }
0x26: {  	[smem:$0x3F98] =	sst s1;
	(tag) =	ssettag s2;
	_ =	strace s9  }
0x27: {  	s1 =	sld [smem:$0x3FA8]  }
0x28: {  	s2 =	sld [smem:$0x3FA9]  }
0x29: {  	s4 =	sld [smem:$0x3FAB]  }
0x2a: {  	p0 =	seq.s32 s5, $0x0;
	s5 =	sld [smem:$0x3FAC]  }
0x2b: {  	s6 =	sld [smem:$0x3FAD]  }
0x2c: {  	s7 =	sld [smem:$0x3FAE]  }
0x2d: {  	s3 =	simm.s32 $0x108;
	s8 =	sld [smem:$0x3FAF]  }
0x2e: {  	s3 =	simm.s32 @!p0 $0x1082;
	s9 =	sld [smem:$0x3FB0]  }
0x2f: {  	lr =	sadd.s32 s0, s3;
	s0 =	sld [smem:$0x3FA7]  }
0x30: {  	s3 =	sld [smem:$0x3FAA]  }
0x31: {  	[smem:$0x3FB3] =	sst s10  }
0x32: {  	s10 =	sld [smem:$0x3FB1];
	_ =	sdelay $0x3  }
0x33: {  	p0 =	seq.s32 s10, $0x1;
	s10 =	sld [smem:$0x3FB3];
	_ =	sdelay $0x3  }
0x34: {  	[smem:$0x3FB3] =	sst s10  }
0x35: {  	s10 =	sld [smem:$0x3FB2];
	_ =	sdelay $0x3  }
0x36: {  	p1 =	seq.s32 s10, $0x1;
	s10 =	sld [smem:$0x3FB3];
	_ =	sdelay $0x3  }
0x37: {  	[smem:$0x3FB3] =	sst s10  }
0x38: {  	s10 =	sld [smem:$0x3FB4]  }
0x39: {  	_ = 	snop;
	(pc) =	sbr.ind lr, $3  }
0x3a: {  	_ = 	snop  }
0x3b: {  	_ = 	snop  }
0x3c: {  	p2 =	seq.s32 s10, $0x1;
	s10 =	sld [smem:$0x3FB3]  }
0x3d: {  	_ =	shalt  }
0x3e: {  	_ =	shalt  }
0x3f: {  	_ =	shalt  }
0x40: {  	_ =	shalt  }
0x41: {  	_ =	shalt  }
0x42: {  	_ =	shalt  }
0x43: {  	_ =	shalt  }
0x44: {  	_ =	shalt  }
0x45: {  	_ =	shalt  }
0x46: {  	_ =	shalt  }
0x47: {  	_ =	shalt  }
0x48: {  	_ =	shalt  }
0x49: {  	_ =	shalt  }
0x4a: {  	_ =	shalt  }
0x4b: {  	_ =	shalt  }
0x4c: {  	_ =	shalt  }
0x4d: {  	_ =	shalt  }
0x4e: {  	_ =	shalt  }
0x4f: {  	_ =	shalt  }
0x50: {  	_ =	shalt  }
0x51: {  	_ =	shalt  }
0x52: {  	_ =	shalt  }
0x53: {  	_ =	shalt  }
0x54: {  	_ =	shalt  }
0x55: {  	_ =	shalt  }
0x56: {  	_ =	shalt  }
0x57: {  	_ =	shalt  }
0x58: {  	_ =	shalt  }
0x59: {  	_ =	shalt  }
0x5a: {  	_ =	shalt  }
0x5b: {  	_ =	shalt  }
0x5c: {  	_ =	shalt  }
0x5d: {  	_ =	shalt  }
0x5e: {  	_ =	shalt  }
0x5f: {  	_ =	shalt  }
0x60: {  	_ =	shalt  }
0x61: {  	_ =	shalt  }
0x62: {  	_ =	shalt  }
0x63: {  	_ =	shalt  }
0x64: {  	_ =	shalt  }
0x65: {  	_ =	shalt  }
0x66: {  	_ =	shalt  }
0x67: {  	_ =	shalt  }
0x68: {  	_ =	shalt  }
0x69: {  	_ =	shalt  }
0x6a: {  	_ =	shalt  }
0x6b: {  	_ =	shalt  }
0x6c: {  	_ =	shalt  }
0x6d: {  	_ =	shalt  }
0x6e: {  	_ =	shalt  }
0x6f: {  	_ =	shalt  }
0x70: {  	_ =	shalt  }
0x71: {  	_ =	shalt  }
0x72: {  	_ =	shalt  }
0x73: {  	_ =	shalt  }
0x74: {  	_ =	shalt  }
0x75: {  	_ =	shalt  }
0x76: {  	_ =	shalt  }
0x77: {  	_ =	shalt  }
0x78: {  	_ =	shalt  }
0x79: {  	_ =	shalt  }
0x7a: {  	_ =	shalt  }
0x7b: {  	_ =	shalt  }
0x7c: {  	_ =	shalt  }
0x7d: {  	_ =	shalt  }
0x7e: {  	_ =	shalt  }
0x7f: {  	_ =	shalt  }
0x80: {  	_ =	shalt  }
0x81: {  	_ =	shalt  }
0x82: {  	_ =	shalt  }
0x83: {  	_ =	shalt  }
0x84: {  	_ =	shalt  }
0x85: {  	_ =	shalt  }
0x86: {  	_ =	shalt  }
0x87: {  	_ =	shalt  }
.Lfunc_end0:
.L_simem_size_0:
called_computation.5_lowered:
.L_overlay_start_0:
0x88: {  	s2 =	sld [smem:$0x3FD9]  }
0x89: {  	s3 =	sld [smem:$0x3FFE];
	_ =	sdelay $0x1  }
0x8a: {  	s1 =	srdreg.scid  }
0x8b: {  	s0 =	sand.u32 $0x1, s1  }
0x8c: {  	s17 =	sshll.u32 s0, $0xA;
	s2 =	sadd.s32 s3, s2  }
0x8d: {  	s2 =	sadd.s32 s2, s17  }
0x8e: {  	[smem:$0x3FBF] =	sst s2  }
0x8f: {  	_ = 	snop  }
0x90: {  	s18 =	sld [smem:$0x3FD0];
	(tm) =	ssettm $0x1  }
0x91: {  	s19 =	sld [smem:$0x3FFB];
	_ =	sdelay $0x3  }
0x92: {  	_ =	strace s19  }
0x93: {  	s2 =	sld [smem:$0x3FFC];
	_ =	sdelay $0x3  }
0x94: {  	_ =	strace s2  }
0x95: {  	s2 =	sld [smem:$0x3FFD];
	_ =	sdelay $0x3  }
0x96: {  	_ =	strace s2  }
0x97: {  	_ =	strace $0x8FFFFFFF  }
0x98: {  	s20 =	sld [smem:$0x3FDB];
	_ =	sdelay $0x1  }
0x99: {  	s4 =	simm.s32 $_scs_section_size  }
0x9a: {  	s5 =	simm.s32 $_size__tile_overlayer_lowered;
	s6 =	simm.s32 $_tile_overlayer_lowered  }
0x9b: {  	s7 =	simm.s32 $0x1BFF;
	s21 =	sshll.u32 s6, $0x1;
	s4 =	sadd.s32 s4, s20  }
0x9c: {  	s22 =	simm.s32 $0x0;
	s5 =	sshll.u32 s5, $0x1;
	s6 =	sadd.s32 s21, s4  }
0x9d: {  	[timem:s22], [sflag:s7] =	dma.local [hbm:s6], s5  }
0x9e: {  	_ =	swait.ge [sflag:s7], s5  }
0x9f: {  	s5 =	ssub.s32 $0x0, s5;
	[sflag:s7] =	ssyncset.done $0x0  }
0xa0: {  	[sflag:s7] =	ssyncadd.s32 s5;
	_ =	sdelay $0x1  }
0xa1: {  	s23 =	simm.s32 $0x1B8B  }
0xa2: {  	_ =	swait.ge [sflag:s23], $0x1  }
0xa3: {  	[sflag:s23] =	ssyncset.done $0x0  }
0xa4: {  	[sflag:s23] =	ssyncadd.s32 $0xFFFFFFFF  }
0xa5: {  	s5 =	sld [smem:$0x0]  }
0xa6: {  	s6 =	sand.u32 $0xFFFFFFFE, s1  }
0xa7: {  	p0 =	sne.s32 s1, s6  }
0xa8: {  	s6 =	sshll.u32 @p0 s6, $0xE  }
0xa9: {  	s6 =	sadd.s32 @p0 $0x11B8D, s6;
	s7 =	sshll.u32 @p0 s5, $0x11  }
0xaa: {  	s6 =	sor.u32 @p0 s7, s6  }
0xab: {  	[sflag:s6] =	ssyncadd.remote.s32 @p0 $0x1;
	_ =	sdelay $0x1  }
0xac: {  	s6 =	simm.s32 @p0 $0x1B8D  }
0xad: {  	_ =	swait.eq @p0 [sflag:s6], $0x1  }
0xae: {  	[sflag:s6] =	ssyncadd.s32 @p0 $0xFFFFFFFF  }
0xaf: {  	s7 =	sshll.u32 @!p0 s1, $0xE  }
0xb0: {  	s7 =	sor.u32 @!p0 $0x4000, s7;
	s6 =	simm.s32 @!p0 $0x1B8D  }
0xb1: {  	s5 =	sshll.u32 @!p0 s5, $0x11;
	s7 =	sadd.s32 @!p0 $0x11B8D, s7;
	_ =	swait.eq @!p0 [sflag:s6], $0x1  }
0xb2: {  	s5 =	sor.u32 @!p0 s5, s7;
	[sflag:s6] =	ssyncadd.s32 @!p0 $0xFFFFFFFF  }
0xb3: {  	s25 =	simm.s32 $0x1B8E;
	s24 =	sld [smem:$0x3FFE];
	[sflag:s5] =	ssyncadd.remote.s32 @!p0 $0x1  }
0xb4: {  	s26 =	simm.s32 $execute0_lowered;
	[smem:$0x3FD2] =	sst s25  }
0xb5: {  	s6 =	sshll.u32 s26, $0x1;
	_ =	strace $0x8000005E;
	[dreg:$0x1] =	wrdreg $0xFFFFFFFF  }
0xb6: {  	s28 =	simm.s32 $_size_execute0_lowered;
	s4 =	sadd.s32 s4, s6;
	[dreg:$0x0] =	wrdreg $0x0  }
0xb7: {  	s6 =	sshll.u32 s28, $0x1;
	[dreg:$0x2] =	wrdreg s4  }
0xb8: {  	[dreg:$0x3] =	wrdreg s6  }
0xb9: {  	[dreg:$0x4] =	wrdreg $0xC0  }
0xba: {  	_ =	task [dreg:s22], $0x5FFFF  }
0xbb: {  	[dreg:$0x1] =	wrdreg $0xFFFFFFFF  }
0xbc: {  	[dreg:$0x0] =	wrdreg $0x60  }
0xbd: {  	[dreg:$0x2] =	wrdreg s24  }
0xbe: {  	[dreg:$0x3] =	wrdreg s18  }
0xbf: {  	[dreg:$0x4] =	wrdreg $0xB8000  }
0xc0: {  	[dreg:$0x5] =	wrdreg $0x9  }
0xc1: {  	_ =	task.clear_ibuf [dreg:s22], $0x6FFFF;
	_ =	strace $0x9000005E  }
0xc2: {  	s29 =	simm.s32 $0x9;
	_ =	strace $0x80000060  }
0xc3: {  	_ =	swait.ge [sflag:s29], $0x1  }
0xc4: {  	[sflag:s29] =	ssyncadd.s32 $0xFFFFFFFF  }
0xc5: {  	_ =	strace $0x90000060  }
0xc6: {  	_ =	sfence  }
0xc7: {  	s30 =	sld [smem:$0x0];
	_ =	sdelay $0x2  }
0xc8: {  	s31 =	sshll.u32 s1, $0xD;
	s1 =	sshrl.u32 s1, $0x2  }
0xc9: {  	s4 =	sand.u32 $0x4000, s31;
	s1 =	sadd.s32 s1, s30  }
0xca: {  	s0 =	sor.u32 s4, s0;
	s1 =	sshll.u32 s1, $0x11  }
0xcb: {  	s0 =	sor.u32 s1, s0  }
0xcc: {  	s0 =	sadd.s32 $0x8F2B, s0  }
0xcd: {  	[sflag:s0] =	ssyncadd.remote.s32 $0x1  }
0xce: {  	_ =	sfence.sel $0xFFFF  }
0xcf: {  	[dreg:$0x0] =	wrdreg $0xFFFFFFFF;
	(pc) =	sbr.abs _section_cstart, $3  }
0xd0: {  	[dreg:$0x1] =	wrdreg $0xFFFFFFFF  }
0xd1: {  	_ =	task.clear_ibuf [dreg:s22], $0x2FFFF;
	_ =	strace $0x9FFFFFFF  }
0xd2: {  	(tm) =	ssettm $0x7FFFFFFF  }
0xd3: {  	_ =	shalt  }
tec
execute0_lowered:
.L_overlay_start_1:
0x0: {  	(tag) =	ssettag $0x1  }
0x1: {  	s0 =	rddreg [dreg:$0x0]  }
0x2: {  	s3 =	rddreg [dreg:$0x2];
	s4 =	simm.s32 $0x0;
	s2 =	stileid.u32  }
0x3: {  	s1 =	srdreg.scid;
	s22 =	simm.s32 $0x2;
	s24 =	simm.s32 $0x9800  }
0x4: {  	s25 =	simm.s32 $0x80;
	s28 =	simm.s32 $0x1;
	s6 =	smul.u32 $0x580, s2  }
0x5: {  	s29 =	simm.s32 $0x0;
	[smem:$0x7FF] =	sst s4;
	s8 =	smul.u32 $0x50000, s2  }
0x6: {  	s1 =	sand.u32 $0x1, s1;
	s5 =	sadd.s32 $0x4A2400, s0;
	s11 =	smul.u32 $0x2800, s2  }
0x7: {  	_ =	strace $0x8000005F;
	s7 =	ssub.s32 $0x2, s1;
	s9 =	sadd.s32 s6, s0  }
0x8: {  	s6 =	sadd.s32 $0x58CA00, s0;
	s26 =	sshrl.u32 s7, $0x1;
	s10 =	sshrl.u32 s8, $0x2  }
0x9: {  	s0 =	ssub.s32 s7, s26;
	s30 =	sadd.s32 $0xEB4400, s9;
	s31 =	sadd.s32 $0x92FE00, s9  }
0xa: {  	s9 =	smul.u32 $0x3, s1;
	s10 =	sadd.s32 s10, s3;
	[dreg:$0x4] =	wrdreg s30  }
0xb: {  	s26 =	simm.s32 $0x5800;
	[dreg:$0x5] =	wrdreg s31;
	s12 =	smax.u32 s0, $0x1  }
0xc: {  	s13 =	sadd.s32 $0x2000, s10;
	s14 =	sadd.s32 $0x4000, s10;
	s15 =	sadd.s32 $0x6000, s10  }
0xd: {  	s16 =	sadd.s32 $0x8000, s10;
	s17 =	sadd.s32 $0xA000, s10;
	s18 =	sadd.s32 $0xC000, s10  }
0xe: {  	s19 =	sadd.s32 $0xE000, s10;
	s20 =	sadd.s32 $0x10000, s10;
	s21 =	sadd.s32 $0x12000, s10  }
.LBB2_1:
0xf: {  	s0 =	rddreg [dreg:$0x4]  }
0x10: {  	[tilespmem:s4], [sflag:$0x2] =	stream.linear.gather [hbm4b:s0+s4], $0x2A00, $0x38;
	[tilespmem:$0x1F800] =	vst v63  }
0x11: {  	_ =	swait.ge [sflag:s22], $0x2A00  }
0x12: {  	[sflag:s22] =	ssyncset.done $0x0  }
0x13: {  	s1 =	simm.s32 $0x2C00;
	s23 =	rddreg [dreg:$0x5];
	[sflag:s22] =	ssyncadd.s32 $0xFFFFD600  }
0x14: {  	[tilespmem:s1], [sflag:$0x2] =	stream.linear.gather [hbm4b:s23+s4], $0x2A00, $0x38;
	[tilespmem:$0x1F800] =	vst v63  }
0x15: {  	_ =	swait.ge [sflag:s22], $0x2A00  }
0x16: {  	[sflag:s22] =	ssyncset.done $0x0  }
0x17: {  	[sflag:s22] =	ssyncadd.s32 $0xFFFFD600  }
0x18: {  	s31 =	rddreg [dreg:$0x1]  }
0x19: {  	[tilespmem:s24], [sflag:$0x2] =	stream.linear.gather [hbm4b:s31+s4], $0x2000, $0x38;
	[tilespmem:$0x1F800] =	vst v63  }
0x1a: {  	_ =	swait.ge [sflag:s22], $0x2000  }
0x1b: {  	[sflag:s22] =	ssyncset.done $0x0  }
0x1c: {  	s30 =	simm.s32 $0x0;
	[sflag:s22] =	ssyncadd.s32 $0xFFFFE000  }
.LBB2_2:
0x1d: {  	[spmem:s10] =	stream.linear.scatter [tilespmem:s24], [sflag:$0x2], $0x2000, $0x38;
	[tilespmem:$0x1F800] =	vst v63  }
0x1e: {  	_ =	swait.ge [sflag:s22], $0x2000  }
0x1f: {  	[sflag:s22] =	ssyncset.done $0x0  }
0x20: {  	[sflag:s22] =	ssyncadd.s32 $0xFFFFE000  }
0x21: {  	[spmem:s13] =	stream.linear.scatter [tilespmem:s24], [sflag:$0x2], $0x2000, $0x38;
	[tilespmem:$0x1F800] =	vst v63  }
0x22: {  	_ =	swait.ge [sflag:s22], $0x2000  }
0x23: {  	[sflag:s22] =	ssyncset.done $0x0  }
0x24: {  	[sflag:s22] =	ssyncadd.s32 $0xFFFFE000  }
0x25: {  	[spmem:s14] =	stream.linear.scatter [tilespmem:s24], [sflag:$0x2], $0x2000, $0x38;
	[tilespmem:$0x1F800] =	vst v63  }
0x26: {  	_ =	swait.ge [sflag:s22], $0x2000  }
0x27: {  	[sflag:s22] =	ssyncset.done $0x0  }
0x28: {  	[sflag:s22] =	ssyncadd.s32 $0xFFFFE000  }
0x29: {  	[spmem:s15] =	stream.linear.scatter [tilespmem:s24], [sflag:$0x2], $0x2000, $0x38;
	[tilespmem:$0x1F800] =	vst v63  }
0x2a: {  	_ =	swait.ge [sflag:s22], $0x2000  }
0x2b: {  	[sflag:s22] =	ssyncset.done $0x0  }
0x2c: {  	[sflag:s22] =	ssyncadd.s32 $0xFFFFE000  }
0x2d: {  	[spmem:s16] =	stream.linear.scatter [tilespmem:s24], [sflag:$0x2], $0x2000, $0x38;
	[tilespmem:$0x1F800] =	vst v63  }
0x2e: {  	_ =	swait.ge [sflag:s22], $0x2000  }
0x2f: {  	[sflag:s22] =	ssyncset.done $0x0  }
0x30: {  	[sflag:s22] =	ssyncadd.s32 $0xFFFFE000  }
0x31: {  	[spmem:s17] =	stream.linear.scatter [tilespmem:s24], [sflag:$0x2], $0x2000, $0x38;
	[tilespmem:$0x1F800] =	vst v63  }
0x32: {  	_ =	swait.ge [sflag:s22], $0x2000  }
0x33: {  	[sflag:s22] =	ssyncset.done $0x0  }
0x34: {  	[sflag:s22] =	ssyncadd.s32 $0xFFFFE000  }
0x35: {  	[spmem:s18] =	stream.linear.scatter [tilespmem:s24], [sflag:$0x2], $0x2000, $0x38;
	[tilespmem:$0x1F800] =	vst v63  }
0x36: {  	_ =	swait.ge [sflag:s22], $0x2000  }
0x37: {  	[sflag:s22] =	ssyncset.done $0x0  }
0x38: {  	[sflag:s22] =	ssyncadd.s32 $0xFFFFE000  }
0x39: {  	[spmem:s19] =	stream.linear.scatter [tilespmem:s24], [sflag:$0x2], $0x2000, $0x38;
	[tilespmem:$0x1F800] =	vst v63  }
0x3a: {  	_ =	swait.ge [sflag:s22], $0x2000  }
0x3b: {  	[sflag:s22] =	ssyncset.done $0x0  }
0x3c: {  	[sflag:s22] =	ssyncadd.s32 $0xFFFFE000  }
0x3d: {  	[spmem:s20] =	stream.linear.scatter [tilespmem:s24], [sflag:$0x2], $0x2000, $0x38;
	[tilespmem:$0x1F800] =	vst v63  }
0x3e: {  	_ =	swait.ge [sflag:s22], $0x2000  }
0x3f: {  	[sflag:s22] =	ssyncset.done $0x0  }
0x40: {  	[sflag:s22] =	ssyncadd.s32 $0xFFFFE000  }
0x41: {  	[spmem:s21] =	stream.linear.scatter [tilespmem:s24], [sflag:$0x2], $0x2000, $0x38;
	[tilespmem:$0x1F800] =	vst v63  }
0x42: {  	s31 =	sadd.s32 s9, s30;
	_ =	swait.ge [sflag:s22], $0x2000  }
0x43: {  	s0 =	smul.u32 $0x27100, s31;
	[sflag:s22] =	ssyncset.done $0x0  }
0x44: {  	[sflag:s22] =	ssyncadd.s32 $0xFFFFE000  }
0x45: {  	s1 =	simm.s32 $0x0;
	s0 =	sadd.s32 s5, s0;
	[bflag:$0x0] =	sbarrier.arrive $0xFFFF  }
0x46: {  	[tilespmem:s26], [sflag:$0x1] =	stream.indirect.gather [hbm4b:s0+s25], $0x80, s1, s25, $0xb8;
	[tilespmem:$0x1F800] =	vst v63  }
0x47: {  	_ =	swait.ge [sflag:s28], $0x4000  }
0x48: {  	[sflag:s28] =	ssyncset.done $0x0  }
0x49: {  	s23 =	simm.s32 $0x2C00;
	[sflag:s28] =	ssyncadd.s32 $0xFFFFC000  }
0x4a: {  	[spmem:s3] =	stream.indirect.scatter.add.f32 [tilespmem:s26], [sflag:$0x2], $0x80, s23, s25, $0xb8;
	[tilespmem:$0x1F800] =	vst v63  }
0x4b: {  	_ =	swait.ge [sflag:s22], $0x4000  }
0x4c: {  	s1 =	simm.s32 $0x200;
	s23 =	simm.s32 $0x400;
	[sflag:s22] =	ssyncset.done $0x0  }
.LBB2_3:
0x4d: {  	s7 =	sshra.s32 s1, $0x2  }
0x4e: {  	[sflag:s22] =	ssyncadd.s32 $0xFFFFC000;
	s1 =	smov.u32 s23;
	s8 =	sadd.s32 $0x200, s23  }
0x4f: {  	[tilespmem:s26], [sflag:$0x1] =	stream.indirect.gather [hbm4b:s0+s25], $0x80, s7, s25, $0xb8;
	[tilespmem:$0x1F800] =	vst v63  }
0x50: {  	p0 =	sne.s32 s23, $0xA600;
	_ =	swait.ge [sflag:s28], $0x4000  }
.Ltmp0:
0x51: {  	[sflag:s28] =	ssyncset.done $0x0;
	(pc) =	sbr.rel @p0 .LBB2_3-.Ltmp0, $4  }
0x52: {  	s7 =	sadd.s32 $0x2C00, s7;
	[sflag:s28] =	ssyncadd.s32 $0xFFFFC000  }
0x53: {  	[spmem:s3] =	stream.indirect.scatter.add.f32 [tilespmem:s26], [sflag:$0x2], $0x80, s7, s25, $0xb8;
	[tilespmem:$0x1F800] =	vst v63  }
0x54: {  	_ =	swait.ge [sflag:s22], $0x4000  }
0x55: {  	s23 =	smov.u32 s8;
	[sflag:s22] =	ssyncset.done $0x0  }
0x56: {  	s1 =	sshra.s32 s1, $0x2;
	[sflag:s22] =	ssyncadd.s32 $0xFFFFC000  }
0x57: {  	[tilespmem:s26], [sflag:$0x1] =	stream.indirect.gather [hbm4b:s0+s25], $0x80, s1, s25, $0xb8;
	[tilespmem:$0x1F800] =	vst v63  }
0x58: {  	_ =	swait.ge [sflag:s28], $0x4000  }
0x59: {  	[sflag:s28] =	ssyncset.done $0x0  }
0x5a: {  	s8 =	sadd.s32 $0x2C00, s1;
	[sflag:s28] =	ssyncadd.s32 $0xFFFFC000  }
0x5b: {  	[spmem:s3] =	stream.indirect.scatter.add.f32 [tilespmem:s26], [sflag:$0x2], $0x80, s8, s25, $0xb8;
	[tilespmem:$0x1F800] =	vst v63  }
0x5c: {  	s23 =	smul.u32 $0x28000, s31;
	s31 =	sshll.u32 s2, $0x6;
	_ =	swait.ge [sflag:s22], $0x4000  }
0x5d: {  	s7 =	sshrl.u32 s10, $0x3;
	s30 =	sadd.s32 $0x1, s30;
	[sflag:s22] =	ssyncset.done $0x0  }
0x5e: {  	s1 =	sor.u32 $0x1C02, s31;
	s0 =	sadd.s32 s6, s23;
	[sflag:s22] =	ssyncadd.s32 $0xFFFFC000  }
0x5f: {  	p0 =	sne.s32 s30, $0x3;
	s0 =	sadd.s32 s11, s0;
	[bflag:$0x0] =	sbarrier.arrive $0xFFFF  }
0x60: {  	[hbm:s0], [sflag:s1] =	dma.local [spmem:s7], $0x2800  }
.Ltmp1:
0x61: {  	_ =	swait.ge [sflag:s22], $0x2800;
	(pc) =	sbr.rel @p0 .LBB2_2-.Ltmp1, $3  }
0x62: {  	[sflag:s22] =	ssyncset.done $0x0  }
0x63: {  	[sflag:s22] =	ssyncadd.s32 $0xFFFFD800  }
0x64: {  	[bflag:$0x0] =	sbarrier.arrive $0xFFFF;
	_ =	sdelay $0x1  }
0x65: {  	s29 =	sadd.s32 $0x1, s29  }
0x66: {  	p0 =	sne.s32 s29, s12  }
.Ltmp2:
0x67: {  	_ = 	snop;
	(pc) =	sbr.rel @p0 .LBB2_1-.Ltmp2, $1  }
0x68: {  	_ =	sdelay $0x3  }
0x69: {  	_ =	sfence.sel $0x180000  }
0x6a: {  	[bflag:$0x0] =	sbarrier.arrive $0xFFFF  }
0x6b: {  	_ =	strace $0x9000005F  }
0x6c: {  	[bflag:$0x2] =	sbarrier.arrive $0xFFFF  }
0x6d: {  	p0 =	sne.s32 s2, $0x0;
	s0 =	rddreg [dreg:$0x3]  }
0x6e: {  	s0 =	sadd.s32 @!p0 $0x100000, s0  }
0x6f: {  	[sflag:s0] =	ssyncadd.tile.s32 @!p0 $0x1;
	_ =	shalt  }
.Lfunc_end2:
_tile_overlayer_lowered:
.L_overlay_start_2:
0x70: {  	(tag) =	ssettag $0x2  }
0x71: {  	s0 =	rddreg [dreg:$0x0];
	s2 =	stileid.u32  }
0x72: {  	s1 =	rddreg [dreg:$0x1];
	p0 =	sne.s32 s2, $0x0  }
0x73: {  	s3 =	rddreg [dreg:$0x2];
	[bflag:$0x3] =	sbarrier.arrive $0xFFFF;
	s2 =	simm.s32 @!p0 $0x1C02  }
0x74: {  	[timem:s3], [sflag:s2] =	dma.local @!p0 [hbm:s0], s1  }
0x75: {  	s0 =	simm.s32 @!p0 $0x2  }
0x76: {  	_ =	swait.ge @!p0 [sflag:s0], s1  }
0x77: {  	s1 =	ssub.s32 @!p0 $0x0, s1;
	[sflag:s0] =	ssyncset.done @!p0 $0x0  }
0x78: {  	[sflag:s0] =	ssyncadd.s32 @!p0 s1  }
0x79: {  	[bflag:$0x3] =	sbarrier.arrive $0xFFFF  }
0x7a: {  	_ =	shalt  }

// kernel: kernel.21.cloned.1.call-start
scs
__scs_entry_jumppad:
0x0: {  	(pc) =	sbr.rel $0x88, $3  }
0x1: {  	(tag) =	ssettag $0x0;
	lr =	simm.s32 $0x1  }
0x2: {  	[smem:$0x3F98] =	sst lr;
	_ =	strace $0xD0000000  }
0x3: {  	_ = 	snop  }
0x4: {  	_ = 	snop  }
0x5: {  	_ = 	snop  }
0x6: {  	_ = 	snop  }
0x7: {  	_ = 	snop  }
__scs_overlays_trampoline_lowered:
0x8: {  	[smem:$0x3FA7] =	sst s0  }
0x9: {  	[smem:$0x3FA8] =	sst s1  }
0xa: {  	[smem:$0x3FA9] =	sst s2  }
0xb: {  	[smem:$0x3FAA] =	sst s3  }
0xc: {  	[smem:$0x3FAB] =	sst s4  }
0xd: {  	[smem:$0x3FAC] =	sst s5  }
0xe: {  	[smem:$0x3FAD] =	sst s6  }
0xf: {  	[smem:$0x3FAE] =	sst s7  }
0x10: {  	[smem:$0x3FAF] =	sst s8  }
0x11: {  	[smem:$0x3FB0] =	sst s9;
	s0 =	simm.s32 @!p0 $0x0  }
0x12: {  	s1 =	sld [smem:$0x3F96];
	s0 =	simm.s32 @p0 $0x1  }
0x13: {  	[smem:$0x3FB1] =	sst s0;
	s0 =	simm.s32 @!p1 $0x0  }
0x14: {  	s2 =	sld [smem:$0x3F95];
	s0 =	simm.s32 @p1 $0x1  }
0x15: {  	[smem:$0x3FB2] =	sst s0;
	s0 =	simm.s32 @!p2 $0x0  }
0x16: {  	s3 =	sld [smem:$0x3FDB];
	s0 =	simm.s32 @p2 $0x1  }
0x17: {  	s4 =	simm.s32 $0x1BF5;
	[smem:$0x3FB4] =	sst s0  }
0x18: {  	s0 =	sld [smem:$0x3F97];
	_ =	swait.ge [sflag:s4], $0x0  }
0x19: {  	s7 =	sld [smem:$0x3F98]  }
0x1a: {  	s8 =	sadd.s32 $0xFFFFE003, lr  }
0x1b: {  	s9 =	sadd.s32 $0xFFFFFEF7, lr;
	s5 =	simm.s32 $0xFFFFFFFF;
	p2 =	slt.u32 s8, $0xFFFFF086  }
0x1c: {  	p1 =	slt.u32 s9, $0xF7A;
	s5 =	simm.s32 @!p2 $0x0  }
0x1d: {  	s5 =	simm.s32 @p1 $0x1;
	p0 =	seq.s32 s7, s2  }
0x1e: {  	s7 =	smul.u32 @!p0 $0xF7A, s2;
	p2 =	seq.s32 @!p0 s5, $0x0  }
0x1f: {  	s9 =	smul.u32 $0xF7A, s1;
	s8 =	simm.s32 @!p0 $0x1BF5;
	p2 =	por !p2, p0  }
0x20: {  	[sflag:s8] =	ssyncset.s32 @!p0 $0xFFFFF086;
	s6 =	sadd.s32 @!p0 s3, s7;
	s7 =	simm.s32 @!p0 $0x108  }
0x21: {  	s3 =	sadd.s32 s3, s9;
	s6 =	sadd.s32 @!p0 $0x88, s6;
	s7 =	simm.s32 @p2 $0x1082  }
0x22: {  	[simem:s7], [sflag:s8] =	dma.local @!p0 [hbm:s6], $0xF7A  }
0x23: {  	s9 =	sor.u32 $0xD0000000, s2;
	s6 =	simm.s32 $0x108;
	_ =	swait.ge @!p0 [sflag:s8], $0x0  }
0x24: {  	s3 =	sadd.s32 $0x88, s3;
	s6 =	simm.s32 @!p1 $0x1082;
	[sflag:s4] =	ssyncset.s32 $0xFFFFF086  }
0x25: {  	[simem:s6], [sflag:s4] =	dma.local [hbm:s3], $0xF7A  }
0x26: {  	[smem:$0x3F98] =	sst s1;
	(tag) =	ssettag s2;
	_ =	strace s9  }
0x27: {  	s1 =	sld [smem:$0x3FA8]  }
0x28: {  	s2 =	sld [smem:$0x3FA9]  }
0x29: {  	s4 =	sld [smem:$0x3FAB]  }
0x2a: {  	p0 =	seq.s32 s5, $0x0;
	s5 =	sld [smem:$0x3FAC]  }
0x2b: {  	s6 =	sld [smem:$0x3FAD]  }
0x2c: {  	s7 =	sld [smem:$0x3FAE]  }
0x2d: {  	s3 =	simm.s32 $0x108;
	s8 =	sld [smem:$0x3FAF]  }
0x2e: {  	s3 =	simm.s32 @!p0 $0x1082;
	s9 =	sld [smem:$0x3FB0]  }
0x2f: {  	lr =	sadd.s32 s0, s3;
	s0 =	sld [smem:$0x3FA7]  }
0x30: {  	s3 =	sld [smem:$0x3FAA]  }
0x31: {  	[smem:$0x3FB3] =	sst s10  }
0x32: {  	s10 =	sld [smem:$0x3FB1];
	_ =	sdelay $0x3  }
0x33: {  	p0 =	seq.s32 s10, $0x1;
	s10 =	sld [smem:$0x3FB3];
	_ =	sdelay $0x3  }
0x34: {  	[smem:$0x3FB3] =	sst s10  }
0x35: {  	s10 =	sld [smem:$0x3FB2];
	_ =	sdelay $0x3  }
0x36: {  	p1 =	seq.s32 s10, $0x1;
	s10 =	sld [smem:$0x3FB3];
	_ =	sdelay $0x3  }
0x37: {  	[smem:$0x3FB3] =	sst s10  }
0x38: {  	s10 =	sld [smem:$0x3FB4]  }
0x39: {  	_ = 	snop;
	(pc) =	sbr.ind lr, $3  }
0x3a: {  	_ = 	snop  }
0x3b: {  	_ = 	snop  }
0x3c: {  	p2 =	seq.s32 s10, $0x1;
	s10 =	sld [smem:$0x3FB3]  }
0x3d: {  	_ =	shalt  }
0x3e: {  	_ =	shalt  }
0x3f: {  	_ =	shalt  }
0x40: {  	_ =	shalt  }
0x41: {  	_ =	shalt  }
0x42: {  	_ =	shalt  }
0x43: {  	_ =	shalt  }
0x44: {  	_ =	shalt  }
0x45: {  	_ =	shalt  }
0x46: {  	_ =	shalt  }
0x47: {  	_ =	shalt  }
0x48: {  	_ =	shalt  }
0x49: {  	_ =	shalt  }
0x4a: {  	_ =	shalt  }
0x4b: {  	_ =	shalt  }
0x4c: {  	_ =	shalt  }
0x4d: {  	_ =	shalt  }
0x4e: {  	_ =	shalt  }
0x4f: {  	_ =	shalt  }
0x50: {  	_ =	shalt  }
0x51: {  	_ =	shalt  }
0x52: {  	_ =	shalt  }
0x53: {  	_ =	shalt  }
0x54: {  	_ =	shalt  }
0x55: {  	_ =	shalt  }
0x56: {  	_ =	shalt  }
0x57: {  	_ =	shalt  }
0x58: {  	_ =	shalt  }
0x59: {  	_ =	shalt  }
0x5a: {  	_ =	shalt  }
0x5b: {  	_ =	shalt  }
0x5c: {  	_ =	shalt  }
0x5d: {  	_ =	shalt  }
0x5e: {  	_ =	shalt  }
0x5f: {  	_ =	shalt  }
0x60: {  	_ =	shalt  }
0x61: {  	_ =	shalt  }
0x62: {  	_ =	shalt  }
0x63: {  	_ =	shalt  }
0x64: {  	_ =	shalt  }
0x65: {  	_ =	shalt  }
0x66: {  	_ =	shalt  }
0x67: {  	_ =	shalt  }
0x68: {  	_ =	shalt  }
0x69: {  	_ =	shalt  }
0x6a: {  	_ =	shalt  }
0x6b: {  	_ =	shalt  }
0x6c: {  	_ =	shalt  }
0x6d: {  	_ =	shalt  }
0x6e: {  	_ =	shalt  }
0x6f: {  	_ =	shalt  }
0x70: {  	_ =	shalt  }
0x71: {  	_ =	shalt  }
0x72: {  	_ =	shalt  }
0x73: {  	_ =	shalt  }
0x74: {  	_ =	shalt  }
0x75: {  	_ =	shalt  }
0x76: {  	_ =	shalt  }
0x77: {  	_ =	shalt  }
0x78: {  	_ =	shalt  }
0x79: {  	_ =	shalt  }
0x7a: {  	_ =	shalt  }
0x7b: {  	_ =	shalt  }
0x7c: {  	_ =	shalt  }
0x7d: {  	_ =	shalt  }
0x7e: {  	_ =	shalt  }
0x7f: {  	_ =	shalt  }
0x80: {  	_ =	shalt  }
0x81: {  	_ =	shalt  }
0x82: {  	_ =	shalt  }
0x83: {  	_ =	shalt  }
0x84: {  	_ =	shalt  }
0x85: {  	_ =	shalt  }
0x86: {  	_ =	shalt  }
0x87: {  	_ =	shalt  }
.Lfunc_end0:
.L_simem_size_0:
called_computation.6_lowered:
.L_overlay_start_0:
0x88: {  	s2 =	sld [smem:$0x3FD9]  }
0x89: {  	s3 =	sld [smem:$0x3FFE];
	_ =	sdelay $0x1  }
0x8a: {  	s1 =	srdreg.scid  }
0x8b: {  	s0 =	sand.u32 $0x1, s1  }
0x8c: {  	s17 =	sshll.u32 s0, $0xA;
	s2 =	sadd.s32 s3, s2  }
0x8d: {  	s2 =	sadd.s32 s2, s17  }
0x8e: {  	[smem:$0x3FBF] =	sst s2  }
0x8f: {  	_ = 	snop  }
0x90: {  	s18 =	sld [smem:$0x3FD0];
	(tm) =	ssettm $0x1  }
0x91: {  	s19 =	sld [smem:$0x3FFB];
	_ =	sdelay $0x3  }
0x92: {  	_ =	strace s19  }
0x93: {  	s2 =	sld [smem:$0x3FFC];
	_ =	sdelay $0x3  }
0x94: {  	_ =	strace s2  }
0x95: {  	s2 =	sld [smem:$0x3FFD];
	_ =	sdelay $0x3  }
0x96: {  	_ =	strace s2  }
0x97: {  	_ =	strace $0x8FFFFFFF  }
0x98: {  	s20 =	sld [smem:$0x3FDB];
	_ =	sdelay $0x1  }
0x99: {  	s4 =	simm.s32 $_scs_section_size  }
0x9a: {  	s5 =	simm.s32 $_size__tile_overlayer_lowered;
	s6 =	simm.s32 $_tile_overlayer_lowered  }
0x9b: {  	s7 =	simm.s32 $0x1BFF;
	s21 =	sshll.u32 s6, $0x1;
	s4 =	sadd.s32 s4, s20  }
0x9c: {  	s22 =	simm.s32 $0x0;
	s5 =	sshll.u32 s5, $0x1;
	s6 =	sadd.s32 s21, s4  }
0x9d: {  	[timem:s22], [sflag:s7] =	dma.local [hbm:s6], s5  }
0x9e: {  	_ =	swait.ge [sflag:s7], s5  }
0x9f: {  	s5 =	ssub.s32 $0x0, s5;
	[sflag:s7] =	ssyncset.done $0x0  }
0xa0: {  	[sflag:s7] =	ssyncadd.s32 s5;
	_ =	sdelay $0x1  }
0xa1: {  	s23 =	simm.s32 $0x1B8B  }
0xa2: {  	_ =	swait.ge [sflag:s23], $0x1  }
0xa3: {  	[sflag:s23] =	ssyncset.done $0x0  }
0xa4: {  	[sflag:s23] =	ssyncadd.s32 $0xFFFFFFFF  }
0xa5: {  	s5 =	sld [smem:$0x0]  }
0xa6: {  	s6 =	sand.u32 $0xFFFFFFFE, s1  }
0xa7: {  	p0 =	sne.s32 s1, s6  }
0xa8: {  	s6 =	sshll.u32 @p0 s6, $0xE  }
0xa9: {  	s6 =	sadd.s32 @p0 $0x11B8D, s6;
	s7 =	sshll.u32 @p0 s5, $0x11  }
0xaa: {  	s6 =	sor.u32 @p0 s7, s6  }
0xab: {  	[sflag:s6] =	ssyncadd.remote.s32 @p0 $0x1;
	_ =	sdelay $0x1  }
0xac: {  	s6 =	simm.s32 @p0 $0x1B8D  }
0xad: {  	_ =	swait.eq @p0 [sflag:s6], $0x1  }
0xae: {  	[sflag:s6] =	ssyncadd.s32 @p0 $0xFFFFFFFF  }
0xaf: {  	s7 =	sshll.u32 @!p0 s1, $0xE  }
0xb0: {  	s7 =	sor.u32 @!p0 $0x4000, s7;
	s6 =	simm.s32 @!p0 $0x1B8D  }
0xb1: {  	s5 =	sshll.u32 @!p0 s5, $0x11;
	s7 =	sadd.s32 @!p0 $0x11B8D, s7;
	_ =	swait.eq @!p0 [sflag:s6], $0x1  }
0xb2: {  	s5 =	sor.u32 @!p0 s5, s7;
	[sflag:s6] =	ssyncadd.s32 @!p0 $0xFFFFFFFF  }
0xb3: {  	s25 =	simm.s32 $0x1B8E;
	s24 =	sld [smem:$0x3FFE];
	[sflag:s5] =	ssyncadd.remote.s32 @!p0 $0x1  }
0xb4: {  	s26 =	simm.s32 $execute0_lowered;
	[smem:$0x3FD2] =	sst s25  }
0xb5: {  	s6 =	sshll.u32 s26, $0x1;
	_ =	strace $0x8000005B;
	[dreg:$0x1] =	wrdreg $0xFFFFFFFF  }
0xb6: {  	s28 =	simm.s32 $_size_execute0_lowered;
	s4 =	sadd.s32 s4, s6;
	[dreg:$0x0] =	wrdreg $0x0  }
0xb7: {  	s6 =	sshll.u32 s28, $0x1;
	[dreg:$0x2] =	wrdreg s4  }
0xb8: {  	[dreg:$0x3] =	wrdreg s6  }
0xb9: {  	[dreg:$0x4] =	wrdreg $0xC0  }
0xba: {  	_ =	task [dreg:s22], $0x5FFFF  }
0xbb: {  	[dreg:$0x1] =	wrdreg $0xFFFFFFFF  }
0xbc: {  	[dreg:$0x0] =	wrdreg $0x60  }
0xbd: {  	[dreg:$0x2] =	wrdreg s24  }
0xbe: {  	[dreg:$0x3] =	wrdreg s18  }
0xbf: {  	[dreg:$0x4] =	wrdreg $0xB8000  }
0xc0: {  	[dreg:$0x5] =	wrdreg $0xA  }
0xc1: {  	_ =	task.clear_ibuf [dreg:s22], $0x6FFFF;
	_ =	strace $0x9000005B  }
0xc2: {  	s29 =	simm.s32 $0xA;
	_ =	strace $0x8000005D  }
0xc3: {  	_ =	swait.ge [sflag:s29], $0x1  }
0xc4: {  	[sflag:s29] =	ssyncadd.s32 $0xFFFFFFFF  }
0xc5: {  	_ =	strace $0x9000005D  }
0xc6: {  	_ =	sfence  }
0xc7: {  	s30 =	sld [smem:$0x0];
	_ =	sdelay $0x2  }
0xc8: {  	s31 =	sshll.u32 s1, $0xD;
	s1 =	sshrl.u32 s1, $0x2  }
0xc9: {  	s4 =	sand.u32 $0x4000, s31;
	s1 =	sadd.s32 s1, s30  }
0xca: {  	s0 =	sor.u32 s4, s0;
	s1 =	sshll.u32 s1, $0x11  }
0xcb: {  	s0 =	sor.u32 s1, s0  }
0xcc: {  	s0 =	sadd.s32 $0x8F2B, s0  }
0xcd: {  	[sflag:s0] =	ssyncadd.remote.s32 $0x1  }
0xce: {  	_ =	sfence.sel $0xFFFF  }
0xcf: {  	[dreg:$0x0] =	wrdreg $0xFFFFFFFF;
	(pc) =	sbr.abs _section_cstart, $3  }
0xd0: {  	[dreg:$0x1] =	wrdreg $0xFFFFFFFF  }
0xd1: {  	_ =	task.clear_ibuf [dreg:s22], $0x2FFFF;
	_ =	strace $0x9FFFFFFF  }
0xd2: {  	(tm) =	ssettm $0x7FFFFFFF  }
0xd3: {  	_ =	shalt  }
tec
execute0_lowered:
.L_overlay_start_1:
0x0: {  	(tag) =	ssettag $0x1  }
0x1: {  	s0 =	rddreg [dreg:$0x0]  }
0x2: {  	s3 =	rddreg [dreg:$0x2];
	s4 =	simm.s32 $0x0;
	s2 =	stileid.u32  }
0x3: {  	s1 =	srdreg.scid;
	s22 =	simm.s32 $0x2;
	s24 =	simm.s32 $0x9800  }
0x4: {  	s25 =	simm.s32 $0x80;
	s28 =	simm.s32 $0x1;
	s6 =	smul.u32 $0x580, s2  }
0x5: {  	s29 =	simm.s32 $0x0;
	[smem:$0x7FF] =	sst s4;
	s8 =	smul.u32 $0x50000, s2  }
0x6: {  	s1 =	sand.u32 $0x1, s1;
	s5 =	sadd.s32 $0x2C7E00, s0;
	s11 =	smul.u32 $0x2800, s2  }
0x7: {  	_ =	strace $0x8000005C;
	s7 =	ssub.s32 $0x2, s1;
	s9 =	sadd.s32 s6, s0  }
0x8: {  	s6 =	sadd.s32 $0x3B2400, s0;
	s26 =	sshrl.u32 s7, $0x1;
	s10 =	sshrl.u32 s8, $0x2  }
0x9: {  	s0 =	ssub.s32 s7, s26;
	s30 =	sadd.s32 $0xEB4400, s9;
	s31 =	sadd.s32 $0x92FE00, s9  }
0xa: {  	s9 =	smul.u32 $0x3, s1;
	s10 =	sadd.s32 s10, s3;
	[dreg:$0x4] =	wrdreg s30  }
0xb: {  	s26 =	simm.s32 $0x5800;
	[dreg:$0x5] =	wrdreg s31;
	s12 =	smax.u32 s0, $0x1  }
0xc: {  	s13 =	sadd.s32 $0x2000, s10;
	s14 =	sadd.s32 $0x4000, s10;
	s15 =	sadd.s32 $0x6000, s10  }
0xd: {  	s16 =	sadd.s32 $0x8000, s10;
	s17 =	sadd.s32 $0xA000, s10;
	s18 =	sadd.s32 $0xC000, s10  }
0xe: {  	s19 =	sadd.s32 $0xE000, s10;
	s20 =	sadd.s32 $0x10000, s10;
	s21 =	sadd.s32 $0x12000, s10  }
.LBB2_1:
0xf: {  	s0 =	rddreg [dreg:$0x4]  }
0x10: {  	[tilespmem:s4], [sflag:$0x2] =	stream.linear.gather [hbm4b:s0+s4], $0x2A00, $0x38;
	[tilespmem:$0x1F800] =	vst v63  }
0x11: {  	_ =	swait.ge [sflag:s22], $0x2A00  }
0x12: {  	[sflag:s22] =	ssyncset.done $0x0  }
0x13: {  	s1 =	simm.s32 $0x2C00;
	s23 =	rddreg [dreg:$0x5];
	[sflag:s22] =	ssyncadd.s32 $0xFFFFD600  }
0x14: {  	[tilespmem:s1], [sflag:$0x2] =	stream.linear.gather [hbm4b:s23+s4], $0x2A00, $0x38;
	[tilespmem:$0x1F800] =	vst v63  }
0x15: {  	_ =	swait.ge [sflag:s22], $0x2A00  }
0x16: {  	[sflag:s22] =	ssyncset.done $0x0  }
0x17: {  	[sflag:s22] =	ssyncadd.s32 $0xFFFFD600  }
0x18: {  	s31 =	rddreg [dreg:$0x1]  }
0x19: {  	[tilespmem:s24], [sflag:$0x2] =	stream.linear.gather [hbm4b:s31+s4], $0x2000, $0x38;
	[tilespmem:$0x1F800] =	vst v63  }
0x1a: {  	_ =	swait.ge [sflag:s22], $0x2000  }
0x1b: {  	[sflag:s22] =	ssyncset.done $0x0  }
0x1c: {  	s30 =	simm.s32 $0x0;
	[sflag:s22] =	ssyncadd.s32 $0xFFFFE000  }
.LBB2_2:
0x1d: {  	[spmem:s10] =	stream.linear.scatter [tilespmem:s24], [sflag:$0x2], $0x2000, $0x38;
	[tilespmem:$0x1F800] =	vst v63  }
0x1e: {  	_ =	swait.ge [sflag:s22], $0x2000  }
0x1f: {  	[sflag:s22] =	ssyncset.done $0x0  }
0x20: {  	[sflag:s22] =	ssyncadd.s32 $0xFFFFE000  }
0x21: {  	[spmem:s13] =	stream.linear.scatter [tilespmem:s24], [sflag:$0x2], $0x2000, $0x38;
	[tilespmem:$0x1F800] =	vst v63  }
0x22: {  	_ =	swait.ge [sflag:s22], $0x2000  }
0x23: {  	[sflag:s22] =	ssyncset.done $0x0  }
0x24: {  	[sflag:s22] =	ssyncadd.s32 $0xFFFFE000  }
0x25: {  	[spmem:s14] =	stream.linear.scatter [tilespmem:s24], [sflag:$0x2], $0x2000, $0x38;
	[tilespmem:$0x1F800] =	vst v63  }
0x26: {  	_ =	swait.ge [sflag:s22], $0x2000  }
0x27: {  	[sflag:s22] =	ssyncset.done $0x0  }
0x28: {  	[sflag:s22] =	ssyncadd.s32 $0xFFFFE000  }
0x29: {  	[spmem:s15] =	stream.linear.scatter [tilespmem:s24], [sflag:$0x2], $0x2000, $0x38;
	[tilespmem:$0x1F800] =	vst v63  }
0x2a: {  	_ =	swait.ge [sflag:s22], $0x2000  }
0x2b: {  	[sflag:s22] =	ssyncset.done $0x0  }
0x2c: {  	[sflag:s22] =	ssyncadd.s32 $0xFFFFE000  }
0x2d: {  	[spmem:s16] =	stream.linear.scatter [tilespmem:s24], [sflag:$0x2], $0x2000, $0x38;
	[tilespmem:$0x1F800] =	vst v63  }
0x2e: {  	_ =	swait.ge [sflag:s22], $0x2000  }
0x2f: {  	[sflag:s22] =	ssyncset.done $0x0  }
0x30: {  	[sflag:s22] =	ssyncadd.s32 $0xFFFFE000  }
0x31: {  	[spmem:s17] =	stream.linear.scatter [tilespmem:s24], [sflag:$0x2], $0x2000, $0x38;
	[tilespmem:$0x1F800] =	vst v63  }
0x32: {  	_ =	swait.ge [sflag:s22], $0x2000  }
0x33: {  	[sflag:s22] =	ssyncset.done $0x0  }
0x34: {  	[sflag:s22] =	ssyncadd.s32 $0xFFFFE000  }
0x35: {  	[spmem:s18] =	stream.linear.scatter [tilespmem:s24], [sflag:$0x2], $0x2000, $0x38;
	[tilespmem:$0x1F800] =	vst v63  }
0x36: {  	_ =	swait.ge [sflag:s22], $0x2000  }
0x37: {  	[sflag:s22] =	ssyncset.done $0x0  }
0x38: {  	[sflag:s22] =	ssyncadd.s32 $0xFFFFE000  }
0x39: {  	[spmem:s19] =	stream.linear.scatter [tilespmem:s24], [sflag:$0x2], $0x2000, $0x38;
	[tilespmem:$0x1F800] =	vst v63  }
0x3a: {  	_ =	swait.ge [sflag:s22], $0x2000  }
0x3b: {  	[sflag:s22] =	ssyncset.done $0x0  }
0x3c: {  	[sflag:s22] =	ssyncadd.s32 $0xFFFFE000  }
0x3d: {  	[spmem:s20] =	stream.linear.scatter [tilespmem:s24], [sflag:$0x2], $0x2000, $0x38;
	[tilespmem:$0x1F800] =	vst v63  }
0x3e: {  	_ =	swait.ge [sflag:s22], $0x2000  }
0x3f: {  	[sflag:s22] =	ssyncset.done $0x0  }
0x40: {  	[sflag:s22] =	ssyncadd.s32 $0xFFFFE000  }
0x41: {  	[spmem:s21] =	stream.linear.scatter [tilespmem:s24], [sflag:$0x2], $0x2000, $0x38;
	[tilespmem:$0x1F800] =	vst v63  }
0x42: {  	s31 =	sadd.s32 s9, s30;
	_ =	swait.ge [sflag:s22], $0x2000  }
0x43: {  	s0 =	smul.u32 $0x27100, s31;
	[sflag:s22] =	ssyncset.done $0x0  }
0x44: {  	[sflag:s22] =	ssyncadd.s32 $0xFFFFE000  }
0x45: {  	s1 =	simm.s32 $0x0;
	s0 =	sadd.s32 s5, s0;
	[bflag:$0x0] =	sbarrier.arrive $0xFFFF  }
0x46: {  	[tilespmem:s26], [sflag:$0x1] =	stream.indirect.gather [hbm4b:s0+s25], $0x80, s1, s25, $0xb8;
	[tilespmem:$0x1F800] =	vst v63  }
0x47: {  	_ =	swait.ge [sflag:s28], $0x4000  }
0x48: {  	[sflag:s28] =	ssyncset.done $0x0  }
0x49: {  	s23 =	simm.s32 $0x2C00;
	[sflag:s28] =	ssyncadd.s32 $0xFFFFC000  }
0x4a: {  	[spmem:s3] =	stream.indirect.scatter.add.f32 [tilespmem:s26], [sflag:$0x2], $0x80, s23, s25, $0xb8;
	[tilespmem:$0x1F800] =	vst v63  }
0x4b: {  	_ =	swait.ge [sflag:s22], $0x4000  }
0x4c: {  	s1 =	simm.s32 $0x200;
	s23 =	simm.s32 $0x400;
	[sflag:s22] =	ssyncset.done $0x0  }
.LBB2_3:
0x4d: {  	s7 =	sshra.s32 s1, $0x2  }
0x4e: {  	[sflag:s22] =	ssyncadd.s32 $0xFFFFC000;
	s1 =	smov.u32 s23;
	s8 =	sadd.s32 $0x200, s23  }
0x4f: {  	[tilespmem:s26], [sflag:$0x1] =	stream.indirect.gather [hbm4b:s0+s25], $0x80, s7, s25, $0xb8;
	[tilespmem:$0x1F800] =	vst v63  }
0x50: {  	p0 =	sne.s32 s23, $0xA600;
	_ =	swait.ge [sflag:s28], $0x4000  }
.Ltmp0:
0x51: {  	[sflag:s28] =	ssyncset.done $0x0;
	(pc) =	sbr.rel @p0 .LBB2_3-.Ltmp0, $4  }
0x52: {  	s7 =	sadd.s32 $0x2C00, s7;
	[sflag:s28] =	ssyncadd.s32 $0xFFFFC000  }
0x53: {  	[spmem:s3] =	stream.indirect.scatter.add.f32 [tilespmem:s26], [sflag:$0x2], $0x80, s7, s25, $0xb8;
	[tilespmem:$0x1F800] =	vst v63  }
0x54: {  	_ =	swait.ge [sflag:s22], $0x4000  }
0x55: {  	s23 =	smov.u32 s8;
	[sflag:s22] =	ssyncset.done $0x0  }
0x56: {  	s1 =	sshra.s32 s1, $0x2;
	[sflag:s22] =	ssyncadd.s32 $0xFFFFC000  }
0x57: {  	[tilespmem:s26], [sflag:$0x1] =	stream.indirect.gather [hbm4b:s0+s25], $0x80, s1, s25, $0xb8;
	[tilespmem:$0x1F800] =	vst v63  }
0x58: {  	_ =	swait.ge [sflag:s28], $0x4000  }
0x59: {  	[sflag:s28] =	ssyncset.done $0x0  }
0x5a: {  	s8 =	sadd.s32 $0x2C00, s1;
	[sflag:s28] =	ssyncadd.s32 $0xFFFFC000  }
0x5b: {  	[spmem:s3] =	stream.indirect.scatter.add.f32 [tilespmem:s26], [sflag:$0x2], $0x80, s8, s25, $0xb8;
	[tilespmem:$0x1F800] =	vst v63  }
0x5c: {  	s23 =	smul.u32 $0x28000, s31;
	s31 =	sshll.u32 s2, $0x6;
	_ =	swait.ge [sflag:s22], $0x4000  }
0x5d: {  	s7 =	sshrl.u32 s10, $0x3;
	s30 =	sadd.s32 $0x1, s30;
	[sflag:s22] =	ssyncset.done $0x0  }
0x5e: {  	s1 =	sor.u32 $0x1C02, s31;
	s0 =	sadd.s32 s6, s23;
	[sflag:s22] =	ssyncadd.s32 $0xFFFFC000  }
0x5f: {  	p0 =	sne.s32 s30, $0x3;
	s0 =	sadd.s32 s11, s0;
	[bflag:$0x0] =	sbarrier.arrive $0xFFFF  }
0x60: {  	[hbm:s0], [sflag:s1] =	dma.local [spmem:s7], $0x2800  }
.Ltmp1:
0x61: {  	_ =	swait.ge [sflag:s22], $0x2800;
	(pc) =	sbr.rel @p0 .LBB2_2-.Ltmp1, $3  }
0x62: {  	[sflag:s22] =	ssyncset.done $0x0  }
0x63: {  	[sflag:s22] =	ssyncadd.s32 $0xFFFFD800  }
0x64: {  	[bflag:$0x0] =	sbarrier.arrive $0xFFFF;
	_ =	sdelay $0x1  }
0x65: {  	s29 =	sadd.s32 $0x1, s29  }
0x66: {  	p0 =	sne.s32 s29, s12  }
.Ltmp2:
0x67: {  	_ = 	snop;
	(pc) =	sbr.rel @p0 .LBB2_1-.Ltmp2, $1  }
0x68: {  	_ =	sdelay $0x3  }
0x69: {  	_ =	sfence.sel $0x180000  }
0x6a: {  	[bflag:$0x0] =	sbarrier.arrive $0xFFFF  }
0x6b: {  	_ =	strace $0x9000005C  }
0x6c: {  	[bflag:$0x2] =	sbarrier.arrive $0xFFFF  }
0x6d: {  	p0 =	sne.s32 s2, $0x0;
	s0 =	rddreg [dreg:$0x3]  }
0x6e: {  	s0 =	sadd.s32 @!p0 $0x100000, s0  }
0x6f: {  	[sflag:s0] =	ssyncadd.tile.s32 @!p0 $0x1;
	_ =	shalt  }
.Lfunc_end2:
_tile_overlayer_lowered:
.L_overlay_start_2:
0x70: {  	(tag) =	ssettag $0x2  }
0x71: {  	s0 =	rddreg [dreg:$0x0];
	s2 =	stileid.u32  }
0x72: {  	s1 =	rddreg [dreg:$0x1];
	p0 =	sne.s32 s2, $0x0  }
0x73: {  	s3 =	rddreg [dreg:$0x2];
	[bflag:$0x3] =	sbarrier.arrive $0xFFFF;
	s2 =	simm.s32 @!p0 $0x1C02  }
0x74: {  	[timem:s3], [sflag:s2] =	dma.local @!p0 [hbm:s0], s1  }
0x75: {  	s0 =	simm.s32 @!p0 $0x2  }
0x76: {  	_ =	swait.ge @!p0 [sflag:s0], s1  }
0x77: {  	s1 =	ssub.s32 @!p0 $0x0, s1;
	[sflag:s0] =	ssyncset.done @!p0 $0x0  }
0x78: {  	[sflag:s0] =	ssyncadd.s32 @!p0 s1  }
0x79: {  	[bflag:$0x3] =	sbarrier.arrive $0xFFFF  }
0x7a: {  	_ =	shalt  }

// kernel: kernel.24.cloned.1.call-start
scs
__scs_entry_jumppad:
0x0: {  	(pc) =	sbr.rel $0x88, $3  }
0x1: {  	(tag) =	ssettag $0x0;
	lr =	simm.s32 $0x1  }
0x2: {  	[smem:$0x3F98] =	sst lr;
	_ =	strace $0xD0000000  }
0x3: {  	_ = 	snop  }
0x4: {  	_ = 	snop  }
0x5: {  	_ = 	snop  }
0x6: {  	_ = 	snop  }
0x7: {  	_ = 	snop  }
__scs_overlays_trampoline_lowered:
0x8: {  	[smem:$0x3FA7] =	sst s0  }
0x9: {  	[smem:$0x3FA8] =	sst s1  }
0xa: {  	[smem:$0x3FA9] =	sst s2  }
0xb: {  	[smem:$0x3FAA] =	sst s3  }
0xc: {  	[smem:$0x3FAB] =	sst s4  }
0xd: {  	[smem:$0x3FAC] =	sst s5  }
0xe: {  	[smem:$0x3FAD] =	sst s6  }
0xf: {  	[smem:$0x3FAE] =	sst s7  }
0x10: {  	[smem:$0x3FAF] =	sst s8  }
0x11: {  	[smem:$0x3FB0] =	sst s9;
	s0 =	simm.s32 @!p0 $0x0  }
0x12: {  	s1 =	sld [smem:$0x3F96];
	s0 =	simm.s32 @p0 $0x1  }
0x13: {  	[smem:$0x3FB1] =	sst s0;
	s0 =	simm.s32 @!p1 $0x0  }
0x14: {  	s2 =	sld [smem:$0x3F95];
	s0 =	simm.s32 @p1 $0x1  }
0x15: {  	[smem:$0x3FB2] =	sst s0;
	s0 =	simm.s32 @!p2 $0x0  }
0x16: {  	s3 =	sld [smem:$0x3FDB];
	s0 =	simm.s32 @p2 $0x1  }
0x17: {  	s4 =	simm.s32 $0x1BF5;
	[smem:$0x3FB4] =	sst s0  }
0x18: {  	s0 =	sld [smem:$0x3F97];
	_ =	swait.ge [sflag:s4], $0x0  }
0x19: {  	s7 =	sld [smem:$0x3F98]  }
0x1a: {  	s8 =	sadd.s32 $0xFFFFE003, lr  }
0x1b: {  	s9 =	sadd.s32 $0xFFFFFEF7, lr;
	s5 =	simm.s32 $0xFFFFFFFF;
	p2 =	slt.u32 s8, $0xFFFFF086  }
0x1c: {  	p1 =	slt.u32 s9, $0xF7A;
	s5 =	simm.s32 @!p2 $0x0  }
0x1d: {  	s5 =	simm.s32 @p1 $0x1;
	p0 =	seq.s32 s7, s2  }
0x1e: {  	s7 =	smul.u32 @!p0 $0xF7A, s2;
	p2 =	seq.s32 @!p0 s5, $0x0  }
0x1f: {  	s9 =	smul.u32 $0xF7A, s1;
	s8 =	simm.s32 @!p0 $0x1BF5;
	p2 =	por !p2, p0  }
0x20: {  	[sflag:s8] =	ssyncset.s32 @!p0 $0xFFFFF086;
	s6 =	sadd.s32 @!p0 s3, s7;
	s7 =	simm.s32 @!p0 $0x108  }
0x21: {  	s3 =	sadd.s32 s3, s9;
	s6 =	sadd.s32 @!p0 $0x88, s6;
	s7 =	simm.s32 @p2 $0x1082  }
0x22: {  	[simem:s7], [sflag:s8] =	dma.local @!p0 [hbm:s6], $0xF7A  }
0x23: {  	s9 =	sor.u32 $0xD0000000, s2;
	s6 =	simm.s32 $0x108;
	_ =	swait.ge @!p0 [sflag:s8], $0x0  }
0x24: {  	s3 =	sadd.s32 $0x88, s3;
	s6 =	simm.s32 @!p1 $0x1082;
	[sflag:s4] =	ssyncset.s32 $0xFFFFF086  }
0x25: {  	[simem:s6], [sflag:s4] =	dma.local [hbm:s3], $0xF7A  }
0x26: {  	[smem:$0x3F98] =	sst s1;
	(tag) =	ssettag s2;
	_ =	strace s9  }
0x27: {  	s1 =	sld [smem:$0x3FA8]  }
0x28: {  	s2 =	sld [smem:$0x3FA9]  }
0x29: {  	s4 =	sld [smem:$0x3FAB]  }
0x2a: {  	p0 =	seq.s32 s5, $0x0;
	s5 =	sld [smem:$0x3FAC]  }
0x2b: {  	s6 =	sld [smem:$0x3FAD]  }
0x2c: {  	s7 =	sld [smem:$0x3FAE]  }
0x2d: {  	s3 =	simm.s32 $0x108;
	s8 =	sld [smem:$0x3FAF]  }
0x2e: {  	s3 =	simm.s32 @!p0 $0x1082;
	s9 =	sld [smem:$0x3FB0]  }
0x2f: {  	lr =	sadd.s32 s0, s3;
	s0 =	sld [smem:$0x3FA7]  }
0x30: {  	s3 =	sld [smem:$0x3FAA]  }
0x31: {  	[smem:$0x3FB3] =	sst s10  }
0x32: {  	s10 =	sld [smem:$0x3FB1];
	_ =	sdelay $0x3  }
0x33: {  	p0 =	seq.s32 s10, $0x1;
	s10 =	sld [smem:$0x3FB3];
	_ =	sdelay $0x3  }
0x34: {  	[smem:$0x3FB3] =	sst s10  }
0x35: {  	s10 =	sld [smem:$0x3FB2];
	_ =	sdelay $0x3  }
0x36: {  	p1 =	seq.s32 s10, $0x1;
	s10 =	sld [smem:$0x3FB3];
	_ =	sdelay $0x3  }
0x37: {  	[smem:$0x3FB3] =	sst s10  }
0x38: {  	s10 =	sld [smem:$0x3FB4]  }
0x39: {  	_ = 	snop;
	(pc) =	sbr.ind lr, $3  }
0x3a: {  	_ = 	snop  }
0x3b: {  	_ = 	snop  }
0x3c: {  	p2 =	seq.s32 s10, $0x1;
	s10 =	sld [smem:$0x3FB3]  }
0x3d: {  	_ =	shalt  }
0x3e: {  	_ =	shalt  }
0x3f: {  	_ =	shalt  }
0x40: {  	_ =	shalt  }
0x41: {  	_ =	shalt  }
0x42: {  	_ =	shalt  }
0x43: {  	_ =	shalt  }
0x44: {  	_ =	shalt  }
0x45: {  	_ =	shalt  }
0x46: {  	_ =	shalt  }
0x47: {  	_ =	shalt  }
0x48: {  	_ =	shalt  }
0x49: {  	_ =	shalt  }
0x4a: {  	_ =	shalt  }
0x4b: {  	_ =	shalt  }
0x4c: {  	_ =	shalt  }
0x4d: {  	_ =	shalt  }
0x4e: {  	_ =	shalt  }
0x4f: {  	_ =	shalt  }
0x50: {  	_ =	shalt  }
0x51: {  	_ =	shalt  }
0x52: {  	_ =	shalt  }
0x53: {  	_ =	shalt  }
0x54: {  	_ =	shalt  }
0x55: {  	_ =	shalt  }
0x56: {  	_ =	shalt  }
0x57: {  	_ =	shalt  }
0x58: {  	_ =	shalt  }
0x59: {  	_ =	shalt  }
0x5a: {  	_ =	shalt  }
0x5b: {  	_ =	shalt  }
0x5c: {  	_ =	shalt  }
0x5d: {  	_ =	shalt  }
0x5e: {  	_ =	shalt  }
0x5f: {  	_ =	shalt  }
0x60: {  	_ =	shalt  }
0x61: {  	_ =	shalt  }
0x62: {  	_ =	shalt  }
0x63: {  	_ =	shalt  }
0x64: {  	_ =	shalt  }
0x65: {  	_ =	shalt  }
0x66: {  	_ =	shalt  }
0x67: {  	_ =	shalt  }
0x68: {  	_ =	shalt  }
0x69: {  	_ =	shalt  }
0x6a: {  	_ =	shalt  }
0x6b: {  	_ =	shalt  }
0x6c: {  	_ =	shalt  }
0x6d: {  	_ =	shalt  }
0x6e: {  	_ =	shalt  }
0x6f: {  	_ =	shalt  }
0x70: {  	_ =	shalt  }
0x71: {  	_ =	shalt  }
0x72: {  	_ =	shalt  }
0x73: {  	_ =	shalt  }
0x74: {  	_ =	shalt  }
0x75: {  	_ =	shalt  }
0x76: {  	_ =	shalt  }
0x77: {  	_ =	shalt  }
0x78: {  	_ =	shalt  }
0x79: {  	_ =	shalt  }
0x7a: {  	_ =	shalt  }
0x7b: {  	_ =	shalt  }
0x7c: {  	_ =	shalt  }
0x7d: {  	_ =	shalt  }
0x7e: {  	_ =	shalt  }
0x7f: {  	_ =	shalt  }
0x80: {  	_ =	shalt  }
0x81: {  	_ =	shalt  }
0x82: {  	_ =	shalt  }
0x83: {  	_ =	shalt  }
0x84: {  	_ =	shalt  }
0x85: {  	_ =	shalt  }
0x86: {  	_ =	shalt  }
0x87: {  	_ =	shalt  }
.Lfunc_end0:
.L_simem_size_0:
called_computation.7_lowered:
.L_overlay_start_0:
0x88: {  	s2 =	sld [smem:$0x3FD9]  }
0x89: {  	s3 =	sld [smem:$0x3FFE];
	_ =	sdelay $0x1  }
0x8a: {  	s1 =	srdreg.scid  }
0x8b: {  	s0 =	sand.u32 $0x1, s1  }
0x8c: {  	s17 =	sshll.u32 s0, $0xA;
	s2 =	sadd.s32 s3, s2  }
0x8d: {  	s2 =	sadd.s32 s2, s17  }
0x8e: {  	[smem:$0x3FBF] =	sst s2  }
0x8f: {  	_ = 	snop  }
0x90: {  	s18 =	sld [smem:$0x3FD0];
	(tm) =	ssettm $0x1  }
0x91: {  	s19 =	sld [smem:$0x3FFB];
	_ =	sdelay $0x3  }
0x92: {  	_ =	strace s19  }
0x93: {  	s2 =	sld [smem:$0x3FFC];
	_ =	sdelay $0x3  }
0x94: {  	_ =	strace s2  }
0x95: {  	s2 =	sld [smem:$0x3FFD];
	_ =	sdelay $0x3  }
0x96: {  	_ =	strace s2  }
0x97: {  	_ =	strace $0x8FFFFFFF  }
0x98: {  	s20 =	sld [smem:$0x3FDB];
	_ =	sdelay $0x1  }
0x99: {  	s4 =	simm.s32 $_scs_section_size  }
0x9a: {  	s5 =	simm.s32 $_size__tile_overlayer_lowered;
	s6 =	simm.s32 $_tile_overlayer_lowered  }
0x9b: {  	s7 =	simm.s32 $0x1BFF;
	s21 =	sshll.u32 s6, $0x1;
	s4 =	sadd.s32 s4, s20  }
0x9c: {  	s22 =	simm.s32 $0x0;
	s5 =	sshll.u32 s5, $0x1;
	s6 =	sadd.s32 s21, s4  }
0x9d: {  	[timem:s22], [sflag:s7] =	dma.local [hbm:s6], s5  }
0x9e: {  	_ =	swait.ge [sflag:s7], s5  }
0x9f: {  	s5 =	ssub.s32 $0x0, s5;
	[sflag:s7] =	ssyncset.done $0x0  }
0xa0: {  	[sflag:s7] =	ssyncadd.s32 s5;
	_ =	sdelay $0x1  }
0xa1: {  	s23 =	simm.s32 $0x1B8B  }
0xa2: {  	_ =	swait.ge [sflag:s23], $0x1  }
0xa3: {  	[sflag:s23] =	ssyncset.done $0x0  }
0xa4: {  	[sflag:s23] =	ssyncadd.s32 $0xFFFFFFFF  }
0xa5: {  	s5 =	sld [smem:$0x0]  }
0xa6: {  	s6 =	sand.u32 $0xFFFFFFFE, s1  }
0xa7: {  	p0 =	sne.s32 s1, s6  }
0xa8: {  	s6 =	sshll.u32 @p0 s6, $0xE  }
0xa9: {  	s6 =	sadd.s32 @p0 $0x11B8D, s6;
	s7 =	sshll.u32 @p0 s5, $0x11  }
0xaa: {  	s6 =	sor.u32 @p0 s7, s6  }
0xab: {  	[sflag:s6] =	ssyncadd.remote.s32 @p0 $0x1;
	_ =	sdelay $0x1  }
0xac: {  	s6 =	simm.s32 @p0 $0x1B8D  }
0xad: {  	_ =	swait.eq @p0 [sflag:s6], $0x1  }
0xae: {  	[sflag:s6] =	ssyncadd.s32 @p0 $0xFFFFFFFF  }
0xaf: {  	s7 =	sshll.u32 @!p0 s1, $0xE  }
0xb0: {  	s7 =	sor.u32 @!p0 $0x4000, s7;
	s6 =	simm.s32 @!p0 $0x1B8D  }
0xb1: {  	s5 =	sshll.u32 @!p0 s5, $0x11;
	s7 =	sadd.s32 @!p0 $0x11B8D, s7;
	_ =	swait.eq @!p0 [sflag:s6], $0x1  }
0xb2: {  	s5 =	sor.u32 @!p0 s5, s7;
	[sflag:s6] =	ssyncadd.s32 @!p0 $0xFFFFFFFF  }
0xb3: {  	s25 =	simm.s32 $0x1B8E;
	s24 =	sld [smem:$0x3FFE];
	[sflag:s5] =	ssyncadd.remote.s32 @!p0 $0x1  }
0xb4: {  	s26 =	simm.s32 $execute0_lowered;
	[smem:$0x3FD2] =	sst s25  }
0xb5: {  	s6 =	sshll.u32 s26, $0x1;
	_ =	strace $0x80000058;
	[dreg:$0x1] =	wrdreg $0xFFFFFFFF  }
0xb6: {  	s28 =	simm.s32 $_size_execute0_lowered;
	s4 =	sadd.s32 s4, s6;
	[dreg:$0x0] =	wrdreg $0x0  }
0xb7: {  	s6 =	sshll.u32 s28, $0x1;
	[dreg:$0x2] =	wrdreg s4  }
0xb8: {  	[dreg:$0x3] =	wrdreg s6  }
0xb9: {  	[dreg:$0x4] =	wrdreg $0xC0  }
0xba: {  	_ =	task [dreg:s22], $0x5FFFF  }
0xbb: {  	[dreg:$0x1] =	wrdreg $0xFFFFFFFF  }
0xbc: {  	[dreg:$0x0] =	wrdreg $0x60  }
0xbd: {  	[dreg:$0x2] =	wrdreg s24  }
0xbe: {  	[dreg:$0x3] =	wrdreg s18  }
0xbf: {  	[dreg:$0x4] =	wrdreg $0xB8000  }
0xc0: {  	[dreg:$0x5] =	wrdreg $0xC  }
0xc1: {  	_ =	task.clear_ibuf [dreg:s22], $0x6FFFF;
	_ =	strace $0x90000058  }
0xc2: {  	s29 =	simm.s32 $0xC;
	_ =	strace $0x8000005A  }
0xc3: {  	_ =	swait.ge [sflag:s29], $0x1  }
0xc4: {  	[sflag:s29] =	ssyncadd.s32 $0xFFFFFFFF  }
0xc5: {  	_ =	strace $0x9000005A  }
0xc6: {  	_ =	sfence  }
0xc7: {  	s30 =	sld [smem:$0x0];
	_ =	sdelay $0x2  }
0xc8: {  	s31 =	sshll.u32 s1, $0xD;
	s1 =	sshrl.u32 s1, $0x2  }
0xc9: {  	s4 =	sand.u32 $0x4000, s31;
	s1 =	sadd.s32 s1, s30  }
0xca: {  	s0 =	sor.u32 s4, s0;
	s1 =	sshll.u32 s1, $0x11  }
0xcb: {  	s0 =	sor.u32 s1, s0  }
0xcc: {  	s0 =	sadd.s32 $0x8F2B, s0  }
0xcd: {  	[sflag:s0] =	ssyncadd.remote.s32 $0x1  }
0xce: {  	_ =	sfence.sel $0xFFFF  }
0xcf: {  	[dreg:$0x0] =	wrdreg $0xFFFFFFFF;
	(pc) =	sbr.abs _section_cstart, $3  }
0xd0: {  	[dreg:$0x1] =	wrdreg $0xFFFFFFFF  }
0xd1: {  	_ =	task.clear_ibuf [dreg:s22], $0x2FFFF;
	_ =	strace $0x9FFFFFFF  }
0xd2: {  	(tm) =	ssettm $0x7FFFFFFF  }
0xd3: {  	_ =	shalt  }
tec
execute0_lowered:
.L_overlay_start_1:
0x0: {  	(tag) =	ssettag $0x1  }
0x1: {  	s0 =	rddreg [dreg:$0x0]  }
0x2: {  	s3 =	rddreg [dreg:$0x2];
	s4 =	simm.s32 $0x0;
	s2 =	stileid.u32  }
0x3: {  	s1 =	srdreg.scid;
	s22 =	simm.s32 $0x2;
	s24 =	simm.s32 $0x9800  }
0x4: {  	s25 =	simm.s32 $0x80;
	s28 =	simm.s32 $0x1;
	s6 =	smul.u32 $0x580, s2  }
0x5: {  	s29 =	simm.s32 $0x0;
	[smem:$0x7FF] =	sst s4;
	s8 =	smul.u32 $0x50000, s2  }
0x6: {  	s1 =	sand.u32 $0x1, s1;
	s5 =	sadd.s32 $0x840800, s0;
	s11 =	smul.u32 $0x2800, s2  }
0x7: {  	_ =	strace $0x80000059;
	s7 =	ssub.s32 $0x2, s1;
	s9 =	sadd.s32 s6, s0  }
0x8: {  	s6 =	sadd.s32 $0x935600, s0;
	s26 =	sshrl.u32 s7, $0x1;
	s10 =	sshrl.u32 s8, $0x2  }
0x9: {  	s0 =	ssub.s32 s7, s26;
	s30 =	sadd.s32 $0xEB4400, s9;
	s31 =	sadd.s32 $0x92FE00, s9  }
0xa: {  	s9 =	smul.u32 $0x3, s1;
	s10 =	sadd.s32 s10, s3;
	[dreg:$0x4] =	wrdreg s30  }
0xb: {  	s26 =	simm.s32 $0x5800;
	[dreg:$0x5] =	wrdreg s31;
	s12 =	smax.u32 s0, $0x1  }
0xc: {  	s13 =	sadd.s32 $0x2000, s10;
	s14 =	sadd.s32 $0x4000, s10;
	s15 =	sadd.s32 $0x6000, s10  }
0xd: {  	s16 =	sadd.s32 $0x8000, s10;
	s17 =	sadd.s32 $0xA000, s10;
	s18 =	sadd.s32 $0xC000, s10  }
0xe: {  	s19 =	sadd.s32 $0xE000, s10;
	s20 =	sadd.s32 $0x10000, s10;
	s21 =	sadd.s32 $0x12000, s10  }
.LBB2_1:
0xf: {  	s0 =	rddreg [dreg:$0x4]  }
0x10: {  	[tilespmem:s4], [sflag:$0x2] =	stream.linear.gather [hbm4b:s0+s4], $0x2A00, $0x38;
	[tilespmem:$0x1F800] =	vst v63  }
0x11: {  	_ =	swait.ge [sflag:s22], $0x2A00  }
0x12: {  	[sflag:s22] =	ssyncset.done $0x0  }
0x13: {  	s1 =	simm.s32 $0x2C00;
	s23 =	rddreg [dreg:$0x5];
	[sflag:s22] =	ssyncadd.s32 $0xFFFFD600  }
0x14: {  	[tilespmem:s1], [sflag:$0x2] =	stream.linear.gather [hbm4b:s23+s4], $0x2A00, $0x38;
	[tilespmem:$0x1F800] =	vst v63  }
0x15: {  	_ =	swait.ge [sflag:s22], $0x2A00  }
0x16: {  	[sflag:s22] =	ssyncset.done $0x0  }
0x17: {  	[sflag:s22] =	ssyncadd.s32 $0xFFFFD600  }
0x18: {  	s31 =	rddreg [dreg:$0x1]  }
0x19: {  	[tilespmem:s24], [sflag:$0x2] =	stream.linear.gather [hbm4b:s31+s4], $0x2000, $0x38;
	[tilespmem:$0x1F800] =	vst v63  }
0x1a: {  	_ =	swait.ge [sflag:s22], $0x2000  }
0x1b: {  	[sflag:s22] =	ssyncset.done $0x0  }
0x1c: {  	s30 =	simm.s32 $0x0;
	[sflag:s22] =	ssyncadd.s32 $0xFFFFE000  }
.LBB2_2:
0x1d: {  	[spmem:s10] =	stream.linear.scatter [tilespmem:s24], [sflag:$0x2], $0x2000, $0x38;
	[tilespmem:$0x1F800] =	vst v63  }
0x1e: {  	_ =	swait.ge [sflag:s22], $0x2000  }
0x1f: {  	[sflag:s22] =	ssyncset.done $0x0  }
0x20: {  	[sflag:s22] =	ssyncadd.s32 $0xFFFFE000  }
0x21: {  	[spmem:s13] =	stream.linear.scatter [tilespmem:s24], [sflag:$0x2], $0x2000, $0x38;
	[tilespmem:$0x1F800] =	vst v63  }
0x22: {  	_ =	swait.ge [sflag:s22], $0x2000  }
0x23: {  	[sflag:s22] =	ssyncset.done $0x0  }
0x24: {  	[sflag:s22] =	ssyncadd.s32 $0xFFFFE000  }
0x25: {  	[spmem:s14] =	stream.linear.scatter [tilespmem:s24], [sflag:$0x2], $0x2000, $0x38;
	[tilespmem:$0x1F800] =	vst v63  }
0x26: {  	_ =	swait.ge [sflag:s22], $0x2000  }
0x27: {  	[sflag:s22] =	ssyncset.done $0x0  }
0x28: {  	[sflag:s22] =	ssyncadd.s32 $0xFFFFE000  }
0x29: {  	[spmem:s15] =	stream.linear.scatter [tilespmem:s24], [sflag:$0x2], $0x2000, $0x38;
	[tilespmem:$0x1F800] =	vst v63  }
0x2a: {  	_ =	swait.ge [sflag:s22], $0x2000  }
0x2b: {  	[sflag:s22] =	ssyncset.done $0x0  }
0x2c: {  	[sflag:s22] =	ssyncadd.s32 $0xFFFFE000  }
0x2d: {  	[spmem:s16] =	stream.linear.scatter [tilespmem:s24], [sflag:$0x2], $0x2000, $0x38;
	[tilespmem:$0x1F800] =	vst v63  }
0x2e: {  	_ =	swait.ge [sflag:s22], $0x2000  }
0x2f: {  	[sflag:s22] =	ssyncset.done $0x0  }
0x30: {  	[sflag:s22] =	ssyncadd.s32 $0xFFFFE000  }
0x31: {  	[spmem:s17] =	stream.linear.scatter [tilespmem:s24], [sflag:$0x2], $0x2000, $0x38;
	[tilespmem:$0x1F800] =	vst v63  }
0x32: {  	_ =	swait.ge [sflag:s22], $0x2000  }
0x33: {  	[sflag:s22] =	ssyncset.done $0x0  }
0x34: {  	[sflag:s22] =	ssyncadd.s32 $0xFFFFE000  }
0x35: {  	[spmem:s18] =	stream.linear.scatter [tilespmem:s24], [sflag:$0x2], $0x2000, $0x38;
	[tilespmem:$0x1F800] =	vst v63  }
0x36: {  	_ =	swait.ge [sflag:s22], $0x2000  }
0x37: {  	[sflag:s22] =	ssyncset.done $0x0  }
0x38: {  	[sflag:s22] =	ssyncadd.s32 $0xFFFFE000  }
0x39: {  	[spmem:s19] =	stream.linear.scatter [tilespmem:s24], [sflag:$0x2], $0x2000, $0x38;
	[tilespmem:$0x1F800] =	vst v63  }
0x3a: {  	_ =	swait.ge [sflag:s22], $0x2000  }
0x3b: {  	[sflag:s22] =	ssyncset.done $0x0  }
0x3c: {  	[sflag:s22] =	ssyncadd.s32 $0xFFFFE000  }
0x3d: {  	[spmem:s20] =	stream.linear.scatter [tilespmem:s24], [sflag:$0x2], $0x2000, $0x38;
	[tilespmem:$0x1F800] =	vst v63  }
0x3e: {  	_ =	swait.ge [sflag:s22], $0x2000  }
0x3f: {  	[sflag:s22] =	ssyncset.done $0x0  }
0x40: {  	[sflag:s22] =	ssyncadd.s32 $0xFFFFE000  }
0x41: {  	[spmem:s21] =	stream.linear.scatter [tilespmem:s24], [sflag:$0x2], $0x2000, $0x38;
	[tilespmem:$0x1F800] =	vst v63  }
0x42: {  	s31 =	sadd.s32 s9, s30;
	_ =	swait.ge [sflag:s22], $0x2000  }
0x43: {  	s0 =	smul.u32 $0x27100, s31;
	[sflag:s22] =	ssyncset.done $0x0  }
0x44: {  	[sflag:s22] =	ssyncadd.s32 $0xFFFFE000  }
0x45: {  	s1 =	simm.s32 $0x0;
	s0 =	sadd.s32 s5, s0;
	[bflag:$0x0] =	sbarrier.arrive $0xFFFF  }
0x46: {  	[tilespmem:s26], [sflag:$0x1] =	stream.indirect.gather [hbm4b:s0+s25], $0x80, s1, s25, $0xb8;
	[tilespmem:$0x1F800] =	vst v63  }
0x47: {  	_ =	swait.ge [sflag:s28], $0x4000  }
0x48: {  	[sflag:s28] =	ssyncset.done $0x0  }
0x49: {  	s23 =	simm.s32 $0x2C00;
	[sflag:s28] =	ssyncadd.s32 $0xFFFFC000  }
0x4a: {  	[spmem:s3] =	stream.indirect.scatter.add.f32 [tilespmem:s26], [sflag:$0x2], $0x80, s23, s25, $0xb8;
	[tilespmem:$0x1F800] =	vst v63  }
0x4b: {  	_ =	swait.ge [sflag:s22], $0x4000  }
0x4c: {  	s1 =	simm.s32 $0x200;
	s23 =	simm.s32 $0x400;
	[sflag:s22] =	ssyncset.done $0x0  }
.LBB2_3:
0x4d: {  	s7 =	sshra.s32 s1, $0x2  }
0x4e: {  	[sflag:s22] =	ssyncadd.s32 $0xFFFFC000;
	s1 =	smov.u32 s23;
	s8 =	sadd.s32 $0x200, s23  }
0x4f: {  	[tilespmem:s26], [sflag:$0x1] =	stream.indirect.gather [hbm4b:s0+s25], $0x80, s7, s25, $0xb8;
	[tilespmem:$0x1F800] =	vst v63  }
0x50: {  	p0 =	sne.s32 s23, $0xA600;
	_ =	swait.ge [sflag:s28], $0x4000  }
.Ltmp0:
0x51: {  	[sflag:s28] =	ssyncset.done $0x0;
	(pc) =	sbr.rel @p0 .LBB2_3-.Ltmp0, $4  }
0x52: {  	s7 =	sadd.s32 $0x2C00, s7;
	[sflag:s28] =	ssyncadd.s32 $0xFFFFC000  }
0x53: {  	[spmem:s3] =	stream.indirect.scatter.add.f32 [tilespmem:s26], [sflag:$0x2], $0x80, s7, s25, $0xb8;
	[tilespmem:$0x1F800] =	vst v63  }
0x54: {  	_ =	swait.ge [sflag:s22], $0x4000  }
0x55: {  	s23 =	smov.u32 s8;
	[sflag:s22] =	ssyncset.done $0x0  }
0x56: {  	s1 =	sshra.s32 s1, $0x2;
	[sflag:s22] =	ssyncadd.s32 $0xFFFFC000  }
0x57: {  	[tilespmem:s26], [sflag:$0x1] =	stream.indirect.gather [hbm4b:s0+s25], $0x80, s1, s25, $0xb8;
	[tilespmem:$0x1F800] =	vst v63  }
0x58: {  	_ =	swait.ge [sflag:s28], $0x4000  }
0x59: {  	[sflag:s28] =	ssyncset.done $0x0  }
0x5a: {  	s8 =	sadd.s32 $0x2C00, s1;
	[sflag:s28] =	ssyncadd.s32 $0xFFFFC000  }
0x5b: {  	[spmem:s3] =	stream.indirect.scatter.add.f32 [tilespmem:s26], [sflag:$0x2], $0x80, s8, s25, $0xb8;
	[tilespmem:$0x1F800] =	vst v63  }
0x5c: {  	s23 =	smul.u32 $0x28000, s31;
	s31 =	sshll.u32 s2, $0x6;
	_ =	swait.ge [sflag:s22], $0x4000  }
0x5d: {  	s7 =	sshrl.u32 s10, $0x3;
	s30 =	sadd.s32 $0x1, s30;
	[sflag:s22] =	ssyncset.done $0x0  }
0x5e: {  	s1 =	sor.u32 $0x1C02, s31;
	s0 =	sadd.s32 s6, s23;
	[sflag:s22] =	ssyncadd.s32 $0xFFFFC000  }
0x5f: {  	p0 =	sne.s32 s30, $0x3;
	s0 =	sadd.s32 s11, s0;
	[bflag:$0x0] =	sbarrier.arrive $0xFFFF  }
0x60: {  	[hbm:s0], [sflag:s1] =	dma.local [spmem:s7], $0x2800  }
.Ltmp1:
0x61: {  	_ =	swait.ge [sflag:s22], $0x2800;
	(pc) =	sbr.rel @p0 .LBB2_2-.Ltmp1, $3  }
0x62: {  	[sflag:s22] =	ssyncset.done $0x0  }
0x63: {  	[sflag:s22] =	ssyncadd.s32 $0xFFFFD800  }
0x64: {  	[bflag:$0x0] =	sbarrier.arrive $0xFFFF;
	_ =	sdelay $0x1  }
0x65: {  	s29 =	sadd.s32 $0x1, s29  }
0x66: {  	p0 =	sne.s32 s29, s12  }
.Ltmp2:
0x67: {  	_ = 	snop;
	(pc) =	sbr.rel @p0 .LBB2_1-.Ltmp2, $1  }
0x68: {  	_ =	sdelay $0x3  }
0x69: {  	_ =	sfence.sel $0x180000  }
0x6a: {  	[bflag:$0x0] =	sbarrier.arrive $0xFFFF  }
0x6b: {  	_ =	strace $0x90000059  }
0x6c: {  	[bflag:$0x2] =	sbarrier.arrive $0xFFFF  }
0x6d: {  	p0 =	sne.s32 s2, $0x0;
	s0 =	rddreg [dreg:$0x3]  }
0x6e: {  	s0 =	sadd.s32 @!p0 $0x100000, s0  }
0x6f: {  	[sflag:s0] =	ssyncadd.tile.s32 @!p0 $0x1;
	_ =	shalt  }
.Lfunc_end2:
_tile_overlayer_lowered:
.L_overlay_start_2:
0x70: {  	(tag) =	ssettag $0x2  }
0x71: {  	s0 =	rddreg [dreg:$0x0];
	s2 =	stileid.u32  }
0x72: {  	s1 =	rddreg [dreg:$0x1];
	p0 =	sne.s32 s2, $0x0  }
0x73: {  	s3 =	rddreg [dreg:$0x2];
	[bflag:$0x3] =	sbarrier.arrive $0xFFFF;
	s2 =	simm.s32 @!p0 $0x1C02  }
0x74: {  	[timem:s3], [sflag:s2] =	dma.local @!p0 [hbm:s0], s1  }
0x75: {  	s0 =	simm.s32 @!p0 $0x2  }
0x76: {  	_ =	swait.ge @!p0 [sflag:s0], s1  }
0x77: {  	s1 =	ssub.s32 @!p0 $0x0, s1;
	[sflag:s0] =	ssyncset.done @!p0 $0x0  }
0x78: {  	[sflag:s0] =	ssyncadd.s32 @!p0 s1  }
0x79: {  	[bflag:$0x3] =	sbarrier.arrive $0xFFFF  }
0x7a: {  	_ =	shalt  }

// kernel: kernel.27.cloned.1.call-start
scs
__scs_entry_jumppad:
0x0: {  	(pc) =	sbr.rel $0x88, $3  }
0x1: {  	(tag) =	ssettag $0x0;
	lr =	simm.s32 $0x1  }
0x2: {  	[smem:$0x3F98] =	sst lr;
	_ =	strace $0xD0000000  }
0x3: {  	_ = 	snop  }
0x4: {  	_ = 	snop  }
0x5: {  	_ = 	snop  }
0x6: {  	_ = 	snop  }
0x7: {  	_ = 	snop  }
__scs_overlays_trampoline_lowered:
0x8: {  	[smem:$0x3FA7] =	sst s0  }
0x9: {  	[smem:$0x3FA8] =	sst s1  }
0xa: {  	[smem:$0x3FA9] =	sst s2  }
0xb: {  	[smem:$0x3FAA] =	sst s3  }
0xc: {  	[smem:$0x3FAB] =	sst s4  }
0xd: {  	[smem:$0x3FAC] =	sst s5  }
0xe: {  	[smem:$0x3FAD] =	sst s6  }
0xf: {  	[smem:$0x3FAE] =	sst s7  }
0x10: {  	[smem:$0x3FAF] =	sst s8  }
0x11: {  	[smem:$0x3FB0] =	sst s9;
	s0 =	simm.s32 @!p0 $0x0  }
0x12: {  	s1 =	sld [smem:$0x3F96];
	s0 =	simm.s32 @p0 $0x1  }
0x13: {  	[smem:$0x3FB1] =	sst s0;
	s0 =	simm.s32 @!p1 $0x0  }
0x14: {  	s2 =	sld [smem:$0x3F95];
	s0 =	simm.s32 @p1 $0x1  }
0x15: {  	[smem:$0x3FB2] =	sst s0;
	s0 =	simm.s32 @!p2 $0x0  }
0x16: {  	s3 =	sld [smem:$0x3FDB];
	s0 =	simm.s32 @p2 $0x1  }
0x17: {  	s4 =	simm.s32 $0x1BF5;
	[smem:$0x3FB4] =	sst s0  }
0x18: {  	s0 =	sld [smem:$0x3F97];
	_ =	swait.ge [sflag:s4], $0x0  }
0x19: {  	s7 =	sld [smem:$0x3F98]  }
0x1a: {  	s8 =	sadd.s32 $0xFFFFE003, lr  }
0x1b: {  	s9 =	sadd.s32 $0xFFFFFEF7, lr;
	s5 =	simm.s32 $0xFFFFFFFF;
	p2 =	slt.u32 s8, $0xFFFFF086  }
0x1c: {  	p1 =	slt.u32 s9, $0xF7A;
	s5 =	simm.s32 @!p2 $0x0  }
0x1d: {  	s5 =	simm.s32 @p1 $0x1;
	p0 =	seq.s32 s7, s2  }
0x1e: {  	s7 =	smul.u32 @!p0 $0xF7A, s2;
	p2 =	seq.s32 @!p0 s5, $0x0  }
0x1f: {  	s9 =	smul.u32 $0xF7A, s1;
	s8 =	simm.s32 @!p0 $0x1BF5;
	p2 =	por !p2, p0  }
0x20: {  	[sflag:s8] =	ssyncset.s32 @!p0 $0xFFFFF086;
	s6 =	sadd.s32 @!p0 s3, s7;
	s7 =	simm.s32 @!p0 $0x108  }
0x21: {  	s3 =	sadd.s32 s3, s9;
	s6 =	sadd.s32 @!p0 $0x88, s6;
	s7 =	simm.s32 @p2 $0x1082  }
0x22: {  	[simem:s7], [sflag:s8] =	dma.local @!p0 [hbm:s6], $0xF7A  }
0x23: {  	s9 =	sor.u32 $0xD0000000, s2;
	s6 =	simm.s32 $0x108;
	_ =	swait.ge @!p0 [sflag:s8], $0x0  }
0x24: {  	s3 =	sadd.s32 $0x88, s3;
	s6 =	simm.s32 @!p1 $0x1082;
	[sflag:s4] =	ssyncset.s32 $0xFFFFF086  }
0x25: {  	[simem:s6], [sflag:s4] =	dma.local [hbm:s3], $0xF7A  }
0x26: {  	[smem:$0x3F98] =	sst s1;
	(tag) =	ssettag s2;
	_ =	strace s9  }
0x27: {  	s1 =	sld [smem:$0x3FA8]  }
0x28: {  	s2 =	sld [smem:$0x3FA9]  }
0x29: {  	s4 =	sld [smem:$0x3FAB]  }
0x2a: {  	p0 =	seq.s32 s5, $0x0;
	s5 =	sld [smem:$0x3FAC]  }
0x2b: {  	s6 =	sld [smem:$0x3FAD]  }
0x2c: {  	s7 =	sld [smem:$0x3FAE]  }
0x2d: {  	s3 =	simm.s32 $0x108;
	s8 =	sld [smem:$0x3FAF]  }
0x2e: {  	s3 =	simm.s32 @!p0 $0x1082;
	s9 =	sld [smem:$0x3FB0]  }
0x2f: {  	lr =	sadd.s32 s0, s3;
	s0 =	sld [smem:$0x3FA7]  }
0x30: {  	s3 =	sld [smem:$0x3FAA]  }
0x31: {  	[smem:$0x3FB3] =	sst s10  }
0x32: {  	s10 =	sld [smem:$0x3FB1];
	_ =	sdelay $0x3  }
0x33: {  	p0 =	seq.s32 s10, $0x1;
	s10 =	sld [smem:$0x3FB3];
	_ =	sdelay $0x3  }
0x34: {  	[smem:$0x3FB3] =	sst s10  }
0x35: {  	s10 =	sld [smem:$0x3FB2];
	_ =	sdelay $0x3  }
0x36: {  	p1 =	seq.s32 s10, $0x1;
	s10 =	sld [smem:$0x3FB3];
	_ =	sdelay $0x3  }
0x37: {  	[smem:$0x3FB3] =	sst s10  }
0x38: {  	s10 =	sld [smem:$0x3FB4]  }
0x39: {  	_ = 	snop;
	(pc) =	sbr.ind lr, $3  }
0x3a: {  	_ = 	snop  }
0x3b: {  	_ = 	snop  }
0x3c: {  	p2 =	seq.s32 s10, $0x1;
	s10 =	sld [smem:$0x3FB3]  }
0x3d: {  	_ =	shalt  }
0x3e: {  	_ =	shalt  }
0x3f: {  	_ =	shalt  }
0x40: {  	_ =	shalt  }
0x41: {  	_ =	shalt  }
0x42: {  	_ =	shalt  }
0x43: {  	_ =	shalt  }
0x44: {  	_ =	shalt  }
0x45: {  	_ =	shalt  }
0x46: {  	_ =	shalt  }
0x47: {  	_ =	shalt  }
0x48: {  	_ =	shalt  }
0x49: {  	_ =	shalt  }
0x4a: {  	_ =	shalt  }
0x4b: {  	_ =	shalt  }
0x4c: {  	_ =	shalt  }
0x4d: {  	_ =	shalt  }
0x4e: {  	_ =	shalt  }
0x4f: {  	_ =	shalt  }
0x50: {  	_ =	shalt  }
0x51: {  	_ =	shalt  }
0x52: {  	_ =	shalt  }
0x53: {  	_ =	shalt  }
0x54: {  	_ =	shalt  }
0x55: {  	_ =	shalt  }
0x56: {  	_ =	shalt  }
0x57: {  	_ =	shalt  }
0x58: {  	_ =	shalt  }
0x59: {  	_ =	shalt  }
0x5a: {  	_ =	shalt  }
0x5b: {  	_ =	shalt  }
0x5c: {  	_ =	shalt  }
0x5d: {  	_ =	shalt  }
0x5e: {  	_ =	shalt  }
0x5f: {  	_ =	shalt  }
0x60: {  	_ =	shalt  }
0x61: {  	_ =	shalt  }
0x62: {  	_ =	shalt  }
0x63: {  	_ =	shalt  }
0x64: {  	_ =	shalt  }
0x65: {  	_ =	shalt  }
0x66: {  	_ =	shalt  }
0x67: {  	_ =	shalt  }
0x68: {  	_ =	shalt  }
0x69: {  	_ =	shalt  }
0x6a: {  	_ =	shalt  }
0x6b: {  	_ =	shalt  }
0x6c: {  	_ =	shalt  }
0x6d: {  	_ =	shalt  }
0x6e: {  	_ =	shalt  }
0x6f: {  	_ =	shalt  }
0x70: {  	_ =	shalt  }
0x71: {  	_ =	shalt  }
0x72: {  	_ =	shalt  }
0x73: {  	_ =	shalt  }
0x74: {  	_ =	shalt  }
0x75: {  	_ =	shalt  }
0x76: {  	_ =	shalt  }
0x77: {  	_ =	shalt  }
0x78: {  	_ =	shalt  }
0x79: {  	_ =	shalt  }
0x7a: {  	_ =	shalt  }
0x7b: {  	_ =	shalt  }
0x7c: {  	_ =	shalt  }
0x7d: {  	_ =	shalt  }
0x7e: {  	_ =	shalt  }
0x7f: {  	_ =	shalt  }
0x80: {  	_ =	shalt  }
0x81: {  	_ =	shalt  }
0x82: {  	_ =	shalt  }
0x83: {  	_ =	shalt  }
0x84: {  	_ =	shalt  }
0x85: {  	_ =	shalt  }
0x86: {  	_ =	shalt  }
0x87: {  	_ =	shalt  }
.Lfunc_end0:
.L_simem_size_0:
called_computation.8_lowered:
.L_overlay_start_0:
0x88: {  	s2 =	sld [smem:$0x3FD9]  }
0x89: {  	s3 =	sld [smem:$0x3FFE];
	_ =	sdelay $0x1  }
0x8a: {  	s1 =	srdreg.scid  }
0x8b: {  	s0 =	sand.u32 $0x1, s1  }
0x8c: {  	s17 =	sshll.u32 s0, $0xA;
	s2 =	sadd.s32 s3, s2  }
0x8d: {  	s2 =	sadd.s32 s2, s17  }
0x8e: {  	[smem:$0x3FBF] =	sst s2  }
0x8f: {  	_ = 	snop  }
0x90: {  	s18 =	sld [smem:$0x3FD0];
	(tm) =	ssettm $0x1  }
0x91: {  	s19 =	sld [smem:$0x3FFB];
	_ =	sdelay $0x3  }
0x92: {  	_ =	strace s19  }
0x93: {  	s2 =	sld [smem:$0x3FFC];
	_ =	sdelay $0x3  }
0x94: {  	_ =	strace s2  }
0x95: {  	s2 =	sld [smem:$0x3FFD];
	_ =	sdelay $0x3  }
0x96: {  	_ =	strace s2  }
0x97: {  	_ =	strace $0x8FFFFFFF  }
0x98: {  	s20 =	sld [smem:$0x3FDB];
	_ =	sdelay $0x1  }
0x99: {  	s4 =	simm.s32 $_scs_section_size  }
0x9a: {  	s5 =	simm.s32 $_size__tile_overlayer_lowered;
	s6 =	simm.s32 $_tile_overlayer_lowered  }
0x9b: {  	s7 =	simm.s32 $0x1BFF;
	s21 =	sshll.u32 s6, $0x1;
	s4 =	sadd.s32 s4, s20  }
0x9c: {  	s22 =	simm.s32 $0x0;
	s5 =	sshll.u32 s5, $0x1;
	s6 =	sadd.s32 s21, s4  }
0x9d: {  	[timem:s22], [sflag:s7] =	dma.local [hbm:s6], s5  }
0x9e: {  	_ =	swait.ge [sflag:s7], s5  }
0x9f: {  	s5 =	ssub.s32 $0x0, s5;
	[sflag:s7] =	ssyncset.done $0x0  }
0xa0: {  	[sflag:s7] =	ssyncadd.s32 s5;
	_ =	sdelay $0x1  }
0xa1: {  	s23 =	simm.s32 $0x1B8B  }
0xa2: {  	_ =	swait.ge [sflag:s23], $0x1  }
0xa3: {  	[sflag:s23] =	ssyncset.done $0x0  }
0xa4: {  	[sflag:s23] =	ssyncadd.s32 $0xFFFFFFFF  }
0xa5: {  	s5 =	sld [smem:$0x0]  }
0xa6: {  	s6 =	sand.u32 $0xFFFFFFFE, s1  }
0xa7: {  	p0 =	sne.s32 s1, s6  }
0xa8: {  	s6 =	sshll.u32 @p0 s6, $0xE  }
0xa9: {  	s6 =	sadd.s32 @p0 $0x11B8D, s6;
	s7 =	sshll.u32 @p0 s5, $0x11  }
0xaa: {  	s6 =	sor.u32 @p0 s7, s6  }
0xab: {  	[sflag:s6] =	ssyncadd.remote.s32 @p0 $0x1;
	_ =	sdelay $0x1  }
0xac: {  	s6 =	simm.s32 @p0 $0x1B8D  }
0xad: {  	_ =	swait.eq @p0 [sflag:s6], $0x1  }
0xae: {  	[sflag:s6] =	ssyncadd.s32 @p0 $0xFFFFFFFF  }
0xaf: {  	s7 =	sshll.u32 @!p0 s1, $0xE  }
0xb0: {  	s7 =	sor.u32 @!p0 $0x4000, s7;
	s6 =	simm.s32 @!p0 $0x1B8D  }
0xb1: {  	s5 =	sshll.u32 @!p0 s5, $0x11;
	s7 =	sadd.s32 @!p0 $0x11B8D, s7;
	_ =	swait.eq @!p0 [sflag:s6], $0x1  }
0xb2: {  	s5 =	sor.u32 @!p0 s5, s7;
	[sflag:s6] =	ssyncadd.s32 @!p0 $0xFFFFFFFF  }
0xb3: {  	s25 =	simm.s32 $0x1B8E;
	s24 =	sld [smem:$0x3FFE];
	[sflag:s5] =	ssyncadd.remote.s32 @!p0 $0x1  }
0xb4: {  	s26 =	simm.s32 $execute0_lowered;
	[smem:$0x3FD2] =	sst s25  }
0xb5: {  	s6 =	sshll.u32 s26, $0x1;
	_ =	strace $0x80000055;
	[dreg:$0x1] =	wrdreg $0xFFFFFFFF  }
0xb6: {  	s28 =	simm.s32 $_size_execute0_lowered;
	s4 =	sadd.s32 s4, s6;
	[dreg:$0x0] =	wrdreg $0x0  }
0xb7: {  	s6 =	sshll.u32 s28, $0x1;
	[dreg:$0x2] =	wrdreg s4  }
0xb8: {  	[dreg:$0x3] =	wrdreg s6  }
0xb9: {  	[dreg:$0x4] =	wrdreg $0xC0  }
0xba: {  	_ =	task [dreg:s22], $0x5FFFF  }
0xbb: {  	[dreg:$0x1] =	wrdreg $0xFFFFFFFF  }
0xbc: {  	[dreg:$0x0] =	wrdreg $0x60  }
0xbd: {  	[dreg:$0x2] =	wrdreg s24  }
0xbe: {  	[dreg:$0x3] =	wrdreg s18  }
0xbf: {  	[dreg:$0x4] =	wrdreg $0xB8000  }
0xc0: {  	[dreg:$0x5] =	wrdreg $0xB  }
0xc1: {  	_ =	task.clear_ibuf [dreg:s22], $0x6FFFF;
	_ =	strace $0x90000055  }
0xc2: {  	s29 =	simm.s32 $0xB;
	_ =	strace $0x80000057  }
0xc3: {  	_ =	swait.ge [sflag:s29], $0x1  }
0xc4: {  	[sflag:s29] =	ssyncadd.s32 $0xFFFFFFFF  }
0xc5: {  	_ =	strace $0x90000057  }
0xc6: {  	_ =	sfence  }
0xc7: {  	s30 =	sld [smem:$0x0];
	_ =	sdelay $0x2  }
0xc8: {  	s31 =	sshll.u32 s1, $0xD;
	s1 =	sshrl.u32 s1, $0x2  }
0xc9: {  	s4 =	sand.u32 $0x4000, s31;
	s1 =	sadd.s32 s1, s30  }
0xca: {  	s0 =	sor.u32 s4, s0;
	s1 =	sshll.u32 s1, $0x11  }
0xcb: {  	s0 =	sor.u32 s1, s0  }
0xcc: {  	s0 =	sadd.s32 $0x8F2B, s0  }
0xcd: {  	[sflag:s0] =	ssyncadd.remote.s32 $0x1  }
0xce: {  	_ =	sfence.sel $0xFFFF  }
0xcf: {  	[dreg:$0x0] =	wrdreg $0xFFFFFFFF;
	(pc) =	sbr.abs _section_cstart, $3  }
0xd0: {  	[dreg:$0x1] =	wrdreg $0xFFFFFFFF  }
0xd1: {  	_ =	task.clear_ibuf [dreg:s22], $0x2FFFF;
	_ =	strace $0x9FFFFFFF  }
0xd2: {  	(tm) =	ssettm $0x7FFFFFFF  }
0xd3: {  	_ =	shalt  }
tec
execute0_lowered:
.L_overlay_start_1:
0x0: {  	(tag) =	ssettag $0x1  }
0x1: {  	s0 =	rddreg [dreg:$0x0]  }
0x2: {  	s3 =	rddreg [dreg:$0x2];
	s4 =	simm.s32 $0x0;
	s2 =	stileid.u32  }
0x3: {  	s1 =	srdreg.scid;
	s22 =	simm.s32 $0x2;
	s24 =	simm.s32 $0x9800  }
0x4: {  	s25 =	simm.s32 $0x80;
	s28 =	simm.s32 $0x1;
	s6 =	smul.u32 $0x580, s2  }
0x5: {  	s29 =	simm.s32 $0x0;
	[smem:$0x7FF] =	sst s4;
	s8 =	smul.u32 $0x50000, s2  }
0x6: {  	s1 =	sand.u32 $0x1, s1;
	s5 =	sadd.s32 $0x756200, s0;
	s11 =	smul.u32 $0x2800, s2  }
0x7: {  	_ =	strace $0x80000056;
	s7 =	ssub.s32 $0x2, s1;
	s9 =	sadd.s32 s6, s0  }
0x8: {  	s6 =	sadd.s32 $0x3200, s0;
	s26 =	sshrl.u32 s7, $0x1;
	s10 =	sshrl.u32 s8, $0x2  }
0x9: {  	s0 =	ssub.s32 s7, s26;
	s30 =	sadd.s32 $0xEB4400, s9;
	s31 =	sadd.s32 $0x92FE00, s9  }
0xa: {  	s9 =	smul.u32 $0x3, s1;
	s10 =	sadd.s32 s10, s3;
	[dreg:$0x4] =	wrdreg s30  }
0xb: {  	s26 =	simm.s32 $0x5800;
	[dreg:$0x5] =	wrdreg s31;
	s12 =	smax.u32 s0, $0x1  }
0xc: {  	s13 =	sadd.s32 $0x2000, s10;
	s14 =	sadd.s32 $0x4000, s10;
	s15 =	sadd.s32 $0x6000, s10  }
0xd: {  	s16 =	sadd.s32 $0x8000, s10;
	s17 =	sadd.s32 $0xA000, s10;
	s18 =	sadd.s32 $0xC000, s10  }
0xe: {  	s19 =	sadd.s32 $0xE000, s10;
	s20 =	sadd.s32 $0x10000, s10;
	s21 =	sadd.s32 $0x12000, s10  }
.LBB2_1:
0xf: {  	s0 =	rddreg [dreg:$0x4]  }
0x10: {  	[tilespmem:s4], [sflag:$0x2] =	stream.linear.gather [hbm4b:s0+s4], $0x2A00, $0x38;
	[tilespmem:$0x1F800] =	vst v63  }
0x11: {  	_ =	swait.ge [sflag:s22], $0x2A00  }
0x12: {  	[sflag:s22] =	ssyncset.done $0x0  }
0x13: {  	s1 =	simm.s32 $0x2C00;
	s23 =	rddreg [dreg:$0x5];
	[sflag:s22] =	ssyncadd.s32 $0xFFFFD600  }
0x14: {  	[tilespmem:s1], [sflag:$0x2] =	stream.linear.gather [hbm4b:s23+s4], $0x2A00, $0x38;
	[tilespmem:$0x1F800] =	vst v63  }
0x15: {  	_ =	swait.ge [sflag:s22], $0x2A00  }
0x16: {  	[sflag:s22] =	ssyncset.done $0x0  }
0x17: {  	[sflag:s22] =	ssyncadd.s32 $0xFFFFD600  }
0x18: {  	s31 =	rddreg [dreg:$0x1]  }
0x19: {  	[tilespmem:s24], [sflag:$0x2] =	stream.linear.gather [hbm4b:s31+s4], $0x2000, $0x38;
	[tilespmem:$0x1F800] =	vst v63  }
0x1a: {  	_ =	swait.ge [sflag:s22], $0x2000  }
0x1b: {  	[sflag:s22] =	ssyncset.done $0x0  }
0x1c: {  	s30 =	simm.s32 $0x0;
	[sflag:s22] =	ssyncadd.s32 $0xFFFFE000  }
.LBB2_2:
0x1d: {  	[spmem:s10] =	stream.linear.scatter [tilespmem:s24], [sflag:$0x2], $0x2000, $0x38;
	[tilespmem:$0x1F800] =	vst v63  }
0x1e: {  	_ =	swait.ge [sflag:s22], $0x2000  }
0x1f: {  	[sflag:s22] =	ssyncset.done $0x0  }
0x20: {  	[sflag:s22] =	ssyncadd.s32 $0xFFFFE000  }
0x21: {  	[spmem:s13] =	stream.linear.scatter [tilespmem:s24], [sflag:$0x2], $0x2000, $0x38;
	[tilespmem:$0x1F800] =	vst v63  }
0x22: {  	_ =	swait.ge [sflag:s22], $0x2000  }
0x23: {  	[sflag:s22] =	ssyncset.done $0x0  }
0x24: {  	[sflag:s22] =	ssyncadd.s32 $0xFFFFE000  }
0x25: {  	[spmem:s14] =	stream.linear.scatter [tilespmem:s24], [sflag:$0x2], $0x2000, $0x38;
	[tilespmem:$0x1F800] =	vst v63  }
0x26: {  	_ =	swait.ge [sflag:s22], $0x2000  }
0x27: {  	[sflag:s22] =	ssyncset.done $0x0  }
0x28: {  	[sflag:s22] =	ssyncadd.s32 $0xFFFFE000  }
0x29: {  	[spmem:s15] =	stream.linear.scatter [tilespmem:s24], [sflag:$0x2], $0x2000, $0x38;
	[tilespmem:$0x1F800] =	vst v63  }
0x2a: {  	_ =	swait.ge [sflag:s22], $0x2000  }
0x2b: {  	[sflag:s22] =	ssyncset.done $0x0  }
0x2c: {  	[sflag:s22] =	ssyncadd.s32 $0xFFFFE000  }
0x2d: {  	[spmem:s16] =	stream.linear.scatter [tilespmem:s24], [sflag:$0x2], $0x2000, $0x38;
	[tilespmem:$0x1F800] =	vst v63  }
0x2e: {  	_ =	swait.ge [sflag:s22], $0x2000  }
0x2f: {  	[sflag:s22] =	ssyncset.done $0x0  }
0x30: {  	[sflag:s22] =	ssyncadd.s32 $0xFFFFE000  }
0x31: {  	[spmem:s17] =	stream.linear.scatter [tilespmem:s24], [sflag:$0x2], $0x2000, $0x38;
	[tilespmem:$0x1F800] =	vst v63  }
0x32: {  	_ =	swait.ge [sflag:s22], $0x2000  }
0x33: {  	[sflag:s22] =	ssyncset.done $0x0  }
0x34: {  	[sflag:s22] =	ssyncadd.s32 $0xFFFFE000  }
0x35: {  	[spmem:s18] =	stream.linear.scatter [tilespmem:s24], [sflag:$0x2], $0x2000, $0x38;
	[tilespmem:$0x1F800] =	vst v63  }
0x36: {  	_ =	swait.ge [sflag:s22], $0x2000  }
0x37: {  	[sflag:s22] =	ssyncset.done $0x0  }
0x38: {  	[sflag:s22] =	ssyncadd.s32 $0xFFFFE000  }
0x39: {  	[spmem:s19] =	stream.linear.scatter [tilespmem:s24], [sflag:$0x2], $0x2000, $0x38;
	[tilespmem:$0x1F800] =	vst v63  }
0x3a: {  	_ =	swait.ge [sflag:s22], $0x2000  }
0x3b: {  	[sflag:s22] =	ssyncset.done $0x0  }
0x3c: {  	[sflag:s22] =	ssyncadd.s32 $0xFFFFE000  }
0x3d: {  	[spmem:s20] =	stream.linear.scatter [tilespmem:s24], [sflag:$0x2], $0x2000, $0x38;
	[tilespmem:$0x1F800] =	vst v63  }
0x3e: {  	_ =	swait.ge [sflag:s22], $0x2000  }
0x3f: {  	[sflag:s22] =	ssyncset.done $0x0  }
0x40: {  	[sflag:s22] =	ssyncadd.s32 $0xFFFFE000  }
0x41: {  	[spmem:s21] =	stream.linear.scatter [tilespmem:s24], [sflag:$0x2], $0x2000, $0x38;
	[tilespmem:$0x1F800] =	vst v63  }
0x42: {  	s31 =	sadd.s32 s9, s30;
	_ =	swait.ge [sflag:s22], $0x2000  }
0x43: {  	s0 =	smul.u32 $0x27100, s31;
	[sflag:s22] =	ssyncset.done $0x0  }
0x44: {  	[sflag:s22] =	ssyncadd.s32 $0xFFFFE000  }
0x45: {  	s1 =	simm.s32 $0x0;
	s0 =	sadd.s32 s5, s0;
	[bflag:$0x0] =	sbarrier.arrive $0xFFFF  }
0x46: {  	[tilespmem:s26], [sflag:$0x1] =	stream.indirect.gather [hbm4b:s0+s25], $0x80, s1, s25, $0xb8;
	[tilespmem:$0x1F800] =	vst v63  }
0x47: {  	_ =	swait.ge [sflag:s28], $0x4000  }
0x48: {  	[sflag:s28] =	ssyncset.done $0x0  }
0x49: {  	s23 =	simm.s32 $0x2C00;
	[sflag:s28] =	ssyncadd.s32 $0xFFFFC000  }
0x4a: {  	[spmem:s3] =	stream.indirect.scatter.add.f32 [tilespmem:s26], [sflag:$0x2], $0x80, s23, s25, $0xb8;
	[tilespmem:$0x1F800] =	vst v63  }
0x4b: {  	_ =	swait.ge [sflag:s22], $0x4000  }
0x4c: {  	s1 =	simm.s32 $0x200;
	s23 =	simm.s32 $0x400;
	[sflag:s22] =	ssyncset.done $0x0  }
.LBB2_3:
0x4d: {  	s7 =	sshra.s32 s1, $0x2  }
0x4e: {  	[sflag:s22] =	ssyncadd.s32 $0xFFFFC000;
	s1 =	smov.u32 s23;
	s8 =	sadd.s32 $0x200, s23  }
0x4f: {  	[tilespmem:s26], [sflag:$0x1] =	stream.indirect.gather [hbm4b:s0+s25], $0x80, s7, s25, $0xb8;
	[tilespmem:$0x1F800] =	vst v63  }
0x50: {  	p0 =	sne.s32 s23, $0xA600;
	_ =	swait.ge [sflag:s28], $0x4000  }
.Ltmp0:
0x51: {  	[sflag:s28] =	ssyncset.done $0x0;
	(pc) =	sbr.rel @p0 .LBB2_3-.Ltmp0, $4  }
0x52: {  	s7 =	sadd.s32 $0x2C00, s7;
	[sflag:s28] =	ssyncadd.s32 $0xFFFFC000  }
0x53: {  	[spmem:s3] =	stream.indirect.scatter.add.f32 [tilespmem:s26], [sflag:$0x2], $0x80, s7, s25, $0xb8;
	[tilespmem:$0x1F800] =	vst v63  }
0x54: {  	_ =	swait.ge [sflag:s22], $0x4000  }
0x55: {  	s23 =	smov.u32 s8;
	[sflag:s22] =	ssyncset.done $0x0  }
0x56: {  	s1 =	sshra.s32 s1, $0x2;
	[sflag:s22] =	ssyncadd.s32 $0xFFFFC000  }
0x57: {  	[tilespmem:s26], [sflag:$0x1] =	stream.indirect.gather [hbm4b:s0+s25], $0x80, s1, s25, $0xb8;
	[tilespmem:$0x1F800] =	vst v63  }
0x58: {  	_ =	swait.ge [sflag:s28], $0x4000  }
0x59: {  	[sflag:s28] =	ssyncset.done $0x0  }
0x5a: {  	s8 =	sadd.s32 $0x2C00, s1;
	[sflag:s28] =	ssyncadd.s32 $0xFFFFC000  }
0x5b: {  	[spmem:s3] =	stream.indirect.scatter.add.f32 [tilespmem:s26], [sflag:$0x2], $0x80, s8, s25, $0xb8;
	[tilespmem:$0x1F800] =	vst v63  }
0x5c: {  	s23 =	smul.u32 $0x28000, s31;
	s31 =	sshll.u32 s2, $0x6;
	_ =	swait.ge [sflag:s22], $0x4000  }
0x5d: {  	s7 =	sshrl.u32 s10, $0x3;
	s30 =	sadd.s32 $0x1, s30;
	[sflag:s22] =	ssyncset.done $0x0  }
0x5e: {  	s1 =	sor.u32 $0x1C02, s31;
	s0 =	sadd.s32 s6, s23;
	[sflag:s22] =	ssyncadd.s32 $0xFFFFC000  }
0x5f: {  	p0 =	sne.s32 s30, $0x3;
	s0 =	sadd.s32 s11, s0;
	[bflag:$0x0] =	sbarrier.arrive $0xFFFF  }
0x60: {  	[hbm:s0], [sflag:s1] =	dma.local [spmem:s7], $0x2800  }
.Ltmp1:
0x61: {  	_ =	swait.ge [sflag:s22], $0x2800;
	(pc) =	sbr.rel @p0 .LBB2_2-.Ltmp1, $3  }
0x62: {  	[sflag:s22] =	ssyncset.done $0x0  }
0x63: {  	[sflag:s22] =	ssyncadd.s32 $0xFFFFD800  }
0x64: {  	[bflag:$0x0] =	sbarrier.arrive $0xFFFF;
	_ =	sdelay $0x1  }
0x65: {  	s29 =	sadd.s32 $0x1, s29  }
0x66: {  	p0 =	sne.s32 s29, s12  }
.Ltmp2:
0x67: {  	_ = 	snop;
	(pc) =	sbr.rel @p0 .LBB2_1-.Ltmp2, $1  }
0x68: {  	_ =	sdelay $0x3  }
0x69: {  	_ =	sfence.sel $0x180000  }
0x6a: {  	[bflag:$0x0] =	sbarrier.arrive $0xFFFF  }
0x6b: {  	_ =	strace $0x90000056  }
0x6c: {  	[bflag:$0x2] =	sbarrier.arrive $0xFFFF  }
0x6d: {  	p0 =	sne.s32 s2, $0x0;
	s0 =	rddreg [dreg:$0x3]  }
0x6e: {  	s0 =	sadd.s32 @!p0 $0x100000, s0  }
0x6f: {  	[sflag:s0] =	ssyncadd.tile.s32 @!p0 $0x1;
	_ =	shalt  }
.Lfunc_end2:
_tile_overlayer_lowered:
.L_overlay_start_2:
0x70: {  	(tag) =	ssettag $0x2  }
0x71: {  	s0 =	rddreg [dreg:$0x0];
	s2 =	stileid.u32  }
0x72: {  	s1 =	rddreg [dreg:$0x1];
	p0 =	sne.s32 s2, $0x0  }
0x73: {  	s3 =	rddreg [dreg:$0x2];
	[bflag:$0x3] =	sbarrier.arrive $0xFFFF;
	s2 =	simm.s32 @!p0 $0x1C02  }
0x74: {  	[timem:s3], [sflag:s2] =	dma.local @!p0 [hbm:s0], s1  }
0x75: {  	s0 =	simm.s32 @!p0 $0x2  }
0x76: {  	_ =	swait.ge @!p0 [sflag:s0], s1  }
0x77: {  	s1 =	ssub.s32 @!p0 $0x0, s1;
	[sflag:s0] =	ssyncset.done @!p0 $0x0  }
0x78: {  	[sflag:s0] =	ssyncadd.s32 @!p0 s1  }
0x79: {  	[bflag:$0x3] =	sbarrier.arrive $0xFFFF  }
0x7a: {  	_ =	shalt  }

// kernel: sparse-core-data-format-call.1.cloned.1.call-start
scs
called_computation.1_lowered:
.L_overlay_start_0:
0x0: {  	s2 =	sld [smem:$0x3FD9]  }
0x1: {  	s3 =	sld [smem:$0x3FFE];
	_ =	sdelay $0x1  }
0x2: {  	s1 =	srdreg.scid  }
0x3: {  	s0 =	sand.u32 $0x1, s1  }
0x4: {  	s18 =	sshll.u32 s0, $0xA;
	s2 =	sadd.s32 s3, s2  }
0x5: {  	s2 =	sadd.s32 s2, s18  }
0x6: {  	[smem:$0x3FBF] =	sst s2  }
0x7: {  	_ = 	snop  }
0x8: {  	(tm) =	ssettm $0x1  }
0x9: {  	s19 =	sld [smem:$0x3FFB];
	_ =	sdelay $0x3  }
0xa: {  	_ =	strace s19  }
0xb: {  	s2 =	sld [smem:$0x3FFC];
	_ =	sdelay $0x3  }
0xc: {  	_ =	strace s2  }
0xd: {  	s2 =	sld [smem:$0x3FFD];
	_ =	sdelay $0x3  }
0xe: {  	_ =	strace s2  }
0xf: {  	_ =	strace $0x8FFFFFFF  }
0x10: {  	s20 =	sld [smem:$0x3FDB];
	_ =	sdelay $0x1  }
0x11: {  	s21 =	simm.s32 $_scs_section_size  }
0x12: {  	s4 =	simm.s32 $_size__tile_overlayer_lowered;
	s5 =	simm.s32 $_tile_overlayer_lowered  }
0x13: {  	s6 =	simm.s32 $0x1BFF;
	s22 =	sshll.u32 s5, $0x1;
	s3 =	sadd.s32 s21, s20  }
0x14: {  	s23 =	simm.s32 $0x0;
	s4 =	sshll.u32 s4, $0x1;
	s5 =	sadd.s32 s22, s3  }
0x15: {  	[timem:s23], [sflag:s6] =	dma.local [hbm:s5], s4  }
0x16: {  	_ =	swait.ge [sflag:s6], s4  }
0x17: {  	s4 =	ssub.s32 $0x0, s4;
	[sflag:s6] =	ssyncset.done $0x0  }
0x18: {  	[sflag:s6] =	ssyncadd.s32 s4;
	_ =	sdelay $0x1  }
0x19: {  	s24 =	simm.s32 $0x1B8B  }
0x1a: {  	_ =	swait.ge [sflag:s24], $0x1  }
0x1b: {  	[sflag:s24] =	ssyncset.done $0x0  }
0x1c: {  	[sflag:s24] =	ssyncadd.s32 $0xFFFFFFFF  }
0x1d: {  	s4 =	sld [smem:$0x0]  }
0x1e: {  	s5 =	sand.u32 $0xFFFFFFFE, s1  }
0x1f: {  	p0 =	sne.s32 s1, s5  }
0x20: {  	s5 =	sshll.u32 @p0 s5, $0xE  }
0x21: {  	s5 =	sadd.s32 @p0 $0x11B8D, s5;
	s6 =	sshll.u32 @p0 s4, $0x11  }
0x22: {  	s5 =	sor.u32 @p0 s6, s5  }
0x23: {  	[sflag:s5] =	ssyncadd.remote.s32 @p0 $0x1;
	_ =	sdelay $0x1  }
0x24: {  	s5 =	simm.s32 @p0 $0x1B8D  }
0x25: {  	_ =	swait.eq @p0 [sflag:s5], $0x1  }
0x26: {  	[sflag:s5] =	ssyncadd.s32 @p0 $0xFFFFFFFF  }
0x27: {  	s6 =	sshll.u32 @!p0 s1, $0xE  }
0x28: {  	s6 =	sor.u32 @!p0 $0x4000, s6;
	s5 =	simm.s32 @!p0 $0x1B8D  }
0x29: {  	s4 =	sshll.u32 @!p0 s4, $0x11;
	s6 =	sadd.s32 @!p0 $0x11B8D, s6;
	_ =	swait.eq @!p0 [sflag:s5], $0x1  }
0x2a: {  	s4 =	sor.u32 @!p0 s4, s6;
	[sflag:s5] =	ssyncadd.s32 @!p0 $0xFFFFFFFF  }
0x2b: {  	s26 =	simm.s32 $0x1B8E;
	s25 =	sld [smem:$0x3FFE];
	[sflag:s4] =	ssyncadd.remote.s32 @!p0 $0x1  }
0x2c: {  	s27 =	simm.s32 $execute0_lowered;
	[smem:$0x3FD2] =	sst s26  }
0x2d: {  	s5 =	sshll.u32 s27, $0x1;
	_ =	strace $0x8000004F;
	[dreg:$0x1] =	wrdreg $0xFFFFFFFF  }
0x2e: {  	s28 =	simm.s32 $_size_execute0_lowered;
	s3 =	sadd.s32 s3, s5;
	[dreg:$0x0] =	wrdreg $0x0  }
0x2f: {  	s5 =	sshll.u32 s28, $0x1;
	[dreg:$0x2] =	wrdreg s3  }
0x30: {  	[dreg:$0x3] =	wrdreg s5  }
0x31: {  	[dreg:$0x4] =	wrdreg $0xC0  }
0x32: {  	_ =	task [dreg:s23], $0x5FFFF  }
0x33: {  	[dreg:$0x1] =	wrdreg $0xFFFFFFFF  }
0x34: {  	[dreg:$0x0] =	wrdreg $0x60  }
0x35: {  	[dreg:$0x2] =	wrdreg s25  }
0x36: {  	[dreg:$0x3] =	wrdreg $0xA  }
0x37: {  	_ =	task.clear_ibuf [dreg:s23], $0x4FFFF;
	_ =	strace $0x9000004F  }
0x38: {  	s29 =	simm.s32 $0xA;
	_ =	strace $0x80000051  }
0x39: {  	_ =	swait.ge [sflag:s29], $0x1  }
0x3a: {  	[sflag:s29] =	ssyncadd.s32 $0xFFFFFFFF  }
0x3b: {  	_ =	strace $0x90000051  }
0x3c: {  	_ =	sfence  }
0x3d: {  	s30 =	sld [smem:$0x0];
	_ =	sdelay $0x2  }
0x3e: {  	s31 =	sshll.u32 s1, $0xD;
	s1 =	sshrl.u32 s1, $0x2  }
0x3f: {  	s4 =	sand.u32 $0x4000, s31;
	s1 =	sadd.s32 s1, s30  }
0x40: {  	s0 =	sor.u32 s4, s0;
	s1 =	sshll.u32 s1, $0x11  }
0x41: {  	s0 =	sor.u32 s1, s0  }
0x42: {  	s0 =	sadd.s32 $0x8F2B, s0  }
0x43: {  	[sflag:s0] =	ssyncadd.remote.s32 $0x1  }
0x44: {  	_ =	sfence.sel $0xFFFF  }
0x45: {  	[dreg:$0x0] =	wrdreg $0xFFFFFFFF;
	(pc) =	sbr.abs _section_cstart, $3  }
0x46: {  	[dreg:$0x1] =	wrdreg $0xFFFFFFFF  }
0x47: {  	_ =	task.clear_ibuf [dreg:s23], $0x2FFFF;
	_ =	strace $0x9FFFFFFF  }
0x48: {  	(tm) =	ssettm $0x7FFFFFFF  }
0x49: {  	_ =	shalt  }
tec
execute0_lowered:
.L_overlay_start_1:
0x0: {  	(tag) =	ssettag $0x1  }
0x1: {  	s2 =	stileid.u32;
	s0 =	srdreg.scid  }
0x2: {  	s1 =	sshll.u32 s2, $0x6;
	s0 =	sshll.u32 s0, $0xA  }
0x3: {  	s7 =	rddreg [dreg:$0x0];
	_ =	strace $0x80000050;
	s0 =	sor.u32 s1, s0  }
0x4: {  	s31 =	simm.s32 $0x2;
	s2 =	sand.u32 $0x1, s2;
	s3 =	sand.u32 $0x780, s0  }
0x5: {  	s20 =	simm.s32 $0x0;
	s29 =	ssub.s32 $0x2, s2;
	s30 =	ssub.s32 $0x2700, s3  }
0x6: {  	s4 =	sshrl.u32 s29, $0x1;
	s0 =	sand.u32 $0x1, s29;
	s1 =	sshrl.u32 s30, $0xB  }
0x7: {  	s11 =	simm.s32 $0x0;
	s0 =	sadd.s32 s0, s4;
	s1 =	sadd.s32 $0x1, s1  }
0x8: {  	s19 =	simm.s32 $0x0;
	s21 =	simm.s32 $0x0;
	s0 =	smul.u32 s1, s0  }
.Ltmp0:
0x9: {  	s12 =	simm.s32 $0x0;
	s13 =	simm.s32 $0x0;
	(pc) =	sbr.rel .LBB1_1-.Ltmp0, $4  }
0xa: {  	s14 =	simm.s32 $0x0;
	s17 =	simm.s32 $0x0;
	s18 =	simm.s32 $0x0  }
0xb: {  	s6 =	sadd.s32 $0x3ACA00, s7;
	s4 =	simm.s32 $0x1;
	s5 =	smul.u32 $0x6, s0  }
0xc: {  	s7 =	sadd.s32 $0xB0AC00, s7;
	s16 =	smov.u32 s2;
	[sflag:s4] =	ssyncpa.u1 $0x0  }
0xd: {  	s15 =	smov.u32 s3;
	[sflag:s31] =	ssyncpa.u1 $0x0;
	s8 =	sor.u32 $0x1, s5  }
.LBB1_13:
0xe: {  	s0 =	smul.u32 $0x4E200, s14;
	_ =	sdelay $0x1  }
0xf: {  	s1 =	sshll.u32 s12, $0x5;
	s9 =	sshll.u32 s13, $0x4;
	s0 =	sadd.s32 s7, s0  }
0x10: {  	s30 =	sor.u32 $0x8000, s26;
	s9 =	sand.u32 $0x10, s9;
	s0 =	sadd.s32 s1, s0  }
0x11: {  	s31 =	simm.s32 $0x80;
	s10 =	simm.s32 $0x100;
	s0 =	sadd.s32 s9, s0  }
0x12: {  	[hbm4b:s0+s31] =	stream.strided.scatter [tilespmem:s30], [sflag:$0x2], s22, s10, s31, $0x38;
	[tilespmem:$0x10000] =	vst v63  }
.LBB1_14:
0x13: {  	p0 =	slt.u32 s18, $0x2  }
0x14: {  	s0 =	smov.u32 s21;
	s9 =	smov.u32 s20;
	p1 =	sgt.s32 @!p0 s21, $0x5  }
0x15: {  	s1 =	sshra.s32 @!p0 s21, $0x1F;
	p2 =	sgt.s32 @!p0 s19, $0x1;
	p1 =	por !p1, p0  }
0x16: {  	s10 =	sshra.s32 @!p0 s19, $0x1F;
	s1 =	sand.u32 @!p0 s1, s21;
	s0 =	simm.s32 @p1 $0x5  }
0x17: {  	s10 =	sand.u32 @!p0 s10, s19;
	p1 =	sgt.s32 @!p0 s20, $0x2690;
	s0 =	ssub.s32 @!p0 s0, s1  }
0x18: {  	p1 =	por !p1, p0;
	s1 =	sshra.s32 @!p0 s20, $0x1F;
	s0 =	sadd.s32 @!p0 $0xFFFFFFFB, s0  }
0x19: {  	s1 =	sand.u32 @!p0 s1, s20;
	s9 =	simm.s32 @p1 $0x2690;
	p1 =	por !p2, p0  }
0x1a: {  	s1 =	ssub.s32 @!p0 s9, s1;
	s19 =	simm.s32 @p1 $0x1;
	s9 =	sxor.u32 @!p0 $0xFFFFFFFF, s10  }
0x1b: {  	p1 =	sgt.s32 @!p0 s0, $0x0;
	s0 =	sshll.u32 @!p0 s0, $0x7;
	s9 =	sadd.s32 @!p0 s9, s19  }
0x1c: {  	s10 =	sadd.s32 @!p0 $0xFFFFD970, s1;
	s0 =	ssub.s32 @!p0 $0x80, s0;
	p2 =	sgt.s32 @!p0 s9, $0x0  }
0x1d: {  	p1 =	por !p1, p0;
	s9 =	ssub.s32 @!p0 $0x1, s9;
	p2 =	por !p2, p0  }
0x1e: {  	s0 =	simm.s32 @!p1 $0x0;
	s9 =	simm.s32 @!p2 $0x0;
	p2 =	sgt.s32 @!p0 s10, $0x7F  }
0x1f: {  	s1 =	ssub.s32 @!p0 $0x2710, s1;
	p1 =	por !p2, p0;
	s0 =	smul.u32 @!p0 s9, s0  }
0x20: {  	s1 =	simm.s32 @!p1 $0x0  }
0x21: {  	s0 =	smul.u32 @!p0 s1, s0;
	s1 =	sadd.s32 $0x800, s15  }
0x22: {  	s10 =	smov.u32 s16;
	s9 =	sadd.s32 $0x2, s16;
	p1 =	sgt.s32 s1, $0x270F  }
0x23: {  	s10 =	smov.u32 @p1 s9  }
0x24: {  	s19 =	simm.s32 $0x1;
	p2 =	sgt.s32 s10, $0x1  }
0x25: {  	s19 =	simm.s32 @!p2 $0x0  }
0x26: {  	s11 =	sadd.s32 $0x4000, s11;
	s21 =	smov.u32 s14;
	s22 =	sadd.s32 s19, s17  }
0x27: {  	s14 =	smov.u32 s17;
	s1 =	smov.u32 @p1 s3;
	p1 =	sgt.s32 s22, $0x5  }
0x28: {  	s20 =	smov.u32 s12;
	s22 =	simm.s32 @p1 $0x0;
	p1 =	sne.s32 s18, s8  }
.Ltmp1:
0x29: {  	s0 =	sand.u32 @!p0 $0x3FFFFF80, s0;
	s9 =	simm.s32 @!p0 $0x2;
	(pc) =	sbr.rel @!p1 .LBB1_15-.Ltmp1, $4  }
0x2a: {  	s12 =	smov.u32 s15;
	_ =	swait.ge @!p0 [sflag:s9], s0;
	s0 =	ssub.s32 @!p0 $0x0, s0  }
0x2b: {  	s15 =	smov.u32 s1;
	[sflag:s9] =	ssyncset.done @!p0 $0x0;
	s10 =	smov.u32 @p2 s2  }
0x2c: {  	s19 =	smov.u32 s13;
	s13 =	smov.u32 s16;
	[sflag:s9] =	ssyncadd.s32 @!p0 s0  }
0x2d: {  	s16 =	smov.u32 s10;
	s18 =	sadd.s32 $0x1, s18;
	s17 =	smov.u32 s22  }
.LBB1_1:
0x2e: {  	p0 =	sge.u32 s18, s5;
	s1 =	smov.u32 s17;
	s23 =	smov.u32 s15  }
0x2f: {  	s31 =	sadd.s32 $0xFFFFFFFF, s18;
	p1 =	sgt.s32 @!p0 s17, $0x5;
	s0 =	sand.u32 @!p0 $0x1FFFFFF, s15  }
0x30: {  	s9 =	sshra.s32 @!p0 s17, $0x1F;
	p2 =	sgt.s32 @!p0 s16, $0x1;
	p1 =	por !p1, p0  }
0x31: {  	s10 =	smulhi.u32 @!p0 $0x1A36E2F, s0;
	s9 =	sand.u32 @!p0 s9, s17;
	s1 =	simm.s32 @p1 $0x5  }
0x32: {  	s22 =	sshra.s32 @!p0 s16, $0x1F;
	p2 =	por !p2, p0;
	s1 =	ssub.s32 @!p0 s1, s9  }
0x33: {  	s22 =	sand.u32 @!p0 s22, s16;
	s9 =	sshrl.u32 @!p0 s10, $0x6;
	s10 =	sadd.s32 @!p0 $0xFFFFFFFB, s1  }
0x34: {  	s22 =	sxor.u32 @!p0 $0xFFFFFFFF, s22;
	p1 =	sgt.s32 @!p0 s10, $0x0;
	s10 =	smov.u32 s16  }
0x35: {  	s9 =	smul.u32 @!p0 $0x2710, s9;
	s10 =	simm.s32 @p2 $0x1;
	p2 =	sgt.s32 @!p0 s15, $0x2690  }
0x36: {  	s1 =	ssub.s32 @!p0 $0x6, s1;
	p1 =	por !p1, p0;
	p2 =	por !p2, p0  }
0x37: {  	s10 =	sadd.s32 @!p0 s22, s10;
	s22 =	sshra.s32 @!p0 s15, $0x1F;
	s23 =	simm.s32 @p2 $0x2690  }
0x38: {  	p2 =	sgt.s32 @!p0 s10, $0x0;
	s22 =	sand.u32 @!p0 s22, s15;
	s10 =	sshll.u32 @!p0 s10, $0x7  }
0x39: {  	s22 =	ssub.s32 @!p0 s23, s22;
	s10 =	ssub.s32 @!p0 $0x80, s10;
	p2 =	por !p2, p0  }
0x3a: {  	s1 =	simm.s32 @!p1 $0x0;
	s23 =	sadd.s32 @!p0 $0xFFFFD970, s22;
	s10 =	simm.s32 @!p2 $0x0  }
0x3b: {  	s0 =	ssub.s32 @!p0 s0, s9;
	p1 =	sgt.s32 @!p0 s23, $0x7F;
	s1 =	smul.u32 @!p0 s1, s10  }
0x3c: {  	s10 =	ssub.s32 @!p0 $0x2710, s22;
	s22 =	smul.u32 @!p0 $0x4E200, s17;
	p1 =	por !p1, p0  }
0x3d: {  	s9 =	smul.u32 @!p0 $0x27100, s16;
	s23 =	sxor.u32 @!p0 $0xFFFFFFFF, s18;
	s10 =	simm.s32 @!p1 $0x0  }
0x3e: {  	s23 =	sshll.u32 @!p0 s23, $0xE;
	s1 =	smul.u32 @!p0 s10, s1;
	s10 =	sadd.s32 @!p0 s6, s22  }
0x3f: {  	s0 =	sshll.u32 @!p0 s0, $0x4;
	s22 =	sand.u32 @!p0 $0x4000, s23;
	s9 =	sadd.s32 @!p0 s9, s10  }
0x40: {  	s1 =	sand.u32 @!p0 $0x3FFFFF80, s1;
	s0 =	sadd.s32 @!p0 s0, s9;
	s9 =	simm.s32 @!p0 $0x0  }
0x41: {  	[tilespmem:s22], [sflag:$0x1] =	stream.linear.gather @!p0 [hbm4b:s0+s9], s1, $0x38;
	[tilespmem:$0x10000] =	vst v63  }
0x42: {  	p0 =	sge.u32 s31, s5  }
.Ltmp2:
0x43: {  	_ = 	snop;
	(pc) =	sbr.rel @p0 .LBB1_14-.Ltmp2, $1  }
0x44: {  	_ =	sdelay $0x3  }
0x45: {  	p0 =	sgt.s32 s14, $0x5;
	s0 =	smov.u32 s14;
	s1 =	sshra.s32 s14, $0x1F  }
0x46: {  	s0 =	simm.s32 @!p0 $0x5;
	s1 =	sand.u32 s1, s14  }
0x47: {  	s28 =	sshra.s32 s13, $0x1F;
	p1 =	sgt.s32 s13, $0x1;
	s0 =	ssub.s32 s0, s1  }
0x48: {  	s9 =	smov.u32 s13;
	s10 =	smov.u32 s12;
	s1 =	sadd.s32 $0xFFFFFFFB, s0  }
0x49: {  	s29 =	sshra.s32 s12, $0x1F;
	p0 =	sgt.s32 s1, $0x0;
	s1 =	sand.u32 s28, s13  }
0x4a: {  	s9 =	simm.s32 @!p1 $0x1;
	p1 =	sgt.s32 s12, $0x2690;
	s1 =	sxor.u32 $0xFFFFFFFF, s1  }
0x4b: {  	s10 =	simm.s32 @!p1 $0x2690;
	s0 =	ssub.s32 $0x6, s0;
	s1 =	sadd.s32 s1, s9  }
0x4c: {  	s9 =	sand.u32 s29, s12;
	p1 =	sgt.s32 s1, $0x0;
	s1 =	ssub.s32 $0x1, s1  }
0x4d: {  	s0 =	simm.s32 @p0 $0x0;
	s9 =	ssub.s32 s10, s9;
	s1 =	simm.s32 @p1 $0x0  }
0x4e: {  	s30 =	sadd.s32 $0xFFFFD970, s9;
	s0 =	smul.u32 s1, s0  }
0x4f: {  	p0 =	sgt.s32 s30, $0x7F;
	s1 =	ssub.s32 $0x2710, s9;
	s9 =	sadd.s32 $0x1, s14  }
0x50: {  	s10 =	sadd.s32 $0x1, s13;
	s1 =	simm.s32 @p0 $0x0;
	p0 =	slt.s32 s9, $0x6  }
0x51: {  	s0 =	smul.u32 s1, s0;
	s9 =	simm.s32 @!p0 $0x6;
	p0 =	slt.s32 s10, $0x2  }
0x52: {  	s1 =	sadd.s32 $0x80, s12;
	s23 =	ssub.s32 s9, s14;
	s10 =	simm.s32 @!p0 $0x2  }
0x53: {  	p0 =	slt.s32 s1, $0x2710;
	s24 =	ssub.s32 s10, s13;
	p1 =	slt.s32 s23, $0x1  }
0x54: {  	s1 =	simm.s32 @!p0 $0x2710;
	p0 =	slt.s32 @!p1 s24, $0x1  }
0x55: {  	s25 =	ssub.s32 s1, s12;
	p0 =	por p1, p0  }
0x56: {  	p1 =	slt.s32 @!p0 s25, $0x1  }
0x57: {  	p0 =	por p0, p1  }
.Ltmp3:
0x58: {  	s0 =	sshll.u32 s0, $0x7;
	(pc) =	sbr.rel @p0 .LBB1_13-.Ltmp3, $4  }
0x59: {  	s22 =	sand.u32 $0x3FFFFF80, s0  }
0x5a: {  	_ =	swait.ge [sflag:s4], s22  }
0x5b: {  	s31 =	sshll.u32 s18, $0xE;
	s0 =	ssub.s32 $0x0, s22;
	[sflag:s4] =	ssyncset.done $0x0  }
0x5c: {  	s26 =	sand.u32 $0x4000, s31;
	[sflag:s4] =	ssyncadd.s32 s0  }
.Ltmp4:
0x5d: {  	(pc) =	sbr.rel .LBB1_4-.Ltmp4, $3  }
0x5e: {  	_ =	sdelay $0x1  }
0x5f: {  	s0 =	sand.u32 $0x4000, s11  }
0x60: {  	s28 =	simm.s32 $0x0;
	s27 =	sor.u32 $0x8000, s0  }
.LBB1_12:
0x61: {  	s28 =	sadd.s32 $0x1, s28  }
0x62: {  	p0 =	sne.s32 s28, s23  }
.Ltmp5:
0x63: {  	_ = 	snop;
	(pc) =	sbr.rel @!p0 .LBB1_13-.Ltmp5, $2  }
0x64: {  	_ =	sdelay $0x2  }
0x65: {  	s27 =	sadd.s32 $0x4000, s27  }
.LBB1_4:
0x66: {  	s29 =	simm.s32 $0x0;
	s30 =	simm.s32 $0x0  }
.LBB1_5:
0x67: {  	s0 =	sadd.s32 s28, s30  }
0x68: {  	s1 =	sshll.u32 s29, $0x2;
	s0 =	sshll.u32 s0, $0x10  }
0x69: {  	s1 =	sand.u32 $0x200, s1;
	s0 =	sshra.s32 s0, $0x2  }
0x6a: {  	p1 =	sne.s32 s25, $0x1;
	s1 =	sshrl.u32 s1, $0x2;
	s0 =	sadd.s32 s0, s26  }
.Ltmp6:
0x6b: {  	v0 =	vmov s1;
	v1 =	vmov s0;
	(pc) =	sbr.rel @!p1 .LBB1_6-.Ltmp6, $3  }
0x6c: {  	_ =	sdelay $0x1  }
0x6d: {  	s9 =	simm.s32 $0x0  }
0x6e: {  	s10 =	sadd.s32 $0xFFFFFFFF, s25;
	p0 =	por $0x0, $0x0;
	s0 =	sand.u32 $0x3F80, s9  }
0x6f: {  	_ =	sdelay $0x3  }
0x70: {  	v7 =	vld.idx.msk [tilespmem:v1+s0+$0x70 ss:$0x1], $0xffff  }
0x71: {  	v8 =	vld.idx.msk [tilespmem:v1+s0+$0x0 ss:$0x1], $0xffff  }
0x72: {  	v2 =	vld.idx.msk [tilespmem:v1+s0+$0x10 ss:$0x1], $0xffff;
	p1 =	sne.s32 s10, $0x1  }
.Ltmp7:
0x73: {  	v3 =	vld.idx.msk [tilespmem:v1+s0+$0x20 ss:$0x1], $0xffff;
	(pc) =	sbr.rel @!p1 .LBB1_8-.Ltmp7, $4  }
0x74: {  	v4 =	vld.idx.msk [tilespmem:v1+s0+$0x30 ss:$0x1], $0xffff  }
0x75: {  	v5 =	vld.idx.msk [tilespmem:v1+s0+$0x40 ss:$0x1], $0xffff  }
0x76: {  	v6 =	vld.idx.msk [tilespmem:v1+s0+$0x50 ss:$0x1], $0xffff;
	s9 =	simm.s32 $0x80;
	s10 =	sadd.s32 $0xFFFFFFFF, s10;
	[tilespmem:v0+s27+$0x70 ss:$0x1] =	vst.idx.msk $0xffff, v7  }
0x77: {  	p0 =	por $0x1, $0x1;
	s31 =	smov.u32 s27;
	s1 =	sand.u32 $0x3F80, s9;
	[tilespmem:v0+s27+$0x0 ss:$0x1] =	vst.idx.msk $0xffff, v8;
	v7 =	vld.idx.msk [tilespmem:v1+s0+$0x60 ss:$0x1], $0xffff  }
.LBB1_9:
0x78: {  	p1 =	sne.s32 s10, $0x1;
	v8 =	vld.idx.msk [tilespmem:v1+s1+$0x70 ss:$0x1], $0xffff;
	[tilespmem:v0+s31+$0x10 ss:$0x1] =	vst.idx.msk $0xffff, v2  }
0x79: {  	v9 =	vld.idx.msk [tilespmem:v1+s1+$0x0 ss:$0x1], $0xffff;
	[tilespmem:v0+s31+$0x20 ss:$0x1] =	vst.idx.msk $0xffff, v3  }
0x7a: {  	v2 =	vld.idx.msk [tilespmem:v1+s1+$0x10 ss:$0x1], $0xffff;
	[tilespmem:v0+s31+$0x30 ss:$0x1] =	vst.idx.msk $0xffff, v4  }
.Ltmp8:
0x7b: {  	v3 =	vld.idx.msk [tilespmem:v1+s1+$0x20 ss:$0x1], $0xffff;
	[tilespmem:v0+s31+$0x40 ss:$0x1] =	vst.idx.msk $0xffff, v5;
	(pc) =	sbr.rel @p1 .LBB1_9-.Ltmp8, $4  }
0x7c: {  	v4 =	vld.idx.msk [tilespmem:v1+s1+$0x30 ss:$0x1], $0xffff;
	[tilespmem:v0+s31+$0x50 ss:$0x1] =	vst.idx.msk $0xffff, v6  }
0x7d: {  	v5 =	vld.idx.msk [tilespmem:v1+s1+$0x40 ss:$0x1], $0xffff;
	[tilespmem:v0+s31+$0x60 ss:$0x1] =	vst.idx.msk $0xffff, v7;
	s31 =	sadd.s32 $0x80, s31  }
0x7e: {  	s9 =	sadd.s32 $0x80, s9;
	v6 =	vld.idx.msk [tilespmem:v1+s1+$0x50 ss:$0x1], $0xffff;
	[tilespmem:v0+s31+$0x70 ss:$0x1] =	vst.idx.msk $0xffff, v8  }
0x7f: {  	s10 =	sadd.s32 $0xFFFFFFFF, s10;
	[tilespmem:v0+s31+$0x0 ss:$0x1] =	vst.idx.msk $0xffff, v9;
	v7 =	vld.idx.msk [tilespmem:v1+s1+$0x60 ss:$0x1], $0xffff;
	s1 =	sand.u32 $0x3F80, s9  }
0x80: {  	s0 =	smov.u32 s1  }
.LBB1_11:
0x81: {  	_ =	sdelay $0x3  }
0x82: {  	[tilespmem:v0+s31+$0x10 ss:$0x1] =	vst.idx.msk @p0 $0xffff, v2  }
0x83: {  	v56 =	vld.idx.msk [tilespmem:v1+s0+$0x70 ss:$0x1], $0xffff;
	[tilespmem:v0+s31+$0x20 ss:$0x1] =	vst.idx.msk @p0 $0xffff, v3  }
0x84: {  	v57 =	vld.idx.msk [tilespmem:v1+s0+$0x0 ss:$0x1], $0xffff;
	[tilespmem:v0+s31+$0x30 ss:$0x1] =	vst.idx.msk @p0 $0xffff, v4  }
0x85: {  	v58 =	vld.idx.msk [tilespmem:v1+s0+$0x10 ss:$0x1], $0xffff;
	[tilespmem:v0+s31+$0x40 ss:$0x1] =	vst.idx.msk @p0 $0xffff, v5  }
0x86: {  	v59 =	vld.idx.msk [tilespmem:v1+s0+$0x20 ss:$0x1], $0xffff;
	s1 =	sadd.s32 @p0 $0x80, s31;
	s9 =	smov.u32 s27;
	[tilespmem:v0+s31+$0x50 ss:$0x1] =	vst.idx.msk @p0 $0xffff, v6  }
0x87: {  	v60 =	vld.idx.msk [tilespmem:v1+s0+$0x30 ss:$0x1], $0xffff;
	s9 =	smov.u32 @p0 s1;
	[tilespmem:v0+s31+$0x60 ss:$0x1] =	vst.idx.msk @p0 $0xffff, v7  }
0x88: {  	v61 =	vld.idx.msk [tilespmem:v1+s0+$0x40 ss:$0x1], $0xffff;
	[tilespmem:v0+s9+$0x70 ss:$0x1] =	vst.idx.msk $0xffff, v56  }
0x89: {  	v62 =	vld.idx.msk [tilespmem:v1+s0+$0x50 ss:$0x1], $0xffff;
	s30 =	sadd.s32 $0x1, s30;
	[tilespmem:v0+s9+$0x0 ss:$0x1] =	vst.idx.msk $0xffff, v57  }
0x8a: {  	v63 =	vld.idx.msk [tilespmem:v1+s0+$0x60 ss:$0x1], $0xffff;
	p0 =	sne.s32 s30, s24;
	[tilespmem:v0+s9+$0x10 ss:$0x1] =	vst.idx.msk $0xffff, v58  }
.Ltmp9:
0x8b: {  	[tilespmem:v0+s9+$0x20 ss:$0x1] =	vst.idx.msk $0xffff, v59;
	(pc) =	sbr.rel @p0 .LBB1_5-.Ltmp9, $4  }
.Ltmp10:
0x8c: {  	[tilespmem:v0+s9+$0x30 ss:$0x1] =	vst.idx.msk $0xffff, v60;
	(pc) =	sbr.rel @!p0 .LBB1_12-.Ltmp10, $4  }
0x8d: {  	[tilespmem:v0+s9+$0x40 ss:$0x1] =	vst.idx.msk $0xffff, v61  }
0x8e: {  	[tilespmem:v0+s9+$0x50 ss:$0x1] =	vst.idx.msk $0xffff, v62  }
0x8f: {  	s29 =	sadd.s32 $0x80, s29;
	[tilespmem:v0+s9+$0x60 ss:$0x1] =	vst.idx.msk $0xffff, v63  }
0x90: {  	_ = 	snop  }
.LBB1_6:
.Ltmp11:
0x91: {  	(pc) =	sbr.rel .LBB1_11-.Ltmp11, $2  }
0x92: {  	_ =	sdelay $0x2  }
0x93: {  	s31 =	smov.u32 s27  }
.LBB1_8:
.Ltmp12:
0x94: {  	(pc) =	sbr.rel .LBB1_11-.Ltmp12, $2  }
0x95: {  	_ =	sdelay $0x2  }
0x96: {  	s0 =	smov.u32 s1;
	s31 =	smov.u32 s27  }
.LBB1_15:
0x97: {  	_ =	sfence.sel $0x180000  }
0x98: {  	s0 =	simm.s32 $0x1;
	[bflag:$0x0] =	sbarrier.arrive $0xFFFF  }
0x99: {  	s30 =	simm.s32 $0x2;
	[sflag:s0] =	ssyncpa.u1 $0x1  }
0x9a: {  	[sflag:s30] =	ssyncpa.u1 $0x1  }
0x9b: {  	_ =	strace $0x90000050  }
0x9c: {  	s31 =	stileid.u32;
	[bflag:$0x2] =	sbarrier.arrive $0xFFFF  }
0x9d: {  	p0 =	sne.s32 s31, $0x0;
	s0 =	rddreg [dreg:$0x1]  }
0x9e: {  	s0 =	sadd.s32 @!p0 $0x100000, s0  }
0x9f: {  	[sflag:s0] =	ssyncadd.tile.s32 @!p0 $0x1;
	_ =	shalt  }
.Lfunc_end1:
_tile_overlayer_lowered:
.L_overlay_start_2:
0xa0: {  	(tag) =	ssettag $0x2  }
0xa1: {  	s0 =	rddreg [dreg:$0x0];
	s2 =	stileid.u32  }
0xa2: {  	s1 =	rddreg [dreg:$0x1];
	p0 =	sne.s32 s2, $0x0  }
0xa3: {  	s3 =	rddreg [dreg:$0x2];
	[bflag:$0x3] =	sbarrier.arrive $0xFFFF;
	s2 =	simm.s32 @!p0 $0x1C01  }
0xa4: {  	[timem:s3], [sflag:s2] =	dma.local @!p0 [hbm:s0], s1  }
0xa5: {  	s0 =	simm.s32 @!p0 $0x1  }
0xa6: {  	_ =	swait.ge @!p0 [sflag:s0], s1  }
0xa7: {  	s1 =	ssub.s32 @!p0 $0x0, s1;
	[sflag:s0] =	ssyncset.done @!p0 $0x0  }
0xa8: {  	[sflag:s0] =	ssyncadd.s32 @!p0 s1  }
0xa9: {  	[bflag:$0x3] =	sbarrier.arrive $0xFFFF  }
0xaa: {  	_ =	shalt  }

// kernel: sparse-core-data-format-call.2.cloned.1.call-start
scs
called_computation.2_lowered:
.L_overlay_start_0:
0x0: {  	s2 =	sld [smem:$0x3FD9]  }
0x1: {  	s3 =	sld [smem:$0x3FFE];
	_ =	sdelay $0x1  }
0x2: {  	s1 =	srdreg.scid  }
0x3: {  	s0 =	sand.u32 $0x1, s1  }
0x4: {  	s18 =	sshll.u32 s0, $0xA;
	s2 =	sadd.s32 s3, s2  }
0x5: {  	s2 =	sadd.s32 s2, s18  }
0x6: {  	[smem:$0x3FBF] =	sst s2  }
0x7: {  	_ = 	snop  }
0x8: {  	(tm) =	ssettm $0x1  }
0x9: {  	s19 =	sld [smem:$0x3FFB];
	_ =	sdelay $0x3  }
0xa: {  	_ =	strace s19  }
0xb: {  	s2 =	sld [smem:$0x3FFC];
	_ =	sdelay $0x3  }
0xc: {  	_ =	strace s2  }
0xd: {  	s2 =	sld [smem:$0x3FFD];
	_ =	sdelay $0x3  }
0xe: {  	_ =	strace s2  }
0xf: {  	_ =	strace $0x8FFFFFFF  }
0x10: {  	s20 =	sld [smem:$0x3FDB];
	_ =	sdelay $0x1  }
0x11: {  	s21 =	simm.s32 $_scs_section_size  }
0x12: {  	s4 =	simm.s32 $_size__tile_overlayer_lowered;
	s5 =	simm.s32 $_tile_overlayer_lowered  }
0x13: {  	s6 =	simm.s32 $0x1BFF;
	s22 =	sshll.u32 s5, $0x1;
	s3 =	sadd.s32 s21, s20  }
0x14: {  	s23 =	simm.s32 $0x0;
	s4 =	sshll.u32 s4, $0x1;
	s5 =	sadd.s32 s22, s3  }
0x15: {  	[timem:s23], [sflag:s6] =	dma.local [hbm:s5], s4  }
0x16: {  	_ =	swait.ge [sflag:s6], s4  }
0x17: {  	s4 =	ssub.s32 $0x0, s4;
	[sflag:s6] =	ssyncset.done $0x0  }
0x18: {  	[sflag:s6] =	ssyncadd.s32 s4;
	_ =	sdelay $0x1  }
0x19: {  	s24 =	simm.s32 $0x1B8B  }
0x1a: {  	_ =	swait.ge [sflag:s24], $0x1  }
0x1b: {  	[sflag:s24] =	ssyncset.done $0x0  }
0x1c: {  	[sflag:s24] =	ssyncadd.s32 $0xFFFFFFFF  }
0x1d: {  	s4 =	sld [smem:$0x0]  }
0x1e: {  	s5 =	sand.u32 $0xFFFFFFFE, s1  }
0x1f: {  	p0 =	sne.s32 s1, s5  }
0x20: {  	s5 =	sshll.u32 @p0 s5, $0xE  }
0x21: {  	s5 =	sadd.s32 @p0 $0x11B8D, s5;
	s6 =	sshll.u32 @p0 s4, $0x11  }
0x22: {  	s5 =	sor.u32 @p0 s6, s5  }
0x23: {  	[sflag:s5] =	ssyncadd.remote.s32 @p0 $0x1;
	_ =	sdelay $0x1  }
0x24: {  	s5 =	simm.s32 @p0 $0x1B8D  }
0x25: {  	_ =	swait.eq @p0 [sflag:s5], $0x1  }
0x26: {  	[sflag:s5] =	ssyncadd.s32 @p0 $0xFFFFFFFF  }
0x27: {  	s6 =	sshll.u32 @!p0 s1, $0xE  }
0x28: {  	s6 =	sor.u32 @!p0 $0x4000, s6;
	s5 =	simm.s32 @!p0 $0x1B8D  }
0x29: {  	s4 =	sshll.u32 @!p0 s4, $0x11;
	s6 =	sadd.s32 @!p0 $0x11B8D, s6;
	_ =	swait.eq @!p0 [sflag:s5], $0x1  }
0x2a: {  	s4 =	sor.u32 @!p0 s4, s6;
	[sflag:s5] =	ssyncadd.s32 @!p0 $0xFFFFFFFF  }
0x2b: {  	s26 =	simm.s32 $0x1B8E;
	s25 =	sld [smem:$0x3FFE];
	[sflag:s4] =	ssyncadd.remote.s32 @!p0 $0x1  }
0x2c: {  	s27 =	simm.s32 $execute0_lowered;
	[smem:$0x3FD2] =	sst s26  }
0x2d: {  	s5 =	sshll.u32 s27, $0x1;
	_ =	strace $0x8000004C;
	[dreg:$0x1] =	wrdreg $0xFFFFFFFF  }
0x2e: {  	s28 =	simm.s32 $_size_execute0_lowered;
	s3 =	sadd.s32 s3, s5;
	[dreg:$0x0] =	wrdreg $0x0  }
0x2f: {  	s5 =	sshll.u32 s28, $0x1;
	[dreg:$0x2] =	wrdreg s3  }
0x30: {  	[dreg:$0x3] =	wrdreg s5  }
0x31: {  	[dreg:$0x4] =	wrdreg $0xC0  }
0x32: {  	_ =	task [dreg:s23], $0x5FFFF  }
0x33: {  	[dreg:$0x1] =	wrdreg $0xFFFFFFFF  }
0x34: {  	[dreg:$0x0] =	wrdreg $0x60  }
0x35: {  	[dreg:$0x2] =	wrdreg s25  }
0x36: {  	[dreg:$0x3] =	wrdreg $0xC  }
0x37: {  	_ =	task.clear_ibuf [dreg:s23], $0x4FFFF;
	_ =	strace $0x9000004C  }
0x38: {  	s29 =	simm.s32 $0xC;
	_ =	strace $0x8000004E  }
0x39: {  	_ =	swait.ge [sflag:s29], $0x1  }
0x3a: {  	[sflag:s29] =	ssyncadd.s32 $0xFFFFFFFF  }
0x3b: {  	_ =	strace $0x9000004E  }
0x3c: {  	_ =	sfence  }
0x3d: {  	s30 =	sld [smem:$0x0];
	_ =	sdelay $0x2  }
0x3e: {  	s31 =	sshll.u32 s1, $0xD;
	s1 =	sshrl.u32 s1, $0x2  }
0x3f: {  	s4 =	sand.u32 $0x4000, s31;
	s1 =	sadd.s32 s1, s30  }
0x40: {  	s0 =	sor.u32 s4, s0;
	s1 =	sshll.u32 s1, $0x11  }
0x41: {  	s0 =	sor.u32 s1, s0  }
0x42: {  	s0 =	sadd.s32 $0x8F2B, s0  }
0x43: {  	[sflag:s0] =	ssyncadd.remote.s32 $0x1  }
0x44: {  	_ =	sfence.sel $0xFFFF  }
0x45: {  	[dreg:$0x0] =	wrdreg $0xFFFFFFFF;
	(pc) =	sbr.abs _section_cstart, $3  }
0x46: {  	[dreg:$0x1] =	wrdreg $0xFFFFFFFF  }
0x47: {  	_ =	task.clear_ibuf [dreg:s23], $0x2FFFF;
	_ =	strace $0x9FFFFFFF  }
0x48: {  	(tm) =	ssettm $0x7FFFFFFF  }
0x49: {  	_ =	shalt  }
tec
execute0_lowered:
.L_overlay_start_1:
0x0: {  	(tag) =	ssettag $0x1  }
0x1: {  	s2 =	stileid.u32;
	s0 =	srdreg.scid  }
0x2: {  	s1 =	sshll.u32 s2, $0x6;
	s0 =	sshll.u32 s0, $0xA  }
0x3: {  	s7 =	rddreg [dreg:$0x0];
	_ =	strace $0x8000004D;
	s0 =	sor.u32 s1, s0  }
0x4: {  	s31 =	simm.s32 $0x2;
	s2 =	sand.u32 $0x1, s2;
	s3 =	sand.u32 $0x780, s0  }
0x5: {  	s20 =	simm.s32 $0x0;
	s29 =	ssub.s32 $0x2, s2;
	s30 =	ssub.s32 $0x2700, s3  }
0x6: {  	s4 =	sshrl.u32 s29, $0x1;
	s0 =	sand.u32 $0x1, s29;
	s1 =	sshrl.u32 s30, $0xB  }
0x7: {  	s11 =	simm.s32 $0x0;
	s0 =	sadd.s32 s0, s4;
	s1 =	sadd.s32 $0x1, s1  }
0x8: {  	s19 =	simm.s32 $0x0;
	s21 =	simm.s32 $0x0;
	s0 =	smul.u32 s1, s0  }
.Ltmp0:
0x9: {  	s12 =	simm.s32 $0x0;
	s13 =	simm.s32 $0x0;
	(pc) =	sbr.rel .LBB1_1-.Ltmp0, $4  }
0xa: {  	s14 =	simm.s32 $0x0;
	s17 =	simm.s32 $0x0;
	s18 =	simm.s32 $0x0  }
0xb: {  	s6 =	sadd.s32 $0x1D7E00, s7;
	s4 =	simm.s32 $0x1;
	s5 =	smul.u32 $0x6, s0  }
0xc: {  	s7 =	sadd.s32 $0x936000, s7;
	s16 =	smov.u32 s2;
	[sflag:s4] =	ssyncpa.u1 $0x0  }
0xd: {  	s15 =	smov.u32 s3;
	[sflag:s31] =	ssyncpa.u1 $0x0;
	s8 =	sor.u32 $0x1, s5  }
.LBB1_13:
0xe: {  	s0 =	smul.u32 $0x4E200, s14;
	_ =	sdelay $0x1  }
0xf: {  	s1 =	sshll.u32 s12, $0x5;
	s9 =	sshll.u32 s13, $0x4;
	s0 =	sadd.s32 s7, s0  }
0x10: {  	s30 =	sor.u32 $0x8000, s26;
	s9 =	sand.u32 $0x10, s9;
	s0 =	sadd.s32 s1, s0  }
0x11: {  	s31 =	simm.s32 $0x80;
	s10 =	simm.s32 $0x100;
	s0 =	sadd.s32 s9, s0  }
0x12: {  	[hbm4b:s0+s31] =	stream.strided.scatter [tilespmem:s30], [sflag:$0x2], s22, s10, s31, $0x38;
	[tilespmem:$0x10000] =	vst v63  }
.LBB1_14:
0x13: {  	p0 =	slt.u32 s18, $0x2  }
0x14: {  	s0 =	smov.u32 s21;
	s9 =	smov.u32 s20;
	p1 =	sgt.s32 @!p0 s21, $0x5  }
0x15: {  	s1 =	sshra.s32 @!p0 s21, $0x1F;
	p2 =	sgt.s32 @!p0 s19, $0x1;
	p1 =	por !p1, p0  }
0x16: {  	s10 =	sshra.s32 @!p0 s19, $0x1F;
	s1 =	sand.u32 @!p0 s1, s21;
	s0 =	simm.s32 @p1 $0x5  }
0x17: {  	s10 =	sand.u32 @!p0 s10, s19;
	p1 =	sgt.s32 @!p0 s20, $0x2690;
	s0 =	ssub.s32 @!p0 s0, s1  }
0x18: {  	p1 =	por !p1, p0;
	s1 =	sshra.s32 @!p0 s20, $0x1F;
	s0 =	sadd.s32 @!p0 $0xFFFFFFFB, s0  }
0x19: {  	s1 =	sand.u32 @!p0 s1, s20;
	s9 =	simm.s32 @p1 $0x2690;
	p1 =	por !p2, p0  }
0x1a: {  	s1 =	ssub.s32 @!p0 s9, s1;
	s19 =	simm.s32 @p1 $0x1;
	s9 =	sxor.u32 @!p0 $0xFFFFFFFF, s10  }
0x1b: {  	p1 =	sgt.s32 @!p0 s0, $0x0;
	s0 =	sshll.u32 @!p0 s0, $0x7;
	s9 =	sadd.s32 @!p0 s9, s19  }
0x1c: {  	s10 =	sadd.s32 @!p0 $0xFFFFD970, s1;
	s0 =	ssub.s32 @!p0 $0x80, s0;
	p2 =	sgt.s32 @!p0 s9, $0x0  }
0x1d: {  	p1 =	por !p1, p0;
	s9 =	ssub.s32 @!p0 $0x1, s9;
	p2 =	por !p2, p0  }
0x1e: {  	s0 =	simm.s32 @!p1 $0x0;
	s9 =	simm.s32 @!p2 $0x0;
	p2 =	sgt.s32 @!p0 s10, $0x7F  }
0x1f: {  	s1 =	ssub.s32 @!p0 $0x2710, s1;
	p1 =	por !p2, p0;
	s0 =	smul.u32 @!p0 s9, s0  }
0x20: {  	s1 =	simm.s32 @!p1 $0x0  }
0x21: {  	s0 =	smul.u32 @!p0 s1, s0;
	s1 =	sadd.s32 $0x800, s15  }
0x22: {  	s10 =	smov.u32 s16;
	s9 =	sadd.s32 $0x2, s16;
	p1 =	sgt.s32 s1, $0x270F  }
0x23: {  	s10 =	smov.u32 @p1 s9  }
0x24: {  	s19 =	simm.s32 $0x1;
	p2 =	sgt.s32 s10, $0x1  }
0x25: {  	s19 =	simm.s32 @!p2 $0x0  }
0x26: {  	s11 =	sadd.s32 $0x4000, s11;
	s21 =	smov.u32 s14;
	s22 =	sadd.s32 s19, s17  }
0x27: {  	s14 =	smov.u32 s17;
	s1 =	smov.u32 @p1 s3;
	p1 =	sgt.s32 s22, $0x5  }
0x28: {  	s20 =	smov.u32 s12;
	s22 =	simm.s32 @p1 $0x0;
	p1 =	sne.s32 s18, s8  }
.Ltmp1:
0x29: {  	s0 =	sand.u32 @!p0 $0x3FFFFF80, s0;
	s9 =	simm.s32 @!p0 $0x2;
	(pc) =	sbr.rel @!p1 .LBB1_15-.Ltmp1, $4  }
0x2a: {  	s12 =	smov.u32 s15;
	_ =	swait.ge @!p0 [sflag:s9], s0;
	s0 =	ssub.s32 @!p0 $0x0, s0  }
0x2b: {  	s15 =	smov.u32 s1;
	[sflag:s9] =	ssyncset.done @!p0 $0x0;
	s10 =	smov.u32 @p2 s2  }
0x2c: {  	s19 =	smov.u32 s13;
	s13 =	smov.u32 s16;
	[sflag:s9] =	ssyncadd.s32 @!p0 s0  }
0x2d: {  	s16 =	smov.u32 s10;
	s18 =	sadd.s32 $0x1, s18;
	s17 =	smov.u32 s22  }
.LBB1_1:
0x2e: {  	p0 =	sge.u32 s18, s5;
	s1 =	smov.u32 s17;
	s23 =	smov.u32 s15  }
0x2f: {  	s31 =	sadd.s32 $0xFFFFFFFF, s18;
	p1 =	sgt.s32 @!p0 s17, $0x5;
	s0 =	sand.u32 @!p0 $0x1FFFFFF, s15  }
0x30: {  	s9 =	sshra.s32 @!p0 s17, $0x1F;
	p2 =	sgt.s32 @!p0 s16, $0x1;
	p1 =	por !p1, p0  }
0x31: {  	s10 =	smulhi.u32 @!p0 $0x1A36E2F, s0;
	s9 =	sand.u32 @!p0 s9, s17;
	s1 =	simm.s32 @p1 $0x5  }
0x32: {  	s22 =	sshra.s32 @!p0 s16, $0x1F;
	p2 =	por !p2, p0;
	s1 =	ssub.s32 @!p0 s1, s9  }
0x33: {  	s22 =	sand.u32 @!p0 s22, s16;
	s9 =	sshrl.u32 @!p0 s10, $0x6;
	s10 =	sadd.s32 @!p0 $0xFFFFFFFB, s1  }
0x34: {  	s22 =	sxor.u32 @!p0 $0xFFFFFFFF, s22;
	p1 =	sgt.s32 @!p0 s10, $0x0;
	s10 =	smov.u32 s16  }
0x35: {  	s9 =	smul.u32 @!p0 $0x2710, s9;
	s10 =	simm.s32 @p2 $0x1;
	p2 =	sgt.s32 @!p0 s15, $0x2690  }
0x36: {  	s1 =	ssub.s32 @!p0 $0x6, s1;
	p1 =	por !p1, p0;
	p2 =	por !p2, p0  }
0x37: {  	s10 =	sadd.s32 @!p0 s22, s10;
	s22 =	sshra.s32 @!p0 s15, $0x1F;
	s23 =	simm.s32 @p2 $0x2690  }
0x38: {  	p2 =	sgt.s32 @!p0 s10, $0x0;
	s22 =	sand.u32 @!p0 s22, s15;
	s10 =	sshll.u32 @!p0 s10, $0x7  }
0x39: {  	s22 =	ssub.s32 @!p0 s23, s22;
	s10 =	ssub.s32 @!p0 $0x80, s10;
	p2 =	por !p2, p0  }
0x3a: {  	s1 =	simm.s32 @!p1 $0x0;
	s23 =	sadd.s32 @!p0 $0xFFFFD970, s22;
	s10 =	simm.s32 @!p2 $0x0  }
0x3b: {  	s0 =	ssub.s32 @!p0 s0, s9;
	p1 =	sgt.s32 @!p0 s23, $0x7F;
	s1 =	smul.u32 @!p0 s1, s10  }
0x3c: {  	s10 =	ssub.s32 @!p0 $0x2710, s22;
	s22 =	smul.u32 @!p0 $0x4E200, s17;
	p1 =	por !p1, p0  }
0x3d: {  	s9 =	smul.u32 @!p0 $0x27100, s16;
	s23 =	sxor.u32 @!p0 $0xFFFFFFFF, s18;
	s10 =	simm.s32 @!p1 $0x0  }
0x3e: {  	s23 =	sshll.u32 @!p0 s23, $0xE;
	s1 =	smul.u32 @!p0 s10, s1;
	s10 =	sadd.s32 @!p0 s6, s22  }
0x3f: {  	s0 =	sshll.u32 @!p0 s0, $0x4;
	s22 =	sand.u32 @!p0 $0x4000, s23;
	s9 =	sadd.s32 @!p0 s9, s10  }
0x40: {  	s1 =	sand.u32 @!p0 $0x3FFFFF80, s1;
	s0 =	sadd.s32 @!p0 s0, s9;
	s9 =	simm.s32 @!p0 $0x0  }
0x41: {  	[tilespmem:s22], [sflag:$0x1] =	stream.linear.gather @!p0 [hbm4b:s0+s9], s1, $0x38;
	[tilespmem:$0x10000] =	vst v63  }
0x42: {  	p0 =	sge.u32 s31, s5  }
.Ltmp2:
0x43: {  	_ = 	snop;
	(pc) =	sbr.rel @p0 .LBB1_14-.Ltmp2, $1  }
0x44: {  	_ =	sdelay $0x3  }
0x45: {  	p0 =	sgt.s32 s14, $0x5;
	s0 =	smov.u32 s14;
	s1 =	sshra.s32 s14, $0x1F  }
0x46: {  	s0 =	simm.s32 @!p0 $0x5;
	s1 =	sand.u32 s1, s14  }
0x47: {  	s28 =	sshra.s32 s13, $0x1F;
	p1 =	sgt.s32 s13, $0x1;
	s0 =	ssub.s32 s0, s1  }
0x48: {  	s9 =	smov.u32 s13;
	s10 =	smov.u32 s12;
	s1 =	sadd.s32 $0xFFFFFFFB, s0  }
0x49: {  	s29 =	sshra.s32 s12, $0x1F;
	p0 =	sgt.s32 s1, $0x0;
	s1 =	sand.u32 s28, s13  }
0x4a: {  	s9 =	simm.s32 @!p1 $0x1;
	p1 =	sgt.s32 s12, $0x2690;
	s1 =	sxor.u32 $0xFFFFFFFF, s1  }
0x4b: {  	s10 =	simm.s32 @!p1 $0x2690;
	s0 =	ssub.s32 $0x6, s0;
	s1 =	sadd.s32 s1, s9  }
0x4c: {  	s9 =	sand.u32 s29, s12;
	p1 =	sgt.s32 s1, $0x0;
	s1 =	ssub.s32 $0x1, s1  }
0x4d: {  	s0 =	simm.s32 @p0 $0x0;
	s9 =	ssub.s32 s10, s9;
	s1 =	simm.s32 @p1 $0x0  }
0x4e: {  	s30 =	sadd.s32 $0xFFFFD970, s9;
	s0 =	smul.u32 s1, s0  }
0x4f: {  	p0 =	sgt.s32 s30, $0x7F;
	s1 =	ssub.s32 $0x2710, s9;
	s9 =	sadd.s32 $0x1, s14  }
0x50: {  	s10 =	sadd.s32 $0x1, s13;
	s1 =	simm.s32 @p0 $0x0;
	p0 =	slt.s32 s9, $0x6  }
0x51: {  	s0 =	smul.u32 s1, s0;
	s9 =	simm.s32 @!p0 $0x6;
	p0 =	slt.s32 s10, $0x2  }
0x52: {  	s1 =	sadd.s32 $0x80, s12;
	s23 =	ssub.s32 s9, s14;
	s10 =	simm.s32 @!p0 $0x2  }
0x53: {  	p0 =	slt.s32 s1, $0x2710;
	s24 =	ssub.s32 s10, s13;
	p1 =	slt.s32 s23, $0x1  }
0x54: {  	s1 =	simm.s32 @!p0 $0x2710;
	p0 =	slt.s32 @!p1 s24, $0x1  }
0x55: {  	s25 =	ssub.s32 s1, s12;
	p0 =	por p1, p0  }
0x56: {  	p1 =	slt.s32 @!p0 s25, $0x1  }
0x57: {  	p0 =	por p0, p1  }
.Ltmp3:
0x58: {  	s0 =	sshll.u32 s0, $0x7;
	(pc) =	sbr.rel @p0 .LBB1_13-.Ltmp3, $4  }
0x59: {  	s22 =	sand.u32 $0x3FFFFF80, s0  }
0x5a: {  	_ =	swait.ge [sflag:s4], s22  }
0x5b: {  	s31 =	sshll.u32 s18, $0xE;
	s0 =	ssub.s32 $0x0, s22;
	[sflag:s4] =	ssyncset.done $0x0  }
0x5c: {  	s26 =	sand.u32 $0x4000, s31;
	[sflag:s4] =	ssyncadd.s32 s0  }
.Ltmp4:
0x5d: {  	(pc) =	sbr.rel .LBB1_4-.Ltmp4, $3  }
0x5e: {  	_ =	sdelay $0x1  }
0x5f: {  	s0 =	sand.u32 $0x4000, s11  }
0x60: {  	s28 =	simm.s32 $0x0;
	s27 =	sor.u32 $0x8000, s0  }
.LBB1_12:
0x61: {  	s28 =	sadd.s32 $0x1, s28  }
0x62: {  	p0 =	sne.s32 s28, s23  }
.Ltmp5:
0x63: {  	_ = 	snop;
	(pc) =	sbr.rel @!p0 .LBB1_13-.Ltmp5, $2  }
0x64: {  	_ =	sdelay $0x2  }
0x65: {  	s27 =	sadd.s32 $0x4000, s27  }
.LBB1_4:
0x66: {  	s29 =	simm.s32 $0x0;
	s30 =	simm.s32 $0x0  }
.LBB1_5:
0x67: {  	s0 =	sadd.s32 s28, s30  }
0x68: {  	s1 =	sshll.u32 s29, $0x2;
	s0 =	sshll.u32 s0, $0x10  }
0x69: {  	s1 =	sand.u32 $0x200, s1;
	s0 =	sshra.s32 s0, $0x2  }
0x6a: {  	p1 =	sne.s32 s25, $0x1;
	s1 =	sshrl.u32 s1, $0x2;
	s0 =	sadd.s32 s0, s26  }
.Ltmp6:
0x6b: {  	v0 =	vmov s1;
	v1 =	vmov s0;
	(pc) =	sbr.rel @!p1 .LBB1_6-.Ltmp6, $3  }
0x6c: {  	_ =	sdelay $0x1  }
0x6d: {  	s9 =	simm.s32 $0x0  }
0x6e: {  	s10 =	sadd.s32 $0xFFFFFFFF, s25;
	p0 =	por $0x0, $0x0;
	s0 =	sand.u32 $0x3F80, s9  }
0x6f: {  	_ =	sdelay $0x3  }
0x70: {  	v7 =	vld.idx.msk [tilespmem:v1+s0+$0x70 ss:$0x1], $0xffff  }
0x71: {  	v8 =	vld.idx.msk [tilespmem:v1+s0+$0x0 ss:$0x1], $0xffff  }
0x72: {  	v2 =	vld.idx.msk [tilespmem:v1+s0+$0x10 ss:$0x1], $0xffff;
	p1 =	sne.s32 s10, $0x1  }
.Ltmp7:
0x73: {  	v3 =	vld.idx.msk [tilespmem:v1+s0+$0x20 ss:$0x1], $0xffff;
	(pc) =	sbr.rel @!p1 .LBB1_8-.Ltmp7, $4  }
0x74: {  	v4 =	vld.idx.msk [tilespmem:v1+s0+$0x30 ss:$0x1], $0xffff  }
0x75: {  	v5 =	vld.idx.msk [tilespmem:v1+s0+$0x40 ss:$0x1], $0xffff  }
0x76: {  	v6 =	vld.idx.msk [tilespmem:v1+s0+$0x50 ss:$0x1], $0xffff;
	s9 =	simm.s32 $0x80;
	s10 =	sadd.s32 $0xFFFFFFFF, s10;
	[tilespmem:v0+s27+$0x70 ss:$0x1] =	vst.idx.msk $0xffff, v7  }
0x77: {  	p0 =	por $0x1, $0x1;
	s31 =	smov.u32 s27;
	s1 =	sand.u32 $0x3F80, s9;
	[tilespmem:v0+s27+$0x0 ss:$0x1] =	vst.idx.msk $0xffff, v8;
	v7 =	vld.idx.msk [tilespmem:v1+s0+$0x60 ss:$0x1], $0xffff  }
.LBB1_9:
0x78: {  	p1 =	sne.s32 s10, $0x1;
	v8 =	vld.idx.msk [tilespmem:v1+s1+$0x70 ss:$0x1], $0xffff;
	[tilespmem:v0+s31+$0x10 ss:$0x1] =	vst.idx.msk $0xffff, v2  }
0x79: {  	v9 =	vld.idx.msk [tilespmem:v1+s1+$0x0 ss:$0x1], $0xffff;
	[tilespmem:v0+s31+$0x20 ss:$0x1] =	vst.idx.msk $0xffff, v3  }
0x7a: {  	v2 =	vld.idx.msk [tilespmem:v1+s1+$0x10 ss:$0x1], $0xffff;
	[tilespmem:v0+s31+$0x30 ss:$0x1] =	vst.idx.msk $0xffff, v4  }
.Ltmp8:
0x7b: {  	v3 =	vld.idx.msk [tilespmem:v1+s1+$0x20 ss:$0x1], $0xffff;
	[tilespmem:v0+s31+$0x40 ss:$0x1] =	vst.idx.msk $0xffff, v5;
	(pc) =	sbr.rel @p1 .LBB1_9-.Ltmp8, $4  }
0x7c: {  	v4 =	vld.idx.msk [tilespmem:v1+s1+$0x30 ss:$0x1], $0xffff;
	[tilespmem:v0+s31+$0x50 ss:$0x1] =	vst.idx.msk $0xffff, v6  }
0x7d: {  	v5 =	vld.idx.msk [tilespmem:v1+s1+$0x40 ss:$0x1], $0xffff;
	[tilespmem:v0+s31+$0x60 ss:$0x1] =	vst.idx.msk $0xffff, v7;
	s31 =	sadd.s32 $0x80, s31  }
0x7e: {  	s9 =	sadd.s32 $0x80, s9;
	v6 =	vld.idx.msk [tilespmem:v1+s1+$0x50 ss:$0x1], $0xffff;
	[tilespmem:v0+s31+$0x70 ss:$0x1] =	vst.idx.msk $0xffff, v8  }
0x7f: {  	s10 =	sadd.s32 $0xFFFFFFFF, s10;
	[tilespmem:v0+s31+$0x0 ss:$0x1] =	vst.idx.msk $0xffff, v9;
	v7 =	vld.idx.msk [tilespmem:v1+s1+$0x60 ss:$0x1], $0xffff;
	s1 =	sand.u32 $0x3F80, s9  }
0x80: {  	s0 =	smov.u32 s1  }
.LBB1_11:
0x81: {  	_ =	sdelay $0x3  }
0x82: {  	[tilespmem:v0+s31+$0x10 ss:$0x1] =	vst.idx.msk @p0 $0xffff, v2  }
0x83: {  	v56 =	vld.idx.msk [tilespmem:v1+s0+$0x70 ss:$0x1], $0xffff;
	[tilespmem:v0+s31+$0x20 ss:$0x1] =	vst.idx.msk @p0 $0xffff, v3  }
0x84: {  	v57 =	vld.idx.msk [tilespmem:v1+s0+$0x0 ss:$0x1], $0xffff;
	[tilespmem:v0+s31+$0x30 ss:$0x1] =	vst.idx.msk @p0 $0xffff, v4  }
0x85: {  	v58 =	vld.idx.msk [tilespmem:v1+s0+$0x10 ss:$0x1], $0xffff;
	[tilespmem:v0+s31+$0x40 ss:$0x1] =	vst.idx.msk @p0 $0xffff, v5  }
0x86: {  	v59 =	vld.idx.msk [tilespmem:v1+s0+$0x20 ss:$0x1], $0xffff;
	s1 =	sadd.s32 @p0 $0x80, s31;
	s9 =	smov.u32 s27;
	[tilespmem:v0+s31+$0x50 ss:$0x1] =	vst.idx.msk @p0 $0xffff, v6  }
0x87: {  	v60 =	vld.idx.msk [tilespmem:v1+s0+$0x30 ss:$0x1], $0xffff;
	s9 =	smov.u32 @p0 s1;
	[tilespmem:v0+s31+$0x60 ss:$0x1] =	vst.idx.msk @p0 $0xffff, v7  }
0x88: {  	v61 =	vld.idx.msk [tilespmem:v1+s0+$0x40 ss:$0x1], $0xffff;
	[tilespmem:v0+s9+$0x70 ss:$0x1] =	vst.idx.msk $0xffff, v56  }
0x89: {  	v62 =	vld.idx.msk [tilespmem:v1+s0+$0x50 ss:$0x1], $0xffff;
	s30 =	sadd.s32 $0x1, s30;
	[tilespmem:v0+s9+$0x0 ss:$0x1] =	vst.idx.msk $0xffff, v57  }
0x8a: {  	v63 =	vld.idx.msk [tilespmem:v1+s0+$0x60 ss:$0x1], $0xffff;
	p0 =	sne.s32 s30, s24;
	[tilespmem:v0+s9+$0x10 ss:$0x1] =	vst.idx.msk $0xffff, v58  }
.Ltmp9:
0x8b: {  	[tilespmem:v0+s9+$0x20 ss:$0x1] =	vst.idx.msk $0xffff, v59;
	(pc) =	sbr.rel @p0 .LBB1_5-.Ltmp9, $4  }
.Ltmp10:
0x8c: {  	[tilespmem:v0+s9+$0x30 ss:$0x1] =	vst.idx.msk $0xffff, v60;
	(pc) =	sbr.rel @!p0 .LBB1_12-.Ltmp10, $4  }
0x8d: {  	[tilespmem:v0+s9+$0x40 ss:$0x1] =	vst.idx.msk $0xffff, v61  }
0x8e: {  	[tilespmem:v0+s9+$0x50 ss:$0x1] =	vst.idx.msk $0xffff, v62  }
0x8f: {  	s29 =	sadd.s32 $0x80, s29;
	[tilespmem:v0+s9+$0x60 ss:$0x1] =	vst.idx.msk $0xffff, v63  }
0x90: {  	_ = 	snop  }
.LBB1_6:
.Ltmp11:
0x91: {  	(pc) =	sbr.rel .LBB1_11-.Ltmp11, $2  }
0x92: {  	_ =	sdelay $0x2  }
0x93: {  	s31 =	smov.u32 s27  }
.LBB1_8:
.Ltmp12:
0x94: {  	(pc) =	sbr.rel .LBB1_11-.Ltmp12, $2  }
0x95: {  	_ =	sdelay $0x2  }
0x96: {  	s0 =	smov.u32 s1;
	s31 =	smov.u32 s27  }
.LBB1_15:
0x97: {  	_ =	sfence.sel $0x180000  }
0x98: {  	s0 =	simm.s32 $0x1;
	[bflag:$0x0] =	sbarrier.arrive $0xFFFF  }
0x99: {  	s30 =	simm.s32 $0x2;
	[sflag:s0] =	ssyncpa.u1 $0x1  }
0x9a: {  	[sflag:s30] =	ssyncpa.u1 $0x1  }
0x9b: {  	_ =	strace $0x9000004D  }
0x9c: {  	s31 =	stileid.u32;
	[bflag:$0x2] =	sbarrier.arrive $0xFFFF  }
0x9d: {  	p0 =	sne.s32 s31, $0x0;
	s0 =	rddreg [dreg:$0x1]  }
0x9e: {  	s0 =	sadd.s32 @!p0 $0x100000, s0  }
0x9f: {  	[sflag:s0] =	ssyncadd.tile.s32 @!p0 $0x1;
	_ =	shalt  }
.Lfunc_end1:
_tile_overlayer_lowered:
.L_overlay_start_2:
0xa0: {  	(tag) =	ssettag $0x2  }
0xa1: {  	s0 =	rddreg [dreg:$0x0];
	s2 =	stileid.u32  }
0xa2: {  	s1 =	rddreg [dreg:$0x1];
	p0 =	sne.s32 s2, $0x0  }
0xa3: {  	s3 =	rddreg [dreg:$0x2];
	[bflag:$0x3] =	sbarrier.arrive $0xFFFF;
	s2 =	simm.s32 @!p0 $0x1C01  }
0xa4: {  	[timem:s3], [sflag:s2] =	dma.local @!p0 [hbm:s0], s1  }
0xa5: {  	s0 =	simm.s32 @!p0 $0x1  }
0xa6: {  	_ =	swait.ge @!p0 [sflag:s0], s1  }
0xa7: {  	s1 =	ssub.s32 @!p0 $0x0, s1;
	[sflag:s0] =	ssyncset.done @!p0 $0x0  }
0xa8: {  	[sflag:s0] =	ssyncadd.s32 @!p0 s1  }
0xa9: {  	[bflag:$0x3] =	sbarrier.arrive $0xFFFF  }
0xaa: {  	_ =	shalt  }

// kernel: sparse-core-data-format-call.3.cloned.1.call-start
scs
called_computation.3_lowered:
.L_overlay_start_0:
0x0: {  	s1 =	sld [smem:$0x3FD9]  }
0x1: {  	s2 =	sld [smem:$0x3FFE];
	_ =	sdelay $0x1  }
0x2: {  	s3 =	srdreg.scid  }
0x3: {  	s0 =	sand.u32 $0x1, s3  }
0x4: {  	s17 =	sshll.u32 s0, $0xA;
	s1 =	sadd.s32 s2, s1  }
0x5: {  	s1 =	sadd.s32 s1, s17  }
0x6: {  	[smem:$0x3FBF] =	sst s1  }
0x7: {  	_ = 	snop  }
0x8: {  	(tm) =	ssettm $0x1  }
0x9: {  	s18 =	sld [smem:$0x3FFB];
	_ =	sdelay $0x3  }
0xa: {  	_ =	strace s18  }
0xb: {  	s1 =	sld [smem:$0x3FFC];
	_ =	sdelay $0x3  }
0xc: {  	_ =	strace s1  }
0xd: {  	s1 =	sld [smem:$0x3FFD];
	_ =	sdelay $0x3  }
0xe: {  	_ =	strace s1  }
0xf: {  	_ =	strace $0x8FFFFFFF  }
0x10: {  	s19 =	sld [smem:$0x3FDB];
	_ =	sdelay $0x1  }
0x11: {  	s20 =	simm.s32 $_scs_section_size  }
0x12: {  	s4 =	simm.s32 $_size__tile_overlayer_lowered;
	s5 =	simm.s32 $_tile_overlayer_lowered  }
0x13: {  	s23 =	simm.s32 $0x1BFF;
	s22 =	sshll.u32 s5, $0x1;
	s1 =	sadd.s32 s20, s19  }
0x14: {  	s6 =	simm.s32 $0x0;
	s21 =	sshll.u32 s4, $0x1;
	s4 =	sadd.s32 s22, s1  }
0x15: {  	[timem:s6], [sflag:s23] =	dma.local [hbm:s4], s21  }
0x16: {  	_ =	swait.ge [sflag:s23], s21  }
0x17: {  	s2 =	ssub.s32 $0x0, s21;
	[sflag:s23] =	ssyncset.done $0x0  }
0x18: {  	[sflag:s23] =	ssyncadd.s32 s2;
	_ =	sdelay $0x1  }
0x19: {  	s24 =	simm.s32 $0x1B8B  }
0x1a: {  	_ =	swait.ge [sflag:s24], $0x1  }
0x1b: {  	[sflag:s24] =	ssyncset.done $0x0  }
0x1c: {  	s26 =	simm.s32 $0x1B8E;
	s25 =	sld [smem:$0x3FFE];
	[sflag:s24] =	ssyncadd.s32 $0xFFFFFFFF  }
0x1d: {  	s27 =	simm.s32 $execute0_lowered;
	[smem:$0x3FD2] =	sst s26  }
0x1e: {  	s4 =	sshll.u32 s27, $0x1;
	_ =	strace $0x80000046;
	[dreg:$0x1] =	wrdreg $0xFFFFFFFF  }
0x1f: {  	s28 =	simm.s32 $_size_execute0_lowered;
	s1 =	sadd.s32 s1, s4;
	[dreg:$0x0] =	wrdreg $0x0  }
0x20: {  	s4 =	sshll.u32 s28, $0x1;
	[dreg:$0x2] =	wrdreg s1  }
0x21: {  	[dreg:$0x3] =	wrdreg s4  }
0x22: {  	[dreg:$0x4] =	wrdreg $0xC0  }
0x23: {  	_ =	task [dreg:s6], $0x5FFFF  }
0x24: {  	[dreg:$0x1] =	wrdreg $0xFFFFFFFF  }
0x25: {  	[dreg:$0x0] =	wrdreg $0x60  }
0x26: {  	[dreg:$0x2] =	wrdreg s25  }
0x27: {  	[dreg:$0x3] =	wrdreg $0xB  }
0x28: {  	_ =	task.clear_ibuf [dreg:s6], $0x4FFFF;
	_ =	strace $0x90000046  }
0x29: {  	s29 =	simm.s32 $0xB;
	_ =	strace $0x80000048  }
0x2a: {  	_ =	swait.ge [sflag:s29], $0x1  }
0x2b: {  	[sflag:s29] =	ssyncadd.s32 $0xFFFFFFFF  }
0x2c: {  	_ =	strace $0x90000048  }
0x2d: {  	_ =	sfence  }
0x2e: {  	s30 =	sld [smem:$0x0];
	_ =	sdelay $0x2  }
0x2f: {  	s31 =	sshll.u32 s3, $0xD;
	s3 =	sshrl.u32 s3, $0x2  }
0x30: {  	s2 =	sand.u32 $0x4000, s31;
	s1 =	sadd.s32 s3, s30  }
0x31: {  	s0 =	sor.u32 s2, s0;
	s1 =	sshll.u32 s1, $0x11  }
0x32: {  	s0 =	sor.u32 s1, s0  }
0x33: {  	s0 =	sadd.s32 $0x8F2B, s0  }
0x34: {  	[sflag:s0] =	ssyncadd.remote.s32 $0x1  }
0x35: {  	_ =	sfence.sel $0xFFFF  }
0x36: {  	[dreg:$0x0] =	wrdreg $0xFFFFFFFF;
	(pc) =	sbr.abs _section_cstart, $3  }
0x37: {  	[dreg:$0x1] =	wrdreg $0xFFFFFFFF  }
0x38: {  	_ =	task.clear_ibuf [dreg:s6], $0x2FFFF;
	_ =	strace $0x9FFFFFFF  }
0x39: {  	(tm) =	ssettm $0x7FFFFFFF  }
tec
execute0_lowered:
.L_overlay_start_1:
0x0: {  	(tag) =	ssettag $0x1  }
0x1: {  	s2 =	stileid.u32;
	s0 =	srdreg.scid  }
0x2: {  	s1 =	sshll.u32 s2, $0x6;
	s0 =	sshll.u32 s0, $0xA  }
0x3: {  	s7 =	rddreg [dreg:$0x0];
	_ =	strace $0x80000047;
	s0 =	sor.u32 s1, s0  }
0x4: {  	s31 =	simm.s32 $0x2;
	s2 =	sand.u32 $0x1, s2;
	s3 =	sand.u32 $0x780, s0  }
0x5: {  	s20 =	simm.s32 $0x0;
	s29 =	ssub.s32 $0x2, s2;
	s30 =	ssub.s32 $0x2700, s3  }
0x6: {  	s4 =	sshrl.u32 s29, $0x1;
	s0 =	sand.u32 $0x1, s29;
	s1 =	sshrl.u32 s30, $0xB  }
0x7: {  	s11 =	simm.s32 $0x0;
	s0 =	sadd.s32 s0, s4;
	s1 =	sadd.s32 $0x1, s1  }
0x8: {  	s19 =	simm.s32 $0x0;
	s21 =	simm.s32 $0x0;
	s0 =	smul.u32 s1, s0  }
.Ltmp0:
0x9: {  	s12 =	simm.s32 $0x0;
	s13 =	simm.s32 $0x0;
	(pc) =	sbr.rel .LBB1_1-.Ltmp0, $4  }
0xa: {  	s14 =	simm.s32 $0x0;
	s17 =	simm.s32 $0x0;
	s18 =	simm.s32 $0x0  }
0xb: {  	s6 =	sadd.s32 $0x3200, s7;
	s4 =	simm.s32 $0x1;
	s5 =	smul.u32 $0x6, s0  }
0xc: {  	s7 =	sadd.s32 $0x756200, s7;
	s16 =	smov.u32 s2;
	[sflag:s4] =	ssyncpa.u1 $0x0  }
0xd: {  	s15 =	smov.u32 s3;
	[sflag:s31] =	ssyncpa.u1 $0x0;
	s8 =	sor.u32 $0x1, s5  }
.LBB1_13:
0xe: {  	s0 =	smul.u32 $0x4E200, s14;
	_ =	sdelay $0x1  }
0xf: {  	s1 =	sshll.u32 s12, $0x5;
	s9 =	sshll.u32 s13, $0x4;
	s0 =	sadd.s32 s7, s0  }
0x10: {  	s30 =	sor.u32 $0x8000, s26;
	s9 =	sand.u32 $0x10, s9;
	s0 =	sadd.s32 s1, s0  }
0x11: {  	s31 =	simm.s32 $0x80;
	s10 =	simm.s32 $0x100;
	s0 =	sadd.s32 s9, s0  }
0x12: {  	[hbm4b:s0+s31] =	stream.strided.scatter [tilespmem:s30], [sflag:$0x2], s22, s10, s31, $0x38;
	[tilespmem:$0x10000] =	vst v63  }
.LBB1_14:
0x13: {  	p0 =	slt.u32 s18, $0x2  }
0x14: {  	s0 =	smov.u32 s21;
	s9 =	smov.u32 s20;
	p1 =	sgt.s32 @!p0 s21, $0x5  }
0x15: {  	s1 =	sshra.s32 @!p0 s21, $0x1F;
	p2 =	sgt.s32 @!p0 s19, $0x1;
	p1 =	por !p1, p0  }
0x16: {  	s10 =	sshra.s32 @!p0 s19, $0x1F;
	s1 =	sand.u32 @!p0 s1, s21;
	s0 =	simm.s32 @p1 $0x5  }
0x17: {  	s10 =	sand.u32 @!p0 s10, s19;
	p1 =	sgt.s32 @!p0 s20, $0x2690;
	s0 =	ssub.s32 @!p0 s0, s1  }
0x18: {  	p1 =	por !p1, p0;
	s1 =	sshra.s32 @!p0 s20, $0x1F;
	s0 =	sadd.s32 @!p0 $0xFFFFFFFB, s0  }
0x19: {  	s1 =	sand.u32 @!p0 s1, s20;
	s9 =	simm.s32 @p1 $0x2690;
	p1 =	por !p2, p0  }
0x1a: {  	s1 =	ssub.s32 @!p0 s9, s1;
	s19 =	simm.s32 @p1 $0x1;
	s9 =	sxor.u32 @!p0 $0xFFFFFFFF, s10  }
0x1b: {  	p1 =	sgt.s32 @!p0 s0, $0x0;
	s0 =	sshll.u32 @!p0 s0, $0x7;
	s9 =	sadd.s32 @!p0 s9, s19  }
0x1c: {  	s10 =	sadd.s32 @!p0 $0xFFFFD970, s1;
	s0 =	ssub.s32 @!p0 $0x80, s0;
	p2 =	sgt.s32 @!p0 s9, $0x0  }
0x1d: {  	p1 =	por !p1, p0;
	s9 =	ssub.s32 @!p0 $0x1, s9;
	p2 =	por !p2, p0  }
0x1e: {  	s0 =	simm.s32 @!p1 $0x0;
	s9 =	simm.s32 @!p2 $0x0;
	p2 =	sgt.s32 @!p0 s10, $0x7F  }
0x1f: {  	s1 =	ssub.s32 @!p0 $0x2710, s1;
	p1 =	por !p2, p0;
	s0 =	smul.u32 @!p0 s9, s0  }
0x20: {  	s1 =	simm.s32 @!p1 $0x0  }
0x21: {  	s0 =	smul.u32 @!p0 s1, s0;
	s1 =	sadd.s32 $0x800, s15  }
0x22: {  	s10 =	smov.u32 s16;
	s9 =	sadd.s32 $0x2, s16;
	p1 =	sgt.s32 s1, $0x270F  }
0x23: {  	s10 =	smov.u32 @p1 s9  }
0x24: {  	s19 =	simm.s32 $0x1;
	p2 =	sgt.s32 s10, $0x1  }
0x25: {  	s19 =	simm.s32 @!p2 $0x0  }
0x26: {  	s11 =	sadd.s32 $0x4000, s11;
	s21 =	smov.u32 s14;
	s22 =	sadd.s32 s19, s17  }
0x27: {  	s14 =	smov.u32 s17;
	s1 =	smov.u32 @p1 s3;
	p1 =	sgt.s32 s22, $0x5  }
0x28: {  	s20 =	smov.u32 s12;
	s22 =	simm.s32 @p1 $0x0;
	p1 =	sne.s32 s18, s8  }
.Ltmp1:
0x29: {  	s0 =	sand.u32 @!p0 $0x3FFFFF80, s0;
	s9 =	simm.s32 @!p0 $0x2;
	(pc) =	sbr.rel @!p1 .LBB1_15-.Ltmp1, $4  }
0x2a: {  	s12 =	smov.u32 s15;
	_ =	swait.ge @!p0 [sflag:s9], s0;
	s0 =	ssub.s32 @!p0 $0x0, s0  }
0x2b: {  	s15 =	smov.u32 s1;
	[sflag:s9] =	ssyncset.done @!p0 $0x0;
	s10 =	smov.u32 @p2 s2  }
0x2c: {  	s19 =	smov.u32 s13;
	s13 =	smov.u32 s16;
	[sflag:s9] =	ssyncadd.s32 @!p0 s0  }
0x2d: {  	s16 =	smov.u32 s10;
	s18 =	sadd.s32 $0x1, s18;
	s17 =	smov.u32 s22  }
.LBB1_1:
0x2e: {  	p0 =	sge.u32 s18, s5;
	s1 =	smov.u32 s17;
	s23 =	smov.u32 s15  }
0x2f: {  	s31 =	sadd.s32 $0xFFFFFFFF, s18;
	p1 =	sgt.s32 @!p0 s17, $0x5;
	s0 =	sand.u32 @!p0 $0x1FFFFFF, s15  }
0x30: {  	s9 =	sshra.s32 @!p0 s17, $0x1F;
	p2 =	sgt.s32 @!p0 s16, $0x1;
	p1 =	por !p1, p0  }
0x31: {  	s10 =	smulhi.u32 @!p0 $0x1A36E2F, s0;
	s9 =	sand.u32 @!p0 s9, s17;
	s1 =	simm.s32 @p1 $0x5  }
0x32: {  	s22 =	sshra.s32 @!p0 s16, $0x1F;
	p2 =	por !p2, p0;
	s1 =	ssub.s32 @!p0 s1, s9  }
0x33: {  	s22 =	sand.u32 @!p0 s22, s16;
	s9 =	sshrl.u32 @!p0 s10, $0x6;
	s10 =	sadd.s32 @!p0 $0xFFFFFFFB, s1  }
0x34: {  	s22 =	sxor.u32 @!p0 $0xFFFFFFFF, s22;
	p1 =	sgt.s32 @!p0 s10, $0x0;
	s10 =	smov.u32 s16  }
0x35: {  	s9 =	smul.u32 @!p0 $0x2710, s9;
	s10 =	simm.s32 @p2 $0x1;
	p2 =	sgt.s32 @!p0 s15, $0x2690  }
0x36: {  	s1 =	ssub.s32 @!p0 $0x6, s1;
	p1 =	por !p1, p0;
	p2 =	por !p2, p0  }
0x37: {  	s10 =	sadd.s32 @!p0 s22, s10;
	s22 =	sshra.s32 @!p0 s15, $0x1F;
	s23 =	simm.s32 @p2 $0x2690  }
0x38: {  	p2 =	sgt.s32 @!p0 s10, $0x0;
	s22 =	sand.u32 @!p0 s22, s15;
	s10 =	sshll.u32 @!p0 s10, $0x7  }
0x39: {  	s22 =	ssub.s32 @!p0 s23, s22;
	s10 =	ssub.s32 @!p0 $0x80, s10;
	p2 =	por !p2, p0  }
0x3a: {  	s1 =	simm.s32 @!p1 $0x0;
	s23 =	sadd.s32 @!p0 $0xFFFFD970, s22;
	s10 =	simm.s32 @!p2 $0x0  }
0x3b: {  	s0 =	ssub.s32 @!p0 s0, s9;
	p1 =	sgt.s32 @!p0 s23, $0x7F;
	s1 =	smul.u32 @!p0 s1, s10  }
0x3c: {  	s10 =	ssub.s32 @!p0 $0x2710, s22;
	s22 =	smul.u32 @!p0 $0x4E200, s17;
	p1 =	por !p1, p0  }
0x3d: {  	s9 =	smul.u32 @!p0 $0x27100, s16;
	s23 =	sxor.u32 @!p0 $0xFFFFFFFF, s18;
	s10 =	simm.s32 @!p1 $0x0  }
0x3e: {  	s23 =	sshll.u32 @!p0 s23, $0xE;
	s1 =	smul.u32 @!p0 s10, s1;
	s10 =	sadd.s32 @!p0 s6, s22  }
0x3f: {  	s0 =	sshll.u32 @!p0 s0, $0x4;
	s22 =	sand.u32 @!p0 $0x4000, s23;
	s9 =	sadd.s32 @!p0 s9, s10  }
0x40: {  	s1 =	sand.u32 @!p0 $0x3FFFFF80, s1;
	s0 =	sadd.s32 @!p0 s0, s9;
	s9 =	simm.s32 @!p0 $0x0  }
0x41: {  	[tilespmem:s22], [sflag:$0x1] =	stream.linear.gather @!p0 [hbm4b:s0+s9], s1, $0x38;
	[tilespmem:$0x10000] =	vst v63  }
0x42: {  	p0 =	sge.u32 s31, s5  }
.Ltmp2:
0x43: {  	_ = 	snop;
	(pc) =	sbr.rel @p0 .LBB1_14-.Ltmp2, $1  }
0x44: {  	_ =	sdelay $0x3  }
0x45: {  	p0 =	sgt.s32 s14, $0x5;
	s0 =	smov.u32 s14;
	s1 =	sshra.s32 s14, $0x1F  }
0x46: {  	s0 =	simm.s32 @!p0 $0x5;
	s1 =	sand.u32 s1, s14  }
0x47: {  	s28 =	sshra.s32 s13, $0x1F;
	p1 =	sgt.s32 s13, $0x1;
	s0 =	ssub.s32 s0, s1  }
0x48: {  	s9 =	smov.u32 s13;
	s10 =	smov.u32 s12;
	s1 =	sadd.s32 $0xFFFFFFFB, s0  }
0x49: {  	s29 =	sshra.s32 s12, $0x1F;
	p0 =	sgt.s32 s1, $0x0;
	s1 =	sand.u32 s28, s13  }
0x4a: {  	s9 =	simm.s32 @!p1 $0x1;
	p1 =	sgt.s32 s12, $0x2690;
	s1 =	sxor.u32 $0xFFFFFFFF, s1  }
0x4b: {  	s10 =	simm.s32 @!p1 $0x2690;
	s0 =	ssub.s32 $0x6, s0;
	s1 =	sadd.s32 s1, s9  }
0x4c: {  	s9 =	sand.u32 s29, s12;
	p1 =	sgt.s32 s1, $0x0;
	s1 =	ssub.s32 $0x1, s1  }
0x4d: {  	s0 =	simm.s32 @p0 $0x0;
	s9 =	ssub.s32 s10, s9;
	s1 =	simm.s32 @p1 $0x0  }
0x4e: {  	s30 =	sadd.s32 $0xFFFFD970, s9;
	s0 =	smul.u32 s1, s0  }
0x4f: {  	p0 =	sgt.s32 s30, $0x7F;
	s1 =	ssub.s32 $0x2710, s9;
	s9 =	sadd.s32 $0x1, s14  }
0x50: {  	s10 =	sadd.s32 $0x1, s13;
	s1 =	simm.s32 @p0 $0x0;
	p0 =	slt.s32 s9, $0x6  }
0x51: {  	s0 =	smul.u32 s1, s0;
	s9 =	simm.s32 @!p0 $0x6;
	p0 =	slt.s32 s10, $0x2  }
0x52: {  	s1 =	sadd.s32 $0x80, s12;
	s23 =	ssub.s32 s9, s14;
	s10 =	simm.s32 @!p0 $0x2  }
0x53: {  	p0 =	slt.s32 s1, $0x2710;
	s24 =	ssub.s32 s10, s13;
	p1 =	slt.s32 s23, $0x1  }
0x54: {  	s1 =	simm.s32 @!p0 $0x2710;
	p0 =	slt.s32 @!p1 s24, $0x1  }
0x55: {  	s25 =	ssub.s32 s1, s12;
	p0 =	por p1, p0  }
0x56: {  	p1 =	slt.s32 @!p0 s25, $0x1  }
0x57: {  	p0 =	por p0, p1  }
.Ltmp3:
0x58: {  	s0 =	sshll.u32 s0, $0x7;
	(pc) =	sbr.rel @p0 .LBB1_13-.Ltmp3, $4  }
0x59: {  	s22 =	sand.u32 $0x3FFFFF80, s0  }
0x5a: {  	_ =	swait.ge [sflag:s4], s22  }
0x5b: {  	s31 =	sshll.u32 s18, $0xE;
	s0 =	ssub.s32 $0x0, s22;
	[sflag:s4] =	ssyncset.done $0x0  }
0x5c: {  	s26 =	sand.u32 $0x4000, s31;
	[sflag:s4] =	ssyncadd.s32 s0  }
.Ltmp4:
0x5d: {  	(pc) =	sbr.rel .LBB1_4-.Ltmp4, $3  }
0x5e: {  	_ =	sdelay $0x1  }
0x5f: {  	s0 =	sand.u32 $0x4000, s11  }
0x60: {  	s28 =	simm.s32 $0x0;
	s27 =	sor.u32 $0x8000, s0  }
.LBB1_12:
0x61: {  	s28 =	sadd.s32 $0x1, s28  }
0x62: {  	p0 =	sne.s32 s28, s23  }
.Ltmp5:
0x63: {  	_ = 	snop;
	(pc) =	sbr.rel @!p0 .LBB1_13-.Ltmp5, $2  }
0x64: {  	_ =	sdelay $0x2  }
0x65: {  	s27 =	sadd.s32 $0x4000, s27  }
.LBB1_4:
0x66: {  	s29 =	simm.s32 $0x0;
	s30 =	simm.s32 $0x0  }
.LBB1_5:
0x67: {  	s0 =	sadd.s32 s28, s30  }
0x68: {  	s1 =	sshll.u32 s29, $0x2;
	s0 =	sshll.u32 s0, $0x10  }
0x69: {  	s1 =	sand.u32 $0x200, s1;
	s0 =	sshra.s32 s0, $0x2  }
0x6a: {  	p1 =	sne.s32 s25, $0x1;
	s1 =	sshrl.u32 s1, $0x2;
	s0 =	sadd.s32 s0, s26  }
.Ltmp6:
0x6b: {  	v0 =	vmov s1;
	v1 =	vmov s0;
	(pc) =	sbr.rel @!p1 .LBB1_6-.Ltmp6, $3  }
0x6c: {  	_ =	sdelay $0x1  }
0x6d: {  	s9 =	simm.s32 $0x0  }
0x6e: {  	s10 =	sadd.s32 $0xFFFFFFFF, s25;
	p0 =	por $0x0, $0x0;
	s0 =	sand.u32 $0x3F80, s9  }
0x6f: {  	_ =	sdelay $0x3  }
0x70: {  	v7 =	vld.idx.msk [tilespmem:v1+s0+$0x70 ss:$0x1], $0xffff  }
0x71: {  	v8 =	vld.idx.msk [tilespmem:v1+s0+$0x0 ss:$0x1], $0xffff  }
0x72: {  	v2 =	vld.idx.msk [tilespmem:v1+s0+$0x10 ss:$0x1], $0xffff;
	p1 =	sne.s32 s10, $0x1  }
.Ltmp7:
0x73: {  	v3 =	vld.idx.msk [tilespmem:v1+s0+$0x20 ss:$0x1], $0xffff;
	(pc) =	sbr.rel @!p1 .LBB1_8-.Ltmp7, $4  }
0x74: {  	v4 =	vld.idx.msk [tilespmem:v1+s0+$0x30 ss:$0x1], $0xffff  }
0x75: {  	v5 =	vld.idx.msk [tilespmem:v1+s0+$0x40 ss:$0x1], $0xffff  }
0x76: {  	v6 =	vld.idx.msk [tilespmem:v1+s0+$0x50 ss:$0x1], $0xffff;
	s9 =	simm.s32 $0x80;
	s10 =	sadd.s32 $0xFFFFFFFF, s10;
	[tilespmem:v0+s27+$0x70 ss:$0x1] =	vst.idx.msk $0xffff, v7  }
0x77: {  	p0 =	por $0x1, $0x1;
	s31 =	smov.u32 s27;
	s1 =	sand.u32 $0x3F80, s9;
	[tilespmem:v0+s27+$0x0 ss:$0x1] =	vst.idx.msk $0xffff, v8;
	v7 =	vld.idx.msk [tilespmem:v1+s0+$0x60 ss:$0x1], $0xffff  }
.LBB1_9:
0x78: {  	p1 =	sne.s32 s10, $0x1;
	v8 =	vld.idx.msk [tilespmem:v1+s1+$0x70 ss:$0x1], $0xffff;
	[tilespmem:v0+s31+$0x10 ss:$0x1] =	vst.idx.msk $0xffff, v2  }
0x79: {  	v9 =	vld.idx.msk [tilespmem:v1+s1+$0x0 ss:$0x1], $0xffff;
	[tilespmem:v0+s31+$0x20 ss:$0x1] =	vst.idx.msk $0xffff, v3  }
0x7a: {  	v2 =	vld.idx.msk [tilespmem:v1+s1+$0x10 ss:$0x1], $0xffff;
	[tilespmem:v0+s31+$0x30 ss:$0x1] =	vst.idx.msk $0xffff, v4  }
.Ltmp8:
0x7b: {  	v3 =	vld.idx.msk [tilespmem:v1+s1+$0x20 ss:$0x1], $0xffff;
	[tilespmem:v0+s31+$0x40 ss:$0x1] =	vst.idx.msk $0xffff, v5;
	(pc) =	sbr.rel @p1 .LBB1_9-.Ltmp8, $4  }
0x7c: {  	v4 =	vld.idx.msk [tilespmem:v1+s1+$0x30 ss:$0x1], $0xffff;
	[tilespmem:v0+s31+$0x50 ss:$0x1] =	vst.idx.msk $0xffff, v6  }
0x7d: {  	v5 =	vld.idx.msk [tilespmem:v1+s1+$0x40 ss:$0x1], $0xffff;
	[tilespmem:v0+s31+$0x60 ss:$0x1] =	vst.idx.msk $0xffff, v7;
	s31 =	sadd.s32 $0x80, s31  }
0x7e: {  	s9 =	sadd.s32 $0x80, s9;
	v6 =	vld.idx.msk [tilespmem:v1+s1+$0x50 ss:$0x1], $0xffff;
	[tilespmem:v0+s31+$0x70 ss:$0x1] =	vst.idx.msk $0xffff, v8  }
0x7f: {  	s10 =	sadd.s32 $0xFFFFFFFF, s10;
	[tilespmem:v0+s31+$0x0 ss:$0x1] =	vst.idx.msk $0xffff, v9;
	v7 =	vld.idx.msk [tilespmem:v1+s1+$0x60 ss:$0x1], $0xffff;
	s1 =	sand.u32 $0x3F80, s9  }
0x80: {  	s0 =	smov.u32 s1  }
.LBB1_11:
0x81: {  	_ =	sdelay $0x3  }
0x82: {  	[tilespmem:v0+s31+$0x10 ss:$0x1] =	vst.idx.msk @p0 $0xffff, v2  }
0x83: {  	v56 =	vld.idx.msk [tilespmem:v1+s0+$0x70 ss:$0x1], $0xffff;
	[tilespmem:v0+s31+$0x20 ss:$0x1] =	vst.idx.msk @p0 $0xffff, v3  }
0x84: {  	v57 =	vld.idx.msk [tilespmem:v1+s0+$0x0 ss:$0x1], $0xffff;
	[tilespmem:v0+s31+$0x30 ss:$0x1] =	vst.idx.msk @p0 $0xffff, v4  }
0x85: {  	v58 =	vld.idx.msk [tilespmem:v1+s0+$0x10 ss:$0x1], $0xffff;
	[tilespmem:v0+s31+$0x40 ss:$0x1] =	vst.idx.msk @p0 $0xffff, v5  }
0x86: {  	v59 =	vld.idx.msk [tilespmem:v1+s0+$0x20 ss:$0x1], $0xffff;
	s1 =	sadd.s32 @p0 $0x80, s31;
	s9 =	smov.u32 s27;
	[tilespmem:v0+s31+$0x50 ss:$0x1] =	vst.idx.msk @p0 $0xffff, v6  }
0x87: {  	v60 =	vld.idx.msk [tilespmem:v1+s0+$0x30 ss:$0x1], $0xffff;
	s9 =	smov.u32 @p0 s1;
	[tilespmem:v0+s31+$0x60 ss:$0x1] =	vst.idx.msk @p0 $0xffff, v7  }
0x88: {  	v61 =	vld.idx.msk [tilespmem:v1+s0+$0x40 ss:$0x1], $0xffff;
	[tilespmem:v0+s9+$0x70 ss:$0x1] =	vst.idx.msk $0xffff, v56  }
0x89: {  	v62 =	vld.idx.msk [tilespmem:v1+s0+$0x50 ss:$0x1], $0xffff;
	s30 =	sadd.s32 $0x1, s30;
	[tilespmem:v0+s9+$0x0 ss:$0x1] =	vst.idx.msk $0xffff, v57  }
0x8a: {  	v63 =	vld.idx.msk [tilespmem:v1+s0+$0x60 ss:$0x1], $0xffff;
	p0 =	sne.s32 s30, s24;
	[tilespmem:v0+s9+$0x10 ss:$0x1] =	vst.idx.msk $0xffff, v58  }
.Ltmp9:
0x8b: {  	[tilespmem:v0+s9+$0x20 ss:$0x1] =	vst.idx.msk $0xffff, v59;
	(pc) =	sbr.rel @p0 .LBB1_5-.Ltmp9, $4  }
.Ltmp10:
0x8c: {  	[tilespmem:v0+s9+$0x30 ss:$0x1] =	vst.idx.msk $0xffff, v60;
	(pc) =	sbr.rel @!p0 .LBB1_12-.Ltmp10, $4  }
0x8d: {  	[tilespmem:v0+s9+$0x40 ss:$0x1] =	vst.idx.msk $0xffff, v61  }
0x8e: {  	[tilespmem:v0+s9+$0x50 ss:$0x1] =	vst.idx.msk $0xffff, v62  }
0x8f: {  	s29 =	sadd.s32 $0x80, s29;
	[tilespmem:v0+s9+$0x60 ss:$0x1] =	vst.idx.msk $0xffff, v63  }
0x90: {  	_ = 	snop  }
.LBB1_6:
.Ltmp11:
0x91: {  	(pc) =	sbr.rel .LBB1_11-.Ltmp11, $2  }
0x92: {  	_ =	sdelay $0x2  }
0x93: {  	s31 =	smov.u32 s27  }
.LBB1_8:
.Ltmp12:
0x94: {  	(pc) =	sbr.rel .LBB1_11-.Ltmp12, $2  }
0x95: {  	_ =	sdelay $0x2  }
0x96: {  	s0 =	smov.u32 s1;
	s31 =	smov.u32 s27  }
.LBB1_15:
0x97: {  	_ =	sfence.sel $0x180000  }
0x98: {  	s0 =	simm.s32 $0x1;
	[bflag:$0x0] =	sbarrier.arrive $0xFFFF  }
0x99: {  	s30 =	simm.s32 $0x2;
	[sflag:s0] =	ssyncpa.u1 $0x1  }
0x9a: {  	[sflag:s30] =	ssyncpa.u1 $0x1  }
0x9b: {  	_ =	strace $0x90000047  }
0x9c: {  	s31 =	stileid.u32;
	[bflag:$0x2] =	sbarrier.arrive $0xFFFF  }
0x9d: {  	p0 =	sne.s32 s31, $0x0;
	s0 =	rddreg [dreg:$0x1]  }
0x9e: {  	s0 =	sadd.s32 @!p0 $0x100000, s0  }
0x9f: {  	[sflag:s0] =	ssyncadd.tile.s32 @!p0 $0x1;
	_ =	shalt  }
.Lfunc_end1:
_tile_overlayer_lowered:
.L_overlay_start_2:
0xa0: {  	(tag) =	ssettag $0x2  }
0xa1: {  	s0 =	rddreg [dreg:$0x0];
	s2 =	stileid.u32  }
0xa2: {  	s1 =	rddreg [dreg:$0x1];
	p0 =	sne.s32 s2, $0x0  }
0xa3: {  	s3 =	rddreg [dreg:$0x2];
	[bflag:$0x3] =	sbarrier.arrive $0xFFFF;
	s2 =	simm.s32 @!p0 $0x1C01  }
0xa4: {  	[timem:s3], [sflag:s2] =	dma.local @!p0 [hbm:s0], s1  }
0xa5: {  	s0 =	simm.s32 @!p0 $0x1  }
0xa6: {  	_ =	swait.ge @!p0 [sflag:s0], s1  }
0xa7: {  	s1 =	ssub.s32 @!p0 $0x0, s1;
	[sflag:s0] =	ssyncset.done @!p0 $0x0  }
0xa8: {  	[sflag:s0] =	ssyncadd.s32 @!p0 s1  }
0xa9: {  	[bflag:$0x3] =	sbarrier.arrive $0xFFFF  }
0xaa: {  	_ =	shalt  }

// kernel: sparse-core-data-format-call.cloned.1.call-start
scs
called_computation_lowered:
.L_overlay_start_0:
0x0: {  	s2 =	sld [smem:$0x3FD9]  }
0x1: {  	s3 =	sld [smem:$0x3FFE];
	_ =	sdelay $0x1  }
0x2: {  	s1 =	srdreg.scid  }
0x3: {  	s0 =	sand.u32 $0x1, s1  }
0x4: {  	s18 =	sshll.u32 s0, $0xA;
	s2 =	sadd.s32 s3, s2  }
0x5: {  	s2 =	sadd.s32 s2, s18  }
0x6: {  	[smem:$0x3FBF] =	sst s2  }
0x7: {  	_ = 	snop  }
0x8: {  	(tm) =	ssettm $0x1  }
0x9: {  	s19 =	sld [smem:$0x3FFB];
	_ =	sdelay $0x3  }
0xa: {  	_ =	strace s19  }
0xb: {  	s2 =	sld [smem:$0x3FFC];
	_ =	sdelay $0x3  }
0xc: {  	_ =	strace s2  }
0xd: {  	s2 =	sld [smem:$0x3FFD];
	_ =	sdelay $0x3  }
0xe: {  	_ =	strace s2  }
0xf: {  	_ =	strace $0x8FFFFFFF  }
0x10: {  	s20 =	sld [smem:$0x3FDB];
	_ =	sdelay $0x1  }
0x11: {  	s21 =	simm.s32 $_scs_section_size  }
0x12: {  	s4 =	simm.s32 $_size__tile_overlayer_lowered;
	s5 =	simm.s32 $_tile_overlayer_lowered  }
0x13: {  	s6 =	simm.s32 $0x1BFF;
	s22 =	sshll.u32 s5, $0x1;
	s3 =	sadd.s32 s21, s20  }
0x14: {  	s23 =	simm.s32 $0x0;
	s4 =	sshll.u32 s4, $0x1;
	s5 =	sadd.s32 s22, s3  }
0x15: {  	[timem:s23], [sflag:s6] =	dma.local [hbm:s5], s4  }
0x16: {  	_ =	swait.ge [sflag:s6], s4  }
0x17: {  	s4 =	ssub.s32 $0x0, s4;
	[sflag:s6] =	ssyncset.done $0x0  }
0x18: {  	[sflag:s6] =	ssyncadd.s32 s4;
	_ =	sdelay $0x1  }
0x19: {  	s24 =	simm.s32 $0x1B8B  }
0x1a: {  	_ =	swait.ge [sflag:s24], $0x1  }
0x1b: {  	[sflag:s24] =	ssyncset.done $0x0  }
0x1c: {  	[sflag:s24] =	ssyncadd.s32 $0xFFFFFFFF  }
0x1d: {  	s4 =	sld [smem:$0x0]  }
0x1e: {  	s5 =	sand.u32 $0xFFFFFFFE, s1  }
0x1f: {  	p0 =	sne.s32 s1, s5  }
0x20: {  	s5 =	sshll.u32 @p0 s5, $0xE  }
0x21: {  	s5 =	sadd.s32 @p0 $0x11B8D, s5;
	s6 =	sshll.u32 @p0 s4, $0x11  }
0x22: {  	s5 =	sor.u32 @p0 s6, s5  }
0x23: {  	[sflag:s5] =	ssyncadd.remote.s32 @p0 $0x1;
	_ =	sdelay $0x1  }
0x24: {  	s5 =	simm.s32 @p0 $0x1B8D  }
0x25: {  	_ =	swait.eq @p0 [sflag:s5], $0x1  }
0x26: {  	[sflag:s5] =	ssyncadd.s32 @p0 $0xFFFFFFFF  }
0x27: {  	s6 =	sshll.u32 @!p0 s1, $0xE  }
0x28: {  	s6 =	sor.u32 @!p0 $0x4000, s6;
	s5 =	simm.s32 @!p0 $0x1B8D  }
0x29: {  	s4 =	sshll.u32 @!p0 s4, $0x11;
	s6 =	sadd.s32 @!p0 $0x11B8D, s6;
	_ =	swait.eq @!p0 [sflag:s5], $0x1  }
0x2a: {  	s4 =	sor.u32 @!p0 s4, s6;
	[sflag:s5] =	ssyncadd.s32 @!p0 $0xFFFFFFFF  }
0x2b: {  	s26 =	simm.s32 $0x1B8E;
	s25 =	sld [smem:$0x3FFE];
	[sflag:s4] =	ssyncadd.remote.s32 @!p0 $0x1  }
0x2c: {  	s27 =	simm.s32 $execute0_lowered;
	[smem:$0x3FD2] =	sst s26  }
0x2d: {  	s5 =	sshll.u32 s27, $0x1;
	_ =	strace $0x80000052;
	[dreg:$0x1] =	wrdreg $0xFFFFFFFF  }
0x2e: {  	s28 =	simm.s32 $_size_execute0_lowered;
	s3 =	sadd.s32 s3, s5;
	[dreg:$0x0] =	wrdreg $0x0  }
0x2f: {  	s5 =	sshll.u32 s28, $0x1;
	[dreg:$0x2] =	wrdreg s3  }
0x30: {  	[dreg:$0x3] =	wrdreg s5  }
0x31: {  	[dreg:$0x4] =	wrdreg $0xC0  }
0x32: {  	_ =	task [dreg:s23], $0x5FFFF  }
0x33: {  	[dreg:$0x1] =	wrdreg $0xFFFFFFFF  }
0x34: {  	[dreg:$0x0] =	wrdreg $0x60  }
0x35: {  	[dreg:$0x2] =	wrdreg s25  }
0x36: {  	[dreg:$0x3] =	wrdreg $0x9  }
0x37: {  	_ =	task.clear_ibuf [dreg:s23], $0x4FFFF;
	_ =	strace $0x90000052  }
0x38: {  	s29 =	simm.s32 $0x9;
	_ =	strace $0x80000054  }
0x39: {  	_ =	swait.ge [sflag:s29], $0x1  }
0x3a: {  	[sflag:s29] =	ssyncadd.s32 $0xFFFFFFFF  }
0x3b: {  	_ =	strace $0x90000054  }
0x3c: {  	_ =	sfence  }
0x3d: {  	s30 =	sld [smem:$0x0];
	_ =	sdelay $0x2  }
0x3e: {  	s31 =	sshll.u32 s1, $0xD;
	s1 =	sshrl.u32 s1, $0x2  }
0x3f: {  	s4 =	sand.u32 $0x4000, s31;
	s1 =	sadd.s32 s1, s30  }
0x40: {  	s0 =	sor.u32 s4, s0;
	s1 =	sshll.u32 s1, $0x11  }
0x41: {  	s0 =	sor.u32 s1, s0  }
0x42: {  	s0 =	sadd.s32 $0x8F2B, s0  }
0x43: {  	[sflag:s0] =	ssyncadd.remote.s32 $0x1  }
0x44: {  	_ =	sfence.sel $0xFFFF  }
0x45: {  	[dreg:$0x0] =	wrdreg $0xFFFFFFFF;
	(pc) =	sbr.abs _section_cstart, $3  }
0x46: {  	[dreg:$0x1] =	wrdreg $0xFFFFFFFF  }
0x47: {  	_ =	task.clear_ibuf [dreg:s23], $0x2FFFF;
	_ =	strace $0x9FFFFFFF  }
0x48: {  	(tm) =	ssettm $0x7FFFFFFF  }
0x49: {  	_ =	shalt  }
tec
execute0_lowered:
.L_overlay_start_1:
0x0: {  	(tag) =	ssettag $0x1  }
0x1: {  	s2 =	stileid.u32;
	s0 =	srdreg.scid  }
0x2: {  	s1 =	sshll.u32 s2, $0x6;
	s0 =	sshll.u32 s0, $0xA  }
0x3: {  	s7 =	rddreg [dreg:$0x0];
	_ =	strace $0x80000053;
	s0 =	sor.u32 s1, s0  }
0x4: {  	s31 =	simm.s32 $0x2;
	s2 =	sand.u32 $0x1, s2;
	s3 =	sand.u32 $0x780, s0  }
0x5: {  	s20 =	simm.s32 $0x0;
	s29 =	ssub.s32 $0x2, s2;
	s30 =	ssub.s32 $0x2700, s3  }
0x6: {  	s4 =	sshrl.u32 s29, $0x1;
	s0 =	sand.u32 $0x1, s29;
	s1 =	sshrl.u32 s30, $0xB  }
0x7: {  	s11 =	simm.s32 $0x0;
	s0 =	sadd.s32 s0, s4;
	s1 =	sadd.s32 $0x1, s1  }
0x8: {  	s19 =	simm.s32 $0x0;
	s21 =	simm.s32 $0x0;
	s0 =	smul.u32 s1, s0  }
.Ltmp0:
0x9: {  	s12 =	simm.s32 $0x0;
	s13 =	simm.s32 $0x0;
	(pc) =	sbr.rel .LBB1_1-.Ltmp0, $4  }
0xa: {  	s14 =	simm.s32 $0x0;
	s17 =	simm.s32 $0x0;
	s18 =	simm.s32 $0x0  }
0xb: {  	s6 =	sadd.s32 $0x581600, s7;
	s4 =	simm.s32 $0x1;
	s5 =	smul.u32 $0x6, s0  }
0xc: {  	s7 =	sadd.s32 $0xCDF800, s7;
	s16 =	smov.u32 s2;
	[sflag:s4] =	ssyncpa.u1 $0x0  }
0xd: {  	s15 =	smov.u32 s3;
	[sflag:s31] =	ssyncpa.u1 $0x0;
	s8 =	sor.u32 $0x1, s5  }
.LBB1_13:
0xe: {  	s0 =	smul.u32 $0x4E200, s14;
	_ =	sdelay $0x1  }
0xf: {  	s1 =	sshll.u32 s12, $0x5;
	s9 =	sshll.u32 s13, $0x4;
	s0 =	sadd.s32 s7, s0  }
0x10: {  	s30 =	sor.u32 $0x8000, s26;
	s9 =	sand.u32 $0x10, s9;
	s0 =	sadd.s32 s1, s0  }
0x11: {  	s31 =	simm.s32 $0x80;
	s10 =	simm.s32 $0x100;
	s0 =	sadd.s32 s9, s0  }
0x12: {  	[hbm4b:s0+s31] =	stream.strided.scatter [tilespmem:s30], [sflag:$0x2], s22, s10, s31, $0x38;
	[tilespmem:$0x10000] =	vst v63  }
.LBB1_14:
0x13: {  	p0 =	slt.u32 s18, $0x2  }
0x14: {  	s0 =	smov.u32 s21;
	s9 =	smov.u32 s20;
	p1 =	sgt.s32 @!p0 s21, $0x5  }
0x15: {  	s1 =	sshra.s32 @!p0 s21, $0x1F;
	p2 =	sgt.s32 @!p0 s19, $0x1;
	p1 =	por !p1, p0  }
0x16: {  	s10 =	sshra.s32 @!p0 s19, $0x1F;
	s1 =	sand.u32 @!p0 s1, s21;
	s0 =	simm.s32 @p1 $0x5  }
0x17: {  	s10 =	sand.u32 @!p0 s10, s19;
	p1 =	sgt.s32 @!p0 s20, $0x2690;
	s0 =	ssub.s32 @!p0 s0, s1  }
0x18: {  	p1 =	por !p1, p0;
	s1 =	sshra.s32 @!p0 s20, $0x1F;
	s0 =	sadd.s32 @!p0 $0xFFFFFFFB, s0  }
0x19: {  	s1 =	sand.u32 @!p0 s1, s20;
	s9 =	simm.s32 @p1 $0x2690;
	p1 =	por !p2, p0  }
0x1a: {  	s1 =	ssub.s32 @!p0 s9, s1;
	s19 =	simm.s32 @p1 $0x1;
	s9 =	sxor.u32 @!p0 $0xFFFFFFFF, s10  }
0x1b: {  	p1 =	sgt.s32 @!p0 s0, $0x0;
	s0 =	sshll.u32 @!p0 s0, $0x7;
	s9 =	sadd.s32 @!p0 s9, s19  }
0x1c: {  	s10 =	sadd.s32 @!p0 $0xFFFFD970, s1;
	s0 =	ssub.s32 @!p0 $0x80, s0;
	p2 =	sgt.s32 @!p0 s9, $0x0  }
0x1d: {  	p1 =	por !p1, p0;
	s9 =	ssub.s32 @!p0 $0x1, s9;
	p2 =	por !p2, p0  }
0x1e: {  	s0 =	simm.s32 @!p1 $0x0;
	s9 =	simm.s32 @!p2 $0x0;
	p2 =	sgt.s32 @!p0 s10, $0x7F  }
0x1f: {  	s1 =	ssub.s32 @!p0 $0x2710, s1;
	p1 =	por !p2, p0;
	s0 =	smul.u32 @!p0 s9, s0  }
0x20: {  	s1 =	simm.s32 @!p1 $0x0  }
0x21: {  	s0 =	smul.u32 @!p0 s1, s0;
	s1 =	sadd.s32 $0x800, s15  }
0x22: {  	s10 =	smov.u32 s16;
	s9 =	sadd.s32 $0x2, s16;
	p1 =	sgt.s32 s1, $0x270F  }
0x23: {  	s10 =	smov.u32 @p1 s9  }
0x24: {  	s19 =	simm.s32 $0x1;
	p2 =	sgt.s32 s10, $0x1  }
0x25: {  	s19 =	simm.s32 @!p2 $0x0  }
0x26: {  	s11 =	sadd.s32 $0x4000, s11;
	s21 =	smov.u32 s14;
	s22 =	sadd.s32 s19, s17  }
0x27: {  	s14 =	smov.u32 s17;
	s1 =	smov.u32 @p1 s3;
	p1 =	sgt.s32 s22, $0x5  }
0x28: {  	s20 =	smov.u32 s12;
	s22 =	simm.s32 @p1 $0x0;
	p1 =	sne.s32 s18, s8  }
.Ltmp1:
0x29: {  	s0 =	sand.u32 @!p0 $0x3FFFFF80, s0;
	s9 =	simm.s32 @!p0 $0x2;
	(pc) =	sbr.rel @!p1 .LBB1_15-.Ltmp1, $4  }
0x2a: {  	s12 =	smov.u32 s15;
	_ =	swait.ge @!p0 [sflag:s9], s0;
	s0 =	ssub.s32 @!p0 $0x0, s0  }
0x2b: {  	s15 =	smov.u32 s1;
	[sflag:s9] =	ssyncset.done @!p0 $0x0;
	s10 =	smov.u32 @p2 s2  }
0x2c: {  	s19 =	smov.u32 s13;
	s13 =	smov.u32 s16;
	[sflag:s9] =	ssyncadd.s32 @!p0 s0  }
0x2d: {  	s16 =	smov.u32 s10;
	s18 =	sadd.s32 $0x1, s18;
	s17 =	smov.u32 s22  }
.LBB1_1:
0x2e: {  	p0 =	sge.u32 s18, s5;
	s1 =	smov.u32 s17;
	s23 =	smov.u32 s15  }
0x2f: {  	s31 =	sadd.s32 $0xFFFFFFFF, s18;
	p1 =	sgt.s32 @!p0 s17, $0x5;
	s0 =	sand.u32 @!p0 $0x1FFFFFF, s15  }
0x30: {  	s9 =	sshra.s32 @!p0 s17, $0x1F;
	p2 =	sgt.s32 @!p0 s16, $0x1;
	p1 =	por !p1, p0  }
0x31: {  	s10 =	smulhi.u32 @!p0 $0x1A36E2F, s0;
	s9 =	sand.u32 @!p0 s9, s17;
	s1 =	simm.s32 @p1 $0x5  }
0x32: {  	s22 =	sshra.s32 @!p0 s16, $0x1F;
	p2 =	por !p2, p0;
	s1 =	ssub.s32 @!p0 s1, s9  }
0x33: {  	s22 =	sand.u32 @!p0 s22, s16;
	s9 =	sshrl.u32 @!p0 s10, $0x6;
	s10 =	sadd.s32 @!p0 $0xFFFFFFFB, s1  }
0x34: {  	s22 =	sxor.u32 @!p0 $0xFFFFFFFF, s22;
	p1 =	sgt.s32 @!p0 s10, $0x0;
	s10 =	smov.u32 s16  }
0x35: {  	s9 =	smul.u32 @!p0 $0x2710, s9;
	s10 =	simm.s32 @p2 $0x1;
	p2 =	sgt.s32 @!p0 s15, $0x2690  }
0x36: {  	s1 =	ssub.s32 @!p0 $0x6, s1;
	p1 =	por !p1, p0;
	p2 =	por !p2, p0  }
0x37: {  	s10 =	sadd.s32 @!p0 s22, s10;
	s22 =	sshra.s32 @!p0 s15, $0x1F;
	s23 =	simm.s32 @p2 $0x2690  }
0x38: {  	p2 =	sgt.s32 @!p0 s10, $0x0;
	s22 =	sand.u32 @!p0 s22, s15;
	s10 =	sshll.u32 @!p0 s10, $0x7  }
0x39: {  	s22 =	ssub.s32 @!p0 s23, s22;
	s10 =	ssub.s32 @!p0 $0x80, s10;
	p2 =	por !p2, p0  }
0x3a: {  	s1 =	simm.s32 @!p1 $0x0;
	s23 =	sadd.s32 @!p0 $0xFFFFD970, s22;
	s10 =	simm.s32 @!p2 $0x0  }
0x3b: {  	s0 =	ssub.s32 @!p0 s0, s9;
	p1 =	sgt.s32 @!p0 s23, $0x7F;
	s1 =	smul.u32 @!p0 s1, s10  }
0x3c: {  	s10 =	ssub.s32 @!p0 $0x2710, s22;
	s22 =	smul.u32 @!p0 $0x4E200, s17;
	p1 =	por !p1, p0  }
0x3d: {  	s9 =	smul.u32 @!p0 $0x27100, s16;
	s23 =	sxor.u32 @!p0 $0xFFFFFFFF, s18;
	s10 =	simm.s32 @!p1 $0x0  }
0x3e: {  	s23 =	sshll.u32 @!p0 s23, $0xE;
	s1 =	smul.u32 @!p0 s10, s1;
	s10 =	sadd.s32 @!p0 s6, s22  }
0x3f: {  	s0 =	sshll.u32 @!p0 s0, $0x4;
	s22 =	sand.u32 @!p0 $0x4000, s23;
	s9 =	sadd.s32 @!p0 s9, s10  }
0x40: {  	s1 =	sand.u32 @!p0 $0x3FFFFF80, s1;
	s0 =	sadd.s32 @!p0 s0, s9;
	s9 =	simm.s32 @!p0 $0x0  }
0x41: {  	[tilespmem:s22], [sflag:$0x1] =	stream.linear.gather @!p0 [hbm4b:s0+s9], s1, $0x38;
	[tilespmem:$0x10000] =	vst v63  }
0x42: {  	p0 =	sge.u32 s31, s5  }
.Ltmp2:
0x43: {  	_ = 	snop;
	(pc) =	sbr.rel @p0 .LBB1_14-.Ltmp2, $1  }
0x44: {  	_ =	sdelay $0x3  }
0x45: {  	p0 =	sgt.s32 s14, $0x5;
	s0 =	smov.u32 s14;
	s1 =	sshra.s32 s14, $0x1F  }
0x46: {  	s0 =	simm.s32 @!p0 $0x5;
	s1 =	sand.u32 s1, s14  }
0x47: {  	s28 =	sshra.s32 s13, $0x1F;
	p1 =	sgt.s32 s13, $0x1;
	s0 =	ssub.s32 s0, s1  }
0x48: {  	s9 =	smov.u32 s13;
	s10 =	smov.u32 s12;
	s1 =	sadd.s32 $0xFFFFFFFB, s0  }
0x49: {  	s29 =	sshra.s32 s12, $0x1F;
	p0 =	sgt.s32 s1, $0x0;
	s1 =	sand.u32 s28, s13  }
0x4a: {  	s9 =	simm.s32 @!p1 $0x1;
	p1 =	sgt.s32 s12, $0x2690;
	s1 =	sxor.u32 $0xFFFFFFFF, s1  }
0x4b: {  	s10 =	simm.s32 @!p1 $0x2690;
	s0 =	ssub.s32 $0x6, s0;
	s1 =	sadd.s32 s1, s9  }
0x4c: {  	s9 =	sand.u32 s29, s12;
	p1 =	sgt.s32 s1, $0x0;
	s1 =	ssub.s32 $0x1, s1  }
0x4d: {  	s0 =	simm.s32 @p0 $0x0;
	s9 =	ssub.s32 s10, s9;
	s1 =	simm.s32 @p1 $0x0  }
0x4e: {  	s30 =	sadd.s32 $0xFFFFD970, s9;
	s0 =	smul.u32 s1, s0  }
0x4f: {  	p0 =	sgt.s32 s30, $0x7F;
	s1 =	ssub.s32 $0x2710, s9;
	s9 =	sadd.s32 $0x1, s14  }
0x50: {  	s10 =	sadd.s32 $0x1, s13;
	s1 =	simm.s32 @p0 $0x0;
	p0 =	slt.s32 s9, $0x6  }
0x51: {  	s0 =	smul.u32 s1, s0;
	s9 =	simm.s32 @!p0 $0x6;
	p0 =	slt.s32 s10, $0x2  }
0x52: {  	s1 =	sadd.s32 $0x80, s12;
	s23 =	ssub.s32 s9, s14;
	s10 =	simm.s32 @!p0 $0x2  }
0x53: {  	p0 =	slt.s32 s1, $0x2710;
	s24 =	ssub.s32 s10, s13;
	p1 =	slt.s32 s23, $0x1  }
0x54: {  	s1 =	simm.s32 @!p0 $0x2710;
	p0 =	slt.s32 @!p1 s24, $0x1  }
0x55: {  	s25 =	ssub.s32 s1, s12;
	p0 =	por p1, p0  }
0x56: {  	p1 =	slt.s32 @!p0 s25, $0x1  }
0x57: {  	p0 =	por p0, p1  }
.Ltmp3:
0x58: {  	s0 =	sshll.u32 s0, $0x7;
	(pc) =	sbr.rel @p0 .LBB1_13-.Ltmp3, $4  }
0x59: {  	s22 =	sand.u32 $0x3FFFFF80, s0  }
0x5a: {  	_ =	swait.ge [sflag:s4], s22  }
0x5b: {  	s31 =	sshll.u32 s18, $0xE;
	s0 =	ssub.s32 $0x0, s22;
	[sflag:s4] =	ssyncset.done $0x0  }
0x5c: {  	s26 =	sand.u32 $0x4000, s31;
	[sflag:s4] =	ssyncadd.s32 s0  }
.Ltmp4:
0x5d: {  	(pc) =	sbr.rel .LBB1_4-.Ltmp4, $3  }
0x5e: {  	_ =	sdelay $0x1  }
0x5f: {  	s0 =	sand.u32 $0x4000, s11  }
0x60: {  	s28 =	simm.s32 $0x0;
	s27 =	sor.u32 $0x8000, s0  }
.LBB1_12:
0x61: {  	s28 =	sadd.s32 $0x1, s28  }
0x62: {  	p0 =	sne.s32 s28, s23  }
.Ltmp5:
0x63: {  	_ = 	snop;
	(pc) =	sbr.rel @!p0 .LBB1_13-.Ltmp5, $2  }
0x64: {  	_ =	sdelay $0x2  }
0x65: {  	s27 =	sadd.s32 $0x4000, s27  }
.LBB1_4:
0x66: {  	s29 =	simm.s32 $0x0;
	s30 =	simm.s32 $0x0  }
.LBB1_5:
0x67: {  	s0 =	sadd.s32 s28, s30  }
0x68: {  	s1 =	sshll.u32 s29, $0x2;
	s0 =	sshll.u32 s0, $0x10  }
0x69: {  	s1 =	sand.u32 $0x200, s1;
	s0 =	sshra.s32 s0, $0x2  }
0x6a: {  	p1 =	sne.s32 s25, $0x1;
	s1 =	sshrl.u32 s1, $0x2;
	s0 =	sadd.s32 s0, s26  }
.Ltmp6:
0x6b: {  	v0 =	vmov s1;
	v1 =	vmov s0;
	(pc) =	sbr.rel @!p1 .LBB1_6-.Ltmp6, $3  }
0x6c: {  	_ =	sdelay $0x1  }
0x6d: {  	s9 =	simm.s32 $0x0  }
0x6e: {  	s10 =	sadd.s32 $0xFFFFFFFF, s25;
	p0 =	por $0x0, $0x0;
	s0 =	sand.u32 $0x3F80, s9  }
0x6f: {  	_ =	sdelay $0x3  }
0x70: {  	v7 =	vld.idx.msk [tilespmem:v1+s0+$0x70 ss:$0x1], $0xffff  }
0x71: {  	v8 =	vld.idx.msk [tilespmem:v1+s0+$0x0 ss:$0x1], $0xffff  }
0x72: {  	v2 =	vld.idx.msk [tilespmem:v1+s0+$0x10 ss:$0x1], $0xffff;
	p1 =	sne.s32 s10, $0x1  }
.Ltmp7:
0x73: {  	v3 =	vld.idx.msk [tilespmem:v1+s0+$0x20 ss:$0x1], $0xffff;
	(pc) =	sbr.rel @!p1 .LBB1_8-.Ltmp7, $4  }
0x74: {  	v4 =	vld.idx.msk [tilespmem:v1+s0+$0x30 ss:$0x1], $0xffff  }
0x75: {  	v5 =	vld.idx.msk [tilespmem:v1+s0+$0x40 ss:$0x1], $0xffff  }
0x76: {  	v6 =	vld.idx.msk [tilespmem:v1+s0+$0x50 ss:$0x1], $0xffff;
	s9 =	simm.s32 $0x80;
	s10 =	sadd.s32 $0xFFFFFFFF, s10;
	[tilespmem:v0+s27+$0x70 ss:$0x1] =	vst.idx.msk $0xffff, v7  }
0x77: {  	p0 =	por $0x1, $0x1;
	s31 =	smov.u32 s27;
	s1 =	sand.u32 $0x3F80, s9;
	[tilespmem:v0+s27+$0x0 ss:$0x1] =	vst.idx.msk $0xffff, v8;
	v7 =	vld.idx.msk [tilespmem:v1+s0+$0x60 ss:$0x1], $0xffff  }
.LBB1_9:
0x78: {  	p1 =	sne.s32 s10, $0x1;
	v8 =	vld.idx.msk [tilespmem:v1+s1+$0x70 ss:$0x1], $0xffff;
	[tilespmem:v0+s31+$0x10 ss:$0x1] =	vst.idx.msk $0xffff, v2  }
0x79: {  	v9 =	vld.idx.msk [tilespmem:v1+s1+$0x0 ss:$0x1], $0xffff;
	[tilespmem:v0+s31+$0x20 ss:$0x1] =	vst.idx.msk $0xffff, v3  }
0x7a: {  	v2 =	vld.idx.msk [tilespmem:v1+s1+$0x10 ss:$0x1], $0xffff;
	[tilespmem:v0+s31+$0x30 ss:$0x1] =	vst.idx.msk $0xffff, v4  }
.Ltmp8:
0x7b: {  	v3 =	vld.idx.msk [tilespmem:v1+s1+$0x20 ss:$0x1], $0xffff;
	[tilespmem:v0+s31+$0x40 ss:$0x1] =	vst.idx.msk $0xffff, v5;
	(pc) =	sbr.rel @p1 .LBB1_9-.Ltmp8, $4  }
0x7c: {  	v4 =	vld.idx.msk [tilespmem:v1+s1+$0x30 ss:$0x1], $0xffff;
	[tilespmem:v0+s31+$0x50 ss:$0x1] =	vst.idx.msk $0xffff, v6  }
0x7d: {  	v5 =	vld.idx.msk [tilespmem:v1+s1+$0x40 ss:$0x1], $0xffff;
	[tilespmem:v0+s31+$0x60 ss:$0x1] =	vst.idx.msk $0xffff, v7;
	s31 =	sadd.s32 $0x80, s31  }
0x7e: {  	s9 =	sadd.s32 $0x80, s9;
	v6 =	vld.idx.msk [tilespmem:v1+s1+$0x50 ss:$0x1], $0xffff;
	[tilespmem:v0+s31+$0x70 ss:$0x1] =	vst.idx.msk $0xffff, v8  }
0x7f: {  	s10 =	sadd.s32 $0xFFFFFFFF, s10;
	[tilespmem:v0+s31+$0x0 ss:$0x1] =	vst.idx.msk $0xffff, v9;
	v7 =	vld.idx.msk [tilespmem:v1+s1+$0x60 ss:$0x1], $0xffff;
	s1 =	sand.u32 $0x3F80, s9  }
0x80: {  	s0 =	smov.u32 s1  }
.LBB1_11:
0x81: {  	_ =	sdelay $0x3  }
0x82: {  	[tilespmem:v0+s31+$0x10 ss:$0x1] =	vst.idx.msk @p0 $0xffff, v2  }
0x83: {  	v56 =	vld.idx.msk [tilespmem:v1+s0+$0x70 ss:$0x1], $0xffff;
	[tilespmem:v0+s31+$0x20 ss:$0x1] =	vst.idx.msk @p0 $0xffff, v3  }
0x84: {  	v57 =	vld.idx.msk [tilespmem:v1+s0+$0x0 ss:$0x1], $0xffff;
	[tilespmem:v0+s31+$0x30 ss:$0x1] =	vst.idx.msk @p0 $0xffff, v4  }
0x85: {  	v58 =	vld.idx.msk [tilespmem:v1+s0+$0x10 ss:$0x1], $0xffff;
	[tilespmem:v0+s31+$0x40 ss:$0x1] =	vst.idx.msk @p0 $0xffff, v5  }
0x86: {  	v59 =	vld.idx.msk [tilespmem:v1+s0+$0x20 ss:$0x1], $0xffff;
	s1 =	sadd.s32 @p0 $0x80, s31;
	s9 =	smov.u32 s27;
	[tilespmem:v0+s31+$0x50 ss:$0x1] =	vst.idx.msk @p0 $0xffff, v6  }
0x87: {  	v60 =	vld.idx.msk [tilespmem:v1+s0+$0x30 ss:$0x1], $0xffff;
	s9 =	smov.u32 @p0 s1;
	[tilespmem:v0+s31+$0x60 ss:$0x1] =	vst.idx.msk @p0 $0xffff, v7  }
0x88: {  	v61 =	vld.idx.msk [tilespmem:v1+s0+$0x40 ss:$0x1], $0xffff;
	[tilespmem:v0+s9+$0x70 ss:$0x1] =	vst.idx.msk $0xffff, v56  }
0x89: {  	v62 =	vld.idx.msk [tilespmem:v1+s0+$0x50 ss:$0x1], $0xffff;
	s30 =	sadd.s32 $0x1, s30;
	[tilespmem:v0+s9+$0x0 ss:$0x1] =	vst.idx.msk $0xffff, v57  }
0x8a: {  	v63 =	vld.idx.msk [tilespmem:v1+s0+$0x60 ss:$0x1], $0xffff;
	p0 =	sne.s32 s30, s24;
	[tilespmem:v0+s9+$0x10 ss:$0x1] =	vst.idx.msk $0xffff, v58  }
.Ltmp9:
0x8b: {  	[tilespmem:v0+s9+$0x20 ss:$0x1] =	vst.idx.msk $0xffff, v59;
	(pc) =	sbr.rel @p0 .LBB1_5-.Ltmp9, $4  }
.Ltmp10:
0x8c: {  	[tilespmem:v0+s9+$0x30 ss:$0x1] =	vst.idx.msk $0xffff, v60;
	(pc) =	sbr.rel @!p0 .LBB1_12-.Ltmp10, $4  }
0x8d: {  	[tilespmem:v0+s9+$0x40 ss:$0x1] =	vst.idx.msk $0xffff, v61  }
0x8e: {  	[tilespmem:v0+s9+$0x50 ss:$0x1] =	vst.idx.msk $0xffff, v62  }
0x8f: {  	s29 =	sadd.s32 $0x80, s29;
	[tilespmem:v0+s9+$0x60 ss:$0x1] =	vst.idx.msk $0xffff, v63  }
0x90: {  	_ = 	snop  }
.LBB1_6:
.Ltmp11:
0x91: {  	(pc) =	sbr.rel .LBB1_11-.Ltmp11, $2  }
0x92: {  	_ =	sdelay $0x2  }
0x93: {  	s31 =	smov.u32 s27  }
.LBB1_8:
.Ltmp12:
0x94: {  	(pc) =	sbr.rel .LBB1_11-.Ltmp12, $2  }
0x95: {  	_ =	sdelay $0x2  }
0x96: {  	s0 =	smov.u32 s1;
	s31 =	smov.u32 s27  }
.LBB1_15:
0x97: {  	_ =	sfence.sel $0x180000  }
0x98: {  	s0 =	simm.s32 $0x1;
	[bflag:$0x0] =	sbarrier.arrive $0xFFFF  }
0x99: {  	s30 =	simm.s32 $0x2;
	[sflag:s0] =	ssyncpa.u1 $0x1  }
0x9a: {  	[sflag:s30] =	ssyncpa.u1 $0x1  }
0x9b: {  	_ =	strace $0x90000053  }
0x9c: {  	s31 =	stileid.u32;
	[bflag:$0x2] =	sbarrier.arrive $0xFFFF  }
0x9d: {  	p0 =	sne.s32 s31, $0x0;
	s0 =	rddreg [dreg:$0x1]  }
0x9e: {  	s0 =	sadd.s32 @!p0 $0x100000, s0  }
0x9f: {  	[sflag:s0] =	ssyncadd.tile.s32 @!p0 $0x1;
	_ =	shalt  }
.Lfunc_end1:
_tile_overlayer_lowered:
.L_overlay_start_2:
0xa0: {  	(tag) =	ssettag $0x2  }
0xa1: {  	s0 =	rddreg [dreg:$0x0];
	s2 =	stileid.u32  }
0xa2: {  	s1 =	rddreg [dreg:$0x1];
	p0 =	sne.s32 s2, $0x0  }
0xa3: {  	s3 =	rddreg [dreg:$0x2];
	[bflag:$0x3] =	sbarrier.arrive $0xFFFF;
	s2 =	simm.s32 @!p0 $0x1C01  }
0xa4: {  	[timem:s3], [sflag:s2] =	dma.local @!p0 [hbm:s0], s1  }
0xa5: {  	s0 =	simm.s32 @!p0 $0x1  }
0xa6: {  	_ =	swait.ge @!p0 [sflag:s0], s1  }
0xa7: {  	s1 =	ssub.s32 @!p0 $0x0, s1;
	[sflag:s0] =	ssyncset.done @!p0 $0x0  }
0xa8: {  	[sflag:s0] =	ssyncadd.s32 @!p0 s1  }
0xa9: {  	[bflag:$0x3] =	sbarrier.arrive $0xFFFF  }
0xaa: {  	_ =	shalt  }

</sc_bundles>
